<compile_context>
chip_gen: v7x
topology: tpu7x:2x2x1
jax: 0.10.2.dev20260603
libtpu: 0.0.44.dev20260713+nightly
codegen_flags: <defaults>
</compile_context>

<pallas_src>
import functools

import jax
import jax.numpy as jnp
from jax import lax
from jax.experimental import pallas as pl
from jax.experimental.pallas import tpu as pltpu
from jax.experimental.pallas import tpu_sc as plsc

N = 10000
D = 128
E = 320000


NSUB = 16
CH = 128
NCHT = E // CH
WB = 640


@functools.cache
def _seg2_built():
    mesh = plsc.VectorSubcoreMesh(core_axis_name="c", subcore_axis_name="s")
    return functools.partial(
        pl.kernel,
        mesh=mesh,
        out_type=(
            jax.ShapeDtypeStruct((N, D), jnp.float32),
            jax.ShapeDtypeStruct((N, D), jnp.float32),
        ),
        scratch_types=(
            [pltpu.VMEM((2, CH), jnp.int32) for _ in range(4)]
            + [pltpu.VMEM((CH, D), jnp.float32) for _ in range(2)]
            + [pltpu.VMEM_SHARED((N, D), jnp.float32)]
            + [pltpu.SemaphoreType.DMA for _ in range(6)]
        ),
    )(_seg2_body)


def _seg2(ha, hb, ea, eb):
    return _seg2_built()(ha, hb, ea, eb)


def _seg2_body(ha, hb, ea, eb, oa, ob, *scratch):
    idx = scratch[0:4]
    rows = scratch[4:6]
    accum = scratch[6]
    gsem = scratch[7:9]
    isem = scratch[9:13]
    c = lax.axis_index("c")
    s = lax.axis_index("s")

    zv = jnp.zeros((16,), jnp.float32)

    def zrow(i, carry):
        for j in range(D // 16):
            rows[0][i, pl.ds(j * 16, 16)] = zv
        return carry

    lax.fori_loop(0, CH, zrow, 0)
    base_r = jnp.minimum(s * WB, N - WB)
    for k in range(WB // CH):
        pltpu.sync_copy(rows[0], accum.at[pl.ds(base_r + k * CH, CH)])
    plsc.subcore_barrier()

    cnt = jnp.where(s < NCHT % NSUB, NCHT // NSUB + 1, NCHT // NSUB)

    def run(h_ref, e_ref):
        def icopy(k, q):
            return pltpu.make_async_copy(
                e_ref.at[:, pl.ds((s + NSUB * k) * CH, CH)], idx[q], isem[q])

        def gcopy(b, q):
            return pltpu.make_async_copy(h_ref.at[idx[q].at[0]], rows[b],
                                         gsem[b])

        def sadd(b, q):
            pltpu.sync_copy(rows[b], accum.at[idx[q].at[1]], add=True)

        for q in range(4):
            icopy(q, q).start()
        for b in range(2):
            icopy(b, b).wait()
            gcopy(b, b).start()

        def quad(p, carry):
            k0 = 4 * p
            for b in range(4):
                r = b % 2
                q2 = (b + 2) % 4
                gcopy(r, b).wait()
                sadd(r, b)
                icopy(k0 + 4 + b, b).start()
                icopy(k0 + 2 + b, q2).wait()
                gcopy(r, q2).start()
            return carry

        lax.fori_loop(0, cnt // 4 - 1, quad, 0)

        q0 = 4 * (cnt // 4) - 4
        for b in range(2):
            gcopy(b, b).wait()
            sadd(b, b)
            icopy(q0 + 2 + b, b + 2).wait()
            gcopy(b, b + 2).start()
        for b in range(2):
            gcopy(b, b + 2).wait()
            sadd(b, b + 2)

        def tail(k, carry):
            icopy(k, 0).start()
            icopy(k, 0).wait()
            gcopy(0, 0).start()
            gcopy(0, 0).wait()
            sadd(0, 0)
            return carry

        lax.fori_loop(4 * (cnt // 4), cnt, tail, 0)

    @pl.when(c == 0)
    def _():
        run(ha, ea)

    @pl.when(c == 1)
    def _():
        run(hb, eb)

    plsc.subcore_barrier()

    @pl.when(c == 0)
    def _():
        pltpu.sync_copy(accum.at[pl.ds(base_r, WB)], oa.at[pl.ds(base_r, WB)])

    @pl.when(c == 1)
    def _():
        pltpu.sync_copy(accum.at[pl.ds(base_r, WB)], ob.at[pl.ds(base_r, WB)])



RB = 1000
GRID = N // RB

_row_spec = pl.BlockSpec((RB, D), lambda r: (r, 0))
_w_spec = pl.BlockSpec((D, D), lambda r: (0, 0))
_b_spec = pl.BlockSpec((1, D), lambda r: (0, 0))
_row_shape = jax.ShapeDtypeStruct((N, D), jnp.float32)

_INV_SQRT2 = 0.7071067811865476


def _gelu(t):
    return 0.5 * t * (1.0 + lax.erf(t * _INV_SQRT2))


def _mm2_body(x_ref, wa_ref, wb_ref, oa_ref, ob_ref):
    xb = x_ref[...]
    oa_ref[...] = jnp.dot(xb, wa_ref[...], preferred_element_type=jnp.float32)
    ob_ref[...] = jnp.dot(xb, wb_ref[...], preferred_element_type=jnp.float32)


def _mm2(x, wa, wb):
    return pl.pallas_call(
        _mm2_body,
        grid=(GRID,),
        in_specs=[_row_spec, _w_spec, _w_spec],
        out_specs=[_row_spec, _row_spec],
        out_shape=[_row_shape, _row_shape],
    )(x, wa, wb)


def _comb_body(aa_ref, ab_ref, ha_ref, hb_ref, ba_ref, bb_ref,
               wa_ref, wb_ref, oa_ref, ob_ref):
    t = (aa_ref[...] + ab_ref[...] + ha_ref[...] + hb_ref[...]
         + ba_ref[...] + bb_ref[...])
    h = _gelu(t)
    oa_ref[...] = jnp.dot(h, wa_ref[...], preferred_element_type=jnp.float32)
    ob_ref[...] = jnp.dot(h, wb_ref[...], preferred_element_type=jnp.float32)


def _comb_mm2(aa, ab, ha, hb, ba, bb, wa, wb):
    return pl.pallas_call(
        _comb_body,
        grid=(GRID,),
        in_specs=[_row_spec, _row_spec, _row_spec, _row_spec,
                  _b_spec, _b_spec, _w_spec, _w_spec],
        out_specs=[_row_spec, _row_spec],
        out_shape=[_row_shape, _row_shape],
    )(aa, ab, ha, hb, ba, bb, wa, wb)


def _head_body(aa_ref, ab_ref, ha_ref, hb_ref, ba_ref, bb_ref,
               w1_ref, b1_ref, w2_ref, b2_ref, o_ref):
    t = (aa_ref[...] + ab_ref[...] + ha_ref[...] + hb_ref[...]
         + ba_ref[...] + bb_ref[...])
    h = _gelu(t)
    h = _gelu(jnp.dot(h, w1_ref[...], preferred_element_type=jnp.float32)
              + b1_ref[...])
    o_ref[...] = (jnp.dot(h, w2_ref[...], preferred_element_type=jnp.float32)
                  + b2_ref[...])


def _head(aa, ab, ha, hb, ba, bb, w1, b1, w2, b2):
    return pl.pallas_call(
        _head_body,
        grid=(GRID,),
        in_specs=[_row_spec, _row_spec, _row_spec, _row_spec,
                  _b_spec, _b_spec, _w_spec, _b_spec, _w_spec, _b_spec],
        out_specs=_row_spec,
        out_shape=_row_shape,
    )(aa, ab, ha, hb, ba, bb, w1, b1, w2, b2)



def kernel(x, edge_index_a, edge_index_b,
           W0a, b0a, W0b, b0b, W1a, b1a, W1b, b1b,
           Wh1, bh1, Wh2, bh2):
    ha, hb = _mm2(x, W0a, W0b)
    aa, ab = _seg2(ha, hb, edge_index_a, edge_index_b)
    h1a, h1b = _comb_mm2(aa, ab, ha, hb,
                         b0a.reshape(1, D), b0b.reshape(1, D), W1a, W1b)
    a1a, a1b = _seg2(h1a, h1b, edge_index_a, edge_index_b)
    out = _head(a1a, a1b, h1a, h1b,
                b1a.reshape(1, D), b1b.reshape(1, D),
                Wh1, bh1.reshape(1, D), Wh2, bh2.reshape(1, D))
    return out

# --- scband reference (transcript-rebuilt; emitter-appended) ---
"""Pipeline reference for scband-hetero-gnn-14353780703956 (READ-ONLY COPY).

The authoritative reference and input builder live on the scoring server;
editing this copy changes nothing except your own understanding.
"""

import jax, jax.numpy as jnp
import numpy as np

N = 10000
E = 320000
D = 128
H = 128
O = 128


def setup_inputs(seed: int = 0) -> dict:
    key = jax.random.key(seed)
    ks = jax.random.split(key, 16)
    x = jax.random.normal(ks[0], (N, D), dtype=jnp.float32)
    edge_index_a = jax.random.randint(ks[1], (2, E), 0, N, dtype=jnp.int32)
    edge_index_b = jax.random.randint(ks[2], (2, E), 0, N, dtype=jnp.int32)
    s_in = 1.0 / np.sqrt(D)
    s_h = 1.0 / np.sqrt(H)
    W0a = jax.random.normal(ks[3], (D, H), dtype=jnp.float32) * s_in
    b0a = jnp.zeros((H,), dtype=jnp.float32)
    W0b = jax.random.normal(ks[4], (D, H), dtype=jnp.float32) * s_in
    b0b = jnp.zeros((H,), dtype=jnp.float32)
    W1a = jax.random.normal(ks[5], (H, H), dtype=jnp.float32) * s_h
    b1a = jnp.zeros((H,), dtype=jnp.float32)
    W1b = jax.random.normal(ks[6], (H, H), dtype=jnp.float32) * s_h
    b1b = jnp.zeros((H,), dtype=jnp.float32)
    Wh1 = jax.random.normal(ks[7], (H, H), dtype=jnp.float32) * s_h
    bh1 = jnp.zeros((H,), dtype=jnp.float32)
    Wh2 = jax.random.normal(ks[8], (H, O), dtype=jnp.float32) * s_h
    bh2 = jnp.zeros((O,), dtype=jnp.float32)
    return {"x": x, "edge_index_a": edge_index_a, "edge_index_b": edge_index_b,
            "W0a": W0a, "b0a": b0a, "W0b": W0b, "b0b": b0b,
            "W1a": W1a, "b1a": b1a, "W1b": W1b, "b1b": b1b,
            "Wh1": Wh1, "bh1": bh1, "Wh2": Wh2, "bh2": bh2}


def _gcn_conv(x, edge_index, W, b):
    # GCNConv with normalize=False, add_self_loops=True, unit edge weights:
    # out = A_hat @ (x W) + b, where A_hat includes self loops.
    h = x @ W
    src = edge_index[0]
    dst = edge_index[1]
    agg = jax.ops.segment_sum(h[src], dst, num_segments=N)
    return agg + h + b  # '+ h' is the self-loop contribution


def reference(x, edge_index_a, edge_index_b,
              W0a, b0a, W0b, b0b, W1a, b1a, W1b, b1b,
              Wh1, bh1, Wh2, bh2):
    act = lambda t: jax.nn.gelu(t, approximate=False)
    # Layer 1: HeteroConv(aggr='sum') over the two edge types
    h = _gcn_conv(x, edge_index_a, W0a, b0a) + _gcn_conv(x, edge_index_b, W0b, b0b)
    h = act(h)  # norm=None -> Identity, then activation
    # Layer 2
    h = _gcn_conv(h, edge_index_a, W1a, b1a) + _gcn_conv(h, edge_index_b, W1b, b1b)
    h = act(h)
    # Prediction head: 2-layer MLP (no dropout, no norm, no residual)
    h = act(h @ Wh1 + bh1)
    out = h @ Wh2 + bh2
    return out

if __name__ == "__main__":
    import jax
    _d = setup_inputs()
    print(jax.jit(kernel)(*tuple(_d.values())))

</pallas_src>

<mosaic_0001>
#map = affine_map<(d0, d1) -> (0, 0)>
module attributes {stable_mosaic.version = 14 : i64} {
  func.func @_seg2_body(%arg0: i32, %arg1: i32, %arg2: memref<10000x128xf32, #tpu.memory_space<hbm>>, %arg3: memref<10000x128xf32, #tpu.memory_space<hbm>>, %arg4: memref<2x320000xi32, #tpu.memory_space<hbm>>, %arg5: memref<2x320000xi32, #tpu.memory_space<hbm>>, %arg6: memref<10000x128xf32, #tpu.memory_space<hbm>>, %arg7: memref<10000x128xf32, #tpu.memory_space<hbm>>, %arg8: memref<2x128xi32, #tpu.memory_space<vmem>>, %arg9: memref<2x128xi32, #tpu.memory_space<vmem>>, %arg10: memref<2x128xi32, #tpu.memory_space<vmem>>, %arg11: memref<2x128xi32, #tpu.memory_space<vmem>>, %arg12: memref<128x128xf32, #tpu.memory_space<vmem>>, %arg13: memref<128x128xf32, #tpu.memory_space<vmem>>, %arg14: memref<10000x128xf32, #tpu.memory_space<vmem_shared>>, %arg15: memref<!tpu.dma_semaphore, #tpu.memory_space<semaphore_mem>>, %arg16: memref<!tpu.dma_semaphore, #tpu.memory_space<semaphore_mem>>, %arg17: memref<!tpu.dma_semaphore, #tpu.memory_space<semaphore_mem>>, %arg18: memref<!tpu.dma_semaphore, #tpu.memory_space<semaphore_mem>>, %arg19: memref<!tpu.dma_semaphore, #tpu.memory_space<semaphore_mem>>, %arg20: memref<!tpu.dma_semaphore, #tpu.memory_space<semaphore_mem>>) attributes {dimension_semantics = [#tpu.dimension_semantics<core_parallel>, #tpu.dimension_semantics<subcore_parallel>], iteration_bounds = array<i64: 2, 16>, scalar_prefetch = 0 : i64, scratch_operands = 13 : i64, tpu.core_type = #tpu.core_type<sc_vector_subcore>, window_params = [{transform_indices = #map}, {transform_indices = #map}, {transform_indices = #map}, {transform_indices = #map}, {transform_indices = #map}, {transform_indices = #map}]} {
    %broadcast_in_dim3A = arith.constant 0.000000e+00 : f32
    %broadcast_in_dim3A_0 = vector.broadcast %broadcast_in_dim3A : f32 to vector<16xf32>
    %scan3A = arith.constant 0 : i32
    %scan3A_1 = arith.constant 0 : i32
    %scan3A_2 = arith.constant 128 : i32
    %scan3A_3 = arith.addi %scan3A_1, %scan3A_2 : i32
    %scan3A_4 = arith.constant 1 : i32
    scf.for %scan3A_37 = %scan3A_1 to %scan3A_3 step %scan3A_4  : i32 {
      %swap3A = arith.index_cast %scan3A_37 : i32 to index
      %swap3A_38 = arith.constant 0 : index
      %swap3A_39 = tpu.vector_load %arg12[%swap3A, %swap3A_38] {strides = array<i32>} : memref<128x128xf32, #tpu.memory_space<vmem>>, vector<1x16xf32>,
      %swap3A_40 = vector.shape_cast %swap3A_39 : vector<1x16xf32> to vector<16xf32>
      %swap3A_41 = vector.shape_cast %broadcast_in_dim3A_0 : vector<16xf32> to vector<1x16xf32>
      tpu.vector_store %arg12[%swap3A, %swap3A_38], %swap3A_41 {strides = array<i32>} : memref<128x128xf32, #tpu.memory_space<vmem>>, vector<1x16xf32>,
      %swap3A_42 = arith.index_cast %scan3A_37 : i32 to index
      %swap3A_43 = arith.constant 16 : index
      %swap3A_44 = tpu.vector_load %arg12[%swap3A_42, %swap3A_43] {strides = array<i32>} : memref<128x128xf32, #tpu.memory_space<vmem>>, vector<1x16xf32>,
      %swap3A_45 = vector.shape_cast %swap3A_44 : vector<1x16xf32> to vector<16xf32>
      %swap3A_46 = vector.shape_cast %broadcast_in_dim3A_0 : vector<16xf32> to vector<1x16xf32>
      tpu.vector_store %arg12[%swap3A_42, %swap3A_43], %swap3A_46 {strides = array<i32>} : memref<128x128xf32, #tpu.memory_space<vmem>>, vector<1x16xf32>,
      %swap3A_47 = arith.index_cast %scan3A_37 : i32 to index
      %swap3A_48 = arith.constant 32 : index
      %swap3A_49 = tpu.vector_load %arg12[%swap3A_47, %swap3A_48] {strides = array<i32>} : memref<128x128xf32, #tpu.memory_space<vmem>>, vector<1x16xf32>,
      %swap3A_50 = vector.shape_cast %swap3A_49 : vector<1x16xf32> to vector<16xf32>
      %swap3A_51 = vector.shape_cast %broadcast_in_dim3A_0 : vector<16xf32> to vector<1x16xf32>
      tpu.vector_store %arg12[%swap3A_47, %swap3A_48], %swap3A_51 {strides = array<i32>} : memref<128x128xf32, #tpu.memory_space<vmem>>, vector<1x16xf32>,
      %swap3A_52 = arith.index_cast %scan3A_37 : i32 to index
      %swap3A_53 = arith.constant 48 : index
      %swap3A_54 = tpu.vector_load %arg12[%swap3A_52, %swap3A_53] {strides = array<i32>} : memref<128x128xf32, #tpu.memory_space<vmem>>, vector<1x16xf32>,
      %swap3A_55 = vector.shape_cast %swap3A_54 : vector<1x16xf32> to vector<16xf32>
      %swap3A_56 = vector.shape_cast %broadcast_in_dim3A_0 : vector<16xf32> to vector<1x16xf32>
      tpu.vector_store %arg12[%swap3A_52, %swap3A_53], %swap3A_56 {strides = array<i32>} : memref<128x128xf32, #tpu.memory_space<vmem>>, vector<1x16xf32>,
      %swap3A_57 = arith.index_cast %scan3A_37 : i32 to index
      %swap3A_58 = arith.constant 64 : index
      %swap3A_59 = tpu.vector_load %arg12[%swap3A_57, %swap3A_58] {strides = array<i32>} : memref<128x128xf32, #tpu.memory_space<vmem>>, vector<1x16xf32>,
      %swap3A_60 = vector.shape_cast %swap3A_59 : vector<1x16xf32> to vector<16xf32>
      %swap3A_61 = vector.shape_cast %broadcast_in_dim3A_0 : vector<16xf32> to vector<1x16xf32>
      tpu.vector_store %arg12[%swap3A_57, %swap3A_58], %swap3A_61 {strides = array<i32>} : memref<128x128xf32, #tpu.memory_space<vmem>>, vector<1x16xf32>,
      %swap3A_62 = arith.index_cast %scan3A_37 : i32 to index
      %swap3A_63 = arith.constant 80 : index
      %swap3A_64 = tpu.vector_load %arg12[%swap3A_62, %swap3A_63] {strides = array<i32>} : memref<128x128xf32, #tpu.memory_space<vmem>>, vector<1x16xf32>,
      %swap3A_65 = vector.shape_cast %swap3A_64 : vector<1x16xf32> to vector<16xf32>
      %swap3A_66 = vector.shape_cast %broadcast_in_dim3A_0 : vector<16xf32> to vector<1x16xf32>
      tpu.vector_store %arg12[%swap3A_62, %swap3A_63], %swap3A_66 {strides = array<i32>} : memref<128x128xf32, #tpu.memory_space<vmem>>, vector<1x16xf32>,
      %swap3A_67 = arith.index_cast %scan3A_37 : i32 to index
      %swap3A_68 = arith.constant 96 : index
      %swap3A_69 = tpu.vector_load %arg12[%swap3A_67, %swap3A_68] {strides = array<i32>} : memref<128x128xf32, #tpu.memory_space<vmem>>, vector<1x16xf32>,
      %swap3A_70 = vector.shape_cast %swap3A_69 : vector<1x16xf32> to vector<16xf32>
      %swap3A_71 = vector.shape_cast %broadcast_in_dim3A_0 : vector<16xf32> to vector<1x16xf32>
      tpu.vector_store %arg12[%swap3A_67, %swap3A_68], %swap3A_71 {strides = array<i32>} : memref<128x128xf32, #tpu.memory_space<vmem>>, vector<1x16xf32>,
      %swap3A_72 = arith.index_cast %scan3A_37 : i32 to index
      %swap3A_73 = arith.constant 112 : index
      %swap3A_74 = tpu.vector_load %arg12[%swap3A_72, %swap3A_73] {strides = array<i32>} : memref<128x128xf32, #tpu.memory_space<vmem>>, vector<1x16xf32>,
      %swap3A_75 = vector.shape_cast %swap3A_74 : vector<1x16xf32> to vector<16xf32>
      %swap3A_76 = vector.shape_cast %broadcast_in_dim3A_0 : vector<16xf32> to vector<1x16xf32>
      tpu.vector_store %arg12[%swap3A_72, %swap3A_73], %swap3A_76 {strides = array<i32>} : memref<128x128xf32, #tpu.memory_space<vmem>>, vector<1x16xf32>,
    }
    %scan3A_5 = arith.constant 128 : i32
    %mul3A = arith.constant 640 : i32
    %mul3A_6 = arith.muli %arg1, %mul3A : i32
    %min3A = arith.constant 9360 : i32
    %min3A_7 = arith.minsi %mul3A_6, %min3A : i32
    %add3A = arith.constant 0 : i32
    %add3A_8 = arith.addi %min3A_7, %add3A : i32
    "tpu.region"() ({
      %run_scoped3A = tpu.sem_alloc : memref<!tpu.dma_semaphore, #tpu.memory_space<semaphore_mem>>
      %dma_start3A = arith.constant 0 : i32
      %dma_start3A_37 = tpu.memref_slice %arg14[%add3A_8, %dma_start3A] : memref<10000x128xf32, #tpu.memory_space<vmem_shared>> -> memref<128x128xf32, #tpu.memory_space<vmem_shared>>
      %dma_start3A_38 = arith.constant 0 : i32
      %dma_start3A_39 = tpu.memref_slice %arg14[%add3A_8, %dma_start3A_38] : memref<10000x128xf32, #tpu.memory_space<vmem_shared>> -> memref<128x128xf32, #tpu.memory_space<vmem_shared>>
      tpu.enqueue_dma source(%arg12 : memref<128x128xf32, #tpu.memory_space<vmem>>) target(%dma_start3A_39 : memref<128x128xf32, #tpu.memory_space<vmem_shared>>) target_semaphore(%run_scoped3A : memref<!tpu.dma_semaphore, #tpu.memory_space<semaphore_mem>>)
      %dma_wait3A = arith.constant 0 : i32
      %dma_wait3A_40 = tpu.memref_slice %arg14[%add3A_8, %dma_wait3A] : memref<10000x128xf32, #tpu.memory_space<vmem_shared>> -> memref<128x128xf32, #tpu.memory_space<vmem_shared>>
      %dma_wait3A_41 = arith.constant 0 : i32
      %dma_wait3A_42 = tpu.memref_slice %arg14[%add3A_8, %dma_wait3A_41] : memref<10000x128xf32, #tpu.memory_space<vmem_shared>> -> memref<128x128xf32, #tpu.memory_space<vmem_shared>>
      tpu.wait_dma2 semaphore(%run_scoped3A : memref<!tpu.dma_semaphore, #tpu.memory_space<semaphore_mem>>) src(%arg12 : memref<128x128xf32, #tpu.memory_space<vmem>>) dst(%dma_wait3A_42 : memref<128x128xf32, #tpu.memory_space<vmem_shared>>)
      tpu.yield
    }) : () -> ()
    %add3A_9 = arith.constant 128 : i32
    %add3A_10 = arith.addi %min3A_7, %add3A_9 : i32
    "tpu.region"() ({
      %run_scoped3A = tpu.sem_alloc : memref<!tpu.dma_semaphore, #tpu.memory_space<semaphore_mem>>
      %dma_start3A = arith.constant 0 : i32
      %dma_start3A_37 = tpu.memref_slice %arg14[%add3A_10, %dma_start3A] : memref<10000x128xf32, #tpu.memory_space<vmem_shared>> -> memref<128x128xf32, #tpu.memory_space<vmem_shared>>
      %dma_start3A_38 = arith.constant 0 : i32
      %dma_start3A_39 = tpu.memref_slice %arg14[%add3A_10, %dma_start3A_38] : memref<10000x128xf32, #tpu.memory_space<vmem_shared>> -> memref<128x128xf32, #tpu.memory_space<vmem_shared>>
      tpu.enqueue_dma source(%arg12 : memref<128x128xf32, #tpu.memory_space<vmem>>) target(%dma_start3A_39 : memref<128x128xf32, #tpu.memory_space<vmem_shared>>) target_semaphore(%run_scoped3A : memref<!tpu.dma_semaphore, #tpu.memory_space<semaphore_mem>>)
      %dma_wait3A = arith.constant 0 : i32
      %dma_wait3A_40 = tpu.memref_slice %arg14[%add3A_10, %dma_wait3A] : memref<10000x128xf32, #tpu.memory_space<vmem_shared>> -> memref<128x128xf32, #tpu.memory_space<vmem_shared>>
      %dma_wait3A_41 = arith.constant 0 : i32
      %dma_wait3A_42 = tpu.memref_slice %arg14[%add3A_10, %dma_wait3A_41] : memref<10000x128xf32, #tpu.memory_space<vmem_shared>> -> memref<128x128xf32, #tpu.memory_space<vmem_shared>>
      tpu.wait_dma2 semaphore(%run_scoped3A : memref<!tpu.dma_semaphore, #tpu.memory_space<semaphore_mem>>) src(%arg12 : memref<128x128xf32, #tpu.memory_space<vmem>>) dst(%dma_wait3A_42 : memref<128x128xf32, #tpu.memory_space<vmem_shared>>)
      tpu.yield
    }) : () -> ()
    %add3A_11 = arith.constant 256 : i32
    %add3A_12 = arith.addi %min3A_7, %add3A_11 : i32
    "tpu.region"() ({
      %run_scoped3A = tpu.sem_alloc : memref<!tpu.dma_semaphore, #tpu.memory_space<semaphore_mem>>
      %dma_start3A = arith.constant 0 : i32
      %dma_start3A_37 = tpu.memref_slice %arg14[%add3A_12, %dma_start3A] : memref<10000x128xf32, #tpu.memory_space<vmem_shared>> -> memref<128x128xf32, #tpu.memory_space<vmem_shared>>
      %dma_start3A_38 = arith.constant 0 : i32
      %dma_start3A_39 = tpu.memref_slice %arg14[%add3A_12, %dma_start3A_38] : memref<10000x128xf32, #tpu.memory_space<vmem_shared>> -> memref<128x128xf32, #tpu.memory_space<vmem_shared>>
      tpu.enqueue_dma source(%arg12 : memref<128x128xf32, #tpu.memory_space<vmem>>) target(%dma_start3A_39 : memref<128x128xf32, #tpu.memory_space<vmem_shared>>) target_semaphore(%run_scoped3A : memref<!tpu.dma_semaphore, #tpu.memory_space<semaphore_mem>>)
      %dma_wait3A = arith.constant 0 : i32
      %dma_wait3A_40 = tpu.memref_slice %arg14[%add3A_12, %dma_wait3A] : memref<10000x128xf32, #tpu.memory_space<vmem_shared>> -> memref<128x128xf32, #tpu.memory_space<vmem_shared>>
      %dma_wait3A_41 = arith.constant 0 : i32
      %dma_wait3A_42 = tpu.memref_slice %arg14[%add3A_12, %dma_wait3A_41] : memref<10000x128xf32, #tpu.memory_space<vmem_shared>> -> memref<128x128xf32, #tpu.memory_space<vmem_shared>>
      tpu.wait_dma2 semaphore(%run_scoped3A : memref<!tpu.dma_semaphore, #tpu.memory_space<semaphore_mem>>) src(%arg12 : memref<128x128xf32, #tpu.memory_space<vmem>>) dst(%dma_wait3A_42 : memref<128x128xf32, #tpu.memory_space<vmem_shared>>)
      tpu.yield
    }) : () -> ()
    %add3A_13 = arith.constant 384 : i32
    %add3A_14 = arith.addi %min3A_7, %add3A_13 : i32
    "tpu.region"() ({
      %run_scoped3A = tpu.sem_alloc : memref<!tpu.dma_semaphore, #tpu.memory_space<semaphore_mem>>
      %dma_start3A = arith.constant 0 : i32
      %dma_start3A_37 = tpu.memref_slice %arg14[%add3A_14, %dma_start3A] : memref<10000x128xf32, #tpu.memory_space<vmem_shared>> -> memref<128x128xf32, #tpu.memory_space<vmem_shared>>
      %dma_start3A_38 = arith.constant 0 : i32
      %dma_start3A_39 = tpu.memref_slice %arg14[%add3A_14, %dma_start3A_38] : memref<10000x128xf32, #tpu.memory_space<vmem_shared>> -> memref<128x128xf32, #tpu.memory_space<vmem_shared>>
      tpu.enqueue_dma source(%arg12 : memref<128x128xf32, #tpu.memory_space<vmem>>) target(%dma_start3A_39 : memref<128x128xf32, #tpu.memory_space<vmem_shared>>) target_semaphore(%run_scoped3A : memref<!tpu.dma_semaphore, #tpu.memory_space<semaphore_mem>>)
      %dma_wait3A = arith.constant 0 : i32
      %dma_wait3A_40 = tpu.memref_slice %arg14[%add3A_14, %dma_wait3A] : memref<10000x128xf32, #tpu.memory_space<vmem_shared>> -> memref<128x128xf32, #tpu.memory_space<vmem_shared>>
      %dma_wait3A_41 = arith.constant 0 : i32
      %dma_wait3A_42 = tpu.memref_slice %arg14[%add3A_14, %dma_wait3A_41] : memref<10000x128xf32, #tpu.memory_space<vmem_shared>> -> memref<128x128xf32, #tpu.memory_space<vmem_shared>>
      tpu.wait_dma2 semaphore(%run_scoped3A : memref<!tpu.dma_semaphore, #tpu.memory_space<semaphore_mem>>) src(%arg12 : memref<128x128xf32, #tpu.memory_space<vmem>>) dst(%dma_wait3A_42 : memref<128x128xf32, #tpu.memory_space<vmem_shared>>)
      tpu.yield
    }) : () -> ()
    %add3A_15 = arith.constant 512 : i32
    %add3A_16 = arith.addi %min3A_7, %add3A_15 : i32
    "tpu.region"() ({
      %run_scoped3A = tpu.sem_alloc : memref<!tpu.dma_semaphore, #tpu.memory_space<semaphore_mem>>
      %dma_start3A = arith.constant 0 : i32
      %dma_start3A_37 = tpu.memref_slice %arg14[%add3A_16, %dma_start3A] : memref<10000x128xf32, #tpu.memory_space<vmem_shared>> -> memref<128x128xf32, #tpu.memory_space<vmem_shared>>
      %dma_start3A_38 = arith.constant 0 : i32
      %dma_start3A_39 = tpu.memref_slice %arg14[%add3A_16, %dma_start3A_38] : memref<10000x128xf32, #tpu.memory_space<vmem_shared>> -> memref<128x128xf32, #tpu.memory_space<vmem_shared>>
      tpu.enqueue_dma source(%arg12 : memref<128x128xf32, #tpu.memory_space<vmem>>) target(%dma_start3A_39 : memref<128x128xf32, #tpu.memory_space<vmem_shared>>) target_semaphore(%run_scoped3A : memref<!tpu.dma_semaphore, #tpu.memory_space<semaphore_mem>>)
      %dma_wait3A = arith.constant 0 : i32
      %dma_wait3A_40 = tpu.memref_slice %arg14[%add3A_16, %dma_wait3A] : memref<10000x128xf32, #tpu.memory_space<vmem_shared>> -> memref<128x128xf32, #tpu.memory_space<vmem_shared>>
      %dma_wait3A_41 = arith.constant 0 : i32
      %dma_wait3A_42 = tpu.memref_slice %arg14[%add3A_16, %dma_wait3A_41] : memref<10000x128xf32, #tpu.memory_space<vmem_shared>> -> memref<128x128xf32, #tpu.memory_space<vmem_shared>>
      tpu.wait_dma2 semaphore(%run_scoped3A : memref<!tpu.dma_semaphore, #tpu.memory_space<semaphore_mem>>) src(%arg12 : memref<128x128xf32, #tpu.memory_space<vmem>>) dst(%dma_wait3A_42 : memref<128x128xf32, #tpu.memory_space<vmem_shared>>)
      tpu.yield
    }) : () -> ()
    %barrier3A = arith.constant 0 : index
    tpu.barrier barrier_id(%barrier3A)
    %lt3A = arith.constant 4 : i32
    %lt3A_17 = arith.cmpi slt, %arg1, %lt3A : i32
    %jit3A = arith.constant 157 : i32
    %jit3A_18 = arith.constant 156 : i32
    %select_n3A = arith.select %lt3A_17, %jit3A, %jit3A_18 : i32
    %eq3A = arith.constant 0 : i32
    %eq3A_19 = arith.cmpi eq, %arg0, %eq3A : i32
    %convert_element_type3A = arith.extui %eq3A_19 : i1 to i32
    %cond3A = arith.constant 0 : i32
    %cond3A_20 = arith.cmpi ne, %convert_element_type3A, %cond3A : i32
    scf.if %cond3A_20 {
      %add3A_37 = arith.constant 0 : i32
      %add3A_38 = arith.addi %arg1, %add3A_37 : i32
      %mul3A_39 = arith.constant 128 : i32
      %mul3A_40 = arith.muli %add3A_38, %mul3A_39 : i32
      %dma_start3A = arith.constant 0 : i32
      %dma_start3A_41 = tpu.memref_slice %arg4[%dma_start3A, %mul3A_40] : memref<2x320000xi32, #tpu.memory_space<hbm>> -> memref<2x128xi32, #tpu.memory_space<hbm>>
      %dma_start3A_42 = arith.constant 0 : i32
      %dma_start3A_43 = tpu.memref_slice %arg4[%dma_start3A_42, %mul3A_40] : memref<2x320000xi32, #tpu.memory_space<hbm>> -> memref<2x128xi32, #tpu.memory_space<hbm>>
      tpu.enqueue_dma source(%dma_start3A_43 : memref<2x128xi32, #tpu.memory_space<hbm>>) target(%arg8 : memref<2x128xi32, #tpu.memory_space<vmem>>) target_semaphore(%arg17 : memref<!tpu.dma_semaphore, #tpu.memory_space<semaphore_mem>>)
      %add3A_44 = arith.constant 16 : i32
      %add3A_45 = arith.addi %arg1, %add3A_44 : i32
      %mul3A_46 = arith.constant 128 : i32
      %mul3A_47 = arith.muli %add3A_45, %mul3A_46 : i32
      %dma_start3A_48 = arith.constant 0 : i32
      %dma_start3A_49 = tpu.memref_slice %arg4[%dma_start3A_48, %mul3A_47] : memref<2x320000xi32, #tpu.memory_space<hbm>> -> memref<2x128xi32, #tpu.memory_space<hbm>>
      %dma_start3A_50 = arith.constant 0 : i32
      %dma_start3A_51 = tpu.memref_slice %arg4[%dma_start3A_50, %mul3A_47] : memref<2x320000xi32, #tpu.memory_space<hbm>> -> memref<2x128xi32, #tpu.memory_space<hbm>>
      tpu.enqueue_dma source(%dma_start3A_51 : memref<2x128xi32, #tpu.memory_space<hbm>>) target(%arg9 : memref<2x128xi32, #tpu.memory_space<vmem>>) target_semaphore(%arg18 : memref<!tpu.dma_semaphore, #tpu.memory_space<semaphore_mem>>)
      %add3A_52 = arith.constant 32 : i32
      %add3A_53 = arith.addi %arg1, %add3A_52 : i32
      %mul3A_54 = arith.constant 128 : i32
      %mul3A_55 = arith.muli %add3A_53, %mul3A_54 : i32
      %dma_start3A_56 = arith.constant 0 : i32
      %dma_start3A_57 = tpu.memref_slice %arg4[%dma_start3A_56, %mul3A_55] : memref<2x320000xi32, #tpu.memory_space<hbm>> -> memref<2x128xi32, #tpu.memory_space<hbm>>
      %dma_start3A_58 = arith.constant 0 : i32
      %dma_start3A_59 = tpu.memref_slice %arg4[%dma_start3A_58, %mul3A_55] : memref<2x320000xi32, #tpu.memory_space<hbm>> -> memref<2x128xi32, #tpu.memory_space<hbm>>
      tpu.enqueue_dma source(%dma_start3A_59 : memref<2x128xi32, #tpu.memory_space<hbm>>) target(%arg10 : memref<2x128xi32, #tpu.memory_space<vmem>>) target_semaphore(%arg19 : memref<!tpu.dma_semaphore, #tpu.memory_space<semaphore_mem>>)
      %add3A_60 = arith.constant 48 : i32
      %add3A_61 = arith.addi %arg1, %add3A_60 : i32
      %mul3A_62 = arith.constant 128 : i32
      %mul3A_63 = arith.muli %add3A_61, %mul3A_62 : i32
      %dma_start3A_64 = arith.constant 0 : i32
      %dma_start3A_65 = tpu.memref_slice %arg4[%dma_start3A_64, %mul3A_63] : memref<2x320000xi32, #tpu.memory_space<hbm>> -> memref<2x128xi32, #tpu.memory_space<hbm>>
      %dma_start3A_66 = arith.constant 0 : i32
      %dma_start3A_67 = tpu.memref_slice %arg4[%dma_start3A_66, %mul3A_63] : memref<2x320000xi32, #tpu.memory_space<hbm>> -> memref<2x128xi32, #tpu.memory_space<hbm>>
      tpu.enqueue_dma source(%dma_start3A_67 : memref<2x128xi32, #tpu.memory_space<hbm>>) target(%arg11 : memref<2x128xi32, #tpu.memory_space<vmem>>) target_semaphore(%arg20 : memref<!tpu.dma_semaphore, #tpu.memory_space<semaphore_mem>>)
      %add3A_68 = arith.constant 0 : i32
      %add3A_69 = arith.addi %arg1, %add3A_68 : i32
      %mul3A_70 = arith.constant 128 : i32
      %mul3A_71 = arith.muli %add3A_69, %mul3A_70 : i32
      %dma_wait3A = arith.constant 0 : i32
      %dma_wait3A_72 = tpu.memref_slice %arg4[%dma_wait3A, %mul3A_71] : memref<2x320000xi32, #tpu.memory_space<hbm>> -> memref<2x128xi32, #tpu.memory_space<hbm>>
      %dma_wait3A_73 = arith.constant 0 : i32
      %dma_wait3A_74 = tpu.memref_slice %arg4[%dma_wait3A_73, %mul3A_71] : memref<2x320000xi32, #tpu.memory_space<hbm>> -> memref<2x128xi32, #tpu.memory_space<hbm>>
      tpu.wait_dma2 semaphore(%arg17 : memref<!tpu.dma_semaphore, #tpu.memory_space<semaphore_mem>>) src(%dma_wait3A_74 : memref<2x128xi32, #tpu.memory_space<hbm>>) dst(%arg8 : memref<2x128xi32, #tpu.memory_space<vmem>>)
      %dma_start3A_75 = arith.constant 0 : i32
      %dma_start3A_76 = arith.constant 0 : i32
      %dma_start3A_77 = tpu.memref_slice %arg8[%dma_start3A_75, %dma_start3A_76] : memref<2x128xi32, #tpu.memory_space<vmem>> -> memref<1x128xi32, #tpu.memory_space<vmem>>
      %dma_start3A_78 = tpu.memref_squeeze %dma_start3A_77 : memref<1x128xi32, #tpu.memory_space<vmem>> -> memref<128xi32, #tpu.memory_space<vmem>>
      %dma_start3A_79 = arith.constant 0 : i32
      %dma_start3A_80 = arith.constant 0 : i32
      %dma_start3A_81 = tpu.memref_slice %arg2[%dma_start3A_79, %dma_start3A_80] : memref<10000x128xf32, #tpu.memory_space<hbm>> -> memref<10000x128xf32, #tpu.memory_space<hbm>>
      tpu.enqueue_indirect_dma source(%dma_start3A_81 : memref<10000x128xf32, #tpu.memory_space<hbm>>) target(%arg12 : memref<128x128xf32, #tpu.memory_space<vmem>>) offsets(%dma_start3A_78 : memref<128xi32, #tpu.memory_space<vmem>>) semaphore(%arg15 : memref<!tpu.dma_semaphore, #tpu.memory_space<semaphore_mem>>)
      %add3A_82 = arith.constant 16 : i32
      %add3A_83 = arith.addi %arg1, %add3A_82 : i32
      %mul3A_84 = arith.constant 128 : i32
      %mul3A_85 = arith.muli %add3A_83, %mul3A_84 : i32
      %dma_wait3A_86 = arith.constant 0 : i32
      %dma_wait3A_87 = tpu.memref_slice %arg4[%dma_wait3A_86, %mul3A_85] : memref<2x320000xi32, #tpu.memory_space<hbm>> -> memref<2x128xi32, #tpu.memory_space<hbm>>
      %dma_wait3A_88 = arith.constant 0 : i32
      %dma_wait3A_89 = tpu.memref_slice %arg4[%dma_wait3A_88, %mul3A_85] : memref<2x320000xi32, #tpu.memory_space<hbm>> -> memref<2x128xi32, #tpu.memory_space<hbm>>
      tpu.wait_dma2 semaphore(%arg18 : memref<!tpu.dma_semaphore, #tpu.memory_space<semaphore_mem>>) src(%dma_wait3A_89 : memref<2x128xi32, #tpu.memory_space<hbm>>) dst(%arg9 : memref<2x128xi32, #tpu.memory_space<vmem>>)
      %dma_start3A_90 = arith.constant 0 : i32
      %dma_start3A_91 = arith.constant 0 : i32
      %dma_start3A_92 = tpu.memref_slice %arg9[%dma_start3A_90, %dma_start3A_91] : memref<2x128xi32, #tpu.memory_space<vmem>> -> memref<1x128xi32, #tpu.memory_space<vmem>>
      %dma_start3A_93 = tpu.memref_squeeze %dma_start3A_92 : memref<1x128xi32, #tpu.memory_space<vmem>> -> memref<128xi32, #tpu.memory_space<vmem>>
      %dma_start3A_94 = arith.constant 0 : i32
      %dma_start3A_95 = arith.constant 0 : i32
      %dma_start3A_96 = tpu.memref_slice %arg2[%dma_start3A_94, %dma_start3A_95] : memref<10000x128xf32, #tpu.memory_space<hbm>> -> memref<10000x128xf32, #tpu.memory_space<hbm>>
      tpu.enqueue_indirect_dma source(%dma_start3A_96 : memref<10000x128xf32, #tpu.memory_space<hbm>>) target(%arg13 : memref<128x128xf32, #tpu.memory_space<vmem>>) offsets(%dma_start3A_93 : memref<128xi32, #tpu.memory_space<vmem>>) semaphore(%arg16 : memref<!tpu.dma_semaphore, #tpu.memory_space<semaphore_mem>>)
      %jit3A_97 = arith.constant 4 : i32
      %div3A = arith.divsi %select_n3A, %jit3A_97 : i32
      %sign3A = arith.constant 0 : i32
      %sign3A_98 = arith.cmpi sgt, %select_n3A, %sign3A : i32
      %sign3A_99 = arith.extui %sign3A_98 : i1 to i32
      %sign3A_100 = arith.constant 0 : i32
      %sign3A_101 = arith.cmpi slt, %select_n3A, %sign3A_100 : i32
      %sign3A_102 = arith.extui %sign3A_101 : i1 to i32
      %sign3A_103 = arith.subi %sign3A_99, %sign3A_102 : i32
      %sign3A_104 = arith.constant 0 : i32
      %sign3A_105 = arith.cmpi sgt, %jit3A_97, %sign3A_104 : i32
      %sign3A_106 = arith.extui %sign3A_105 : i1 to i32
      %sign3A_107 = arith.constant 0 : i32
      %sign3A_108 = arith.cmpi slt, %jit3A_97, %sign3A_107 : i32
      %sign3A_109 = arith.extui %sign3A_108 : i1 to i32
      %sign3A_110 = arith.subi %sign3A_106, %sign3A_109 : i32
      %ne3A = arith.cmpi ne, %sign3A_103, %sign3A_110 : i32
      %rem3A = arith.remsi %select_n3A, %jit3A_97 : i32
      %ne3A_111 = arith.constant 0 : i32
      %ne3A_112 = arith.cmpi ne, %rem3A, %ne3A_111 : i32
      %and3A = arith.andi %ne3A, %ne3A_112 : i1
      %sub3A = arith.constant 1 : i32
      %sub3A_113 = arith.subi %div3A, %sub3A : i32
      %select_n3A_114 = arith.select %and3A, %sub3A_113, %div3A : i32
      %sub3A_115 = arith.constant 1 : i32
      %sub3A_116 = arith.subi %select_n3A_114, %sub3A_115 : i32
      %while3A = arith.constant 0 : i32
      %while3A_117 = arith.constant 0 : i32
      %while3A_118 = arith.subi %sub3A_116, %while3A_117 : i32
      %while3A_119 = arith.addi %while3A_117, %while3A_118 : i32
      %while3A_120 = arith.constant 1 : i32
      %while3A_121 = arith.divsi %while3A_118, %while3A_120 : i32
      %while3A_122 = arith.muli %while3A_121, %while3A_120 : i32
      %while3A_123 = arith.addi %while3A_117, %while3A_122 : i32
      %while3A_124 = arith.constant 1 : i32
      scf.for %while3A_260 = %while3A_117 to %while3A_123 step %while3A_124  : i32 {
        %mul3A_261 = arith.constant 4 : i32
        %mul3A_262 = arith.muli %mul3A_261, %while3A_260 : i32
        %dma_wait3A_263 = arith.constant 0 : i32
        %dma_wait3A_264 = arith.constant 0 : i32
        %dma_wait3A_265 = tpu.memref_slice %arg8[%dma_wait3A_263, %dma_wait3A_264] : memref<2x128xi32, #tpu.memory_space<vmem>> -> memref<1x128xi32, #tpu.memory_space<vmem>>
        %dma_wait3A_266 = tpu.memref_squeeze %dma_wait3A_265 : memref<1x128xi32, #tpu.memory_space<vmem>> -> memref<128xi32, #tpu.memory_space<vmem>>
        %dma_wait3A_267 = arith.constant 0 : i32
        %dma_wait3A_268 = arith.constant 0 : i32
        %dma_wait3A_269 = tpu.memref_slice %arg2[%dma_wait3A_267, %dma_wait3A_268] : memref<10000x128xf32, #tpu.memory_space<hbm>> -> memref<10000x128xf32, #tpu.memory_space<hbm>>
        tpu.wait_indirect_dma semaphore(%arg15 : memref<!tpu.dma_semaphore, #tpu.memory_space<semaphore_mem>>) src(%dma_wait3A_269 : memref<10000x128xf32, #tpu.memory_space<hbm>>) dst(%arg12 : memref<128x128xf32, #tpu.memory_space<vmem>>)
        %run_scoped3A_270 = arith.constant 1 : i32
        "tpu.region"() ({
          %run_scoped3A_427 = tpu.sem_alloc : memref<!tpu.dma_semaphore, #tpu.memory_space<semaphore_mem>>
          %dma_start3A_428 = arith.constant 0 : i32
          %dma_start3A_429 = tpu.memref_slice %arg8[%run_scoped3A_270, %dma_start3A_428] : memref<2x128xi32, #tpu.memory_space<vmem>> -> memref<1x128xi32, #tpu.memory_space<vmem>>
          %dma_start3A_430 = tpu.memref_squeeze %dma_start3A_429 : memref<1x128xi32, #tpu.memory_space<vmem>> -> memref<128xi32, #tpu.memory_space<vmem>>
          %dma_start3A_431 = arith.constant 0 : i32
          %dma_start3A_432 = arith.constant 0 : i32
          %dma_start3A_433 = tpu.memref_slice %arg14[%dma_start3A_431, %dma_start3A_432] : memref<10000x128xf32, #tpu.memory_space<vmem_shared>> -> memref<10000x128xf32, #tpu.memory_space<vmem_shared>>
          tpu.enqueue_indirect_dma source(%arg12 : memref<128x128xf32, #tpu.memory_space<vmem>>) target(%dma_start3A_433 : memref<10000x128xf32, #tpu.memory_space<vmem_shared>>) offsets(%dma_start3A_430 : memref<128xi32, #tpu.memory_space<vmem>>) semaphore(%run_scoped3A_427 : memref<!tpu.dma_semaphore, #tpu.memory_space<semaphore_mem>>) {add = true}
          %dma_wait3A_434 = arith.constant 0 : i32
          %dma_wait3A_435 = tpu.memref_slice %arg8[%run_scoped3A_270, %dma_wait3A_434] : memref<2x128xi32, #tpu.memory_space<vmem>> -> memref<1x128xi32, #tpu.memory_space<vmem>>
          %dma_wait3A_436 = tpu.memref_squeeze %dma_wait3A_435 : memref<1x128xi32, #tpu.memory_space<vmem>> -> memref<128xi32, #tpu.memory_space<vmem>>
          %dma_wait3A_437 = arith.constant 0 : i32
          %dma_wait3A_438 = arith.constant 0 : i32
          %dma_wait3A_439 = tpu.memref_slice %arg14[%dma_wait3A_437, %dma_wait3A_438] : memref<10000x128xf32, #tpu.memory_space<vmem_shared>> -> memref<10000x128xf32, #tpu.memory_space<vmem_shared>>
          tpu.wait_indirect_dma semaphore(%run_scoped3A_427 : memref<!tpu.dma_semaphore, #tpu.memory_space<semaphore_mem>>) src(%arg12 : memref<128x128xf32, #tpu.memory_space<vmem>>) dst(%dma_wait3A_439 : memref<10000x128xf32, #tpu.memory_space<vmem_shared>>)
          tpu.yield
        }) : () -> ()
        %add3A_271 = arith.constant 4 : i32
        %add3A_272 = arith.addi %mul3A_262, %add3A_271 : i32
        %add3A_273 = arith.constant 0 : i32
        %add3A_274 = arith.addi %add3A_272, %add3A_273 : i32
        %mul3A_275 = arith.constant 16 : i32
        %mul3A_276 = arith.muli %mul3A_275, %add3A_274 : i32
        %add3A_277 = arith.addi %arg1, %mul3A_276 : i32
        %mul3A_278 = arith.constant 128 : i32
        %mul3A_279 = arith.muli %add3A_277, %mul3A_278 : i32
        %dma_start3A_280 = arith.constant 0 : i32
        %dma_start3A_281 = tpu.memref_slice %arg4[%dma_start3A_280, %mul3A_279] : memref<2x320000xi32, #tpu.memory_space<hbm>> -> memref<2x128xi32, #tpu.memory_space<hbm>>
        %dma_start3A_282 = arith.constant 0 : i32
        %dma_start3A_283 = tpu.memref_slice %arg4[%dma_start3A_282, %mul3A_279] : memref<2x320000xi32, #tpu.memory_space<hbm>> -> memref<2x128xi32, #tpu.memory_space<hbm>>
        tpu.enqueue_dma source(%dma_start3A_283 : memref<2x128xi32, #tpu.memory_space<hbm>>) target(%arg8 : memref<2x128xi32, #tpu.memory_space<vmem>>) target_semaphore(%arg17 : memref<!tpu.dma_semaphore, #tpu.memory_space<semaphore_mem>>)
        %add3A_284 = arith.constant 2 : i32
        %add3A_285 = arith.addi %mul3A_262, %add3A_284 : i32
        %add3A_286 = arith.constant 0 : i32
        %add3A_287 = arith.addi %add3A_285, %add3A_286 : i32
        %mul3A_288 = arith.constant 16 : i32
        %mul3A_289 = arith.muli %mul3A_288, %add3A_287 : i32
        %add3A_290 = arith.addi %arg1, %mul3A_289 : i32
        %mul3A_291 = arith.constant 128 : i32
        %mul3A_292 = arith.muli %add3A_290, %mul3A_291 : i32
        %dma_wait3A_293 = arith.constant 0 : i32
        %dma_wait3A_294 = tpu.memref_slice %arg4[%dma_wait3A_293, %mul3A_292] : memref<2x320000xi32, #tpu.memory_space<hbm>> -> memref<2x128xi32, #tpu.memory_space<hbm>>
        %dma_wait3A_295 = arith.constant 0 : i32
        %dma_wait3A_296 = tpu.memref_slice %arg4[%dma_wait3A_295, %mul3A_292] : memref<2x320000xi32, #tpu.memory_space<hbm>> -> memref<2x128xi32, #tpu.memory_space<hbm>>
        tpu.wait_dma2 semaphore(%arg19 : memref<!tpu.dma_semaphore, #tpu.memory_space<semaphore_mem>>) src(%dma_wait3A_296 : memref<2x128xi32, #tpu.memory_space<hbm>>) dst(%arg10 : memref<2x128xi32, #tpu.memory_space<vmem>>)
        %dma_start3A_297 = arith.constant 0 : i32
        %dma_start3A_298 = arith.constant 0 : i32
        %dma_start3A_299 = tpu.memref_slice %arg10[%dma_start3A_297, %dma_start3A_298] : memref<2x128xi32, #tpu.memory_space<vmem>> -> memref<1x128xi32, #tpu.memory_space<vmem>>
        %dma_start3A_300 = tpu.memref_squeeze %dma_start3A_299 : memref<1x128xi32, #tpu.memory_space<vmem>> -> memref<128xi32, #tpu.memory_space<vmem>>
        %dma_start3A_301 = arith.constant 0 : i32
        %dma_start3A_302 = arith.constant 0 : i32
        %dma_start3A_303 = tpu.memref_slice %arg2[%dma_start3A_301, %dma_start3A_302] : memref<10000x128xf32, #tpu.memory_space<hbm>> -> memref<10000x128xf32, #tpu.memory_space<hbm>>
        tpu.enqueue_indirect_dma source(%dma_start3A_303 : memref<10000x128xf32, #tpu.memory_space<hbm>>) target(%arg12 : memref<128x128xf32, #tpu.memory_space<vmem>>) offsets(%dma_start3A_300 : memref<128xi32, #tpu.memory_space<vmem>>) semaphore(%arg15 : memref<!tpu.dma_semaphore, #tpu.memory_space<semaphore_mem>>)
        %dma_wait3A_304 = arith.constant 0 : i32
        %dma_wait3A_305 = arith.constant 0 : i32
        %dma_wait3A_306 = tpu.memref_slice %arg9[%dma_wait3A_304, %dma_wait3A_305] : memref<2x128xi32, #tpu.memory_space<vmem>> -> memref<1x128xi32, #tpu.memory_space<vmem>>
        %dma_wait3A_307 = tpu.memref_squeeze %dma_wait3A_306 : memref<1x128xi32, #tpu.memory_space<vmem>> -> memref<128xi32, #tpu.memory_space<vmem>>
        %dma_wait3A_308 = arith.constant 0 : i32
        %dma_wait3A_309 = arith.constant 0 : i32
        %dma_wait3A_310 = tpu.memref_slice %arg2[%dma_wait3A_308, %dma_wait3A_309] : memref<10000x128xf32, #tpu.memory_space<hbm>> -> memref<10000x128xf32, #tpu.memory_space<hbm>>
        tpu.wait_indirect_dma semaphore(%arg16 : memref<!tpu.dma_semaphore, #tpu.memory_space<semaphore_mem>>) src(%dma_wait3A_310 : memref<10000x128xf32, #tpu.memory_space<hbm>>) dst(%arg13 : memref<128x128xf32, #tpu.memory_space<vmem>>)
        %run_scoped3A_311 = arith.constant 1 : i32
        "tpu.region"() ({
          %run_scoped3A_427 = tpu.sem_alloc : memref<!tpu.dma_semaphore, #tpu.memory_space<semaphore_mem>>
          %dma_start3A_428 = arith.constant 0 : i32
          %dma_start3A_429 = tpu.memref_slice %arg9[%run_scoped3A_311, %dma_start3A_428] : memref<2x128xi32, #tpu.memory_space<vmem>> -> memref<1x128xi32, #tpu.memory_space<vmem>>
          %dma_start3A_430 = tpu.memref_squeeze %dma_start3A_429 : memref<1x128xi32, #tpu.memory_space<vmem>> -> memref<128xi32, #tpu.memory_space<vmem>>
          %dma_start3A_431 = arith.constant 0 : i32
          %dma_start3A_432 = arith.constant 0 : i32
          %dma_start3A_433 = tpu.memref_slice %arg14[%dma_start3A_431, %dma_start3A_432] : memref<10000x128xf32, #tpu.memory_space<vmem_shared>> -> memref<10000x128xf32, #tpu.memory_space<vmem_shared>>
          tpu.enqueue_indirect_dma source(%arg13 : memref<128x128xf32, #tpu.memory_space<vmem>>) target(%dma_start3A_433 : memref<10000x128xf32, #tpu.memory_space<vmem_shared>>) offsets(%dma_start3A_430 : memref<128xi32, #tpu.memory_space<vmem>>) semaphore(%run_scoped3A_427 : memref<!tpu.dma_semaphore, #tpu.memory_space<semaphore_mem>>) {add = true}
          %dma_wait3A_434 = arith.constant 0 : i32
          %dma_wait3A_435 = tpu.memref_slice %arg9[%run_scoped3A_311, %dma_wait3A_434] : memref<2x128xi32, #tpu.memory_space<vmem>> -> memref<1x128xi32, #tpu.memory_space<vmem>>
          %dma_wait3A_436 = tpu.memref_squeeze %dma_wait3A_435 : memref<1x128xi32, #tpu.memory_space<vmem>> -> memref<128xi32, #tpu.memory_space<vmem>>
          %dma_wait3A_437 = arith.constant 0 : i32
          %dma_wait3A_438 = arith.constant 0 : i32
          %dma_wait3A_439 = tpu.memref_slice %arg14[%dma_wait3A_437, %dma_wait3A_438] : memref<10000x128xf32, #tpu.memory_space<vmem_shared>> -> memref<10000x128xf32, #tpu.memory_space<vmem_shared>>
          tpu.wait_indirect_dma semaphore(%run_scoped3A_427 : memref<!tpu.dma_semaphore, #tpu.memory_space<semaphore_mem>>) src(%arg13 : memref<128x128xf32, #tpu.memory_space<vmem>>) dst(%dma_wait3A_439 : memref<10000x128xf32, #tpu.memory_space<vmem_shared>>)
          tpu.yield
        }) : () -> ()
        %add3A_312 = arith.constant 4 : i32
        %add3A_313 = arith.addi %mul3A_262, %add3A_312 : i32
        %add3A_314 = arith.constant 1 : i32
        %add3A_315 = arith.addi %add3A_313, %add3A_314 : i32
        %mul3A_316 = arith.constant 16 : i32
        %mul3A_317 = arith.muli %mul3A_316, %add3A_315 : i32
        %add3A_318 = arith.addi %arg1, %mul3A_317 : i32
        %mul3A_319 = arith.constant 128 : i32
        %mul3A_320 = arith.muli %add3A_318, %mul3A_319 : i32
        %dma_start3A_321 = arith.constant 0 : i32
        %dma_start3A_322 = tpu.memref_slice %arg4[%dma_start3A_321, %mul3A_320] : memref<2x320000xi32, #tpu.memory_space<hbm>> -> memref<2x128xi32, #tpu.memory_space<hbm>>
        %dma_start3A_323 = arith.constant 0 : i32
        %dma_start3A_324 = tpu.memref_slice %arg4[%dma_start3A_323, %mul3A_320] : memref<2x320000xi32, #tpu.memory_space<hbm>> -> memref<2x128xi32, #tpu.memory_space<hbm>>
        tpu.enqueue_dma source(%dma_start3A_324 : memref<2x128xi32, #tpu.memory_space<hbm>>) target(%arg9 : memref<2x128xi32, #tpu.memory_space<vmem>>) target_semaphore(%arg18 : memref<!tpu.dma_semaphore, #tpu.memory_space<semaphore_mem>>)
        %add3A_325 = arith.constant 2 : i32
        %add3A_326 = arith.addi %mul3A_262, %add3A_325 : i32
        %add3A_327 = arith.constant 1 : i32
        %add3A_328 = arith.addi %add3A_326, %add3A_327 : i32
        %mul3A_329 = arith.constant 16 : i32
        %mul3A_330 = arith.muli %mul3A_329, %add3A_328 : i32
        %add3A_331 = arith.addi %arg1, %mul3A_330 : i32
        %mul3A_332 = arith.constant 128 : i32
        %mul3A_333 = arith.muli %add3A_331, %mul3A_332 : i32
        %dma_wait3A_334 = arith.constant 0 : i32
        %dma_wait3A_335 = tpu.memref_slice %arg4[%dma_wait3A_334, %mul3A_333] : memref<2x320000xi32, #tpu.memory_space<hbm>> -> memref<2x128xi32, #tpu.memory_space<hbm>>
        %dma_wait3A_336 = arith.constant 0 : i32
        %dma_wait3A_337 = tpu.memref_slice %arg4[%dma_wait3A_336, %mul3A_333] : memref<2x320000xi32, #tpu.memory_space<hbm>> -> memref<2x128xi32, #tpu.memory_space<hbm>>
        tpu.wait_dma2 semaphore(%arg20 : memref<!tpu.dma_semaphore, #tpu.memory_space<semaphore_mem>>) src(%dma_wait3A_337 : memref<2x128xi32, #tpu.memory_space<hbm>>) dst(%arg11 : memref<2x128xi32, #tpu.memory_space<vmem>>)
        %dma_start3A_338 = arith.constant 0 : i32
        %dma_start3A_339 = arith.constant 0 : i32
        %dma_start3A_340 = tpu.memref_slice %arg11[%dma_start3A_338, %dma_start3A_339] : memref<2x128xi32, #tpu.memory_space<vmem>> -> memref<1x128xi32, #tpu.memory_space<vmem>>
        %dma_start3A_341 = tpu.memref_squeeze %dma_start3A_340 : memref<1x128xi32, #tpu.memory_space<vmem>> -> memref<128xi32, #tpu.memory_space<vmem>>
        %dma_start3A_342 = arith.constant 0 : i32
        %dma_start3A_343 = arith.constant 0 : i32
        %dma_start3A_344 = tpu.memref_slice %arg2[%dma_start3A_342, %dma_start3A_343] : memref<10000x128xf32, #tpu.memory_space<hbm>> -> memref<10000x128xf32, #tpu.memory_space<hbm>>
        tpu.enqueue_indirect_dma source(%dma_start3A_344 : memref<10000x128xf32, #tpu.memory_space<hbm>>) target(%arg13 : memref<128x128xf32, #tpu.memory_space<vmem>>) offsets(%dma_start3A_341 : memref<128xi32, #tpu.memory_space<vmem>>) semaphore(%arg16 : memref<!tpu.dma_semaphore, #tpu.memory_space<semaphore_mem>>)
        %dma_wait3A_345 = arith.constant 0 : i32
        %dma_wait3A_346 = arith.constant 0 : i32
        %dma_wait3A_347 = tpu.memref_slice %arg10[%dma_wait3A_345, %dma_wait3A_346] : memref<2x128xi32, #tpu.memory_space<vmem>> -> memref<1x128xi32, #tpu.memory_space<vmem>>
        %dma_wait3A_348 = tpu.memref_squeeze %dma_wait3A_347 : memref<1x128xi32, #tpu.memory_space<vmem>> -> memref<128xi32, #tpu.memory_space<vmem>>
        %dma_wait3A_349 = arith.constant 0 : i32
        %dma_wait3A_350 = arith.constant 0 : i32
        %dma_wait3A_351 = tpu.memref_slice %arg2[%dma_wait3A_349, %dma_wait3A_350] : memref<10000x128xf32, #tpu.memory_space<hbm>> -> memref<10000x128xf32, #tpu.memory_space<hbm>>
        tpu.wait_indirect_dma semaphore(%arg15 : memref<!tpu.dma_semaphore, #tpu.memory_space<semaphore_mem>>) src(%dma_wait3A_351 : memref<10000x128xf32, #tpu.memory_space<hbm>>) dst(%arg12 : memref<128x128xf32, #tpu.memory_space<vmem>>)
        %run_scoped3A_352 = arith.constant 1 : i32
        "tpu.region"() ({
          %run_scoped3A_427 = tpu.sem_alloc : memref<!tpu.dma_semaphore, #tpu.memory_space<semaphore_mem>>
          %dma_start3A_428 = arith.constant 0 : i32
          %dma_start3A_429 = tpu.memref_slice %arg10[%run_scoped3A_352, %dma_start3A_428] : memref<2x128xi32, #tpu.memory_space<vmem>> -> memref<1x128xi32, #tpu.memory_space<vmem>>
          %dma_start3A_430 = tpu.memref_squeeze %dma_start3A_429 : memref<1x128xi32, #tpu.memory_space<vmem>> -> memref<128xi32, #tpu.memory_space<vmem>>
          %dma_start3A_431 = arith.constant 0 : i32
          %dma_start3A_432 = arith.constant 0 : i32
          %dma_start3A_433 = tpu.memref_slice %arg14[%dma_start3A_431, %dma_start3A_432] : memref<10000x128xf32, #tpu.memory_space<vmem_shared>> -> memref<10000x128xf32, #tpu.memory_space<vmem_shared>>
          tpu.enqueue_indirect_dma source(%arg12 : memref<128x128xf32, #tpu.memory_space<vmem>>) target(%dma_start3A_433 : memref<10000x128xf32, #tpu.memory_space<vmem_shared>>) offsets(%dma_start3A_430 : memref<128xi32, #tpu.memory_space<vmem>>) semaphore(%run_scoped3A_427 : memref<!tpu.dma_semaphore, #tpu.memory_space<semaphore_mem>>) {add = true}
          %dma_wait3A_434 = arith.constant 0 : i32
          %dma_wait3A_435 = tpu.memref_slice %arg10[%run_scoped3A_352, %dma_wait3A_434] : memref<2x128xi32, #tpu.memory_space<vmem>> -> memref<1x128xi32, #tpu.memory_space<vmem>>
          %dma_wait3A_436 = tpu.memref_squeeze %dma_wait3A_435 : memref<1x128xi32, #tpu.memory_space<vmem>> -> memref<128xi32, #tpu.memory_space<vmem>>
          %dma_wait3A_437 = arith.constant 0 : i32
          %dma_wait3A_438 = arith.constant 0 : i32
          %dma_wait3A_439 = tpu.memref_slice %arg14[%dma_wait3A_437, %dma_wait3A_438] : memref<10000x128xf32, #tpu.memory_space<vmem_shared>> -> memref<10000x128xf32, #tpu.memory_space<vmem_shared>>
          tpu.wait_indirect_dma semaphore(%run_scoped3A_427 : memref<!tpu.dma_semaphore, #tpu.memory_space<semaphore_mem>>) src(%arg12 : memref<128x128xf32, #tpu.memory_space<vmem>>) dst(%dma_wait3A_439 : memref<10000x128xf32, #tpu.memory_space<vmem_shared>>)
          tpu.yield
        }) : () -> ()
        %add3A_353 = arith.constant 4 : i32
        %add3A_354 = arith.addi %mul3A_262, %add3A_353 : i32
        %add3A_355 = arith.constant 2 : i32
        %add3A_356 = arith.addi %add3A_354, %add3A_355 : i32
        %mul3A_357 = arith.constant 16 : i32
        %mul3A_358 = arith.muli %mul3A_357, %add3A_356 : i32
        %add3A_359 = arith.addi %arg1, %mul3A_358 : i32
        %mul3A_360 = arith.constant 128 : i32
        %mul3A_361 = arith.muli %add3A_359, %mul3A_360 : i32
        %dma_start3A_362 = arith.constant 0 : i32
        %dma_start3A_363 = tpu.memref_slice %arg4[%dma_start3A_362, %mul3A_361] : memref<2x320000xi32, #tpu.memory_space<hbm>> -> memref<2x128xi32, #tpu.memory_space<hbm>>
        %dma_start3A_364 = arith.constant 0 : i32
        %dma_start3A_365 = tpu.memref_slice %arg4[%dma_start3A_364, %mul3A_361] : memref<2x320000xi32, #tpu.memory_space<hbm>> -> memref<2x128xi32, #tpu.memory_space<hbm>>
        tpu.enqueue_dma source(%dma_start3A_365 : memref<2x128xi32, #tpu.memory_space<hbm>>) target(%arg10 : memref<2x128xi32, #tpu.memory_space<vmem>>) target_semaphore(%arg19 : memref<!tpu.dma_semaphore, #tpu.memory_space<semaphore_mem>>)
        %add3A_366 = arith.constant 2 : i32
        %add3A_367 = arith.addi %mul3A_262, %add3A_366 : i32
        %add3A_368 = arith.constant 2 : i32
        %add3A_369 = arith.addi %add3A_367, %add3A_368 : i32
        %mul3A_370 = arith.constant 16 : i32
        %mul3A_371 = arith.muli %mul3A_370, %add3A_369 : i32
        %add3A_372 = arith.addi %arg1, %mul3A_371 : i32
        %mul3A_373 = arith.constant 128 : i32
        %mul3A_374 = arith.muli %add3A_372, %mul3A_373 : i32
        %dma_wait3A_375 = arith.constant 0 : i32
        %dma_wait3A_376 = tpu.memref_slice %arg4[%dma_wait3A_375, %mul3A_374] : memref<2x320000xi32, #tpu.memory_space<hbm>> -> memref<2x128xi32, #tpu.memory_space<hbm>>
        %dma_wait3A_377 = arith.constant 0 : i32
        %dma_wait3A_378 = tpu.memref_slice %arg4[%dma_wait3A_377, %mul3A_374] : memref<2x320000xi32, #tpu.memory_space<hbm>> -> memref<2x128xi32, #tpu.memory_space<hbm>>
        tpu.wait_dma2 semaphore(%arg17 : memref<!tpu.dma_semaphore, #tpu.memory_space<semaphore_mem>>) src(%dma_wait3A_378 : memref<2x128xi32, #tpu.memory_space<hbm>>) dst(%arg8 : memref<2x128xi32, #tpu.memory_space<vmem>>)
        %dma_start3A_379 = arith.constant 0 : i32
        %dma_start3A_380 = arith.constant 0 : i32
        %dma_start3A_381 = tpu.memref_slice %arg8[%dma_start3A_379, %dma_start3A_380] : memref<2x128xi32, #tpu.memory_space<vmem>> -> memref<1x128xi32, #tpu.memory_space<vmem>>
        %dma_start3A_382 = tpu.memref_squeeze %dma_start3A_381 : memref<1x128xi32, #tpu.memory_space<vmem>> -> memref<128xi32, #tpu.memory_space<vmem>>
        %dma_start3A_383 = arith.constant 0 : i32
        %dma_start3A_384 = arith.constant 0 : i32
        %dma_start3A_385 = tpu.memref_slice %arg2[%dma_start3A_383, %dma_start3A_384] : memref<10000x128xf32, #tpu.memory_space<hbm>> -> memref<10000x128xf32, #tpu.memory_space<hbm>>
        tpu.enqueue_indirect_dma source(%dma_start3A_385 : memref<10000x128xf32, #tpu.memory_space<hbm>>) target(%arg12 : memref<128x128xf32, #tpu.memory_space<vmem>>) offsets(%dma_start3A_382 : memref<128xi32, #tpu.memory_space<vmem>>) semaphore(%arg15 : memref<!tpu.dma_semaphore, #tpu.memory_space<semaphore_mem>>)
        %dma_wait3A_386 = arith.constant 0 : i32
        %dma_wait3A_387 = arith.constant 0 : i32
        %dma_wait3A_388 = tpu.memref_slice %arg11[%dma_wait3A_386, %dma_wait3A_387] : memref<2x128xi32, #tpu.memory_space<vmem>> -> memref<1x128xi32, #tpu.memory_space<vmem>>
        %dma_wait3A_389 = tpu.memref_squeeze %dma_wait3A_388 : memref<1x128xi32, #tpu.memory_space<vmem>> -> memref<128xi32, #tpu.memory_space<vmem>>
        %dma_wait3A_390 = arith.constant 0 : i32
        %dma_wait3A_391 = arith.constant 0 : i32
        %dma_wait3A_392 = tpu.memref_slice %arg2[%dma_wait3A_390, %dma_wait3A_391] : memref<10000x128xf32, #tpu.memory_space<hbm>> -> memref<10000x128xf32, #tpu.memory_space<hbm>>
        tpu.wait_indirect_dma semaphore(%arg16 : memref<!tpu.dma_semaphore, #tpu.memory_space<semaphore_mem>>) src(%dma_wait3A_392 : memref<10000x128xf32, #tpu.memory_space<hbm>>) dst(%arg13 : memref<128x128xf32, #tpu.memory_space<vmem>>)
        %run_scoped3A_393 = arith.constant 1 : i32
        "tpu.region"() ({
          %run_scoped3A_427 = tpu.sem_alloc : memref<!tpu.dma_semaphore, #tpu.memory_space<semaphore_mem>>
          %dma_start3A_428 = arith.constant 0 : i32
          %dma_start3A_429 = tpu.memref_slice %arg11[%run_scoped3A_393, %dma_start3A_428] : memref<2x128xi32, #tpu.memory_space<vmem>> -> memref<1x128xi32, #tpu.memory_space<vmem>>
          %dma_start3A_430 = tpu.memref_squeeze %dma_start3A_429 : memref<1x128xi32, #tpu.memory_space<vmem>> -> memref<128xi32, #tpu.memory_space<vmem>>
          %dma_start3A_431 = arith.constant 0 : i32
          %dma_start3A_432 = arith.constant 0 : i32
          %dma_start3A_433 = tpu.memref_slice %arg14[%dma_start3A_431, %dma_start3A_432] : memref<10000x128xf32, #tpu.memory_space<vmem_shared>> -> memref<10000x128xf32, #tpu.memory_space<vmem_shared>>
          tpu.enqueue_indirect_dma source(%arg13 : memref<128x128xf32, #tpu.memory_space<vmem>>) target(%dma_start3A_433 : memref<10000x128xf32, #tpu.memory_space<vmem_shared>>) offsets(%dma_start3A_430 : memref<128xi32, #tpu.memory_space<vmem>>) semaphore(%run_scoped3A_427 : memref<!tpu.dma_semaphore, #tpu.memory_space<semaphore_mem>>) {add = true}
          %dma_wait3A_434 = arith.constant 0 : i32
          %dma_wait3A_435 = tpu.memref_slice %arg11[%run_scoped3A_393, %dma_wait3A_434] : memref<2x128xi32, #tpu.memory_space<vmem>> -> memref<1x128xi32, #tpu.memory_space<vmem>>
          %dma_wait3A_436 = tpu.memref_squeeze %dma_wait3A_435 : memref<1x128xi32, #tpu.memory_space<vmem>> -> memref<128xi32, #tpu.memory_space<vmem>>
          %dma_wait3A_437 = arith.constant 0 : i32
          %dma_wait3A_438 = arith.constant 0 : i32
          %dma_wait3A_439 = tpu.memref_slice %arg14[%dma_wait3A_437, %dma_wait3A_438] : memref<10000x128xf32, #tpu.memory_space<vmem_shared>> -> memref<10000x128xf32, #tpu.memory_space<vmem_shared>>
          tpu.wait_indirect_dma semaphore(%run_scoped3A_427 : memref<!tpu.dma_semaphore, #tpu.memory_space<semaphore_mem>>) src(%arg13 : memref<128x128xf32, #tpu.memory_space<vmem>>) dst(%dma_wait3A_439 : memref<10000x128xf32, #tpu.memory_space<vmem_shared>>)
          tpu.yield
        }) : () -> ()
        %add3A_394 = arith.constant 4 : i32
        %add3A_395 = arith.addi %mul3A_262, %add3A_394 : i32
        %add3A_396 = arith.constant 3 : i32
        %add3A_397 = arith.addi %add3A_395, %add3A_396 : i32
        %mul3A_398 = arith.constant 16 : i32
        %mul3A_399 = arith.muli %mul3A_398, %add3A_397 : i32
        %add3A_400 = arith.addi %arg1, %mul3A_399 : i32
        %mul3A_401 = arith.constant 128 : i32
        %mul3A_402 = arith.muli %add3A_400, %mul3A_401 : i32
        %dma_start3A_403 = arith.constant 0 : i32
        %dma_start3A_404 = tpu.memref_slice %arg4[%dma_start3A_403, %mul3A_402] : memref<2x320000xi32, #tpu.memory_space<hbm>> -> memref<2x128xi32, #tpu.memory_space<hbm>>
        %dma_start3A_405 = arith.constant 0 : i32
        %dma_start3A_406 = tpu.memref_slice %arg4[%dma_start3A_405, %mul3A_402] : memref<2x320000xi32, #tpu.memory_space<hbm>> -> memref<2x128xi32, #tpu.memory_space<hbm>>
        tpu.enqueue_dma source(%dma_start3A_406 : memref<2x128xi32, #tpu.memory_space<hbm>>) target(%arg11 : memref<2x128xi32, #tpu.memory_space<vmem>>) target_semaphore(%arg20 : memref<!tpu.dma_semaphore, #tpu.memory_space<semaphore_mem>>)
        %add3A_407 = arith.constant 2 : i32
        %add3A_408 = arith.addi %mul3A_262, %add3A_407 : i32
        %add3A_409 = arith.constant 3 : i32
        %add3A_410 = arith.addi %add3A_408, %add3A_409 : i32
        %mul3A_411 = arith.constant 16 : i32
        %mul3A_412 = arith.muli %mul3A_411, %add3A_410 : i32
        %add3A_413 = arith.addi %arg1, %mul3A_412 : i32
        %mul3A_414 = arith.constant 128 : i32
        %mul3A_415 = arith.muli %add3A_413, %mul3A_414 : i32
        %dma_wait3A_416 = arith.constant 0 : i32
        %dma_wait3A_417 = tpu.memref_slice %arg4[%dma_wait3A_416, %mul3A_415] : memref<2x320000xi32, #tpu.memory_space<hbm>> -> memref<2x128xi32, #tpu.memory_space<hbm>>
        %dma_wait3A_418 = arith.constant 0 : i32
        %dma_wait3A_419 = tpu.memref_slice %arg4[%dma_wait3A_418, %mul3A_415] : memref<2x320000xi32, #tpu.memory_space<hbm>> -> memref<2x128xi32, #tpu.memory_space<hbm>>
        tpu.wait_dma2 semaphore(%arg18 : memref<!tpu.dma_semaphore, #tpu.memory_space<semaphore_mem>>) src(%dma_wait3A_419 : memref<2x128xi32, #tpu.memory_space<hbm>>) dst(%arg9 : memref<2x128xi32, #tpu.memory_space<vmem>>)
        %dma_start3A_420 = arith.constant 0 : i32
        %dma_start3A_421 = arith.constant 0 : i32
        %dma_start3A_422 = tpu.memref_slice %arg9[%dma_start3A_420, %dma_start3A_421] : memref<2x128xi32, #tpu.memory_space<vmem>> -> memref<1x128xi32, #tpu.memory_space<vmem>>
        %dma_start3A_423 = tpu.memref_squeeze %dma_start3A_422 : memref<1x128xi32, #tpu.memory_space<vmem>> -> memref<128xi32, #tpu.memory_space<vmem>>
        %dma_start3A_424 = arith.constant 0 : i32
        %dma_start3A_425 = arith.constant 0 : i32
        %dma_start3A_426 = tpu.memref_slice %arg2[%dma_start3A_424, %dma_start3A_425] : memref<10000x128xf32, #tpu.memory_space<hbm>> -> memref<10000x128xf32, #tpu.memory_space<hbm>>
        tpu.enqueue_indirect_dma source(%dma_start3A_426 : memref<10000x128xf32, #tpu.memory_space<hbm>>) target(%arg13 : memref<128x128xf32, #tpu.memory_space<vmem>>) offsets(%dma_start3A_423 : memref<128xi32, #tpu.memory_space<vmem>>) semaphore(%arg16 : memref<!tpu.dma_semaphore, #tpu.memory_space<semaphore_mem>>)
      }
      %while3A_125 = arith.constant 1 : i32
      scf.for %while3A_260 = %while3A_123 to %while3A_119 step %while3A_125  : i32 {
        %mul3A_261 = arith.constant 4 : i32
        %mul3A_262 = arith.muli %mul3A_261, %while3A_260 : i32
        %dma_wait3A_263 = arith.constant 0 : i32
        %dma_wait3A_264 = arith.constant 0 : i32
        %dma_wait3A_265 = tpu.memref_slice %arg8[%dma_wait3A_263, %dma_wait3A_264] : memref<2x128xi32, #tpu.memory_space<vmem>> -> memref<1x128xi32, #tpu.memory_space<vmem>>
        %dma_wait3A_266 = tpu.memref_squeeze %dma_wait3A_265 : memref<1x128xi32, #tpu.memory_space<vmem>> -> memref<128xi32, #tpu.memory_space<vmem>>
        %dma_wait3A_267 = arith.constant 0 : i32
        %dma_wait3A_268 = arith.constant 0 : i32
        %dma_wait3A_269 = tpu.memref_slice %arg2[%dma_wait3A_267, %dma_wait3A_268] : memref<10000x128xf32, #tpu.memory_space<hbm>> -> memref<10000x128xf32, #tpu.memory_space<hbm>>
        tpu.wait_indirect_dma semaphore(%arg15 : memref<!tpu.dma_semaphore, #tpu.memory_space<semaphore_mem>>) src(%dma_wait3A_269 : memref<10000x128xf32, #tpu.memory_space<hbm>>) dst(%arg12 : memref<128x128xf32, #tpu.memory_space<vmem>>)
        %run_scoped3A_270 = arith.constant 1 : i32
        "tpu.region"() ({
          %run_scoped3A_427 = tpu.sem_alloc : memref<!tpu.dma_semaphore, #tpu.memory_space<semaphore_mem>>
          %dma_start3A_428 = arith.constant 0 : i32
          %dma_start3A_429 = tpu.memref_slice %arg8[%run_scoped3A_270, %dma_start3A_428] : memref<2x128xi32, #tpu.memory_space<vmem>> -> memref<1x128xi32, #tpu.memory_space<vmem>>
          %dma_start3A_430 = tpu.memref_squeeze %dma_start3A_429 : memref<1x128xi32, #tpu.memory_space<vmem>> -> memref<128xi32, #tpu.memory_space<vmem>>
          %dma_start3A_431 = arith.constant 0 : i32
          %dma_start3A_432 = arith.constant 0 : i32
          %dma_start3A_433 = tpu.memref_slice %arg14[%dma_start3A_431, %dma_start3A_432] : memref<10000x128xf32, #tpu.memory_space<vmem_shared>> -> memref<10000x128xf32, #tpu.memory_space<vmem_shared>>
          tpu.enqueue_indirect_dma source(%arg12 : memref<128x128xf32, #tpu.memory_space<vmem>>) target(%dma_start3A_433 : memref<10000x128xf32, #tpu.memory_space<vmem_shared>>) offsets(%dma_start3A_430 : memref<128xi32, #tpu.memory_space<vmem>>) semaphore(%run_scoped3A_427 : memref<!tpu.dma_semaphore, #tpu.memory_space<semaphore_mem>>) {add = true}
          %dma_wait3A_434 = arith.constant 0 : i32
          %dma_wait3A_435 = tpu.memref_slice %arg8[%run_scoped3A_270, %dma_wait3A_434] : memref<2x128xi32, #tpu.memory_space<vmem>> -> memref<1x128xi32, #tpu.memory_space<vmem>>
          %dma_wait3A_436 = tpu.memref_squeeze %dma_wait3A_435 : memref<1x128xi32, #tpu.memory_space<vmem>> -> memref<128xi32, #tpu.memory_space<vmem>>
          %dma_wait3A_437 = arith.constant 0 : i32
          %dma_wait3A_438 = arith.constant 0 : i32
          %dma_wait3A_439 = tpu.memref_slice %arg14[%dma_wait3A_437, %dma_wait3A_438] : memref<10000x128xf32, #tpu.memory_space<vmem_shared>> -> memref<10000x128xf32, #tpu.memory_space<vmem_shared>>
          tpu.wait_indirect_dma semaphore(%run_scoped3A_427 : memref<!tpu.dma_semaphore, #tpu.memory_space<semaphore_mem>>) src(%arg12 : memref<128x128xf32, #tpu.memory_space<vmem>>) dst(%dma_wait3A_439 : memref<10000x128xf32, #tpu.memory_space<vmem_shared>>)
          tpu.yield
        }) : () -> ()
        %add3A_271 = arith.constant 4 : i32
        %add3A_272 = arith.addi %mul3A_262, %add3A_271 : i32
        %add3A_273 = arith.constant 0 : i32
        %add3A_274 = arith.addi %add3A_272, %add3A_273 : i32
        %mul3A_275 = arith.constant 16 : i32
        %mul3A_276 = arith.muli %mul3A_275, %add3A_274 : i32
        %add3A_277 = arith.addi %arg1, %mul3A_276 : i32
        %mul3A_278 = arith.constant 128 : i32
        %mul3A_279 = arith.muli %add3A_277, %mul3A_278 : i32
        %dma_start3A_280 = arith.constant 0 : i32
        %dma_start3A_281 = tpu.memref_slice %arg4[%dma_start3A_280, %mul3A_279] : memref<2x320000xi32, #tpu.memory_space<hbm>> -> memref<2x128xi32, #tpu.memory_space<hbm>>
        %dma_start3A_282 = arith.constant 0 : i32
        %dma_start3A_283 = tpu.memref_slice %arg4[%dma_start3A_282, %mul3A_279] : memref<2x320000xi32, #tpu.memory_space<hbm>> -> memref<2x128xi32, #tpu.memory_space<hbm>>
        tpu.enqueue_dma source(%dma_start3A_283 : memref<2x128xi32, #tpu.memory_space<hbm>>) target(%arg8 : memref<2x128xi32, #tpu.memory_space<vmem>>) target_semaphore(%arg17 : memref<!tpu.dma_semaphore, #tpu.memory_space<semaphore_mem>>)
        %add3A_284 = arith.constant 2 : i32
        %add3A_285 = arith.addi %mul3A_262, %add3A_284 : i32
        %add3A_286 = arith.constant 0 : i32
        %add3A_287 = arith.addi %add3A_285, %add3A_286 : i32
        %mul3A_288 = arith.constant 16 : i32
        %mul3A_289 = arith.muli %mul3A_288, %add3A_287 : i32
        %add3A_290 = arith.addi %arg1, %mul3A_289 : i32
        %mul3A_291 = arith.constant 128 : i32
        %mul3A_292 = arith.muli %add3A_290, %mul3A_291 : i32
        %dma_wait3A_293 = arith.constant 0 : i32
        %dma_wait3A_294 = tpu.memref_slice %arg4[%dma_wait3A_293, %mul3A_292] : memref<2x320000xi32, #tpu.memory_space<hbm>> -> memref<2x128xi32, #tpu.memory_space<hbm>>
        %dma_wait3A_295 = arith.constant 0 : i32
        %dma_wait3A_296 = tpu.memref_slice %arg4[%dma_wait3A_295, %mul3A_292] : memref<2x320000xi32, #tpu.memory_space<hbm>> -> memref<2x128xi32, #tpu.memory_space<hbm>>
        tpu.wait_dma2 semaphore(%arg19 : memref<!tpu.dma_semaphore, #tpu.memory_space<semaphore_mem>>) src(%dma_wait3A_296 : memref<2x128xi32, #tpu.memory_space<hbm>>) dst(%arg10 : memref<2x128xi32, #tpu.memory_space<vmem>>)
        %dma_start3A_297 = arith.constant 0 : i32
        %dma_start3A_298 = arith.constant 0 : i32
        %dma_start3A_299 = tpu.memref_slice %arg10[%dma_start3A_297, %dma_start3A_298] : memref<2x128xi32, #tpu.memory_space<vmem>> -> memref<1x128xi32, #tpu.memory_space<vmem>>
        %dma_start3A_300 = tpu.memref_squeeze %dma_start3A_299 : memref<1x128xi32, #tpu.memory_space<vmem>> -> memref<128xi32, #tpu.memory_space<vmem>>
        %dma_start3A_301 = arith.constant 0 : i32
        %dma_start3A_302 = arith.constant 0 : i32
        %dma_start3A_303 = tpu.memref_slice %arg2[%dma_start3A_301, %dma_start3A_302] : memref<10000x128xf32, #tpu.memory_space<hbm>> -> memref<10000x128xf32, #tpu.memory_space<hbm>>
        tpu.enqueue_indirect_dma source(%dma_start3A_303 : memref<10000x128xf32, #tpu.memory_space<hbm>>) target(%arg12 : memref<128x128xf32, #tpu.memory_space<vmem>>) offsets(%dma_start3A_300 : memref<128xi32, #tpu.memory_space<vmem>>) semaphore(%arg15 : memref<!tpu.dma_semaphore, #tpu.memory_space<semaphore_mem>>)
        %dma_wait3A_304 = arith.constant 0 : i32
        %dma_wait3A_305 = arith.constant 0 : i32
        %dma_wait3A_306 = tpu.memref_slice %arg9[%dma_wait3A_304, %dma_wait3A_305] : memref<2x128xi32, #tpu.memory_space<vmem>> -> memref<1x128xi32, #tpu.memory_space<vmem>>
        %dma_wait3A_307 = tpu.memref_squeeze %dma_wait3A_306 : memref<1x128xi32, #tpu.memory_space<vmem>> -> memref<128xi32, #tpu.memory_space<vmem>>
        %dma_wait3A_308 = arith.constant 0 : i32
        %dma_wait3A_309 = arith.constant 0 : i32
        %dma_wait3A_310 = tpu.memref_slice %arg2[%dma_wait3A_308, %dma_wait3A_309] : memref<10000x128xf32, #tpu.memory_space<hbm>> -> memref<10000x128xf32, #tpu.memory_space<hbm>>
        tpu.wait_indirect_dma semaphore(%arg16 : memref<!tpu.dma_semaphore, #tpu.memory_space<semaphore_mem>>) src(%dma_wait3A_310 : memref<10000x128xf32, #tpu.memory_space<hbm>>) dst(%arg13 : memref<128x128xf32, #tpu.memory_space<vmem>>)
        %run_scoped3A_311 = arith.constant 1 : i32
        "tpu.region"() ({
          %run_scoped3A_427 = tpu.sem_alloc : memref<!tpu.dma_semaphore, #tpu.memory_space<semaphore_mem>>
          %dma_start3A_428 = arith.constant 0 : i32
          %dma_start3A_429 = tpu.memref_slice %arg9[%run_scoped3A_311, %dma_start3A_428] : memref<2x128xi32, #tpu.memory_space<vmem>> -> memref<1x128xi32, #tpu.memory_space<vmem>>
          %dma_start3A_430 = tpu.memref_squeeze %dma_start3A_429 : memref<1x128xi32, #tpu.memory_space<vmem>> -> memref<128xi32, #tpu.memory_space<vmem>>
          %dma_start3A_431 = arith.constant 0 : i32
          %dma_start3A_432 = arith.constant 0 : i32
          %dma_start3A_433 = tpu.memref_slice %arg14[%dma_start3A_431, %dma_start3A_432] : memref<10000x128xf32, #tpu.memory_space<vmem_shared>> -> memref<10000x128xf32, #tpu.memory_space<vmem_shared>>
          tpu.enqueue_indirect_dma source(%arg13 : memref<128x128xf32, #tpu.memory_space<vmem>>) target(%dma_start3A_433 : memref<10000x128xf32, #tpu.memory_space<vmem_shared>>) offsets(%dma_start3A_430 : memref<128xi32, #tpu.memory_space<vmem>>) semaphore(%run_scoped3A_427 : memref<!tpu.dma_semaphore, #tpu.memory_space<semaphore_mem>>) {add = true}
          %dma_wait3A_434 = arith.constant 0 : i32
          %dma_wait3A_435 = tpu.memref_slice %arg9[%run_scoped3A_311, %dma_wait3A_434] : memref<2x128xi32, #tpu.memory_space<vmem>> -> memref<1x128xi32, #tpu.memory_space<vmem>>
          %dma_wait3A_436 = tpu.memref_squeeze %dma_wait3A_435 : memref<1x128xi32, #tpu.memory_space<vmem>> -> memref<128xi32, #tpu.memory_space<vmem>>
          %dma_wait3A_437 = arith.constant 0 : i32
          %dma_wait3A_438 = arith.constant 0 : i32
          %dma_wait3A_439 = tpu.memref_slice %arg14[%dma_wait3A_437, %dma_wait3A_438] : memref<10000x128xf32, #tpu.memory_space<vmem_shared>> -> memref<10000x128xf32, #tpu.memory_space<vmem_shared>>
          tpu.wait_indirect_dma semaphore(%run_scoped3A_427 : memref<!tpu.dma_semaphore, #tpu.memory_space<semaphore_mem>>) src(%arg13 : memref<128x128xf32, #tpu.memory_space<vmem>>) dst(%dma_wait3A_439 : memref<10000x128xf32, #tpu.memory_space<vmem_shared>>)
          tpu.yield
        }) : () -> ()
        %add3A_312 = arith.constant 4 : i32
        %add3A_313 = arith.addi %mul3A_262, %add3A_312 : i32
        %add3A_314 = arith.constant 1 : i32
        %add3A_315 = arith.addi %add3A_313, %add3A_314 : i32
        %mul3A_316 = arith.constant 16 : i32
        %mul3A_317 = arith.muli %mul3A_316, %add3A_315 : i32
        %add3A_318 = arith.addi %arg1, %mul3A_317 : i32
        %mul3A_319 = arith.constant 128 : i32
        %mul3A_320 = arith.muli %add3A_318, %mul3A_319 : i32
        %dma_start3A_321 = arith.constant 0 : i32
        %dma_start3A_322 = tpu.memref_slice %arg4[%dma_start3A_321, %mul3A_320] : memref<2x320000xi32, #tpu.memory_space<hbm>> -> memref<2x128xi32, #tpu.memory_space<hbm>>
        %dma_start3A_323 = arith.constant 0 : i32
        %dma_start3A_324 = tpu.memref_slice %arg4[%dma_start3A_323, %mul3A_320] : memref<2x320000xi32, #tpu.memory_space<hbm>> -> memref<2x128xi32, #tpu.memory_space<hbm>>
        tpu.enqueue_dma source(%dma_start3A_324 : memref<2x128xi32, #tpu.memory_space<hbm>>) target(%arg9 : memref<2x128xi32, #tpu.memory_space<vmem>>) target_semaphore(%arg18 : memref<!tpu.dma_semaphore, #tpu.memory_space<semaphore_mem>>)
        %add3A_325 = arith.constant 2 : i32
        %add3A_326 = arith.addi %mul3A_262, %add3A_325 : i32
        %add3A_327 = arith.constant 1 : i32
        %add3A_328 = arith.addi %add3A_326, %add3A_327 : i32
        %mul3A_329 = arith.constant 16 : i32
        %mul3A_330 = arith.muli %mul3A_329, %add3A_328 : i32
        %add3A_331 = arith.addi %arg1, %mul3A_330 : i32
        %mul3A_332 = arith.constant 128 : i32
        %mul3A_333 = arith.muli %add3A_331, %mul3A_332 : i32
        %dma_wait3A_334 = arith.constant 0 : i32
        %dma_wait3A_335 = tpu.memref_slice %arg4[%dma_wait3A_334, %mul3A_333] : memref<2x320000xi32, #tpu.memory_space<hbm>> -> memref<2x128xi32, #tpu.memory_space<hbm>>
        %dma_wait3A_336 = arith.constant 0 : i32
        %dma_wait3A_337 = tpu.memref_slice %arg4[%dma_wait3A_336, %mul3A_333] : memref<2x320000xi32, #tpu.memory_space<hbm>> -> memref<2x128xi32, #tpu.memory_space<hbm>>
        tpu.wait_dma2 semaphore(%arg20 : memref<!tpu.dma_semaphore, #tpu.memory_space<semaphore_mem>>) src(%dma_wait3A_337 : memref<2x128xi32, #tpu.memory_space<hbm>>) dst(%arg11 : memref<2x128xi32, #tpu.memory_space<vmem>>)
        %dma_start3A_338 = arith.constant 0 : i32
        %dma_start3A_339 = arith.constant 0 : i32
        %dma_start3A_340 = tpu.memref_slice %arg11[%dma_start3A_338, %dma_start3A_339] : memref<2x128xi32, #tpu.memory_space<vmem>> -> memref<1x128xi32, #tpu.memory_space<vmem>>
        %dma_start3A_341 = tpu.memref_squeeze %dma_start3A_340 : memref<1x128xi32, #tpu.memory_space<vmem>> -> memref<128xi32, #tpu.memory_space<vmem>>
        %dma_start3A_342 = arith.constant 0 : i32
        %dma_start3A_343 = arith.constant 0 : i32
        %dma_start3A_344 = tpu.memref_slice %arg2[%dma_start3A_342, %dma_start3A_343] : memref<10000x128xf32, #tpu.memory_space<hbm>> -> memref<10000x128xf32, #tpu.memory_space<hbm>>
        tpu.enqueue_indirect_dma source(%dma_start3A_344 : memref<10000x128xf32, #tpu.memory_space<hbm>>) target(%arg13 : memref<128x128xf32, #tpu.memory_space<vmem>>) offsets(%dma_start3A_341 : memref<128xi32, #tpu.memory_space<vmem>>) semaphore(%arg16 : memref<!tpu.dma_semaphore, #tpu.memory_space<semaphore_mem>>)
        %dma_wait3A_345 = arith.constant 0 : i32
        %dma_wait3A_346 = arith.constant 0 : i32
        %dma_wait3A_347 = tpu.memref_slice %arg10[%dma_wait3A_345, %dma_wait3A_346] : memref<2x128xi32, #tpu.memory_space<vmem>> -> memref<1x128xi32, #tpu.memory_space<vmem>>
        %dma_wait3A_348 = tpu.memref_squeeze %dma_wait3A_347 : memref<1x128xi32, #tpu.memory_space<vmem>> -> memref<128xi32, #tpu.memory_space<vmem>>
        %dma_wait3A_349 = arith.constant 0 : i32
        %dma_wait3A_350 = arith.constant 0 : i32
        %dma_wait3A_351 = tpu.memref_slice %arg2[%dma_wait3A_349, %dma_wait3A_350] : memref<10000x128xf32, #tpu.memory_space<hbm>> -> memref<10000x128xf32, #tpu.memory_space<hbm>>
        tpu.wait_indirect_dma semaphore(%arg15 : memref<!tpu.dma_semaphore, #tpu.memory_space<semaphore_mem>>) src(%dma_wait3A_351 : memref<10000x128xf32, #tpu.memory_space<hbm>>) dst(%arg12 : memref<128x128xf32, #tpu.memory_space<vmem>>)
        %run_scoped3A_352 = arith.constant 1 : i32
        "tpu.region"() ({
          %run_scoped3A_427 = tpu.sem_alloc : memref<!tpu.dma_semaphore, #tpu.memory_space<semaphore_mem>>
          %dma_start3A_428 = arith.constant 0 : i32
          %dma_start3A_429 = tpu.memref_slice %arg10[%run_scoped3A_352, %dma_start3A_428] : memref<2x128xi32, #tpu.memory_space<vmem>> -> memref<1x128xi32, #tpu.memory_space<vmem>>
          %dma_start3A_430 = tpu.memref_squeeze %dma_start3A_429 : memref<1x128xi32, #tpu.memory_space<vmem>> -> memref<128xi32, #tpu.memory_space<vmem>>
          %dma_start3A_431 = arith.constant 0 : i32
          %dma_start3A_432 = arith.constant 0 : i32
          %dma_start3A_433 = tpu.memref_slice %arg14[%dma_start3A_431, %dma_start3A_432] : memref<10000x128xf32, #tpu.memory_space<vmem_shared>> -> memref<10000x128xf32, #tpu.memory_space<vmem_shared>>
          tpu.enqueue_indirect_dma source(%arg12 : memref<128x128xf32, #tpu.memory_space<vmem>>) target(%dma_start3A_433 : memref<10000x128xf32, #tpu.memory_space<vmem_shared>>) offsets(%dma_start3A_430 : memref<128xi32, #tpu.memory_space<vmem>>) semaphore(%run_scoped3A_427 : memref<!tpu.dma_semaphore, #tpu.memory_space<semaphore_mem>>) {add = true}
          %dma_wait3A_434 = arith.constant 0 : i32
          %dma_wait3A_435 = tpu.memref_slice %arg10[%run_scoped3A_352, %dma_wait3A_434] : memref<2x128xi32, #tpu.memory_space<vmem>> -> memref<1x128xi32, #tpu.memory_space<vmem>>
          %dma_wait3A_436 = tpu.memref_squeeze %dma_wait3A_435 : memref<1x128xi32, #tpu.memory_space<vmem>> -> memref<128xi32, #tpu.memory_space<vmem>>
          %dma_wait3A_437 = arith.constant 0 : i32
          %dma_wait3A_438 = arith.constant 0 : i32
          %dma_wait3A_439 = tpu.memref_slice %arg14[%dma_wait3A_437, %dma_wait3A_438] : memref<10000x128xf32, #tpu.memory_space<vmem_shared>> -> memref<10000x128xf32, #tpu.memory_space<vmem_shared>>
          tpu.wait_indirect_dma semaphore(%run_scoped3A_427 : memref<!tpu.dma_semaphore, #tpu.memory_space<semaphore_mem>>) src(%arg12 : memref<128x128xf32, #tpu.memory_space<vmem>>) dst(%dma_wait3A_439 : memref<10000x128xf32, #tpu.memory_space<vmem_shared>>)
          tpu.yield
        }) : () -> ()
        %add3A_353 = arith.constant 4 : i32
        %add3A_354 = arith.addi %mul3A_262, %add3A_353 : i32
        %add3A_355 = arith.constant 2 : i32
        %add3A_356 = arith.addi %add3A_354, %add3A_355 : i32
        %mul3A_357 = arith.constant 16 : i32
        %mul3A_358 = arith.muli %mul3A_357, %add3A_356 : i32
        %add3A_359 = arith.addi %arg1, %mul3A_358 : i32
        %mul3A_360 = arith.constant 128 : i32
        %mul3A_361 = arith.muli %add3A_359, %mul3A_360 : i32
        %dma_start3A_362 = arith.constant 0 : i32
        %dma_start3A_363 = tpu.memref_slice %arg4[%dma_start3A_362, %mul3A_361] : memref<2x320000xi32, #tpu.memory_space<hbm>> -> memref<2x128xi32, #tpu.memory_space<hbm>>
        %dma_start3A_364 = arith.constant 0 : i32
        %dma_start3A_365 = tpu.memref_slice %arg4[%dma_start3A_364, %mul3A_361] : memref<2x320000xi32, #tpu.memory_space<hbm>> -> memref<2x128xi32, #tpu.memory_space<hbm>>
        tpu.enqueue_dma source(%dma_start3A_365 : memref<2x128xi32, #tpu.memory_space<hbm>>) target(%arg10 : memref<2x128xi32, #tpu.memory_space<vmem>>) target_semaphore(%arg19 : memref<!tpu.dma_semaphore, #tpu.memory_space<semaphore_mem>>)
        %add3A_366 = arith.constant 2 : i32
        %add3A_367 = arith.addi %mul3A_262, %add3A_366 : i32
        %add3A_368 = arith.constant 2 : i32
        %add3A_369 = arith.addi %add3A_367, %add3A_368 : i32
        %mul3A_370 = arith.constant 16 : i32
        %mul3A_371 = arith.muli %mul3A_370, %add3A_369 : i32
        %add3A_372 = arith.addi %arg1, %mul3A_371 : i32
        %mul3A_373 = arith.constant 128 : i32
        %mul3A_374 = arith.muli %add3A_372, %mul3A_373 : i32
        %dma_wait3A_375 = arith.constant 0 : i32
        %dma_wait3A_376 = tpu.memref_slice %arg4[%dma_wait3A_375, %mul3A_374] : memref<2x320000xi32, #tpu.memory_space<hbm>> -> memref<2x128xi32, #tpu.memory_space<hbm>>
        %dma_wait3A_377 = arith.constant 0 : i32
        %dma_wait3A_378 = tpu.memref_slice %arg4[%dma_wait3A_377, %mul3A_374] : memref<2x320000xi32, #tpu.memory_space<hbm>> -> memref<2x128xi32, #tpu.memory_space<hbm>>
        tpu.wait_dma2 semaphore(%arg17 : memref<!tpu.dma_semaphore, #tpu.memory_space<semaphore_mem>>) src(%dma_wait3A_378 : memref<2x128xi32, #tpu.memory_space<hbm>>) dst(%arg8 : memref<2x128xi32, #tpu.memory_space<vmem>>)
        %dma_start3A_379 = arith.constant 0 : i32
        %dma_start3A_380 = arith.constant 0 : i32
        %dma_start3A_381 = tpu.memref_slice %arg8[%dma_start3A_379, %dma_start3A_380] : memref<2x128xi32, #tpu.memory_space<vmem>> -> memref<1x128xi32, #tpu.memory_space<vmem>>
        %dma_start3A_382 = tpu.memref_squeeze %dma_start3A_381 : memref<1x128xi32, #tpu.memory_space<vmem>> -> memref<128xi32, #tpu.memory_space<vmem>>
        %dma_start3A_383 = arith.constant 0 : i32
        %dma_start3A_384 = arith.constant 0 : i32
        %dma_start3A_385 = tpu.memref_slice %arg2[%dma_start3A_383, %dma_start3A_384] : memref<10000x128xf32, #tpu.memory_space<hbm>> -> memref<10000x128xf32, #tpu.memory_space<hbm>>
        tpu.enqueue_indirect_dma source(%dma_start3A_385 : memref<10000x128xf32, #tpu.memory_space<hbm>>) target(%arg12 : memref<128x128xf32, #tpu.memory_space<vmem>>) offsets(%dma_start3A_382 : memref<128xi32, #tpu.memory_space<vmem>>) semaphore(%arg15 : memref<!tpu.dma_semaphore, #tpu.memory_space<semaphore_mem>>)
        %dma_wait3A_386 = arith.constant 0 : i32
        %dma_wait3A_387 = arith.constant 0 : i32
        %dma_wait3A_388 = tpu.memref_slice %arg11[%dma_wait3A_386, %dma_wait3A_387] : memref<2x128xi32, #tpu.memory_space<vmem>> -> memref<1x128xi32, #tpu.memory_space<vmem>>
        %dma_wait3A_389 = tpu.memref_squeeze %dma_wait3A_388 : memref<1x128xi32, #tpu.memory_space<vmem>> -> memref<128xi32, #tpu.memory_space<vmem>>
        %dma_wait3A_390 = arith.constant 0 : i32
        %dma_wait3A_391 = arith.constant 0 : i32
        %dma_wait3A_392 = tpu.memref_slice %arg2[%dma_wait3A_390, %dma_wait3A_391] : memref<10000x128xf32, #tpu.memory_space<hbm>> -> memref<10000x128xf32, #tpu.memory_space<hbm>>
        tpu.wait_indirect_dma semaphore(%arg16 : memref<!tpu.dma_semaphore, #tpu.memory_space<semaphore_mem>>) src(%dma_wait3A_392 : memref<10000x128xf32, #tpu.memory_space<hbm>>) dst(%arg13 : memref<128x128xf32, #tpu.memory_space<vmem>>)
        %run_scoped3A_393 = arith.constant 1 : i32
        "tpu.region"() ({
          %run_scoped3A_427 = tpu.sem_alloc : memref<!tpu.dma_semaphore, #tpu.memory_space<semaphore_mem>>
          %dma_start3A_428 = arith.constant 0 : i32
          %dma_start3A_429 = tpu.memref_slice %arg11[%run_scoped3A_393, %dma_start3A_428] : memref<2x128xi32, #tpu.memory_space<vmem>> -> memref<1x128xi32, #tpu.memory_space<vmem>>
          %dma_start3A_430 = tpu.memref_squeeze %dma_start3A_429 : memref<1x128xi32, #tpu.memory_space<vmem>> -> memref<128xi32, #tpu.memory_space<vmem>>
          %dma_start3A_431 = arith.constant 0 : i32
          %dma_start3A_432 = arith.constant 0 : i32
          %dma_start3A_433 = tpu.memref_slice %arg14[%dma_start3A_431, %dma_start3A_432] : memref<10000x128xf32, #tpu.memory_space<vmem_shared>> -> memref<10000x128xf32, #tpu.memory_space<vmem_shared>>
          tpu.enqueue_indirect_dma source(%arg13 : memref<128x128xf32, #tpu.memory_space<vmem>>) target(%dma_start3A_433 : memref<10000x128xf32, #tpu.memory_space<vmem_shared>>) offsets(%dma_start3A_430 : memref<128xi32, #tpu.memory_space<vmem>>) semaphore(%run_scoped3A_427 : memref<!tpu.dma_semaphore, #tpu.memory_space<semaphore_mem>>) {add = true}
          %dma_wait3A_434 = arith.constant 0 : i32
          %dma_wait3A_435 = tpu.memref_slice %arg11[%run_scoped3A_393, %dma_wait3A_434] : memref<2x128xi32, #tpu.memory_space<vmem>> -> memref<1x128xi32, #tpu.memory_space<vmem>>
          %dma_wait3A_436 = tpu.memref_squeeze %dma_wait3A_435 : memref<1x128xi32, #tpu.memory_space<vmem>> -> memref<128xi32, #tpu.memory_space<vmem>>
          %dma_wait3A_437 = arith.constant 0 : i32
          %dma_wait3A_438 = arith.constant 0 : i32
          %dma_wait3A_439 = tpu.memref_slice %arg14[%dma_wait3A_437, %dma_wait3A_438] : memref<10000x128xf32, #tpu.memory_space<vmem_shared>> -> memref<10000x128xf32, #tpu.memory_space<vmem_shared>>
          tpu.wait_indirect_dma semaphore(%run_scoped3A_427 : memref<!tpu.dma_semaphore, #tpu.memory_space<semaphore_mem>>) src(%arg13 : memref<128x128xf32, #tpu.memory_space<vmem>>) dst(%dma_wait3A_439 : memref<10000x128xf32, #tpu.memory_space<vmem_shared>>)
          tpu.yield
        }) : () -> ()
        %add3A_394 = arith.constant 4 : i32
        %add3A_395 = arith.addi %mul3A_262, %add3A_394 : i32
        %add3A_396 = arith.constant 3 : i32
        %add3A_397 = arith.addi %add3A_395, %add3A_396 : i32
        %mul3A_398 = arith.constant 16 : i32
        %mul3A_399 = arith.muli %mul3A_398, %add3A_397 : i32
        %add3A_400 = arith.addi %arg1, %mul3A_399 : i32
        %mul3A_401 = arith.constant 128 : i32
        %mul3A_402 = arith.muli %add3A_400, %mul3A_401 : i32
        %dma_start3A_403 = arith.constant 0 : i32
        %dma_start3A_404 = tpu.memref_slice %arg4[%dma_start3A_403, %mul3A_402] : memref<2x320000xi32, #tpu.memory_space<hbm>> -> memref<2x128xi32, #tpu.memory_space<hbm>>
        %dma_start3A_405 = arith.constant 0 : i32
        %dma_start3A_406 = tpu.memref_slice %arg4[%dma_start3A_405, %mul3A_402] : memref<2x320000xi32, #tpu.memory_space<hbm>> -> memref<2x128xi32, #tpu.memory_space<hbm>>
        tpu.enqueue_dma source(%dma_start3A_406 : memref<2x128xi32, #tpu.memory_space<hbm>>) target(%arg11 : memref<2x128xi32, #tpu.memory_space<vmem>>) target_semaphore(%arg20 : memref<!tpu.dma_semaphore, #tpu.memory_space<semaphore_mem>>)
        %add3A_407 = arith.constant 2 : i32
        %add3A_408 = arith.addi %mul3A_262, %add3A_407 : i32
        %add3A_409 = arith.constant 3 : i32
        %add3A_410 = arith.addi %add3A_408, %add3A_409 : i32
        %mul3A_411 = arith.constant 16 : i32
        %mul3A_412 = arith.muli %mul3A_411, %add3A_410 : i32
        %add3A_413 = arith.addi %arg1, %mul3A_412 : i32
        %mul3A_414 = arith.constant 128 : i32
        %mul3A_415 = arith.muli %add3A_413, %mul3A_414 : i32
        %dma_wait3A_416 = arith.constant 0 : i32
        %dma_wait3A_417 = tpu.memref_slice %arg4[%dma_wait3A_416, %mul3A_415] : memref<2x320000xi32, #tpu.memory_space<hbm>> -> memref<2x128xi32, #tpu.memory_space<hbm>>
        %dma_wait3A_418 = arith.constant 0 : i32
        %dma_wait3A_419 = tpu.memref_slice %arg4[%dma_wait3A_418, %mul3A_415] : memref<2x320000xi32, #tpu.memory_space<hbm>> -> memref<2x128xi32, #tpu.memory_space<hbm>>
        tpu.wait_dma2 semaphore(%arg18 : memref<!tpu.dma_semaphore, #tpu.memory_space<semaphore_mem>>) src(%dma_wait3A_419 : memref<2x128xi32, #tpu.memory_space<hbm>>) dst(%arg9 : memref<2x128xi32, #tpu.memory_space<vmem>>)
        %dma_start3A_420 = arith.constant 0 : i32
        %dma_start3A_421 = arith.constant 0 : i32
        %dma_start3A_422 = tpu.memref_slice %arg9[%dma_start3A_420, %dma_start3A_421] : memref<2x128xi32, #tpu.memory_space<vmem>> -> memref<1x128xi32, #tpu.memory_space<vmem>>
        %dma_start3A_423 = tpu.memref_squeeze %dma_start3A_422 : memref<1x128xi32, #tpu.memory_space<vmem>> -> memref<128xi32, #tpu.memory_space<vmem>>
        %dma_start3A_424 = arith.constant 0 : i32
        %dma_start3A_425 = arith.constant 0 : i32
        %dma_start3A_426 = tpu.memref_slice %arg2[%dma_start3A_424, %dma_start3A_425] : memref<10000x128xf32, #tpu.memory_space<hbm>> -> memref<10000x128xf32, #tpu.memory_space<hbm>>
        tpu.enqueue_indirect_dma source(%dma_start3A_426 : memref<10000x128xf32, #tpu.memory_space<hbm>>) target(%arg13 : memref<128x128xf32, #tpu.memory_space<vmem>>) offsets(%dma_start3A_423 : memref<128xi32, #tpu.memory_space<vmem>>) semaphore(%arg16 : memref<!tpu.dma_semaphore, #tpu.memory_space<semaphore_mem>>)
      }
      %jit3A_126 = arith.constant 4 : i32
      %div3A_127 = arith.divsi %select_n3A, %jit3A_126 : i32
      %sign3A_128 = arith.constant 0 : i32
      %sign3A_129 = arith.cmpi sgt, %select_n3A, %sign3A_128 : i32
      %sign3A_130 = arith.extui %sign3A_129 : i1 to i32
      %sign3A_131 = arith.constant 0 : i32
      %sign3A_132 = arith.cmpi slt, %select_n3A, %sign3A_131 : i32
      %sign3A_133 = arith.extui %sign3A_132 : i1 to i32
      %sign3A_134 = arith.subi %sign3A_130, %sign3A_133 : i32
      %sign3A_135 = arith.constant 0 : i32
      %sign3A_136 = arith.cmpi sgt, %jit3A_126, %sign3A_135 : i32
      %sign3A_137 = arith.extui %sign3A_136 : i1 to i32
      %sign3A_138 = arith.constant 0 : i32
      %sign3A_139 = arith.cmpi slt, %jit3A_126, %sign3A_138 : i32
      %sign3A_140 = arith.extui %sign3A_139 : i1 to i32
      %sign3A_141 = arith.subi %sign3A_137, %sign3A_140 : i32
      %ne3A_142 = arith.cmpi ne, %sign3A_134, %sign3A_141 : i32
      %rem3A_143 = arith.remsi %select_n3A, %jit3A_126 : i32
      %ne3A_144 = arith.constant 0 : i32
      %ne3A_145 = arith.cmpi ne, %rem3A_143, %ne3A_144 : i32
      %and3A_146 = arith.andi %ne3A_142, %ne3A_145 : i1
      %sub3A_147 = arith.constant 1 : i32
      %sub3A_148 = arith.subi %div3A_127, %sub3A_147 : i32
      %select_n3A_149 = arith.select %and3A_146, %sub3A_148, %div3A_127 : i32
      %mul3A_150 = arith.constant 4 : i32
      %mul3A_151 = arith.muli %mul3A_150, %select_n3A_149 : i32
      %sub3A_152 = arith.constant 4 : i32
      %sub3A_153 = arith.subi %mul3A_151, %sub3A_152 : i32
      %dma_wait3A_154 = arith.constant 0 : i32
      %dma_wait3A_155 = arith.constant 0 : i32
      %dma_wait3A_156 = tpu.memref_slice %arg8[%dma_wait3A_154, %dma_wait3A_155] : memref<2x128xi32, #tpu.memory_space<vmem>> -> memref<1x128xi32, #tpu.memory_space<vmem>>
      %dma_wait3A_157 = tpu.memref_squeeze %dma_wait3A_156 : memref<1x128xi32, #tpu.memory_space<vmem>> -> memref<128xi32, #tpu.memory_space<vmem>>
      %dma_wait3A_158 = arith.constant 0 : i32
      %dma_wait3A_159 = arith.constant 0 : i32
      %dma_wait3A_160 = tpu.memref_slice %arg2[%dma_wait3A_158, %dma_wait3A_159] : memref<10000x128xf32, #tpu.memory_space<hbm>> -> memref<10000x128xf32, #tpu.memory_space<hbm>>
      tpu.wait_indirect_dma semaphore(%arg15 : memref<!tpu.dma_semaphore, #tpu.memory_space<semaphore_mem>>) src(%dma_wait3A_160 : memref<10000x128xf32, #tpu.memory_space<hbm>>) dst(%arg12 : memref<128x128xf32, #tpu.memory_space<vmem>>)
      %run_scoped3A = arith.constant 1 : i32
      "tpu.region"() ({
        %run_scoped3A_260 = tpu.sem_alloc : memref<!tpu.dma_semaphore, #tpu.memory_space<semaphore_mem>>
        %dma_start3A_261 = arith.constant 0 : i32
        %dma_start3A_262 = tpu.memref_slice %arg8[%run_scoped3A, %dma_start3A_261] : memref<2x128xi32, #tpu.memory_space<vmem>> -> memref<1x128xi32, #tpu.memory_space<vmem>>
        %dma_start3A_263 = tpu.memref_squeeze %dma_start3A_262 : memref<1x128xi32, #tpu.memory_space<vmem>> -> memref<128xi32, #tpu.memory_space<vmem>>
        %dma_start3A_264 = arith.constant 0 : i32
        %dma_start3A_265 = arith.constant 0 : i32
        %dma_start3A_266 = tpu.memref_slice %arg14[%dma_start3A_264, %dma_start3A_265] : memref<10000x128xf32, #tpu.memory_space<vmem_shared>> -> memref<10000x128xf32, #tpu.memory_space<vmem_shared>>
        tpu.enqueue_indirect_dma source(%arg12 : memref<128x128xf32, #tpu.memory_space<vmem>>) target(%dma_start3A_266 : memref<10000x128xf32, #tpu.memory_space<vmem_shared>>) offsets(%dma_start3A_263 : memref<128xi32, #tpu.memory_space<vmem>>) semaphore(%run_scoped3A_260 : memref<!tpu.dma_semaphore, #tpu.memory_space<semaphore_mem>>) {add = true}
        %dma_wait3A_267 = arith.constant 0 : i32
        %dma_wait3A_268 = tpu.memref_slice %arg8[%run_scoped3A, %dma_wait3A_267] : memref<2x128xi32, #tpu.memory_space<vmem>> -> memref<1x128xi32, #tpu.memory_space<vmem>>
        %dma_wait3A_269 = tpu.memref_squeeze %dma_wait3A_268 : memref<1x128xi32, #tpu.memory_space<vmem>> -> memref<128xi32, #tpu.memory_space<vmem>>
        %dma_wait3A_270 = arith.constant 0 : i32
        %dma_wait3A_271 = arith.constant 0 : i32
        %dma_wait3A_272 = tpu.memref_slice %arg14[%dma_wait3A_270, %dma_wait3A_271] : memref<10000x128xf32, #tpu.memory_space<vmem_shared>> -> memref<10000x128xf32, #tpu.memory_space<vmem_shared>>
        tpu.wait_indirect_dma semaphore(%run_scoped3A_260 : memref<!tpu.dma_semaphore, #tpu.memory_space<semaphore_mem>>) src(%arg12 : memref<128x128xf32, #tpu.memory_space<vmem>>) dst(%dma_wait3A_272 : memref<10000x128xf32, #tpu.memory_space<vmem_shared>>)
        tpu.yield
      }) : () -> ()
      %add3A_161 = arith.constant 2 : i32
      %add3A_162 = arith.addi %sub3A_153, %add3A_161 : i32
      %add3A_163 = arith.constant 0 : i32
      %add3A_164 = arith.addi %add3A_162, %add3A_163 : i32
      %mul3A_165 = arith.constant 16 : i32
      %mul3A_166 = arith.muli %mul3A_165, %add3A_164 : i32
      %add3A_167 = arith.addi %arg1, %mul3A_166 : i32
      %mul3A_168 = arith.constant 128 : i32
      %mul3A_169 = arith.muli %add3A_167, %mul3A_168 : i32
      %dma_wait3A_170 = arith.constant 0 : i32
      %dma_wait3A_171 = tpu.memref_slice %arg4[%dma_wait3A_170, %mul3A_169] : memref<2x320000xi32, #tpu.memory_space<hbm>> -> memref<2x128xi32, #tpu.memory_space<hbm>>
      %dma_wait3A_172 = arith.constant 0 : i32
      %dma_wait3A_173 = tpu.memref_slice %arg4[%dma_wait3A_172, %mul3A_169] : memref<2x320000xi32, #tpu.memory_space<hbm>> -> memref<2x128xi32, #tpu.memory_space<hbm>>
      tpu.wait_dma2 semaphore(%arg19 : memref<!tpu.dma_semaphore, #tpu.memory_space<semaphore_mem>>) src(%dma_wait3A_173 : memref<2x128xi32, #tpu.memory_space<hbm>>) dst(%arg10 : memref<2x128xi32, #tpu.memory_space<vmem>>)
      %dma_start3A_174 = arith.constant 0 : i32
      %dma_start3A_175 = arith.constant 0 : i32
      %dma_start3A_176 = tpu.memref_slice %arg10[%dma_start3A_174, %dma_start3A_175] : memref<2x128xi32, #tpu.memory_space<vmem>> -> memref<1x128xi32, #tpu.memory_space<vmem>>
      %dma_start3A_177 = tpu.memref_squeeze %dma_start3A_176 : memref<1x128xi32, #tpu.memory_space<vmem>> -> memref<128xi32, #tpu.memory_space<vmem>>
      %dma_start3A_178 = arith.constant 0 : i32
      %dma_start3A_179 = arith.constant 0 : i32
      %dma_start3A_180 = tpu.memref_slice %arg2[%dma_start3A_178, %dma_start3A_179] : memref<10000x128xf32, #tpu.memory_space<hbm>> -> memref<10000x128xf32, #tpu.memory_space<hbm>>
      tpu.enqueue_indirect_dma source(%dma_start3A_180 : memref<10000x128xf32, #tpu.memory_space<hbm>>) target(%arg12 : memref<128x128xf32, #tpu.memory_space<vmem>>) offsets(%dma_start3A_177 : memref<128xi32, #tpu.memory_space<vmem>>) semaphore(%arg15 : memref<!tpu.dma_semaphore, #tpu.memory_space<semaphore_mem>>)
      %dma_wait3A_181 = arith.constant 0 : i32
      %dma_wait3A_182 = arith.constant 0 : i32
      %dma_wait3A_183 = tpu.memref_slice %arg9[%dma_wait3A_181, %dma_wait3A_182] : memref<2x128xi32, #tpu.memory_space<vmem>> -> memref<1x128xi32, #tpu.memory_space<vmem>>
      %dma_wait3A_184 = tpu.memref_squeeze %dma_wait3A_183 : memref<1x128xi32, #tpu.memory_space<vmem>> -> memref<128xi32, #tpu.memory_space<vmem>>
      %dma_wait3A_185 = arith.constant 0 : i32
      %dma_wait3A_186 = arith.constant 0 : i32
      %dma_wait3A_187 = tpu.memref_slice %arg2[%dma_wait3A_185, %dma_wait3A_186] : memref<10000x128xf32, #tpu.memory_space<hbm>> -> memref<10000x128xf32, #tpu.memory_space<hbm>>
      tpu.wait_indirect_dma semaphore(%arg16 : memref<!tpu.dma_semaphore, #tpu.memory_space<semaphore_mem>>) src(%dma_wait3A_187 : memref<10000x128xf32, #tpu.memory_space<hbm>>) dst(%arg13 : memref<128x128xf32, #tpu.memory_space<vmem>>)
      %run_scoped3A_188 = arith.constant 1 : i32
      "tpu.region"() ({
        %run_scoped3A_260 = tpu.sem_alloc : memref<!tpu.dma_semaphore, #tpu.memory_space<semaphore_mem>>
        %dma_start3A_261 = arith.constant 0 : i32
        %dma_start3A_262 = tpu.memref_slice %arg9[%run_scoped3A_188, %dma_start3A_261] : memref<2x128xi32, #tpu.memory_space<vmem>> -> memref<1x128xi32, #tpu.memory_space<vmem>>
        %dma_start3A_263 = tpu.memref_squeeze %dma_start3A_262 : memref<1x128xi32, #tpu.memory_space<vmem>> -> memref<128xi32, #tpu.memory_space<vmem>>
        %dma_start3A_264 = arith.constant 0 : i32
        %dma_start3A_265 = arith.constant 0 : i32
        %dma_start3A_266 = tpu.memref_slice %arg14[%dma_start3A_264, %dma_start3A_265] : memref<10000x128xf32, #tpu.memory_space<vmem_shared>> -> memref<10000x128xf32, #tpu.memory_space<vmem_shared>>
        tpu.enqueue_indirect_dma source(%arg13 : memref<128x128xf32, #tpu.memory_space<vmem>>) target(%dma_start3A_266 : memref<10000x128xf32, #tpu.memory_space<vmem_shared>>) offsets(%dma_start3A_263 : memref<128xi32, #tpu.memory_space<vmem>>) semaphore(%run_scoped3A_260 : memref<!tpu.dma_semaphore, #tpu.memory_space<semaphore_mem>>) {add = true}
        %dma_wait3A_267 = arith.constant 0 : i32
        %dma_wait3A_268 = tpu.memref_slice %arg9[%run_scoped3A_188, %dma_wait3A_267] : memref<2x128xi32, #tpu.memory_space<vmem>> -> memref<1x128xi32, #tpu.memory_space<vmem>>
        %dma_wait3A_269 = tpu.memref_squeeze %dma_wait3A_268 : memref<1x128xi32, #tpu.memory_space<vmem>> -> memref<128xi32, #tpu.memory_space<vmem>>
        %dma_wait3A_270 = arith.constant 0 : i32
        %dma_wait3A_271 = arith.constant 0 : i32
        %dma_wait3A_272 = tpu.memref_slice %arg14[%dma_wait3A_270, %dma_wait3A_271] : memref<10000x128xf32, #tpu.memory_space<vmem_shared>> -> memref<10000x128xf32, #tpu.memory_space<vmem_shared>>
        tpu.wait_indirect_dma semaphore(%run_scoped3A_260 : memref<!tpu.dma_semaphore, #tpu.memory_space<semaphore_mem>>) src(%arg13 : memref<128x128xf32, #tpu.memory_space<vmem>>) dst(%dma_wait3A_272 : memref<10000x128xf32, #tpu.memory_space<vmem_shared>>)
        tpu.yield
      }) : () -> ()
      %add3A_189 = arith.constant 2 : i32
      %add3A_190 = arith.addi %sub3A_153, %add3A_189 : i32
      %add3A_191 = arith.constant 1 : i32
      %add3A_192 = arith.addi %add3A_190, %add3A_191 : i32
      %mul3A_193 = arith.constant 16 : i32
      %mul3A_194 = arith.muli %mul3A_193, %add3A_192 : i32
      %add3A_195 = arith.addi %arg1, %mul3A_194 : i32
      %mul3A_196 = arith.constant 128 : i32
      %mul3A_197 = arith.muli %add3A_195, %mul3A_196 : i32
      %dma_wait3A_198 = arith.constant 0 : i32
      %dma_wait3A_199 = tpu.memref_slice %arg4[%dma_wait3A_198, %mul3A_197] : memref<2x320000xi32, #tpu.memory_space<hbm>> -> memref<2x128xi32, #tpu.memory_space<hbm>>
      %dma_wait3A_200 = arith.constant 0 : i32
      %dma_wait3A_201 = tpu.memref_slice %arg4[%dma_wait3A_200, %mul3A_197] : memref<2x320000xi32, #tpu.memory_space<hbm>> -> memref<2x128xi32, #tpu.memory_space<hbm>>
      tpu.wait_dma2 semaphore(%arg20 : memref<!tpu.dma_semaphore, #tpu.memory_space<semaphore_mem>>) src(%dma_wait3A_201 : memref<2x128xi32, #tpu.memory_space<hbm>>) dst(%arg11 : memref<2x128xi32, #tpu.memory_space<vmem>>)
      %dma_start3A_202 = arith.constant 0 : i32
      %dma_start3A_203 = arith.constant 0 : i32
      %dma_start3A_204 = tpu.memref_slice %arg11[%dma_start3A_202, %dma_start3A_203] : memref<2x128xi32, #tpu.memory_space<vmem>> -> memref<1x128xi32, #tpu.memory_space<vmem>>
      %dma_start3A_205 = tpu.memref_squeeze %dma_start3A_204 : memref<1x128xi32, #tpu.memory_space<vmem>> -> memref<128xi32, #tpu.memory_space<vmem>>
      %dma_start3A_206 = arith.constant 0 : i32
      %dma_start3A_207 = arith.constant 0 : i32
      %dma_start3A_208 = tpu.memref_slice %arg2[%dma_start3A_206, %dma_start3A_207] : memref<10000x128xf32, #tpu.memory_space<hbm>> -> memref<10000x128xf32, #tpu.memory_space<hbm>>
      tpu.enqueue_indirect_dma source(%dma_start3A_208 : memref<10000x128xf32, #tpu.memory_space<hbm>>) target(%arg13 : memref<128x128xf32, #tpu.memory_space<vmem>>) offsets(%dma_start3A_205 : memref<128xi32, #tpu.memory_space<vmem>>) semaphore(%arg16 : memref<!tpu.dma_semaphore, #tpu.memory_space<semaphore_mem>>)
      %dma_wait3A_209 = arith.constant 0 : i32
      %dma_wait3A_210 = arith.constant 0 : i32
      %dma_wait3A_211 = tpu.memref_slice %arg10[%dma_wait3A_209, %dma_wait3A_210] : memref<2x128xi32, #tpu.memory_space<vmem>> -> memref<1x128xi32, #tpu.memory_space<vmem>>
      %dma_wait3A_212 = tpu.memref_squeeze %dma_wait3A_211 : memref<1x128xi32, #tpu.memory_space<vmem>> -> memref<128xi32, #tpu.memory_space<vmem>>
      %dma_wait3A_213 = arith.constant 0 : i32
      %dma_wait3A_214 = arith.constant 0 : i32
      %dma_wait3A_215 = tpu.memref_slice %arg2[%dma_wait3A_213, %dma_wait3A_214] : memref<10000x128xf32, #tpu.memory_space<hbm>> -> memref<10000x128xf32, #tpu.memory_space<hbm>>
      tpu.wait_indirect_dma semaphore(%arg15 : memref<!tpu.dma_semaphore, #tpu.memory_space<semaphore_mem>>) src(%dma_wait3A_215 : memref<10000x128xf32, #tpu.memory_space<hbm>>) dst(%arg12 : memref<128x128xf32, #tpu.memory_space<vmem>>)
      %run_scoped3A_216 = arith.constant 1 : i32
      "tpu.region"() ({
        %run_scoped3A_260 = tpu.sem_alloc : memref<!tpu.dma_semaphore, #tpu.memory_space<semaphore_mem>>
        %dma_start3A_261 = arith.constant 0 : i32
        %dma_start3A_262 = tpu.memref_slice %arg10[%run_scoped3A_216, %dma_start3A_261] : memref<2x128xi32, #tpu.memory_space<vmem>> -> memref<1x128xi32, #tpu.memory_space<vmem>>
        %dma_start3A_263 = tpu.memref_squeeze %dma_start3A_262 : memref<1x128xi32, #tpu.memory_space<vmem>> -> memref<128xi32, #tpu.memory_space<vmem>>
        %dma_start3A_264 = arith.constant 0 : i32
        %dma_start3A_265 = arith.constant 0 : i32
        %dma_start3A_266 = tpu.memref_slice %arg14[%dma_start3A_264, %dma_start3A_265] : memref<10000x128xf32, #tpu.memory_space<vmem_shared>> -> memref<10000x128xf32, #tpu.memory_space<vmem_shared>>
        tpu.enqueue_indirect_dma source(%arg12 : memref<128x128xf32, #tpu.memory_space<vmem>>) target(%dma_start3A_266 : memref<10000x128xf32, #tpu.memory_space<vmem_shared>>) offsets(%dma_start3A_263 : memref<128xi32, #tpu.memory_space<vmem>>) semaphore(%run_scoped3A_260 : memref<!tpu.dma_semaphore, #tpu.memory_space<semaphore_mem>>) {add = true}
        %dma_wait3A_267 = arith.constant 0 : i32
        %dma_wait3A_268 = tpu.memref_slice %arg10[%run_scoped3A_216, %dma_wait3A_267] : memref<2x128xi32, #tpu.memory_space<vmem>> -> memref<1x128xi32, #tpu.memory_space<vmem>>
        %dma_wait3A_269 = tpu.memref_squeeze %dma_wait3A_268 : memref<1x128xi32, #tpu.memory_space<vmem>> -> memref<128xi32, #tpu.memory_space<vmem>>
        %dma_wait3A_270 = arith.constant 0 : i32
        %dma_wait3A_271 = arith.constant 0 : i32
        %dma_wait3A_272 = tpu.memref_slice %arg14[%dma_wait3A_270, %dma_wait3A_271] : memref<10000x128xf32, #tpu.memory_space<vmem_shared>> -> memref<10000x128xf32, #tpu.memory_space<vmem_shared>>
        tpu.wait_indirect_dma semaphore(%run_scoped3A_260 : memref<!tpu.dma_semaphore, #tpu.memory_space<semaphore_mem>>) src(%arg12 : memref<128x128xf32, #tpu.memory_space<vmem>>) dst(%dma_wait3A_272 : memref<10000x128xf32, #tpu.memory_space<vmem_shared>>)
        tpu.yield
      }) : () -> ()
      %dma_wait3A_217 = arith.constant 0 : i32
      %dma_wait3A_218 = arith.constant 0 : i32
      %dma_wait3A_219 = tpu.memref_slice %arg11[%dma_wait3A_217, %dma_wait3A_218] : memref<2x128xi32, #tpu.memory_space<vmem>> -> memref<1x128xi32, #tpu.memory_space<vmem>>
      %dma_wait3A_220 = tpu.memref_squeeze %dma_wait3A_219 : memref<1x128xi32, #tpu.memory_space<vmem>> -> memref<128xi32, #tpu.memory_space<vmem>>
      %dma_wait3A_221 = arith.constant 0 : i32
      %dma_wait3A_222 = arith.constant 0 : i32
      %dma_wait3A_223 = tpu.memref_slice %arg2[%dma_wait3A_221, %dma_wait3A_222] : memref<10000x128xf32, #tpu.memory_space<hbm>> -> memref<10000x128xf32, #tpu.memory_space<hbm>>
      tpu.wait_indirect_dma semaphore(%arg16 : memref<!tpu.dma_semaphore, #tpu.memory_space<semaphore_mem>>) src(%dma_wait3A_223 : memref<10000x128xf32, #tpu.memory_space<hbm>>) dst(%arg13 : memref<128x128xf32, #tpu.memory_space<vmem>>)
      %run_scoped3A_224 = arith.constant 1 : i32
      "tpu.region"() ({
        %run_scoped3A_260 = tpu.sem_alloc : memref<!tpu.dma_semaphore, #tpu.memory_space<semaphore_mem>>
        %dma_start3A_261 = arith.constant 0 : i32
        %dma_start3A_262 = tpu.memref_slice %arg11[%run_scoped3A_224, %dma_start3A_261] : memref<2x128xi32, #tpu.memory_space<vmem>> -> memref<1x128xi32, #tpu.memory_space<vmem>>
        %dma_start3A_263 = tpu.memref_squeeze %dma_start3A_262 : memref<1x128xi32, #tpu.memory_space<vmem>> -> memref<128xi32, #tpu.memory_space<vmem>>
        %dma_start3A_264 = arith.constant 0 : i32
        %dma_start3A_265 = arith.constant 0 : i32
        %dma_start3A_266 = tpu.memref_slice %arg14[%dma_start3A_264, %dma_start3A_265] : memref<10000x128xf32, #tpu.memory_space<vmem_shared>> -> memref<10000x128xf32, #tpu.memory_space<vmem_shared>>
        tpu.enqueue_indirect_dma source(%arg13 : memref<128x128xf32, #tpu.memory_space<vmem>>) target(%dma_start3A_266 : memref<10000x128xf32, #tpu.memory_space<vmem_shared>>) offsets(%dma_start3A_263 : memref<128xi32, #tpu.memory_space<vmem>>) semaphore(%run_scoped3A_260 : memref<!tpu.dma_semaphore, #tpu.memory_space<semaphore_mem>>) {add = true}
        %dma_wait3A_267 = arith.constant 0 : i32
        %dma_wait3A_268 = tpu.memref_slice %arg11[%run_scoped3A_224, %dma_wait3A_267] : memref<2x128xi32, #tpu.memory_space<vmem>> -> memref<1x128xi32, #tpu.memory_space<vmem>>
        %dma_wait3A_269 = tpu.memref_squeeze %dma_wait3A_268 : memref<1x128xi32, #tpu.memory_space<vmem>> -> memref<128xi32, #tpu.memory_space<vmem>>
        %dma_wait3A_270 = arith.constant 0 : i32
        %dma_wait3A_271 = arith.constant 0 : i32
        %dma_wait3A_272 = tpu.memref_slice %arg14[%dma_wait3A_270, %dma_wait3A_271] : memref<10000x128xf32, #tpu.memory_space<vmem_shared>> -> memref<10000x128xf32, #tpu.memory_space<vmem_shared>>
        tpu.wait_indirect_dma semaphore(%run_scoped3A_260 : memref<!tpu.dma_semaphore, #tpu.memory_space<semaphore_mem>>) src(%arg13 : memref<128x128xf32, #tpu.memory_space<vmem>>) dst(%dma_wait3A_272 : memref<10000x128xf32, #tpu.memory_space<vmem_shared>>)
        tpu.yield
      }) : () -> ()
      %jit3A_225 = arith.constant 4 : i32
      %div3A_226 = arith.divsi %select_n3A, %jit3A_225 : i32
      %sign3A_227 = arith.constant 0 : i32
      %sign3A_228 = arith.cmpi sgt, %select_n3A, %sign3A_227 : i32
      %sign3A_229 = arith.extui %sign3A_228 : i1 to i32
      %sign3A_230 = arith.constant 0 : i32
      %sign3A_231 = arith.cmpi slt, %select_n3A, %sign3A_230 : i32
      %sign3A_232 = arith.extui %sign3A_231 : i1 to i32
      %sign3A_233 = arith.subi %sign3A_229, %sign3A_232 : i32
      %sign3A_234 = arith.constant 0 : i32
      %sign3A_235 = arith.cmpi sgt, %jit3A_225, %sign3A_234 : i32
      %sign3A_236 = arith.extui %sign3A_235 : i1 to i32
      %sign3A_237 = arith.constant 0 : i32
      %sign3A_238 = arith.cmpi slt, %jit3A_225, %sign3A_237 : i32
      %sign3A_239 = arith.extui %sign3A_238 : i1 to i32
      %sign3A_240 = arith.subi %sign3A_236, %sign3A_239 : i32
      %ne3A_241 = arith.cmpi ne, %sign3A_233, %sign3A_240 : i32
      %rem3A_242 = arith.remsi %select_n3A, %jit3A_225 : i32
      %ne3A_243 = arith.constant 0 : i32
      %ne3A_244 = arith.cmpi ne, %rem3A_242, %ne3A_243 : i32
      %and3A_245 = arith.andi %ne3A_241, %ne3A_244 : i1
      %sub3A_246 = arith.constant 1 : i32
      %sub3A_247 = arith.subi %div3A_226, %sub3A_246 : i32
      %select_n3A_248 = arith.select %and3A_245, %sub3A_247, %div3A_226 : i32
      %mul3A_249 = arith.constant 4 : i32
      %mul3A_250 = arith.muli %mul3A_249, %select_n3A_248 : i32
      %while3A_251 = arith.constant 0 : i32
      %while3A_252 = arith.subi %select_n3A, %mul3A_250 : i32
      %while3A_253 = arith.addi %mul3A_250, %while3A_252 : i32
      %while3A_254 = arith.constant 1 : i32
      %while3A_255 = arith.divsi %while3A_252, %while3A_254 : i32
      %while3A_256 = arith.muli %while3A_255, %while3A_254 : i32
      %while3A_257 = arith.addi %mul3A_250, %while3A_256 : i32
      %while3A_258 = arith.constant 1 : i32
      scf.for %while3A_260 = %mul3A_250 to %while3A_257 step %while3A_258  : i32 {
        %mul3A_261 = arith.constant 16 : i32
        %mul3A_262 = arith.muli %mul3A_261, %while3A_260 : i32
        %add3A_263 = arith.addi %arg1, %mul3A_262 : i32
        %mul3A_264 = arith.constant 128 : i32
        %mul3A_265 = arith.muli %add3A_263, %mul3A_264 : i32
        %dma_start3A_266 = arith.constant 0 : i32
        %dma_start3A_267 = tpu.memref_slice %arg4[%dma_start3A_266, %mul3A_265] : memref<2x320000xi32, #tpu.memory_space<hbm>> -> memref<2x128xi32, #tpu.memory_space<hbm>>
        %dma_start3A_268 = arith.constant 0 : i32
        %dma_start3A_269 = tpu.memref_slice %arg4[%dma_start3A_268, %mul3A_265] : memref<2x320000xi32, #tpu.memory_space<hbm>> -> memref<2x128xi32, #tpu.memory_space<hbm>>
        tpu.enqueue_dma source(%dma_start3A_269 : memref<2x128xi32, #tpu.memory_space<hbm>>) target(%arg8 : memref<2x128xi32, #tpu.memory_space<vmem>>) target_semaphore(%arg17 : memref<!tpu.dma_semaphore, #tpu.memory_space<semaphore_mem>>)
        %mul3A_270 = arith.constant 16 : i32
        %mul3A_271 = arith.muli %mul3A_270, %while3A_260 : i32
        %add3A_272 = arith.addi %arg1, %mul3A_271 : i32
        %mul3A_273 = arith.constant 128 : i32
        %mul3A_274 = arith.muli %add3A_272, %mul3A_273 : i32
        %dma_wait3A_275 = arith.constant 0 : i32
        %dma_wait3A_276 = tpu.memref_slice %arg4[%dma_wait3A_275, %mul3A_274] : memref<2x320000xi32, #tpu.memory_space<hbm>> -> memref<2x128xi32, #tpu.memory_space<hbm>>
        %dma_wait3A_277 = arith.constant 0 : i32
        %dma_wait3A_278 = tpu.memref_slice %arg4[%dma_wait3A_277, %mul3A_274] : memref<2x320000xi32, #tpu.memory_space<hbm>> -> memref<2x128xi32, #tpu.memory_space<hbm>>
        tpu.wait_dma2 semaphore(%arg17 : memref<!tpu.dma_semaphore, #tpu.memory_space<semaphore_mem>>) src(%dma_wait3A_278 : memref<2x128xi32, #tpu.memory_space<hbm>>) dst(%arg8 : memref<2x128xi32, #tpu.memory_space<vmem>>)
        %dma_start3A_279 = arith.constant 0 : i32
        %dma_start3A_280 = arith.constant 0 : i32
        %dma_start3A_281 = tpu.memref_slice %arg8[%dma_start3A_279, %dma_start3A_280] : memref<2x128xi32, #tpu.memory_space<vmem>> -> memref<1x128xi32, #tpu.memory_space<vmem>>
        %dma_start3A_282 = tpu.memref_squeeze %dma_start3A_281 : memref<1x128xi32, #tpu.memory_space<vmem>> -> memref<128xi32, #tpu.memory_space<vmem>>
        %dma_start3A_283 = arith.constant 0 : i32
        %dma_start3A_284 = arith.constant 0 : i32
        %dma_start3A_285 = tpu.memref_slice %arg2[%dma_start3A_283, %dma_start3A_284] : memref<10000x128xf32, #tpu.memory_space<hbm>> -> memref<10000x128xf32, #tpu.memory_space<hbm>>
        tpu.enqueue_indirect_dma source(%dma_start3A_285 : memref<10000x128xf32, #tpu.memory_space<hbm>>) target(%arg12 : memref<128x128xf32, #tpu.memory_space<vmem>>) offsets(%dma_start3A_282 : memref<128xi32, #tpu.memory_space<vmem>>) semaphore(%arg15 : memref<!tpu.dma_semaphore, #tpu.memory_space<semaphore_mem>>)
        %dma_wait3A_286 = arith.constant 0 : i32
        %dma_wait3A_287 = arith.constant 0 : i32
        %dma_wait3A_288 = tpu.memref_slice %arg8[%dma_wait3A_286, %dma_wait3A_287] : memref<2x128xi32, #tpu.memory_space<vmem>> -> memref<1x128xi32, #tpu.memory_space<vmem>>
        %dma_wait3A_289 = tpu.memref_squeeze %dma_wait3A_288 : memref<1x128xi32, #tpu.memory_space<vmem>> -> memref<128xi32, #tpu.memory_space<vmem>>
        %dma_wait3A_290 = arith.constant 0 : i32
        %dma_wait3A_291 = arith.constant 0 : i32
        %dma_wait3A_292 = tpu.memref_slice %arg2[%dma_wait3A_290, %dma_wait3A_291] : memref<10000x128xf32, #tpu.memory_space<hbm>> -> memref<10000x128xf32, #tpu.memory_space<hbm>>
        tpu.wait_indirect_dma semaphore(%arg15 : memref<!tpu.dma_semaphore, #tpu.memory_space<semaphore_mem>>) src(%dma_wait3A_292 : memref<10000x128xf32, #tpu.memory_space<hbm>>) dst(%arg12 : memref<128x128xf32, #tpu.memory_space<vmem>>)
        %run_scoped3A_293 = arith.constant 1 : i32
        "tpu.region"() ({
          %run_scoped3A_294 = tpu.sem_alloc : memref<!tpu.dma_semaphore, #tpu.memory_space<semaphore_mem>>
          %dma_start3A_295 = arith.constant 0 : i32
          %dma_start3A_296 = tpu.memref_slice %arg8[%run_scoped3A_293, %dma_start3A_295] : memref<2x128xi32, #tpu.memory_space<vmem>> -> memref<1x128xi32, #tpu.memory_space<vmem>>
          %dma_start3A_297 = tpu.memref_squeeze %dma_start3A_296 : memref<1x128xi32, #tpu.memory_space<vmem>> -> memref<128xi32, #tpu.memory_space<vmem>>
          %dma_start3A_298 = arith.constant 0 : i32
          %dma_start3A_299 = arith.constant 0 : i32
          %dma_start3A_300 = tpu.memref_slice %arg14[%dma_start3A_298, %dma_start3A_299] : memref<10000x128xf32, #tpu.memory_space<vmem_shared>> -> memref<10000x128xf32, #tpu.memory_space<vmem_shared>>
          tpu.enqueue_indirect_dma source(%arg12 : memref<128x128xf32, #tpu.memory_space<vmem>>) target(%dma_start3A_300 : memref<10000x128xf32, #tpu.memory_space<vmem_shared>>) offsets(%dma_start3A_297 : memref<128xi32, #tpu.memory_space<vmem>>) semaphore(%run_scoped3A_294 : memref<!tpu.dma_semaphore, #tpu.memory_space<semaphore_mem>>) {add = true}
          %dma_wait3A_301 = arith.constant 0 : i32
          %dma_wait3A_302 = tpu.memref_slice %arg8[%run_scoped3A_293, %dma_wait3A_301] : memref<2x128xi32, #tpu.memory_space<vmem>> -> memref<1x128xi32, #tpu.memory_space<vmem>>
          %dma_wait3A_303 = tpu.memref_squeeze %dma_wait3A_302 : memref<1x128xi32, #tpu.memory_space<vmem>> -> memref<128xi32, #tpu.memory_space<vmem>>
          %dma_wait3A_304 = arith.constant 0 : i32
          %dma_wait3A_305 = arith.constant 0 : i32
          %dma_wait3A_306 = tpu.memref_slice %arg14[%dma_wait3A_304, %dma_wait3A_305] : memref<10000x128xf32, #tpu.memory_space<vmem_shared>> -> memref<10000x128xf32, #tpu.memory_space<vmem_shared>>
          tpu.wait_indirect_dma semaphore(%run_scoped3A_294 : memref<!tpu.dma_semaphore, #tpu.memory_space<semaphore_mem>>) src(%arg12 : memref<128x128xf32, #tpu.memory_space<vmem>>) dst(%dma_wait3A_306 : memref<10000x128xf32, #tpu.memory_space<vmem_shared>>)
          tpu.yield
        }) : () -> ()
      }
      %while3A_259 = arith.constant 1 : i32
      scf.for %while3A_260 = %while3A_257 to %while3A_253 step %while3A_259  : i32 {
        %mul3A_261 = arith.constant 16 : i32
        %mul3A_262 = arith.muli %mul3A_261, %while3A_260 : i32
        %add3A_263 = arith.addi %arg1, %mul3A_262 : i32
        %mul3A_264 = arith.constant 128 : i32
        %mul3A_265 = arith.muli %add3A_263, %mul3A_264 : i32
        %dma_start3A_266 = arith.constant 0 : i32
        %dma_start3A_267 = tpu.memref_slice %arg4[%dma_start3A_266, %mul3A_265] : memref<2x320000xi32, #tpu.memory_space<hbm>> -> memref<2x128xi32, #tpu.memory_space<hbm>>
        %dma_start3A_268 = arith.constant 0 : i32
        %dma_start3A_269 = tpu.memref_slice %arg4[%dma_start3A_268, %mul3A_265] : memref<2x320000xi32, #tpu.memory_space<hbm>> -> memref<2x128xi32, #tpu.memory_space<hbm>>
        tpu.enqueue_dma source(%dma_start3A_269 : memref<2x128xi32, #tpu.memory_space<hbm>>) target(%arg8 : memref<2x128xi32, #tpu.memory_space<vmem>>) target_semaphore(%arg17 : memref<!tpu.dma_semaphore, #tpu.memory_space<semaphore_mem>>)
        %mul3A_270 = arith.constant 16 : i32
        %mul3A_271 = arith.muli %mul3A_270, %while3A_260 : i32
        %add3A_272 = arith.addi %arg1, %mul3A_271 : i32
        %mul3A_273 = arith.constant 128 : i32
        %mul3A_274 = arith.muli %add3A_272, %mul3A_273 : i32
        %dma_wait3A_275 = arith.constant 0 : i32
        %dma_wait3A_276 = tpu.memref_slice %arg4[%dma_wait3A_275, %mul3A_274] : memref<2x320000xi32, #tpu.memory_space<hbm>> -> memref<2x128xi32, #tpu.memory_space<hbm>>
        %dma_wait3A_277 = arith.constant 0 : i32
        %dma_wait3A_278 = tpu.memref_slice %arg4[%dma_wait3A_277, %mul3A_274] : memref<2x320000xi32, #tpu.memory_space<hbm>> -> memref<2x128xi32, #tpu.memory_space<hbm>>
        tpu.wait_dma2 semaphore(%arg17 : memref<!tpu.dma_semaphore, #tpu.memory_space<semaphore_mem>>) src(%dma_wait3A_278 : memref<2x128xi32, #tpu.memory_space<hbm>>) dst(%arg8 : memref<2x128xi32, #tpu.memory_space<vmem>>)
        %dma_start3A_279 = arith.constant 0 : i32
        %dma_start3A_280 = arith.constant 0 : i32
        %dma_start3A_281 = tpu.memref_slice %arg8[%dma_start3A_279, %dma_start3A_280] : memref<2x128xi32, #tpu.memory_space<vmem>> -> memref<1x128xi32, #tpu.memory_space<vmem>>
        %dma_start3A_282 = tpu.memref_squeeze %dma_start3A_281 : memref<1x128xi32, #tpu.memory_space<vmem>> -> memref<128xi32, #tpu.memory_space<vmem>>
        %dma_start3A_283 = arith.constant 0 : i32
        %dma_start3A_284 = arith.constant 0 : i32
        %dma_start3A_285 = tpu.memref_slice %arg2[%dma_start3A_283, %dma_start3A_284] : memref<10000x128xf32, #tpu.memory_space<hbm>> -> memref<10000x128xf32, #tpu.memory_space<hbm>>
        tpu.enqueue_indirect_dma source(%dma_start3A_285 : memref<10000x128xf32, #tpu.memory_space<hbm>>) target(%arg12 : memref<128x128xf32, #tpu.memory_space<vmem>>) offsets(%dma_start3A_282 : memref<128xi32, #tpu.memory_space<vmem>>) semaphore(%arg15 : memref<!tpu.dma_semaphore, #tpu.memory_space<semaphore_mem>>)
        %dma_wait3A_286 = arith.constant 0 : i32
        %dma_wait3A_287 = arith.constant 0 : i32
        %dma_wait3A_288 = tpu.memref_slice %arg8[%dma_wait3A_286, %dma_wait3A_287] : memref<2x128xi32, #tpu.memory_space<vmem>> -> memref<1x128xi32, #tpu.memory_space<vmem>>
        %dma_wait3A_289 = tpu.memref_squeeze %dma_wait3A_288 : memref<1x128xi32, #tpu.memory_space<vmem>> -> memref<128xi32, #tpu.memory_space<vmem>>
        %dma_wait3A_290 = arith.constant 0 : i32
        %dma_wait3A_291 = arith.constant 0 : i32
        %dma_wait3A_292 = tpu.memref_slice %arg2[%dma_wait3A_290, %dma_wait3A_291] : memref<10000x128xf32, #tpu.memory_space<hbm>> -> memref<10000x128xf32, #tpu.memory_space<hbm>>
        tpu.wait_indirect_dma semaphore(%arg15 : memref<!tpu.dma_semaphore, #tpu.memory_space<semaphore_mem>>) src(%dma_wait3A_292 : memref<10000x128xf32, #tpu.memory_space<hbm>>) dst(%arg12 : memref<128x128xf32, #tpu.memory_space<vmem>>)
        %run_scoped3A_293 = arith.constant 1 : i32
        "tpu.region"() ({
          %run_scoped3A_294 = tpu.sem_alloc : memref<!tpu.dma_semaphore, #tpu.memory_space<semaphore_mem>>
          %dma_start3A_295 = arith.constant 0 : i32
          %dma_start3A_296 = tpu.memref_slice %arg8[%run_scoped3A_293, %dma_start3A_295] : memref<2x128xi32, #tpu.memory_space<vmem>> -> memref<1x128xi32, #tpu.memory_space<vmem>>
          %dma_start3A_297 = tpu.memref_squeeze %dma_start3A_296 : memref<1x128xi32, #tpu.memory_space<vmem>> -> memref<128xi32, #tpu.memory_space<vmem>>
          %dma_start3A_298 = arith.constant 0 : i32
          %dma_start3A_299 = arith.constant 0 : i32
          %dma_start3A_300 = tpu.memref_slice %arg14[%dma_start3A_298, %dma_start3A_299] : memref<10000x128xf32, #tpu.memory_space<vmem_shared>> -> memref<10000x128xf32, #tpu.memory_space<vmem_shared>>
          tpu.enqueue_indirect_dma source(%arg12 : memref<128x128xf32, #tpu.memory_space<vmem>>) target(%dma_start3A_300 : memref<10000x128xf32, #tpu.memory_space<vmem_shared>>) offsets(%dma_start3A_297 : memref<128xi32, #tpu.memory_space<vmem>>) semaphore(%run_scoped3A_294 : memref<!tpu.dma_semaphore, #tpu.memory_space<semaphore_mem>>) {add = true}
          %dma_wait3A_301 = arith.constant 0 : i32
          %dma_wait3A_302 = tpu.memref_slice %arg8[%run_scoped3A_293, %dma_wait3A_301] : memref<2x128xi32, #tpu.memory_space<vmem>> -> memref<1x128xi32, #tpu.memory_space<vmem>>
          %dma_wait3A_303 = tpu.memref_squeeze %dma_wait3A_302 : memref<1x128xi32, #tpu.memory_space<vmem>> -> memref<128xi32, #tpu.memory_space<vmem>>
          %dma_wait3A_304 = arith.constant 0 : i32
          %dma_wait3A_305 = arith.constant 0 : i32
          %dma_wait3A_306 = tpu.memref_slice %arg14[%dma_wait3A_304, %dma_wait3A_305] : memref<10000x128xf32, #tpu.memory_space<vmem_shared>> -> memref<10000x128xf32, #tpu.memory_space<vmem_shared>>
          tpu.wait_indirect_dma semaphore(%run_scoped3A_294 : memref<!tpu.dma_semaphore, #tpu.memory_space<semaphore_mem>>) src(%arg12 : memref<128x128xf32, #tpu.memory_space<vmem>>) dst(%dma_wait3A_306 : memref<10000x128xf32, #tpu.memory_space<vmem_shared>>)
          tpu.yield
        }) : () -> ()
      }
    } else {
    }
    %eq3A_21 = arith.constant 1 : i32
    %eq3A_22 = arith.cmpi eq, %arg0, %eq3A_21 : i32
    %convert_element_type3A_23 = arith.extui %eq3A_22 : i1 to i32
    %cond3A_24 = arith.constant 0 : i32
    %cond3A_25 = arith.cmpi ne, %convert_element_type3A_23, %cond3A_24 : i32
    scf.if %cond3A_25 {
      %add3A_37 = arith.constant 0 : i32
      %add3A_38 = arith.addi %arg1, %add3A_37 : i32
      %mul3A_39 = arith.constant 128 : i32
      %mul3A_40 = arith.muli %add3A_38, %mul3A_39 : i32
      %dma_start3A = arith.constant 0 : i32
      %dma_start3A_41 = tpu.memref_slice %arg5[%dma_start3A, %mul3A_40] : memref<2x320000xi32, #tpu.memory_space<hbm>> -> memref<2x128xi32, #tpu.memory_space<hbm>>
      %dma_start3A_42 = arith.constant 0 : i32
      %dma_start3A_43 = tpu.memref_slice %arg5[%dma_start3A_42, %mul3A_40] : memref<2x320000xi32, #tpu.memory_space<hbm>> -> memref<2x128xi32, #tpu.memory_space<hbm>>
      tpu.enqueue_dma source(%dma_start3A_43 : memref<2x128xi32, #tpu.memory_space<hbm>>) target(%arg8 : memref<2x128xi32, #tpu.memory_space<vmem>>) target_semaphore(%arg17 : memref<!tpu.dma_semaphore, #tpu.memory_space<semaphore_mem>>)
      %add3A_44 = arith.constant 16 : i32
      %add3A_45 = arith.addi %arg1, %add3A_44 : i32
      %mul3A_46 = arith.constant 128 : i32
      %mul3A_47 = arith.muli %add3A_45, %mul3A_46 : i32
      %dma_start3A_48 = arith.constant 0 : i32
      %dma_start3A_49 = tpu.memref_slice %arg5[%dma_start3A_48, %mul3A_47] : memref<2x320000xi32, #tpu.memory_space<hbm>> -> memref<2x128xi32, #tpu.memory_space<hbm>>
      %dma_start3A_50 = arith.constant 0 : i32
      %dma_start3A_51 = tpu.memref_slice %arg5[%dma_start3A_50, %mul3A_47] : memref<2x320000xi32, #tpu.memory_space<hbm>> -> memref<2x128xi32, #tpu.memory_space<hbm>>
      tpu.enqueue_dma source(%dma_start3A_51 : memref<2x128xi32, #tpu.memory_space<hbm>>) target(%arg9 : memref<2x128xi32, #tpu.memory_space<vmem>>) target_semaphore(%arg18 : memref<!tpu.dma_semaphore, #tpu.memory_space<semaphore_mem>>)
      %add3A_52 = arith.constant 32 : i32
      %add3A_53 = arith.addi %arg1, %add3A_52 : i32
      %mul3A_54 = arith.constant 128 : i32
      %mul3A_55 = arith.muli %add3A_53, %mul3A_54 : i32
      %dma_start3A_56 = arith.constant 0 : i32
      %dma_start3A_57 = tpu.memref_slice %arg5[%dma_start3A_56, %mul3A_55] : memref<2x320000xi32, #tpu.memory_space<hbm>> -> memref<2x128xi32, #tpu.memory_space<hbm>>
      %dma_start3A_58 = arith.constant 0 : i32
      %dma_start3A_59 = tpu.memref_slice %arg5[%dma_start3A_58, %mul3A_55] : memref<2x320000xi32, #tpu.memory_space<hbm>> -> memref<2x128xi32, #tpu.memory_space<hbm>>
      tpu.enqueue_dma source(%dma_start3A_59 : memref<2x128xi32, #tpu.memory_space<hbm>>) target(%arg10 : memref<2x128xi32, #tpu.memory_space<vmem>>) target_semaphore(%arg19 : memref<!tpu.dma_semaphore, #tpu.memory_space<semaphore_mem>>)
      %add3A_60 = arith.constant 48 : i32
      %add3A_61 = arith.addi %arg1, %add3A_60 : i32
      %mul3A_62 = arith.constant 128 : i32
      %mul3A_63 = arith.muli %add3A_61, %mul3A_62 : i32
      %dma_start3A_64 = arith.constant 0 : i32
      %dma_start3A_65 = tpu.memref_slice %arg5[%dma_start3A_64, %mul3A_63] : memref<2x320000xi32, #tpu.memory_space<hbm>> -> memref<2x128xi32, #tpu.memory_space<hbm>>
      %dma_start3A_66 = arith.constant 0 : i32
      %dma_start3A_67 = tpu.memref_slice %arg5[%dma_start3A_66, %mul3A_63] : memref<2x320000xi32, #tpu.memory_space<hbm>> -> memref<2x128xi32, #tpu.memory_space<hbm>>
      tpu.enqueue_dma source(%dma_start3A_67 : memref<2x128xi32, #tpu.memory_space<hbm>>) target(%arg11 : memref<2x128xi32, #tpu.memory_space<vmem>>) target_semaphore(%arg20 : memref<!tpu.dma_semaphore, #tpu.memory_space<semaphore_mem>>)
      %add3A_68 = arith.constant 0 : i32
      %add3A_69 = arith.addi %arg1, %add3A_68 : i32
      %mul3A_70 = arith.constant 128 : i32
      %mul3A_71 = arith.muli %add3A_69, %mul3A_70 : i32
      %dma_wait3A = arith.constant 0 : i32
      %dma_wait3A_72 = tpu.memref_slice %arg5[%dma_wait3A, %mul3A_71] : memref<2x320000xi32, #tpu.memory_space<hbm>> -> memref<2x128xi32, #tpu.memory_space<hbm>>
      %dma_wait3A_73 = arith.constant 0 : i32
      %dma_wait3A_74 = tpu.memref_slice %arg5[%dma_wait3A_73, %mul3A_71] : memref<2x320000xi32, #tpu.memory_space<hbm>> -> memref<2x128xi32, #tpu.memory_space<hbm>>
      tpu.wait_dma2 semaphore(%arg17 : memref<!tpu.dma_semaphore, #tpu.memory_space<semaphore_mem>>) src(%dma_wait3A_74 : memref<2x128xi32, #tpu.memory_space<hbm>>) dst(%arg8 : memref<2x128xi32, #tpu.memory_space<vmem>>)
      %dma_start3A_75 = arith.constant 0 : i32
      %dma_start3A_76 = arith.constant 0 : i32
      %dma_start3A_77 = tpu.memref_slice %arg8[%dma_start3A_75, %dma_start3A_76] : memref<2x128xi32, #tpu.memory_space<vmem>> -> memref<1x128xi32, #tpu.memory_space<vmem>>
      %dma_start3A_78 = tpu.memref_squeeze %dma_start3A_77 : memref<1x128xi32, #tpu.memory_space<vmem>> -> memref<128xi32, #tpu.memory_space<vmem>>
      %dma_start3A_79 = arith.constant 0 : i32
      %dma_start3A_80 = arith.constant 0 : i32
      %dma_start3A_81 = tpu.memref_slice %arg3[%dma_start3A_79, %dma_start3A_80] : memref<10000x128xf32, #tpu.memory_space<hbm>> -> memref<10000x128xf32, #tpu.memory_space<hbm>>
      tpu.enqueue_indirect_dma source(%dma_start3A_81 : memref<10000x128xf32, #tpu.memory_space<hbm>>) target(%arg12 : memref<128x128xf32, #tpu.memory_space<vmem>>) offsets(%dma_start3A_78 : memref<128xi32, #tpu.memory_space<vmem>>) semaphore(%arg15 : memref<!tpu.dma_semaphore, #tpu.memory_space<semaphore_mem>>)
      %add3A_82 = arith.constant 16 : i32
      %add3A_83 = arith.addi %arg1, %add3A_82 : i32
      %mul3A_84 = arith.constant 128 : i32
      %mul3A_85 = arith.muli %add3A_83, %mul3A_84 : i32
      %dma_wait3A_86 = arith.constant 0 : i32
      %dma_wait3A_87 = tpu.memref_slice %arg5[%dma_wait3A_86, %mul3A_85] : memref<2x320000xi32, #tpu.memory_space<hbm>> -> memref<2x128xi32, #tpu.memory_space<hbm>>
      %dma_wait3A_88 = arith.constant 0 : i32
      %dma_wait3A_89 = tpu.memref_slice %arg5[%dma_wait3A_88, %mul3A_85] : memref<2x320000xi32, #tpu.memory_space<hbm>> -> memref<2x128xi32, #tpu.memory_space<hbm>>
      tpu.wait_dma2 semaphore(%arg18 : memref<!tpu.dma_semaphore, #tpu.memory_space<semaphore_mem>>) src(%dma_wait3A_89 : memref<2x128xi32, #tpu.memory_space<hbm>>) dst(%arg9 : memref<2x128xi32, #tpu.memory_space<vmem>>)
      %dma_start3A_90 = arith.constant 0 : i32
      %dma_start3A_91 = arith.constant 0 : i32
      %dma_start3A_92 = tpu.memref_slice %arg9[%dma_start3A_90, %dma_start3A_91] : memref<2x128xi32, #tpu.memory_space<vmem>> -> memref<1x128xi32, #tpu.memory_space<vmem>>
      %dma_start3A_93 = tpu.memref_squeeze %dma_start3A_92 : memref<1x128xi32, #tpu.memory_space<vmem>> -> memref<128xi32, #tpu.memory_space<vmem>>
      %dma_start3A_94 = arith.constant 0 : i32
      %dma_start3A_95 = arith.constant 0 : i32
      %dma_start3A_96 = tpu.memref_slice %arg3[%dma_start3A_94, %dma_start3A_95] : memref<10000x128xf32, #tpu.memory_space<hbm>> -> memref<10000x128xf32, #tpu.memory_space<hbm>>
      tpu.enqueue_indirect_dma source(%dma_start3A_96 : memref<10000x128xf32, #tpu.memory_space<hbm>>) target(%arg13 : memref<128x128xf32, #tpu.memory_space<vmem>>) offsets(%dma_start3A_93 : memref<128xi32, #tpu.memory_space<vmem>>) semaphore(%arg16 : memref<!tpu.dma_semaphore, #tpu.memory_space<semaphore_mem>>)
      %jit3A_97 = arith.constant 4 : i32
      %div3A = arith.divsi %select_n3A, %jit3A_97 : i32
      %sign3A = arith.constant 0 : i32
      %sign3A_98 = arith.cmpi sgt, %select_n3A, %sign3A : i32
      %sign3A_99 = arith.extui %sign3A_98 : i1 to i32
      %sign3A_100 = arith.constant 0 : i32
      %sign3A_101 = arith.cmpi slt, %select_n3A, %sign3A_100 : i32
      %sign3A_102 = arith.extui %sign3A_101 : i1 to i32
      %sign3A_103 = arith.subi %sign3A_99, %sign3A_102 : i32
      %sign3A_104 = arith.constant 0 : i32
      %sign3A_105 = arith.cmpi sgt, %jit3A_97, %sign3A_104 : i32
      %sign3A_106 = arith.extui %sign3A_105 : i1 to i32
      %sign3A_107 = arith.constant 0 : i32
      %sign3A_108 = arith.cmpi slt, %jit3A_97, %sign3A_107 : i32
      %sign3A_109 = arith.extui %sign3A_108 : i1 to i32
      %sign3A_110 = arith.subi %sign3A_106, %sign3A_109 : i32
      %ne3A = arith.cmpi ne, %sign3A_103, %sign3A_110 : i32
      %rem3A = arith.remsi %select_n3A, %jit3A_97 : i32
      %ne3A_111 = arith.constant 0 : i32
      %ne3A_112 = arith.cmpi ne, %rem3A, %ne3A_111 : i32
      %and3A = arith.andi %ne3A, %ne3A_112 : i1
      %sub3A = arith.constant 1 : i32
      %sub3A_113 = arith.subi %div3A, %sub3A : i32
      %select_n3A_114 = arith.select %and3A, %sub3A_113, %div3A : i32
      %sub3A_115 = arith.constant 1 : i32
      %sub3A_116 = arith.subi %select_n3A_114, %sub3A_115 : i32
      %while3A = arith.constant 0 : i32
      %while3A_117 = arith.constant 0 : i32
      %while3A_118 = arith.subi %sub3A_116, %while3A_117 : i32
      %while3A_119 = arith.addi %while3A_117, %while3A_118 : i32
      %while3A_120 = arith.constant 1 : i32
      %while3A_121 = arith.divsi %while3A_118, %while3A_120 : i32
      %while3A_122 = arith.muli %while3A_121, %while3A_120 : i32
      %while3A_123 = arith.addi %while3A_117, %while3A_122 : i32
      %while3A_124 = arith.constant 1 : i32
      scf.for %while3A_260 = %while3A_117 to %while3A_123 step %while3A_124  : i32 {
        %mul3A_261 = arith.constant 4 : i32
        %mul3A_262 = arith.muli %mul3A_261, %while3A_260 : i32
        %dma_wait3A_263 = arith.constant 0 : i32
        %dma_wait3A_264 = arith.constant 0 : i32
        %dma_wait3A_265 = tpu.memref_slice %arg8[%dma_wait3A_263, %dma_wait3A_264] : memref<2x128xi32, #tpu.memory_space<vmem>> -> memref<1x128xi32, #tpu.memory_space<vmem>>
        %dma_wait3A_266 = tpu.memref_squeeze %dma_wait3A_265 : memref<1x128xi32, #tpu.memory_space<vmem>> -> memref<128xi32, #tpu.memory_space<vmem>>
        %dma_wait3A_267 = arith.constant 0 : i32
        %dma_wait3A_268 = arith.constant 0 : i32
        %dma_wait3A_269 = tpu.memref_slice %arg3[%dma_wait3A_267, %dma_wait3A_268] : memref<10000x128xf32, #tpu.memory_space<hbm>> -> memref<10000x128xf32, #tpu.memory_space<hbm>>
        tpu.wait_indirect_dma semaphore(%arg15 : memref<!tpu.dma_semaphore, #tpu.memory_space<semaphore_mem>>) src(%dma_wait3A_269 : memref<10000x128xf32, #tpu.memory_space<hbm>>) dst(%arg12 : memref<128x128xf32, #tpu.memory_space<vmem>>)
        %run_scoped3A_270 = arith.constant 1 : i32
        "tpu.region"() ({
          %run_scoped3A_427 = tpu.sem_alloc : memref<!tpu.dma_semaphore, #tpu.memory_space<semaphore_mem>>
          %dma_start3A_428 = arith.constant 0 : i32
          %dma_start3A_429 = tpu.memref_slice %arg8[%run_scoped3A_270, %dma_start3A_428] : memref<2x128xi32, #tpu.memory_space<vmem>> -> memref<1x128xi32, #tpu.memory_space<vmem>>
          %dma_start3A_430 = tpu.memref_squeeze %dma_start3A_429 : memref<1x128xi32, #tpu.memory_space<vmem>> -> memref<128xi32, #tpu.memory_space<vmem>>
          %dma_start3A_431 = arith.constant 0 : i32
          %dma_start3A_432 = arith.constant 0 : i32
          %dma_start3A_433 = tpu.memref_slice %arg14[%dma_start3A_431, %dma_start3A_432] : memref<10000x128xf32, #tpu.memory_space<vmem_shared>> -> memref<10000x128xf32, #tpu.memory_space<vmem_shared>>
          tpu.enqueue_indirect_dma source(%arg12 : memref<128x128xf32, #tpu.memory_space<vmem>>) target(%dma_start3A_433 : memref<10000x128xf32, #tpu.memory_space<vmem_shared>>) offsets(%dma_start3A_430 : memref<128xi32, #tpu.memory_space<vmem>>) semaphore(%run_scoped3A_427 : memref<!tpu.dma_semaphore, #tpu.memory_space<semaphore_mem>>) {add = true}
          %dma_wait3A_434 = arith.constant 0 : i32
          %dma_wait3A_435 = tpu.memref_slice %arg8[%run_scoped3A_270, %dma_wait3A_434] : memref<2x128xi32, #tpu.memory_space<vmem>> -> memref<1x128xi32, #tpu.memory_space<vmem>>
          %dma_wait3A_436 = tpu.memref_squeeze %dma_wait3A_435 : memref<1x128xi32, #tpu.memory_space<vmem>> -> memref<128xi32, #tpu.memory_space<vmem>>
          %dma_wait3A_437 = arith.constant 0 : i32
          %dma_wait3A_438 = arith.constant 0 : i32
          %dma_wait3A_439 = tpu.memref_slice %arg14[%dma_wait3A_437, %dma_wait3A_438] : memref<10000x128xf32, #tpu.memory_space<vmem_shared>> -> memref<10000x128xf32, #tpu.memory_space<vmem_shared>>
          tpu.wait_indirect_dma semaphore(%run_scoped3A_427 : memref<!tpu.dma_semaphore, #tpu.memory_space<semaphore_mem>>) src(%arg12 : memref<128x128xf32, #tpu.memory_space<vmem>>) dst(%dma_wait3A_439 : memref<10000x128xf32, #tpu.memory_space<vmem_shared>>)
          tpu.yield
        }) : () -> ()
        %add3A_271 = arith.constant 4 : i32
        %add3A_272 = arith.addi %mul3A_262, %add3A_271 : i32
        %add3A_273 = arith.constant 0 : i32
        %add3A_274 = arith.addi %add3A_272, %add3A_273 : i32
        %mul3A_275 = arith.constant 16 : i32
        %mul3A_276 = arith.muli %mul3A_275, %add3A_274 : i32
        %add3A_277 = arith.addi %arg1, %mul3A_276 : i32
        %mul3A_278 = arith.constant 128 : i32
        %mul3A_279 = arith.muli %add3A_277, %mul3A_278 : i32
        %dma_start3A_280 = arith.constant 0 : i32
        %dma_start3A_281 = tpu.memref_slice %arg5[%dma_start3A_280, %mul3A_279] : memref<2x320000xi32, #tpu.memory_space<hbm>> -> memref<2x128xi32, #tpu.memory_space<hbm>>
        %dma_start3A_282 = arith.constant 0 : i32
        %dma_start3A_283 = tpu.memref_slice %arg5[%dma_start3A_282, %mul3A_279] : memref<2x320000xi32, #tpu.memory_space<hbm>> -> memref<2x128xi32, #tpu.memory_space<hbm>>
        tpu.enqueue_dma source(%dma_start3A_283 : memref<2x128xi32, #tpu.memory_space<hbm>>) target(%arg8 : memref<2x128xi32, #tpu.memory_space<vmem>>) target_semaphore(%arg17 : memref<!tpu.dma_semaphore, #tpu.memory_space<semaphore_mem>>)
        %add3A_284 = arith.constant 2 : i32
        %add3A_285 = arith.addi %mul3A_262, %add3A_284 : i32
        %add3A_286 = arith.constant 0 : i32
        %add3A_287 = arith.addi %add3A_285, %add3A_286 : i32
        %mul3A_288 = arith.constant 16 : i32
        %mul3A_289 = arith.muli %mul3A_288, %add3A_287 : i32
        %add3A_290 = arith.addi %arg1, %mul3A_289 : i32
        %mul3A_291 = arith.constant 128 : i32
        %mul3A_292 = arith.muli %add3A_290, %mul3A_291 : i32
        %dma_wait3A_293 = arith.constant 0 : i32
        %dma_wait3A_294 = tpu.memref_slice %arg5[%dma_wait3A_293, %mul3A_292] : memref<2x320000xi32, #tpu.memory_space<hbm>> -> memref<2x128xi32, #tpu.memory_space<hbm>>
        %dma_wait3A_295 = arith.constant 0 : i32
        %dma_wait3A_296 = tpu.memref_slice %arg5[%dma_wait3A_295, %mul3A_292] : memref<2x320000xi32, #tpu.memory_space<hbm>> -> memref<2x128xi32, #tpu.memory_space<hbm>>
        tpu.wait_dma2 semaphore(%arg19 : memref<!tpu.dma_semaphore, #tpu.memory_space<semaphore_mem>>) src(%dma_wait3A_296 : memref<2x128xi32, #tpu.memory_space<hbm>>) dst(%arg10 : memref<2x128xi32, #tpu.memory_space<vmem>>)
        %dma_start3A_297 = arith.constant 0 : i32
        %dma_start3A_298 = arith.constant 0 : i32
        %dma_start3A_299 = tpu.memref_slice %arg10[%dma_start3A_297, %dma_start3A_298] : memref<2x128xi32, #tpu.memory_space<vmem>> -> memref<1x128xi32, #tpu.memory_space<vmem>>
        %dma_start3A_300 = tpu.memref_squeeze %dma_start3A_299 : memref<1x128xi32, #tpu.memory_space<vmem>> -> memref<128xi32, #tpu.memory_space<vmem>>
        %dma_start3A_301 = arith.constant 0 : i32
        %dma_start3A_302 = arith.constant 0 : i32
        %dma_start3A_303 = tpu.memref_slice %arg3[%dma_start3A_301, %dma_start3A_302] : memref<10000x128xf32, #tpu.memory_space<hbm>> -> memref<10000x128xf32, #tpu.memory_space<hbm>>
        tpu.enqueue_indirect_dma source(%dma_start3A_303 : memref<10000x128xf32, #tpu.memory_space<hbm>>) target(%arg12 : memref<128x128xf32, #tpu.memory_space<vmem>>) offsets(%dma_start3A_300 : memref<128xi32, #tpu.memory_space<vmem>>) semaphore(%arg15 : memref<!tpu.dma_semaphore, #tpu.memory_space<semaphore_mem>>)
        %dma_wait3A_304 = arith.constant 0 : i32
        %dma_wait3A_305 = arith.constant 0 : i32
        %dma_wait3A_306 = tpu.memref_slice %arg9[%dma_wait3A_304, %dma_wait3A_305] : memref<2x128xi32, #tpu.memory_space<vmem>> -> memref<1x128xi32, #tpu.memory_space<vmem>>
        %dma_wait3A_307 = tpu.memref_squeeze %dma_wait3A_306 : memref<1x128xi32, #tpu.memory_space<vmem>> -> memref<128xi32, #tpu.memory_space<vmem>>
        %dma_wait3A_308 = arith.constant 0 : i32
        %dma_wait3A_309 = arith.constant 0 : i32
        %dma_wait3A_310 = tpu.memref_slice %arg3[%dma_wait3A_308, %dma_wait3A_309] : memref<10000x128xf32, #tpu.memory_space<hbm>> -> memref<10000x128xf32, #tpu.memory_space<hbm>>
        tpu.wait_indirect_dma semaphore(%arg16 : memref<!tpu.dma_semaphore, #tpu.memory_space<semaphore_mem>>) src(%dma_wait3A_310 : memref<10000x128xf32, #tpu.memory_space<hbm>>) dst(%arg13 : memref<128x128xf32, #tpu.memory_space<vmem>>)
        %run_scoped3A_311 = arith.constant 1 : i32
        "tpu.region"() ({
          %run_scoped3A_427 = tpu.sem_alloc : memref<!tpu.dma_semaphore, #tpu.memory_space<semaphore_mem>>
          %dma_start3A_428 = arith.constant 0 : i32
          %dma_start3A_429 = tpu.memref_slice %arg9[%run_scoped3A_311, %dma_start3A_428] : memref<2x128xi32, #tpu.memory_space<vmem>> -> memref<1x128xi32, #tpu.memory_space<vmem>>
          %dma_start3A_430 = tpu.memref_squeeze %dma_start3A_429 : memref<1x128xi32, #tpu.memory_space<vmem>> -> memref<128xi32, #tpu.memory_space<vmem>>
          %dma_start3A_431 = arith.constant 0 : i32
          %dma_start3A_432 = arith.constant 0 : i32
          %dma_start3A_433 = tpu.memref_slice %arg14[%dma_start3A_431, %dma_start3A_432] : memref<10000x128xf32, #tpu.memory_space<vmem_shared>> -> memref<10000x128xf32, #tpu.memory_space<vmem_shared>>
          tpu.enqueue_indirect_dma source(%arg13 : memref<128x128xf32, #tpu.memory_space<vmem>>) target(%dma_start3A_433 : memref<10000x128xf32, #tpu.memory_space<vmem_shared>>) offsets(%dma_start3A_430 : memref<128xi32, #tpu.memory_space<vmem>>) semaphore(%run_scoped3A_427 : memref<!tpu.dma_semaphore, #tpu.memory_space<semaphore_mem>>) {add = true}
          %dma_wait3A_434 = arith.constant 0 : i32
          %dma_wait3A_435 = tpu.memref_slice %arg9[%run_scoped3A_311, %dma_wait3A_434] : memref<2x128xi32, #tpu.memory_space<vmem>> -> memref<1x128xi32, #tpu.memory_space<vmem>>
          %dma_wait3A_436 = tpu.memref_squeeze %dma_wait3A_435 : memref<1x128xi32, #tpu.memory_space<vmem>> -> memref<128xi32, #tpu.memory_space<vmem>>
          %dma_wait3A_437 = arith.constant 0 : i32
          %dma_wait3A_438 = arith.constant 0 : i32
          %dma_wait3A_439 = tpu.memref_slice %arg14[%dma_wait3A_437, %dma_wait3A_438] : memref<10000x128xf32, #tpu.memory_space<vmem_shared>> -> memref<10000x128xf32, #tpu.memory_space<vmem_shared>>
          tpu.wait_indirect_dma semaphore(%run_scoped3A_427 : memref<!tpu.dma_semaphore, #tpu.memory_space<semaphore_mem>>) src(%arg13 : memref<128x128xf32, #tpu.memory_space<vmem>>) dst(%dma_wait3A_439 : memref<10000x128xf32, #tpu.memory_space<vmem_shared>>)
          tpu.yield
        }) : () -> ()
        %add3A_312 = arith.constant 4 : i32
        %add3A_313 = arith.addi %mul3A_262, %add3A_312 : i32
        %add3A_314 = arith.constant 1 : i32
        %add3A_315 = arith.addi %add3A_313, %add3A_314 : i32
        %mul3A_316 = arith.constant 16 : i32
        %mul3A_317 = arith.muli %mul3A_316, %add3A_315 : i32
        %add3A_318 = arith.addi %arg1, %mul3A_317 : i32
        %mul3A_319 = arith.constant 128 : i32
        %mul3A_320 = arith.muli %add3A_318, %mul3A_319 : i32
        %dma_start3A_321 = arith.constant 0 : i32
        %dma_start3A_322 = tpu.memref_slice %arg5[%dma_start3A_321, %mul3A_320] : memref<2x320000xi32, #tpu.memory_space<hbm>> -> memref<2x128xi32, #tpu.memory_space<hbm>>
        %dma_start3A_323 = arith.constant 0 : i32
        %dma_start3A_324 = tpu.memref_slice %arg5[%dma_start3A_323, %mul3A_320] : memref<2x320000xi32, #tpu.memory_space<hbm>> -> memref<2x128xi32, #tpu.memory_space<hbm>>
        tpu.enqueue_dma source(%dma_start3A_324 : memref<2x128xi32, #tpu.memory_space<hbm>>) target(%arg9 : memref<2x128xi32, #tpu.memory_space<vmem>>) target_semaphore(%arg18 : memref<!tpu.dma_semaphore, #tpu.memory_space<semaphore_mem>>)
        %add3A_325 = arith.constant 2 : i32
        %add3A_326 = arith.addi %mul3A_262, %add3A_325 : i32
        %add3A_327 = arith.constant 1 : i32
        %add3A_328 = arith.addi %add3A_326, %add3A_327 : i32
        %mul3A_329 = arith.constant 16 : i32
        %mul3A_330 = arith.muli %mul3A_329, %add3A_328 : i32
        %add3A_331 = arith.addi %arg1, %mul3A_330 : i32
        %mul3A_332 = arith.constant 128 : i32
        %mul3A_333 = arith.muli %add3A_331, %mul3A_332 : i32
        %dma_wait3A_334 = arith.constant 0 : i32
        %dma_wait3A_335 = tpu.memref_slice %arg5[%dma_wait3A_334, %mul3A_333] : memref<2x320000xi32, #tpu.memory_space<hbm>> -> memref<2x128xi32, #tpu.memory_space<hbm>>
        %dma_wait3A_336 = arith.constant 0 : i32
        %dma_wait3A_337 = tpu.memref_slice %arg5[%dma_wait3A_336, %mul3A_333] : memref<2x320000xi32, #tpu.memory_space<hbm>> -> memref<2x128xi32, #tpu.memory_space<hbm>>
        tpu.wait_dma2 semaphore(%arg20 : memref<!tpu.dma_semaphore, #tpu.memory_space<semaphore_mem>>) src(%dma_wait3A_337 : memref<2x128xi32, #tpu.memory_space<hbm>>) dst(%arg11 : memref<2x128xi32, #tpu.memory_space<vmem>>)
        %dma_start3A_338 = arith.constant 0 : i32
        %dma_start3A_339 = arith.constant 0 : i32
        %dma_start3A_340 = tpu.memref_slice %arg11[%dma_start3A_338, %dma_start3A_339] : memref<2x128xi32, #tpu.memory_space<vmem>> -> memref<1x128xi32, #tpu.memory_space<vmem>>
        %dma_start3A_341 = tpu.memref_squeeze %dma_start3A_340 : memref<1x128xi32, #tpu.memory_space<vmem>> -> memref<128xi32, #tpu.memory_space<vmem>>
        %dma_start3A_342 = arith.constant 0 : i32
        %dma_start3A_343 = arith.constant 0 : i32
        %dma_start3A_344 = tpu.memref_slice %arg3[%dma_start3A_342, %dma_start3A_343] : memref<10000x128xf32, #tpu.memory_space<hbm>> -> memref<10000x128xf32, #tpu.memory_space<hbm>>
        tpu.enqueue_indirect_dma source(%dma_start3A_344 : memref<10000x128xf32, #tpu.memory_space<hbm>>) target(%arg13 : memref<128x128xf32, #tpu.memory_space<vmem>>) offsets(%dma_start3A_341 : memref<128xi32, #tpu.memory_space<vmem>>) semaphore(%arg16 : memref<!tpu.dma_semaphore, #tpu.memory_space<semaphore_mem>>)
        %dma_wait3A_345 = arith.constant 0 : i32
        %dma_wait3A_346 = arith.constant 0 : i32
        %dma_wait3A_347 = tpu.memref_slice %arg10[%dma_wait3A_345, %dma_wait3A_346] : memref<2x128xi32, #tpu.memory_space<vmem>> -> memref<1x128xi32, #tpu.memory_space<vmem>>
        %dma_wait3A_348 = tpu.memref_squeeze %dma_wait3A_347 : memref<1x128xi32, #tpu.memory_space<vmem>> -> memref<128xi32, #tpu.memory_space<vmem>>
        %dma_wait3A_349 = arith.constant 0 : i32
        %dma_wait3A_350 = arith.constant 0 : i32
        %dma_wait3A_351 = tpu.memref_slice %arg3[%dma_wait3A_349, %dma_wait3A_350] : memref<10000x128xf32, #tpu.memory_space<hbm>> -> memref<10000x128xf32, #tpu.memory_space<hbm>>
        tpu.wait_indirect_dma semaphore(%arg15 : memref<!tpu.dma_semaphore, #tpu.memory_space<semaphore_mem>>) src(%dma_wait3A_351 : memref<10000x128xf32, #tpu.memory_space<hbm>>) dst(%arg12 : memref<128x128xf32, #tpu.memory_space<vmem>>)
        %run_scoped3A_352 = arith.constant 1 : i32
        "tpu.region"() ({
          %run_scoped3A_427 = tpu.sem_alloc : memref<!tpu.dma_semaphore, #tpu.memory_space<semaphore_mem>>
          %dma_start3A_428 = arith.constant 0 : i32
          %dma_start3A_429 = tpu.memref_slice %arg10[%run_scoped3A_352, %dma_start3A_428] : memref<2x128xi32, #tpu.memory_space<vmem>> -> memref<1x128xi32, #tpu.memory_space<vmem>>
          %dma_start3A_430 = tpu.memref_squeeze %dma_start3A_429 : memref<1x128xi32, #tpu.memory_space<vmem>> -> memref<128xi32, #tpu.memory_space<vmem>>
          %dma_start3A_431 = arith.constant 0 : i32
          %dma_start3A_432 = arith.constant 0 : i32
          %dma_start3A_433 = tpu.memref_slice %arg14[%dma_start3A_431, %dma_start3A_432] : memref<10000x128xf32, #tpu.memory_space<vmem_shared>> -> memref<10000x128xf32, #tpu.memory_space<vmem_shared>>
          tpu.enqueue_indirect_dma source(%arg12 : memref<128x128xf32, #tpu.memory_space<vmem>>) target(%dma_start3A_433 : memref<10000x128xf32, #tpu.memory_space<vmem_shared>>) offsets(%dma_start3A_430 : memref<128xi32, #tpu.memory_space<vmem>>) semaphore(%run_scoped3A_427 : memref<!tpu.dma_semaphore, #tpu.memory_space<semaphore_mem>>) {add = true}
          %dma_wait3A_434 = arith.constant 0 : i32
          %dma_wait3A_435 = tpu.memref_slice %arg10[%run_scoped3A_352, %dma_wait3A_434] : memref<2x128xi32, #tpu.memory_space<vmem>> -> memref<1x128xi32, #tpu.memory_space<vmem>>
          %dma_wait3A_436 = tpu.memref_squeeze %dma_wait3A_435 : memref<1x128xi32, #tpu.memory_space<vmem>> -> memref<128xi32, #tpu.memory_space<vmem>>
          %dma_wait3A_437 = arith.constant 0 : i32
          %dma_wait3A_438 = arith.constant 0 : i32
          %dma_wait3A_439 = tpu.memref_slice %arg14[%dma_wait3A_437, %dma_wait3A_438] : memref<10000x128xf32, #tpu.memory_space<vmem_shared>> -> memref<10000x128xf32, #tpu.memory_space<vmem_shared>>
          tpu.wait_indirect_dma semaphore(%run_scoped3A_427 : memref<!tpu.dma_semaphore, #tpu.memory_space<semaphore_mem>>) src(%arg12 : memref<128x128xf32, #tpu.memory_space<vmem>>) dst(%dma_wait3A_439 : memref<10000x128xf32, #tpu.memory_space<vmem_shared>>)
          tpu.yield
        }) : () -> ()
        %add3A_353 = arith.constant 4 : i32
        %add3A_354 = arith.addi %mul3A_262, %add3A_353 : i32
        %add3A_355 = arith.constant 2 : i32
        %add3A_356 = arith.addi %add3A_354, %add3A_355 : i32
        %mul3A_357 = arith.constant 16 : i32
        %mul3A_358 = arith.muli %mul3A_357, %add3A_356 : i32
        %add3A_359 = arith.addi %arg1, %mul3A_358 : i32
        %mul3A_360 = arith.constant 128 : i32
        %mul3A_361 = arith.muli %add3A_359, %mul3A_360 : i32
        %dma_start3A_362 = arith.constant 0 : i32
        %dma_start3A_363 = tpu.memref_slice %arg5[%dma_start3A_362, %mul3A_361] : memref<2x320000xi32, #tpu.memory_space<hbm>> -> memref<2x128xi32, #tpu.memory_space<hbm>>
        %dma_start3A_364 = arith.constant 0 : i32
        %dma_start3A_365 = tpu.memref_slice %arg5[%dma_start3A_364, %mul3A_361] : memref<2x320000xi32, #tpu.memory_space<hbm>> -> memref<2x128xi32, #tpu.memory_space<hbm>>
        tpu.enqueue_dma source(%dma_start3A_365 : memref<2x128xi32, #tpu.memory_space<hbm>>) target(%arg10 : memref<2x128xi32, #tpu.memory_space<vmem>>) target_semaphore(%arg19 : memref<!tpu.dma_semaphore, #tpu.memory_space<semaphore_mem>>)
        %add3A_366 = arith.constant 2 : i32
        %add3A_367 = arith.addi %mul3A_262, %add3A_366 : i32
        %add3A_368 = arith.constant 2 : i32
        %add3A_369 = arith.addi %add3A_367, %add3A_368 : i32
        %mul3A_370 = arith.constant 16 : i32
        %mul3A_371 = arith.muli %mul3A_370, %add3A_369 : i32
        %add3A_372 = arith.addi %arg1, %mul3A_371 : i32
        %mul3A_373 = arith.constant 128 : i32
        %mul3A_374 = arith.muli %add3A_372, %mul3A_373 : i32
        %dma_wait3A_375 = arith.constant 0 : i32
        %dma_wait3A_376 = tpu.memref_slice %arg5[%dma_wait3A_375, %mul3A_374] : memref<2x320000xi32, #tpu.memory_space<hbm>> -> memref<2x128xi32, #tpu.memory_space<hbm>>
        %dma_wait3A_377 = arith.constant 0 : i32
        %dma_wait3A_378 = tpu.memref_slice %arg5[%dma_wait3A_377, %mul3A_374] : memref<2x320000xi32, #tpu.memory_space<hbm>> -> memref<2x128xi32, #tpu.memory_space<hbm>>
        tpu.wait_dma2 semaphore(%arg17 : memref<!tpu.dma_semaphore, #tpu.memory_space<semaphore_mem>>) src(%dma_wait3A_378 : memref<2x128xi32, #tpu.memory_space<hbm>>) dst(%arg8 : memref<2x128xi32, #tpu.memory_space<vmem>>)
        %dma_start3A_379 = arith.constant 0 : i32
        %dma_start3A_380 = arith.constant 0 : i32
        %dma_start3A_381 = tpu.memref_slice %arg8[%dma_start3A_379, %dma_start3A_380] : memref<2x128xi32, #tpu.memory_space<vmem>> -> memref<1x128xi32, #tpu.memory_space<vmem>>
        %dma_start3A_382 = tpu.memref_squeeze %dma_start3A_381 : memref<1x128xi32, #tpu.memory_space<vmem>> -> memref<128xi32, #tpu.memory_space<vmem>>
        %dma_start3A_383 = arith.constant 0 : i32
        %dma_start3A_384 = arith.constant 0 : i32
        %dma_start3A_385 = tpu.memref_slice %arg3[%dma_start3A_383, %dma_start3A_384] : memref<10000x128xf32, #tpu.memory_space<hbm>> -> memref<10000x128xf32, #tpu.memory_space<hbm>>
        tpu.enqueue_indirect_dma source(%dma_start3A_385 : memref<10000x128xf32, #tpu.memory_space<hbm>>) target(%arg12 : memref<128x128xf32, #tpu.memory_space<vmem>>) offsets(%dma_start3A_382 : memref<128xi32, #tpu.memory_space<vmem>>) semaphore(%arg15 : memref<!tpu.dma_semaphore, #tpu.memory_space<semaphore_mem>>)
        %dma_wait3A_386 = arith.constant 0 : i32
        %dma_wait3A_387 = arith.constant 0 : i32
        %dma_wait3A_388 = tpu.memref_slice %arg11[%dma_wait3A_386, %dma_wait3A_387] : memref<2x128xi32, #tpu.memory_space<vmem>> -> memref<1x128xi32, #tpu.memory_space<vmem>>
        %dma_wait3A_389 = tpu.memref_squeeze %dma_wait3A_388 : memref<1x128xi32, #tpu.memory_space<vmem>> -> memref<128xi32, #tpu.memory_space<vmem>>
        %dma_wait3A_390 = arith.constant 0 : i32
        %dma_wait3A_391 = arith.constant 0 : i32
        %dma_wait3A_392 = tpu.memref_slice %arg3[%dma_wait3A_390, %dma_wait3A_391] : memref<10000x128xf32, #tpu.memory_space<hbm>> -> memref<10000x128xf32, #tpu.memory_space<hbm>>
        tpu.wait_indirect_dma semaphore(%arg16 : memref<!tpu.dma_semaphore, #tpu.memory_space<semaphore_mem>>) src(%dma_wait3A_392 : memref<10000x128xf32, #tpu.memory_space<hbm>>) dst(%arg13 : memref<128x128xf32, #tpu.memory_space<vmem>>)
        %run_scoped3A_393 = arith.constant 1 : i32
        "tpu.region"() ({
          %run_scoped3A_427 = tpu.sem_alloc : memref<!tpu.dma_semaphore, #tpu.memory_space<semaphore_mem>>
          %dma_start3A_428 = arith.constant 0 : i32
          %dma_start3A_429 = tpu.memref_slice %arg11[%run_scoped3A_393, %dma_start3A_428] : memref<2x128xi32, #tpu.memory_space<vmem>> -> memref<1x128xi32, #tpu.memory_space<vmem>>
          %dma_start3A_430 = tpu.memref_squeeze %dma_start3A_429 : memref<1x128xi32, #tpu.memory_space<vmem>> -> memref<128xi32, #tpu.memory_space<vmem>>
          %dma_start3A_431 = arith.constant 0 : i32
          %dma_start3A_432 = arith.constant 0 : i32
          %dma_start3A_433 = tpu.memref_slice %arg14[%dma_start3A_431, %dma_start3A_432] : memref<10000x128xf32, #tpu.memory_space<vmem_shared>> -> memref<10000x128xf32, #tpu.memory_space<vmem_shared>>
          tpu.enqueue_indirect_dma source(%arg13 : memref<128x128xf32, #tpu.memory_space<vmem>>) target(%dma_start3A_433 : memref<10000x128xf32, #tpu.memory_space<vmem_shared>>) offsets(%dma_start3A_430 : memref<128xi32, #tpu.memory_space<vmem>>) semaphore(%run_scoped3A_427 : memref<!tpu.dma_semaphore, #tpu.memory_space<semaphore_mem>>) {add = true}
          %dma_wait3A_434 = arith.constant 0 : i32
          %dma_wait3A_435 = tpu.memref_slice %arg11[%run_scoped3A_393, %dma_wait3A_434] : memref<2x128xi32, #tpu.memory_space<vmem>> -> memref<1x128xi32, #tpu.memory_space<vmem>>
          %dma_wait3A_436 = tpu.memref_squeeze %dma_wait3A_435 : memref<1x128xi32, #tpu.memory_space<vmem>> -> memref<128xi32, #tpu.memory_space<vmem>>
          %dma_wait3A_437 = arith.constant 0 : i32
          %dma_wait3A_438 = arith.constant 0 : i32
          %dma_wait3A_439 = tpu.memref_slice %arg14[%dma_wait3A_437, %dma_wait3A_438] : memref<10000x128xf32, #tpu.memory_space<vmem_shared>> -> memref<10000x128xf32, #tpu.memory_space<vmem_shared>>
          tpu.wait_indirect_dma semaphore(%run_scoped3A_427 : memref<!tpu.dma_semaphore, #tpu.memory_space<semaphore_mem>>) src(%arg13 : memref<128x128xf32, #tpu.memory_space<vmem>>) dst(%dma_wait3A_439 : memref<10000x128xf32, #tpu.memory_space<vmem_shared>>)
          tpu.yield
        }) : () -> ()
        %add3A_394 = arith.constant 4 : i32
        %add3A_395 = arith.addi %mul3A_262, %add3A_394 : i32
        %add3A_396 = arith.constant 3 : i32
        %add3A_397 = arith.addi %add3A_395, %add3A_396 : i32
        %mul3A_398 = arith.constant 16 : i32
        %mul3A_399 = arith.muli %mul3A_398, %add3A_397 : i32
        %add3A_400 = arith.addi %arg1, %mul3A_399 : i32
        %mul3A_401 = arith.constant 128 : i32
        %mul3A_402 = arith.muli %add3A_400, %mul3A_401 : i32
        %dma_start3A_403 = arith.constant 0 : i32
        %dma_start3A_404 = tpu.memref_slice %arg5[%dma_start3A_403, %mul3A_402] : memref<2x320000xi32, #tpu.memory_space<hbm>> -> memref<2x128xi32, #tpu.memory_space<hbm>>
        %dma_start3A_405 = arith.constant 0 : i32
        %dma_start3A_406 = tpu.memref_slice %arg5[%dma_start3A_405, %mul3A_402] : memref<2x320000xi32, #tpu.memory_space<hbm>> -> memref<2x128xi32, #tpu.memory_space<hbm>>
        tpu.enqueue_dma source(%dma_start3A_406 : memref<2x128xi32, #tpu.memory_space<hbm>>) target(%arg11 : memref<2x128xi32, #tpu.memory_space<vmem>>) target_semaphore(%arg20 : memref<!tpu.dma_semaphore, #tpu.memory_space<semaphore_mem>>)
        %add3A_407 = arith.constant 2 : i32
        %add3A_408 = arith.addi %mul3A_262, %add3A_407 : i32
        %add3A_409 = arith.constant 3 : i32
        %add3A_410 = arith.addi %add3A_408, %add3A_409 : i32
        %mul3A_411 = arith.constant 16 : i32
        %mul3A_412 = arith.muli %mul3A_411, %add3A_410 : i32
        %add3A_413 = arith.addi %arg1, %mul3A_412 : i32
        %mul3A_414 = arith.constant 128 : i32
        %mul3A_415 = arith.muli %add3A_413, %mul3A_414 : i32
        %dma_wait3A_416 = arith.constant 0 : i32
        %dma_wait3A_417 = tpu.memref_slice %arg5[%dma_wait3A_416, %mul3A_415] : memref<2x320000xi32, #tpu.memory_space<hbm>> -> memref<2x128xi32, #tpu.memory_space<hbm>>
        %dma_wait3A_418 = arith.constant 0 : i32
        %dma_wait3A_419 = tpu.memref_slice %arg5[%dma_wait3A_418, %mul3A_415] : memref<2x320000xi32, #tpu.memory_space<hbm>> -> memref<2x128xi32, #tpu.memory_space<hbm>>
        tpu.wait_dma2 semaphore(%arg18 : memref<!tpu.dma_semaphore, #tpu.memory_space<semaphore_mem>>) src(%dma_wait3A_419 : memref<2x128xi32, #tpu.memory_space<hbm>>) dst(%arg9 : memref<2x128xi32, #tpu.memory_space<vmem>>)
        %dma_start3A_420 = arith.constant 0 : i32
        %dma_start3A_421 = arith.constant 0 : i32
        %dma_start3A_422 = tpu.memref_slice %arg9[%dma_start3A_420, %dma_start3A_421] : memref<2x128xi32, #tpu.memory_space<vmem>> -> memref<1x128xi32, #tpu.memory_space<vmem>>
        %dma_start3A_423 = tpu.memref_squeeze %dma_start3A_422 : memref<1x128xi32, #tpu.memory_space<vmem>> -> memref<128xi32, #tpu.memory_space<vmem>>
        %dma_start3A_424 = arith.constant 0 : i32
        %dma_start3A_425 = arith.constant 0 : i32
        %dma_start3A_426 = tpu.memref_slice %arg3[%dma_start3A_424, %dma_start3A_425] : memref<10000x128xf32, #tpu.memory_space<hbm>> -> memref<10000x128xf32, #tpu.memory_space<hbm>>
        tpu.enqueue_indirect_dma source(%dma_start3A_426 : memref<10000x128xf32, #tpu.memory_space<hbm>>) target(%arg13 : memref<128x128xf32, #tpu.memory_space<vmem>>) offsets(%dma_start3A_423 : memref<128xi32, #tpu.memory_space<vmem>>) semaphore(%arg16 : memref<!tpu.dma_semaphore, #tpu.memory_space<semaphore_mem>>)
      }
      %while3A_125 = arith.constant 1 : i32
      scf.for %while3A_260 = %while3A_123 to %while3A_119 step %while3A_125  : i32 {
        %mul3A_261 = arith.constant 4 : i32
        %mul3A_262 = arith.muli %mul3A_261, %while3A_260 : i32
        %dma_wait3A_263 = arith.constant 0 : i32
        %dma_wait3A_264 = arith.constant 0 : i32
        %dma_wait3A_265 = tpu.memref_slice %arg8[%dma_wait3A_263, %dma_wait3A_264] : memref<2x128xi32, #tpu.memory_space<vmem>> -> memref<1x128xi32, #tpu.memory_space<vmem>>
        %dma_wait3A_266 = tpu.memref_squeeze %dma_wait3A_265 : memref<1x128xi32, #tpu.memory_space<vmem>> -> memref<128xi32, #tpu.memory_space<vmem>>
        %dma_wait3A_267 = arith.constant 0 : i32
        %dma_wait3A_268 = arith.constant 0 : i32
        %dma_wait3A_269 = tpu.memref_slice %arg3[%dma_wait3A_267, %dma_wait3A_268] : memref<10000x128xf32, #tpu.memory_space<hbm>> -> memref<10000x128xf32, #tpu.memory_space<hbm>>
        tpu.wait_indirect_dma semaphore(%arg15 : memref<!tpu.dma_semaphore, #tpu.memory_space<semaphore_mem>>) src(%dma_wait3A_269 : memref<10000x128xf32, #tpu.memory_space<hbm>>) dst(%arg12 : memref<128x128xf32, #tpu.memory_space<vmem>>)
        %run_scoped3A_270 = arith.constant 1 : i32
        "tpu.region"() ({
          %run_scoped3A_427 = tpu.sem_alloc : memref<!tpu.dma_semaphore, #tpu.memory_space<semaphore_mem>>
          %dma_start3A_428 = arith.constant 0 : i32
          %dma_start3A_429 = tpu.memref_slice %arg8[%run_scoped3A_270, %dma_start3A_428] : memref<2x128xi32, #tpu.memory_space<vmem>> -> memref<1x128xi32, #tpu.memory_space<vmem>>
          %dma_start3A_430 = tpu.memref_squeeze %dma_start3A_429 : memref<1x128xi32, #tpu.memory_space<vmem>> -> memref<128xi32, #tpu.memory_space<vmem>>
          %dma_start3A_431 = arith.constant 0 : i32
          %dma_start3A_432 = arith.constant 0 : i32
          %dma_start3A_433 = tpu.memref_slice %arg14[%dma_start3A_431, %dma_start3A_432] : memref<10000x128xf32, #tpu.memory_space<vmem_shared>> -> memref<10000x128xf32, #tpu.memory_space<vmem_shared>>
          tpu.enqueue_indirect_dma source(%arg12 : memref<128x128xf32, #tpu.memory_space<vmem>>) target(%dma_start3A_433 : memref<10000x128xf32, #tpu.memory_space<vmem_shared>>) offsets(%dma_start3A_430 : memref<128xi32, #tpu.memory_space<vmem>>) semaphore(%run_scoped3A_427 : memref<!tpu.dma_semaphore, #tpu.memory_space<semaphore_mem>>) {add = true}
          %dma_wait3A_434 = arith.constant 0 : i32
          %dma_wait3A_435 = tpu.memref_slice %arg8[%run_scoped3A_270, %dma_wait3A_434] : memref<2x128xi32, #tpu.memory_space<vmem>> -> memref<1x128xi32, #tpu.memory_space<vmem>>
          %dma_wait3A_436 = tpu.memref_squeeze %dma_wait3A_435 : memref<1x128xi32, #tpu.memory_space<vmem>> -> memref<128xi32, #tpu.memory_space<vmem>>
          %dma_wait3A_437 = arith.constant 0 : i32
          %dma_wait3A_438 = arith.constant 0 : i32
          %dma_wait3A_439 = tpu.memref_slice %arg14[%dma_wait3A_437, %dma_wait3A_438] : memref<10000x128xf32, #tpu.memory_space<vmem_shared>> -> memref<10000x128xf32, #tpu.memory_space<vmem_shared>>
          tpu.wait_indirect_dma semaphore(%run_scoped3A_427 : memref<!tpu.dma_semaphore, #tpu.memory_space<semaphore_mem>>) src(%arg12 : memref<128x128xf32, #tpu.memory_space<vmem>>) dst(%dma_wait3A_439 : memref<10000x128xf32, #tpu.memory_space<vmem_shared>>)
          tpu.yield
        }) : () -> ()
        %add3A_271 = arith.constant 4 : i32
        %add3A_272 = arith.addi %mul3A_262, %add3A_271 : i32
        %add3A_273 = arith.constant 0 : i32
        %add3A_274 = arith.addi %add3A_272, %add3A_273 : i32
        %mul3A_275 = arith.constant 16 : i32
        %mul3A_276 = arith.muli %mul3A_275, %add3A_274 : i32
        %add3A_277 = arith.addi %arg1, %mul3A_276 : i32
        %mul3A_278 = arith.constant 128 : i32
        %mul3A_279 = arith.muli %add3A_277, %mul3A_278 : i32
        %dma_start3A_280 = arith.constant 0 : i32
        %dma_start3A_281 = tpu.memref_slice %arg5[%dma_start3A_280, %mul3A_279] : memref<2x320000xi32, #tpu.memory_space<hbm>> -> memref<2x128xi32, #tpu.memory_space<hbm>>
        %dma_start3A_282 = arith.constant 0 : i32
        %dma_start3A_283 = tpu.memref_slice %arg5[%dma_start3A_282, %mul3A_279] : memref<2x320000xi32, #tpu.memory_space<hbm>> -> memref<2x128xi32, #tpu.memory_space<hbm>>
        tpu.enqueue_dma source(%dma_start3A_283 : memref<2x128xi32, #tpu.memory_space<hbm>>) target(%arg8 : memref<2x128xi32, #tpu.memory_space<vmem>>) target_semaphore(%arg17 : memref<!tpu.dma_semaphore, #tpu.memory_space<semaphore_mem>>)
        %add3A_284 = arith.constant 2 : i32
        %add3A_285 = arith.addi %mul3A_262, %add3A_284 : i32
        %add3A_286 = arith.constant 0 : i32
        %add3A_287 = arith.addi %add3A_285, %add3A_286 : i32
        %mul3A_288 = arith.constant 16 : i32
        %mul3A_289 = arith.muli %mul3A_288, %add3A_287 : i32
        %add3A_290 = arith.addi %arg1, %mul3A_289 : i32
        %mul3A_291 = arith.constant 128 : i32
        %mul3A_292 = arith.muli %add3A_290, %mul3A_291 : i32
        %dma_wait3A_293 = arith.constant 0 : i32
        %dma_wait3A_294 = tpu.memref_slice %arg5[%dma_wait3A_293, %mul3A_292] : memref<2x320000xi32, #tpu.memory_space<hbm>> -> memref<2x128xi32, #tpu.memory_space<hbm>>
        %dma_wait3A_295 = arith.constant 0 : i32
        %dma_wait3A_296 = tpu.memref_slice %arg5[%dma_wait3A_295, %mul3A_292] : memref<2x320000xi32, #tpu.memory_space<hbm>> -> memref<2x128xi32, #tpu.memory_space<hbm>>
        tpu.wait_dma2 semaphore(%arg19 : memref<!tpu.dma_semaphore, #tpu.memory_space<semaphore_mem>>) src(%dma_wait3A_296 : memref<2x128xi32, #tpu.memory_space<hbm>>) dst(%arg10 : memref<2x128xi32, #tpu.memory_space<vmem>>)
        %dma_start3A_297 = arith.constant 0 : i32
        %dma_start3A_298 = arith.constant 0 : i32
        %dma_start3A_299 = tpu.memref_slice %arg10[%dma_start3A_297, %dma_start3A_298] : memref<2x128xi32, #tpu.memory_space<vmem>> -> memref<1x128xi32, #tpu.memory_space<vmem>>
        %dma_start3A_300 = tpu.memref_squeeze %dma_start3A_299 : memref<1x128xi32, #tpu.memory_space<vmem>> -> memref<128xi32, #tpu.memory_space<vmem>>
        %dma_start3A_301 = arith.constant 0 : i32
        %dma_start3A_302 = arith.constant 0 : i32
        %dma_start3A_303 = tpu.memref_slice %arg3[%dma_start3A_301, %dma_start3A_302] : memref<10000x128xf32, #tpu.memory_space<hbm>> -> memref<10000x128xf32, #tpu.memory_space<hbm>>
        tpu.enqueue_indirect_dma source(%dma_start3A_303 : memref<10000x128xf32, #tpu.memory_space<hbm>>) target(%arg12 : memref<128x128xf32, #tpu.memory_space<vmem>>) offsets(%dma_start3A_300 : memref<128xi32, #tpu.memory_space<vmem>>) semaphore(%arg15 : memref<!tpu.dma_semaphore, #tpu.memory_space<semaphore_mem>>)
        %dma_wait3A_304 = arith.constant 0 : i32
        %dma_wait3A_305 = arith.constant 0 : i32
        %dma_wait3A_306 = tpu.memref_slice %arg9[%dma_wait3A_304, %dma_wait3A_305] : memref<2x128xi32, #tpu.memory_space<vmem>> -> memref<1x128xi32, #tpu.memory_space<vmem>>
        %dma_wait3A_307 = tpu.memref_squeeze %dma_wait3A_306 : memref<1x128xi32, #tpu.memory_space<vmem>> -> memref<128xi32, #tpu.memory_space<vmem>>
        %dma_wait3A_308 = arith.constant 0 : i32
        %dma_wait3A_309 = arith.constant 0 : i32
        %dma_wait3A_310 = tpu.memref_slice %arg3[%dma_wait3A_308, %dma_wait3A_309] : memref<10000x128xf32, #tpu.memory_space<hbm>> -> memref<10000x128xf32, #tpu.memory_space<hbm>>
        tpu.wait_indirect_dma semaphore(%arg16 : memref<!tpu.dma_semaphore, #tpu.memory_space<semaphore_mem>>) src(%dma_wait3A_310 : memref<10000x128xf32, #tpu.memory_space<hbm>>) dst(%arg13 : memref<128x128xf32, #tpu.memory_space<vmem>>)
        %run_scoped3A_311 = arith.constant 1 : i32
        "tpu.region"() ({
          %run_scoped3A_427 = tpu.sem_alloc : memref<!tpu.dma_semaphore, #tpu.memory_space<semaphore_mem>>
          %dma_start3A_428 = arith.constant 0 : i32
          %dma_start3A_429 = tpu.memref_slice %arg9[%run_scoped3A_311, %dma_start3A_428] : memref<2x128xi32, #tpu.memory_space<vmem>> -> memref<1x128xi32, #tpu.memory_space<vmem>>
          %dma_start3A_430 = tpu.memref_squeeze %dma_start3A_429 : memref<1x128xi32, #tpu.memory_space<vmem>> -> memref<128xi32, #tpu.memory_space<vmem>>
          %dma_start3A_431 = arith.constant 0 : i32
          %dma_start3A_432 = arith.constant 0 : i32
          %dma_start3A_433 = tpu.memref_slice %arg14[%dma_start3A_431, %dma_start3A_432] : memref<10000x128xf32, #tpu.memory_space<vmem_shared>> -> memref<10000x128xf32, #tpu.memory_space<vmem_shared>>
          tpu.enqueue_indirect_dma source(%arg13 : memref<128x128xf32, #tpu.memory_space<vmem>>) target(%dma_start3A_433 : memref<10000x128xf32, #tpu.memory_space<vmem_shared>>) offsets(%dma_start3A_430 : memref<128xi32, #tpu.memory_space<vmem>>) semaphore(%run_scoped3A_427 : memref<!tpu.dma_semaphore, #tpu.memory_space<semaphore_mem>>) {add = true}
          %dma_wait3A_434 = arith.constant 0 : i32
          %dma_wait3A_435 = tpu.memref_slice %arg9[%run_scoped3A_311, %dma_wait3A_434] : memref<2x128xi32, #tpu.memory_space<vmem>> -> memref<1x128xi32, #tpu.memory_space<vmem>>
          %dma_wait3A_436 = tpu.memref_squeeze %dma_wait3A_435 : memref<1x128xi32, #tpu.memory_space<vmem>> -> memref<128xi32, #tpu.memory_space<vmem>>
          %dma_wait3A_437 = arith.constant 0 : i32
          %dma_wait3A_438 = arith.constant 0 : i32
          %dma_wait3A_439 = tpu.memref_slice %arg14[%dma_wait3A_437, %dma_wait3A_438] : memref<10000x128xf32, #tpu.memory_space<vmem_shared>> -> memref<10000x128xf32, #tpu.memory_space<vmem_shared>>
          tpu.wait_indirect_dma semaphore(%run_scoped3A_427 : memref<!tpu.dma_semaphore, #tpu.memory_space<semaphore_mem>>) src(%arg13 : memref<128x128xf32, #tpu.memory_space<vmem>>) dst(%dma_wait3A_439 : memref<10000x128xf32, #tpu.memory_space<vmem_shared>>)
          tpu.yield
        }) : () -> ()
        %add3A_312 = arith.constant 4 : i32
        %add3A_313 = arith.addi %mul3A_262, %add3A_312 : i32
        %add3A_314 = arith.constant 1 : i32
        %add3A_315 = arith.addi %add3A_313, %add3A_314 : i32
        %mul3A_316 = arith.constant 16 : i32
        %mul3A_317 = arith.muli %mul3A_316, %add3A_315 : i32
        %add3A_318 = arith.addi %arg1, %mul3A_317 : i32
        %mul3A_319 = arith.constant 128 : i32
        %mul3A_320 = arith.muli %add3A_318, %mul3A_319 : i32
        %dma_start3A_321 = arith.constant 0 : i32
        %dma_start3A_322 = tpu.memref_slice %arg5[%dma_start3A_321, %mul3A_320] : memref<2x320000xi32, #tpu.memory_space<hbm>> -> memref<2x128xi32, #tpu.memory_space<hbm>>
        %dma_start3A_323 = arith.constant 0 : i32
        %dma_start3A_324 = tpu.memref_slice %arg5[%dma_start3A_323, %mul3A_320] : memref<2x320000xi32, #tpu.memory_space<hbm>> -> memref<2x128xi32, #tpu.memory_space<hbm>>
        tpu.enqueue_dma source(%dma_start3A_324 : memref<2x128xi32, #tpu.memory_space<hbm>>) target(%arg9 : memref<2x128xi32, #tpu.memory_space<vmem>>) target_semaphore(%arg18 : memref<!tpu.dma_semaphore, #tpu.memory_space<semaphore_mem>>)
        %add3A_325 = arith.constant 2 : i32
        %add3A_326 = arith.addi %mul3A_262, %add3A_325 : i32
        %add3A_327 = arith.constant 1 : i32
        %add3A_328 = arith.addi %add3A_326, %add3A_327 : i32
        %mul3A_329 = arith.constant 16 : i32
        %mul3A_330 = arith.muli %mul3A_329, %add3A_328 : i32
        %add3A_331 = arith.addi %arg1, %mul3A_330 : i32
        %mul3A_332 = arith.constant 128 : i32
        %mul3A_333 = arith.muli %add3A_331, %mul3A_332 : i32
        %dma_wait3A_334 = arith.constant 0 : i32
        %dma_wait3A_335 = tpu.memref_slice %arg5[%dma_wait3A_334, %mul3A_333] : memref<2x320000xi32, #tpu.memory_space<hbm>> -> memref<2x128xi32, #tpu.memory_space<hbm>>
        %dma_wait3A_336 = arith.constant 0 : i32
        %dma_wait3A_337 = tpu.memref_slice %arg5[%dma_wait3A_336, %mul3A_333] : memref<2x320000xi32, #tpu.memory_space<hbm>> -> memref<2x128xi32, #tpu.memory_space<hbm>>
        tpu.wait_dma2 semaphore(%arg20 : memref<!tpu.dma_semaphore, #tpu.memory_space<semaphore_mem>>) src(%dma_wait3A_337 : memref<2x128xi32, #tpu.memory_space<hbm>>) dst(%arg11 : memref<2x128xi32, #tpu.memory_space<vmem>>)
        %dma_start3A_338 = arith.constant 0 : i32
        %dma_start3A_339 = arith.constant 0 : i32
        %dma_start3A_340 = tpu.memref_slice %arg11[%dma_start3A_338, %dma_start3A_339] : memref<2x128xi32, #tpu.memory_space<vmem>> -> memref<1x128xi32, #tpu.memory_space<vmem>>
        %dma_start3A_341 = tpu.memref_squeeze %dma_start3A_340 : memref<1x128xi32, #tpu.memory_space<vmem>> -> memref<128xi32, #tpu.memory_space<vmem>>
        %dma_start3A_342 = arith.constant 0 : i32
        %dma_start3A_343 = arith.constant 0 : i32
        %dma_start3A_344 = tpu.memref_slice %arg3[%dma_start3A_342, %dma_start3A_343] : memref<10000x128xf32, #tpu.memory_space<hbm>> -> memref<10000x128xf32, #tpu.memory_space<hbm>>
        tpu.enqueue_indirect_dma source(%dma_start3A_344 : memref<10000x128xf32, #tpu.memory_space<hbm>>) target(%arg13 : memref<128x128xf32, #tpu.memory_space<vmem>>) offsets(%dma_start3A_341 : memref<128xi32, #tpu.memory_space<vmem>>) semaphore(%arg16 : memref<!tpu.dma_semaphore, #tpu.memory_space<semaphore_mem>>)
        %dma_wait3A_345 = arith.constant 0 : i32
        %dma_wait3A_346 = arith.constant 0 : i32
        %dma_wait3A_347 = tpu.memref_slice %arg10[%dma_wait3A_345, %dma_wait3A_346] : memref<2x128xi32, #tpu.memory_space<vmem>> -> memref<1x128xi32, #tpu.memory_space<vmem>>
        %dma_wait3A_348 = tpu.memref_squeeze %dma_wait3A_347 : memref<1x128xi32, #tpu.memory_space<vmem>> -> memref<128xi32, #tpu.memory_space<vmem>>
        %dma_wait3A_349 = arith.constant 0 : i32
        %dma_wait3A_350 = arith.constant 0 : i32
        %dma_wait3A_351 = tpu.memref_slice %arg3[%dma_wait3A_349, %dma_wait3A_350] : memref<10000x128xf32, #tpu.memory_space<hbm>> -> memref<10000x128xf32, #tpu.memory_space<hbm>>
        tpu.wait_indirect_dma semaphore(%arg15 : memref<!tpu.dma_semaphore, #tpu.memory_space<semaphore_mem>>) src(%dma_wait3A_351 : memref<10000x128xf32, #tpu.memory_space<hbm>>) dst(%arg12 : memref<128x128xf32, #tpu.memory_space<vmem>>)
        %run_scoped3A_352 = arith.constant 1 : i32
        "tpu.region"() ({
          %run_scoped3A_427 = tpu.sem_alloc : memref<!tpu.dma_semaphore, #tpu.memory_space<semaphore_mem>>
          %dma_start3A_428 = arith.constant 0 : i32
          %dma_start3A_429 = tpu.memref_slice %arg10[%run_scoped3A_352, %dma_start3A_428] : memref<2x128xi32, #tpu.memory_space<vmem>> -> memref<1x128xi32, #tpu.memory_space<vmem>>
          %dma_start3A_430 = tpu.memref_squeeze %dma_start3A_429 : memref<1x128xi32, #tpu.memory_space<vmem>> -> memref<128xi32, #tpu.memory_space<vmem>>
          %dma_start3A_431 = arith.constant 0 : i32
          %dma_start3A_432 = arith.constant 0 : i32
          %dma_start3A_433 = tpu.memref_slice %arg14[%dma_start3A_431, %dma_start3A_432] : memref<10000x128xf32, #tpu.memory_space<vmem_shared>> -> memref<10000x128xf32, #tpu.memory_space<vmem_shared>>
          tpu.enqueue_indirect_dma source(%arg12 : memref<128x128xf32, #tpu.memory_space<vmem>>) target(%dma_start3A_433 : memref<10000x128xf32, #tpu.memory_space<vmem_shared>>) offsets(%dma_start3A_430 : memref<128xi32, #tpu.memory_space<vmem>>) semaphore(%run_scoped3A_427 : memref<!tpu.dma_semaphore, #tpu.memory_space<semaphore_mem>>) {add = true}
          %dma_wait3A_434 = arith.constant 0 : i32
          %dma_wait3A_435 = tpu.memref_slice %arg10[%run_scoped3A_352, %dma_wait3A_434] : memref<2x128xi32, #tpu.memory_space<vmem>> -> memref<1x128xi32, #tpu.memory_space<vmem>>
          %dma_wait3A_436 = tpu.memref_squeeze %dma_wait3A_435 : memref<1x128xi32, #tpu.memory_space<vmem>> -> memref<128xi32, #tpu.memory_space<vmem>>
          %dma_wait3A_437 = arith.constant 0 : i32
          %dma_wait3A_438 = arith.constant 0 : i32
          %dma_wait3A_439 = tpu.memref_slice %arg14[%dma_wait3A_437, %dma_wait3A_438] : memref<10000x128xf32, #tpu.memory_space<vmem_shared>> -> memref<10000x128xf32, #tpu.memory_space<vmem_shared>>
          tpu.wait_indirect_dma semaphore(%run_scoped3A_427 : memref<!tpu.dma_semaphore, #tpu.memory_space<semaphore_mem>>) src(%arg12 : memref<128x128xf32, #tpu.memory_space<vmem>>) dst(%dma_wait3A_439 : memref<10000x128xf32, #tpu.memory_space<vmem_shared>>)
          tpu.yield
        }) : () -> ()
        %add3A_353 = arith.constant 4 : i32
        %add3A_354 = arith.addi %mul3A_262, %add3A_353 : i32
        %add3A_355 = arith.constant 2 : i32
        %add3A_356 = arith.addi %add3A_354, %add3A_355 : i32
        %mul3A_357 = arith.constant 16 : i32
        %mul3A_358 = arith.muli %mul3A_357, %add3A_356 : i32
        %add3A_359 = arith.addi %arg1, %mul3A_358 : i32
        %mul3A_360 = arith.constant 128 : i32
        %mul3A_361 = arith.muli %add3A_359, %mul3A_360 : i32
        %dma_start3A_362 = arith.constant 0 : i32
        %dma_start3A_363 = tpu.memref_slice %arg5[%dma_start3A_362, %mul3A_361] : memref<2x320000xi32, #tpu.memory_space<hbm>> -> memref<2x128xi32, #tpu.memory_space<hbm>>
        %dma_start3A_364 = arith.constant 0 : i32
        %dma_start3A_365 = tpu.memref_slice %arg5[%dma_start3A_364, %mul3A_361] : memref<2x320000xi32, #tpu.memory_space<hbm>> -> memref<2x128xi32, #tpu.memory_space<hbm>>
        tpu.enqueue_dma source(%dma_start3A_365 : memref<2x128xi32, #tpu.memory_space<hbm>>) target(%arg10 : memref<2x128xi32, #tpu.memory_space<vmem>>) target_semaphore(%arg19 : memref<!tpu.dma_semaphore, #tpu.memory_space<semaphore_mem>>)
        %add3A_366 = arith.constant 2 : i32
        %add3A_367 = arith.addi %mul3A_262, %add3A_366 : i32
        %add3A_368 = arith.constant 2 : i32
        %add3A_369 = arith.addi %add3A_367, %add3A_368 : i32
        %mul3A_370 = arith.constant 16 : i32
        %mul3A_371 = arith.muli %mul3A_370, %add3A_369 : i32
        %add3A_372 = arith.addi %arg1, %mul3A_371 : i32
        %mul3A_373 = arith.constant 128 : i32
        %mul3A_374 = arith.muli %add3A_372, %mul3A_373 : i32
        %dma_wait3A_375 = arith.constant 0 : i32
        %dma_wait3A_376 = tpu.memref_slice %arg5[%dma_wait3A_375, %mul3A_374] : memref<2x320000xi32, #tpu.memory_space<hbm>> -> memref<2x128xi32, #tpu.memory_space<hbm>>
        %dma_wait3A_377 = arith.constant 0 : i32
        %dma_wait3A_378 = tpu.memref_slice %arg5[%dma_wait3A_377, %mul3A_374] : memref<2x320000xi32, #tpu.memory_space<hbm>> -> memref<2x128xi32, #tpu.memory_space<hbm>>
        tpu.wait_dma2 semaphore(%arg17 : memref<!tpu.dma_semaphore, #tpu.memory_space<semaphore_mem>>) src(%dma_wait3A_378 : memref<2x128xi32, #tpu.memory_space<hbm>>) dst(%arg8 : memref<2x128xi32, #tpu.memory_space<vmem>>)
        %dma_start3A_379 = arith.constant 0 : i32
        %dma_start3A_380 = arith.constant 0 : i32
        %dma_start3A_381 = tpu.memref_slice %arg8[%dma_start3A_379, %dma_start3A_380] : memref<2x128xi32, #tpu.memory_space<vmem>> -> memref<1x128xi32, #tpu.memory_space<vmem>>
        %dma_start3A_382 = tpu.memref_squeeze %dma_start3A_381 : memref<1x128xi32, #tpu.memory_space<vmem>> -> memref<128xi32, #tpu.memory_space<vmem>>
        %dma_start3A_383 = arith.constant 0 : i32
        %dma_start3A_384 = arith.constant 0 : i32
        %dma_start3A_385 = tpu.memref_slice %arg3[%dma_start3A_383, %dma_start3A_384] : memref<10000x128xf32, #tpu.memory_space<hbm>> -> memref<10000x128xf32, #tpu.memory_space<hbm>>
        tpu.enqueue_indirect_dma source(%dma_start3A_385 : memref<10000x128xf32, #tpu.memory_space<hbm>>) target(%arg12 : memref<128x128xf32, #tpu.memory_space<vmem>>) offsets(%dma_start3A_382 : memref<128xi32, #tpu.memory_space<vmem>>) semaphore(%arg15 : memref<!tpu.dma_semaphore, #tpu.memory_space<semaphore_mem>>)
        %dma_wait3A_386 = arith.constant 0 : i32
        %dma_wait3A_387 = arith.constant 0 : i32
        %dma_wait3A_388 = tpu.memref_slice %arg11[%dma_wait3A_386, %dma_wait3A_387] : memref<2x128xi32, #tpu.memory_space<vmem>> -> memref<1x128xi32, #tpu.memory_space<vmem>>
        %dma_wait3A_389 = tpu.memref_squeeze %dma_wait3A_388 : memref<1x128xi32, #tpu.memory_space<vmem>> -> memref<128xi32, #tpu.memory_space<vmem>>
        %dma_wait3A_390 = arith.constant 0 : i32
        %dma_wait3A_391 = arith.constant 0 : i32
        %dma_wait3A_392 = tpu.memref_slice %arg3[%dma_wait3A_390, %dma_wait3A_391] : memref<10000x128xf32, #tpu.memory_space<hbm>> -> memref<10000x128xf32, #tpu.memory_space<hbm>>
        tpu.wait_indirect_dma semaphore(%arg16 : memref<!tpu.dma_semaphore, #tpu.memory_space<semaphore_mem>>) src(%dma_wait3A_392 : memref<10000x128xf32, #tpu.memory_space<hbm>>) dst(%arg13 : memref<128x128xf32, #tpu.memory_space<vmem>>)
        %run_scoped3A_393 = arith.constant 1 : i32
        "tpu.region"() ({
          %run_scoped3A_427 = tpu.sem_alloc : memref<!tpu.dma_semaphore, #tpu.memory_space<semaphore_mem>>
          %dma_start3A_428 = arith.constant 0 : i32
          %dma_start3A_429 = tpu.memref_slice %arg11[%run_scoped3A_393, %dma_start3A_428] : memref<2x128xi32, #tpu.memory_space<vmem>> -> memref<1x128xi32, #tpu.memory_space<vmem>>
          %dma_start3A_430 = tpu.memref_squeeze %dma_start3A_429 : memref<1x128xi32, #tpu.memory_space<vmem>> -> memref<128xi32, #tpu.memory_space<vmem>>
          %dma_start3A_431 = arith.constant 0 : i32
          %dma_start3A_432 = arith.constant 0 : i32
          %dma_start3A_433 = tpu.memref_slice %arg14[%dma_start3A_431, %dma_start3A_432] : memref<10000x128xf32, #tpu.memory_space<vmem_shared>> -> memref<10000x128xf32, #tpu.memory_space<vmem_shared>>
          tpu.enqueue_indirect_dma source(%arg13 : memref<128x128xf32, #tpu.memory_space<vmem>>) target(%dma_start3A_433 : memref<10000x128xf32, #tpu.memory_space<vmem_shared>>) offsets(%dma_start3A_430 : memref<128xi32, #tpu.memory_space<vmem>>) semaphore(%run_scoped3A_427 : memref<!tpu.dma_semaphore, #tpu.memory_space<semaphore_mem>>) {add = true}
          %dma_wait3A_434 = arith.constant 0 : i32
          %dma_wait3A_435 = tpu.memref_slice %arg11[%run_scoped3A_393, %dma_wait3A_434] : memref<2x128xi32, #tpu.memory_space<vmem>> -> memref<1x128xi32, #tpu.memory_space<vmem>>
          %dma_wait3A_436 = tpu.memref_squeeze %dma_wait3A_435 : memref<1x128xi32, #tpu.memory_space<vmem>> -> memref<128xi32, #tpu.memory_space<vmem>>
          %dma_wait3A_437 = arith.constant 0 : i32
          %dma_wait3A_438 = arith.constant 0 : i32
          %dma_wait3A_439 = tpu.memref_slice %arg14[%dma_wait3A_437, %dma_wait3A_438] : memref<10000x128xf32, #tpu.memory_space<vmem_shared>> -> memref<10000x128xf32, #tpu.memory_space<vmem_shared>>
          tpu.wait_indirect_dma semaphore(%run_scoped3A_427 : memref<!tpu.dma_semaphore, #tpu.memory_space<semaphore_mem>>) src(%arg13 : memref<128x128xf32, #tpu.memory_space<vmem>>) dst(%dma_wait3A_439 : memref<10000x128xf32, #tpu.memory_space<vmem_shared>>)
          tpu.yield
        }) : () -> ()
        %add3A_394 = arith.constant 4 : i32
        %add3A_395 = arith.addi %mul3A_262, %add3A_394 : i32
        %add3A_396 = arith.constant 3 : i32
        %add3A_397 = arith.addi %add3A_395, %add3A_396 : i32
        %mul3A_398 = arith.constant 16 : i32
        %mul3A_399 = arith.muli %mul3A_398, %add3A_397 : i32
        %add3A_400 = arith.addi %arg1, %mul3A_399 : i32
        %mul3A_401 = arith.constant 128 : i32
        %mul3A_402 = arith.muli %add3A_400, %mul3A_401 : i32
        %dma_start3A_403 = arith.constant 0 : i32
        %dma_start3A_404 = tpu.memref_slice %arg5[%dma_start3A_403, %mul3A_402] : memref<2x320000xi32, #tpu.memory_space<hbm>> -> memref<2x128xi32, #tpu.memory_space<hbm>>
        %dma_start3A_405 = arith.constant 0 : i32
        %dma_start3A_406 = tpu.memref_slice %arg5[%dma_start3A_405, %mul3A_402] : memref<2x320000xi32, #tpu.memory_space<hbm>> -> memref<2x128xi32, #tpu.memory_space<hbm>>
        tpu.enqueue_dma source(%dma_start3A_406 : memref<2x128xi32, #tpu.memory_space<hbm>>) target(%arg11 : memref<2x128xi32, #tpu.memory_space<vmem>>) target_semaphore(%arg20 : memref<!tpu.dma_semaphore, #tpu.memory_space<semaphore_mem>>)
        %add3A_407 = arith.constant 2 : i32
        %add3A_408 = arith.addi %mul3A_262, %add3A_407 : i32
        %add3A_409 = arith.constant 3 : i32
        %add3A_410 = arith.addi %add3A_408, %add3A_409 : i32
        %mul3A_411 = arith.constant 16 : i32
        %mul3A_412 = arith.muli %mul3A_411, %add3A_410 : i32
        %add3A_413 = arith.addi %arg1, %mul3A_412 : i32
        %mul3A_414 = arith.constant 128 : i32
        %mul3A_415 = arith.muli %add3A_413, %mul3A_414 : i32
        %dma_wait3A_416 = arith.constant 0 : i32
        %dma_wait3A_417 = tpu.memref_slice %arg5[%dma_wait3A_416, %mul3A_415] : memref<2x320000xi32, #tpu.memory_space<hbm>> -> memref<2x128xi32, #tpu.memory_space<hbm>>
        %dma_wait3A_418 = arith.constant 0 : i32
        %dma_wait3A_419 = tpu.memref_slice %arg5[%dma_wait3A_418, %mul3A_415] : memref<2x320000xi32, #tpu.memory_space<hbm>> -> memref<2x128xi32, #tpu.memory_space<hbm>>
        tpu.wait_dma2 semaphore(%arg18 : memref<!tpu.dma_semaphore, #tpu.memory_space<semaphore_mem>>) src(%dma_wait3A_419 : memref<2x128xi32, #tpu.memory_space<hbm>>) dst(%arg9 : memref<2x128xi32, #tpu.memory_space<vmem>>)
        %dma_start3A_420 = arith.constant 0 : i32
        %dma_start3A_421 = arith.constant 0 : i32
        %dma_start3A_422 = tpu.memref_slice %arg9[%dma_start3A_420, %dma_start3A_421] : memref<2x128xi32, #tpu.memory_space<vmem>> -> memref<1x128xi32, #tpu.memory_space<vmem>>
        %dma_start3A_423 = tpu.memref_squeeze %dma_start3A_422 : memref<1x128xi32, #tpu.memory_space<vmem>> -> memref<128xi32, #tpu.memory_space<vmem>>
        %dma_start3A_424 = arith.constant 0 : i32
        %dma_start3A_425 = arith.constant 0 : i32
        %dma_start3A_426 = tpu.memref_slice %arg3[%dma_start3A_424, %dma_start3A_425] : memref<10000x128xf32, #tpu.memory_space<hbm>> -> memref<10000x128xf32, #tpu.memory_space<hbm>>
        tpu.enqueue_indirect_dma source(%dma_start3A_426 : memref<10000x128xf32, #tpu.memory_space<hbm>>) target(%arg13 : memref<128x128xf32, #tpu.memory_space<vmem>>) offsets(%dma_start3A_423 : memref<128xi32, #tpu.memory_space<vmem>>) semaphore(%arg16 : memref<!tpu.dma_semaphore, #tpu.memory_space<semaphore_mem>>)
      }
      %jit3A_126 = arith.constant 4 : i32
      %div3A_127 = arith.divsi %select_n3A, %jit3A_126 : i32
      %sign3A_128 = arith.constant 0 : i32
      %sign3A_129 = arith.cmpi sgt, %select_n3A, %sign3A_128 : i32
      %sign3A_130 = arith.extui %sign3A_129 : i1 to i32
      %sign3A_131 = arith.constant 0 : i32
      %sign3A_132 = arith.cmpi slt, %select_n3A, %sign3A_131 : i32
      %sign3A_133 = arith.extui %sign3A_132 : i1 to i32
      %sign3A_134 = arith.subi %sign3A_130, %sign3A_133 : i32
      %sign3A_135 = arith.constant 0 : i32
      %sign3A_136 = arith.cmpi sgt, %jit3A_126, %sign3A_135 : i32
      %sign3A_137 = arith.extui %sign3A_136 : i1 to i32
      %sign3A_138 = arith.constant 0 : i32
      %sign3A_139 = arith.cmpi slt, %jit3A_126, %sign3A_138 : i32
      %sign3A_140 = arith.extui %sign3A_139 : i1 to i32
      %sign3A_141 = arith.subi %sign3A_137, %sign3A_140 : i32
      %ne3A_142 = arith.cmpi ne, %sign3A_134, %sign3A_141 : i32
      %rem3A_143 = arith.remsi %select_n3A, %jit3A_126 : i32
      %ne3A_144 = arith.constant 0 : i32
      %ne3A_145 = arith.cmpi ne, %rem3A_143, %ne3A_144 : i32
      %and3A_146 = arith.andi %ne3A_142, %ne3A_145 : i1
      %sub3A_147 = arith.constant 1 : i32
      %sub3A_148 = arith.subi %div3A_127, %sub3A_147 : i32
      %select_n3A_149 = arith.select %and3A_146, %sub3A_148, %div3A_127 : i32
      %mul3A_150 = arith.constant 4 : i32
      %mul3A_151 = arith.muli %mul3A_150, %select_n3A_149 : i32
      %sub3A_152 = arith.constant 4 : i32
      %sub3A_153 = arith.subi %mul3A_151, %sub3A_152 : i32
      %dma_wait3A_154 = arith.constant 0 : i32
      %dma_wait3A_155 = arith.constant 0 : i32
      %dma_wait3A_156 = tpu.memref_slice %arg8[%dma_wait3A_154, %dma_wait3A_155] : memref<2x128xi32, #tpu.memory_space<vmem>> -> memref<1x128xi32, #tpu.memory_space<vmem>>
      %dma_wait3A_157 = tpu.memref_squeeze %dma_wait3A_156 : memref<1x128xi32, #tpu.memory_space<vmem>> -> memref<128xi32, #tpu.memory_space<vmem>>
      %dma_wait3A_158 = arith.constant 0 : i32
      %dma_wait3A_159 = arith.constant 0 : i32
      %dma_wait3A_160 = tpu.memref_slice %arg3[%dma_wait3A_158, %dma_wait3A_159] : memref<10000x128xf32, #tpu.memory_space<hbm>> -> memref<10000x128xf32, #tpu.memory_space<hbm>>
      tpu.wait_indirect_dma semaphore(%arg15 : memref<!tpu.dma_semaphore, #tpu.memory_space<semaphore_mem>>) src(%dma_wait3A_160 : memref<10000x128xf32, #tpu.memory_space<hbm>>) dst(%arg12 : memref<128x128xf32, #tpu.memory_space<vmem>>)
      %run_scoped3A = arith.constant 1 : i32
      "tpu.region"() ({
        %run_scoped3A_260 = tpu.sem_alloc : memref<!tpu.dma_semaphore, #tpu.memory_space<semaphore_mem>>
        %dma_start3A_261 = arith.constant 0 : i32
        %dma_start3A_262 = tpu.memref_slice %arg8[%run_scoped3A, %dma_start3A_261] : memref<2x128xi32, #tpu.memory_space<vmem>> -> memref<1x128xi32, #tpu.memory_space<vmem>>
        %dma_start3A_263 = tpu.memref_squeeze %dma_start3A_262 : memref<1x128xi32, #tpu.memory_space<vmem>> -> memref<128xi32, #tpu.memory_space<vmem>>
        %dma_start3A_264 = arith.constant 0 : i32
        %dma_start3A_265 = arith.constant 0 : i32
        %dma_start3A_266 = tpu.memref_slice %arg14[%dma_start3A_264, %dma_start3A_265] : memref<10000x128xf32, #tpu.memory_space<vmem_shared>> -> memref<10000x128xf32, #tpu.memory_space<vmem_shared>>
        tpu.enqueue_indirect_dma source(%arg12 : memref<128x128xf32, #tpu.memory_space<vmem>>) target(%dma_start3A_266 : memref<10000x128xf32, #tpu.memory_space<vmem_shared>>) offsets(%dma_start3A_263 : memref<128xi32, #tpu.memory_space<vmem>>) semaphore(%run_scoped3A_260 : memref<!tpu.dma_semaphore, #tpu.memory_space<semaphore_mem>>) {add = true}
        %dma_wait3A_267 = arith.constant 0 : i32
        %dma_wait3A_268 = tpu.memref_slice %arg8[%run_scoped3A, %dma_wait3A_267] : memref<2x128xi32, #tpu.memory_space<vmem>> -> memref<1x128xi32, #tpu.memory_space<vmem>>
        %dma_wait3A_269 = tpu.memref_squeeze %dma_wait3A_268 : memref<1x128xi32, #tpu.memory_space<vmem>> -> memref<128xi32, #tpu.memory_space<vmem>>
        %dma_wait3A_270 = arith.constant 0 : i32
        %dma_wait3A_271 = arith.constant 0 : i32
        %dma_wait3A_272 = tpu.memref_slice %arg14[%dma_wait3A_270, %dma_wait3A_271] : memref<10000x128xf32, #tpu.memory_space<vmem_shared>> -> memref<10000x128xf32, #tpu.memory_space<vmem_shared>>
        tpu.wait_indirect_dma semaphore(%run_scoped3A_260 : memref<!tpu.dma_semaphore, #tpu.memory_space<semaphore_mem>>) src(%arg12 : memref<128x128xf32, #tpu.memory_space<vmem>>) dst(%dma_wait3A_272 : memref<10000x128xf32, #tpu.memory_space<vmem_shared>>)
        tpu.yield
      }) : () -> ()
      %add3A_161 = arith.constant 2 : i32
      %add3A_162 = arith.addi %sub3A_153, %add3A_161 : i32
      %add3A_163 = arith.constant 0 : i32
      %add3A_164 = arith.addi %add3A_162, %add3A_163 : i32
      %mul3A_165 = arith.constant 16 : i32
      %mul3A_166 = arith.muli %mul3A_165, %add3A_164 : i32
      %add3A_167 = arith.addi %arg1, %mul3A_166 : i32
      %mul3A_168 = arith.constant 128 : i32
      %mul3A_169 = arith.muli %add3A_167, %mul3A_168 : i32
      %dma_wait3A_170 = arith.constant 0 : i32
      %dma_wait3A_171 = tpu.memref_slice %arg5[%dma_wait3A_170, %mul3A_169] : memref<2x320000xi32, #tpu.memory_space<hbm>> -> memref<2x128xi32, #tpu.memory_space<hbm>>
      %dma_wait3A_172 = arith.constant 0 : i32
      %dma_wait3A_173 = tpu.memref_slice %arg5[%dma_wait3A_172, %mul3A_169] : memref<2x320000xi32, #tpu.memory_space<hbm>> -> memref<2x128xi32, #tpu.memory_space<hbm>>
      tpu.wait_dma2 semaphore(%arg19 : memref<!tpu.dma_semaphore, #tpu.memory_space<semaphore_mem>>) src(%dma_wait3A_173 : memref<2x128xi32, #tpu.memory_space<hbm>>) dst(%arg10 : memref<2x128xi32, #tpu.memory_space<vmem>>)
      %dma_start3A_174 = arith.constant 0 : i32
      %dma_start3A_175 = arith.constant 0 : i32
      %dma_start3A_176 = tpu.memref_slice %arg10[%dma_start3A_174, %dma_start3A_175] : memref<2x128xi32, #tpu.memory_space<vmem>> -> memref<1x128xi32, #tpu.memory_space<vmem>>
      %dma_start3A_177 = tpu.memref_squeeze %dma_start3A_176 : memref<1x128xi32, #tpu.memory_space<vmem>> -> memref<128xi32, #tpu.memory_space<vmem>>
      %dma_start3A_178 = arith.constant 0 : i32
      %dma_start3A_179 = arith.constant 0 : i32
      %dma_start3A_180 = tpu.memref_slice %arg3[%dma_start3A_178, %dma_start3A_179] : memref<10000x128xf32, #tpu.memory_space<hbm>> -> memref<10000x128xf32, #tpu.memory_space<hbm>>
      tpu.enqueue_indirect_dma source(%dma_start3A_180 : memref<10000x128xf32, #tpu.memory_space<hbm>>) target(%arg12 : memref<128x128xf32, #tpu.memory_space<vmem>>) offsets(%dma_start3A_177 : memref<128xi32, #tpu.memory_space<vmem>>) semaphore(%arg15 : memref<!tpu.dma_semaphore, #tpu.memory_space<semaphore_mem>>)
      %dma_wait3A_181 = arith.constant 0 : i32
      %dma_wait3A_182 = arith.constant 0 : i32
      %dma_wait3A_183 = tpu.memref_slice %arg9[%dma_wait3A_181, %dma_wait3A_182] : memref<2x128xi32, #tpu.memory_space<vmem>> -> memref<1x128xi32, #tpu.memory_space<vmem>>
      %dma_wait3A_184 = tpu.memref_squeeze %dma_wait3A_183 : memref<1x128xi32, #tpu.memory_space<vmem>> -> memref<128xi32, #tpu.memory_space<vmem>>
      %dma_wait3A_185 = arith.constant 0 : i32
      %dma_wait3A_186 = arith.constant 0 : i32
      %dma_wait3A_187 = tpu.memref_slice %arg3[%dma_wait3A_185, %dma_wait3A_186] : memref<10000x128xf32, #tpu.memory_space<hbm>> -> memref<10000x128xf32, #tpu.memory_space<hbm>>
      tpu.wait_indirect_dma semaphore(%arg16 : memref<!tpu.dma_semaphore, #tpu.memory_space<semaphore_mem>>) src(%dma_wait3A_187 : memref<10000x128xf32, #tpu.memory_space<hbm>>) dst(%arg13 : memref<128x128xf32, #tpu.memory_space<vmem>>)
      %run_scoped3A_188 = arith.constant 1 : i32
      "tpu.region"() ({
        %run_scoped3A_260 = tpu.sem_alloc : memref<!tpu.dma_semaphore, #tpu.memory_space<semaphore_mem>>
        %dma_start3A_261 = arith.constant 0 : i32
        %dma_start3A_262 = tpu.memref_slice %arg9[%run_scoped3A_188, %dma_start3A_261] : memref<2x128xi32, #tpu.memory_space<vmem>> -> memref<1x128xi32, #tpu.memory_space<vmem>>
        %dma_start3A_263 = tpu.memref_squeeze %dma_start3A_262 : memref<1x128xi32, #tpu.memory_space<vmem>> -> memref<128xi32, #tpu.memory_space<vmem>>
        %dma_start3A_264 = arith.constant 0 : i32
        %dma_start3A_265 = arith.constant 0 : i32
        %dma_start3A_266 = tpu.memref_slice %arg14[%dma_start3A_264, %dma_start3A_265] : memref<10000x128xf32, #tpu.memory_space<vmem_shared>> -> memref<10000x128xf32, #tpu.memory_space<vmem_shared>>
        tpu.enqueue_indirect_dma source(%arg13 : memref<128x128xf32, #tpu.memory_space<vmem>>) target(%dma_start3A_266 : memref<10000x128xf32, #tpu.memory_space<vmem_shared>>) offsets(%dma_start3A_263 : memref<128xi32, #tpu.memory_space<vmem>>) semaphore(%run_scoped3A_260 : memref<!tpu.dma_semaphore, #tpu.memory_space<semaphore_mem>>) {add = true}
        %dma_wait3A_267 = arith.constant 0 : i32
        %dma_wait3A_268 = tpu.memref_slice %arg9[%run_scoped3A_188, %dma_wait3A_267] : memref<2x128xi32, #tpu.memory_space<vmem>> -> memref<1x128xi32, #tpu.memory_space<vmem>>
        %dma_wait3A_269 = tpu.memref_squeeze %dma_wait3A_268 : memref<1x128xi32, #tpu.memory_space<vmem>> -> memref<128xi32, #tpu.memory_space<vmem>>
        %dma_wait3A_270 = arith.constant 0 : i32
        %dma_wait3A_271 = arith.constant 0 : i32
        %dma_wait3A_272 = tpu.memref_slice %arg14[%dma_wait3A_270, %dma_wait3A_271] : memref<10000x128xf32, #tpu.memory_space<vmem_shared>> -> memref<10000x128xf32, #tpu.memory_space<vmem_shared>>
        tpu.wait_indirect_dma semaphore(%run_scoped3A_260 : memref<!tpu.dma_semaphore, #tpu.memory_space<semaphore_mem>>) src(%arg13 : memref<128x128xf32, #tpu.memory_space<vmem>>) dst(%dma_wait3A_272 : memref<10000x128xf32, #tpu.memory_space<vmem_shared>>)
        tpu.yield
      }) : () -> ()
      %add3A_189 = arith.constant 2 : i32
      %add3A_190 = arith.addi %sub3A_153, %add3A_189 : i32
      %add3A_191 = arith.constant 1 : i32
      %add3A_192 = arith.addi %add3A_190, %add3A_191 : i32
      %mul3A_193 = arith.constant 16 : i32
      %mul3A_194 = arith.muli %mul3A_193, %add3A_192 : i32
      %add3A_195 = arith.addi %arg1, %mul3A_194 : i32
      %mul3A_196 = arith.constant 128 : i32
      %mul3A_197 = arith.muli %add3A_195, %mul3A_196 : i32
      %dma_wait3A_198 = arith.constant 0 : i32
      %dma_wait3A_199 = tpu.memref_slice %arg5[%dma_wait3A_198, %mul3A_197] : memref<2x320000xi32, #tpu.memory_space<hbm>> -> memref<2x128xi32, #tpu.memory_space<hbm>>
      %dma_wait3A_200 = arith.constant 0 : i32
      %dma_wait3A_201 = tpu.memref_slice %arg5[%dma_wait3A_200, %mul3A_197] : memref<2x320000xi32, #tpu.memory_space<hbm>> -> memref<2x128xi32, #tpu.memory_space<hbm>>
      tpu.wait_dma2 semaphore(%arg20 : memref<!tpu.dma_semaphore, #tpu.memory_space<semaphore_mem>>) src(%dma_wait3A_201 : memref<2x128xi32, #tpu.memory_space<hbm>>) dst(%arg11 : memref<2x128xi32, #tpu.memory_space<vmem>>)
      %dma_start3A_202 = arith.constant 0 : i32
      %dma_start3A_203 = arith.constant 0 : i32
      %dma_start3A_204 = tpu.memref_slice %arg11[%dma_start3A_202, %dma_start3A_203] : memref<2x128xi32, #tpu.memory_space<vmem>> -> memref<1x128xi32, #tpu.memory_space<vmem>>
      %dma_start3A_205 = tpu.memref_squeeze %dma_start3A_204 : memref<1x128xi32, #tpu.memory_space<vmem>> -> memref<128xi32, #tpu.memory_space<vmem>>
      %dma_start3A_206 = arith.constant 0 : i32
      %dma_start3A_207 = arith.constant 0 : i32
      %dma_start3A_208 = tpu.memref_slice %arg3[%dma_start3A_206, %dma_start3A_207] : memref<10000x128xf32, #tpu.memory_space<hbm>> -> memref<10000x128xf32, #tpu.memory_space<hbm>>
      tpu.enqueue_indirect_dma source(%dma_start3A_208 : memref<10000x128xf32, #tpu.memory_space<hbm>>) target(%arg13 : memref<128x128xf32, #tpu.memory_space<vmem>>) offsets(%dma_start3A_205 : memref<128xi32, #tpu.memory_space<vmem>>) semaphore(%arg16 : memref<!tpu.dma_semaphore, #tpu.memory_space<semaphore_mem>>)
      %dma_wait3A_209 = arith.constant 0 : i32
      %dma_wait3A_210 = arith.constant 0 : i32
      %dma_wait3A_211 = tpu.memref_slice %arg10[%dma_wait3A_209, %dma_wait3A_210] : memref<2x128xi32, #tpu.memory_space<vmem>> -> memref<1x128xi32, #tpu.memory_space<vmem>>
      %dma_wait3A_212 = tpu.memref_squeeze %dma_wait3A_211 : memref<1x128xi32, #tpu.memory_space<vmem>> -> memref<128xi32, #tpu.memory_space<vmem>>
      %dma_wait3A_213 = arith.constant 0 : i32
      %dma_wait3A_214 = arith.constant 0 : i32
      %dma_wait3A_215 = tpu.memref_slice %arg3[%dma_wait3A_213, %dma_wait3A_214] : memref<10000x128xf32, #tpu.memory_space<hbm>> -> memref<10000x128xf32, #tpu.memory_space<hbm>>
      tpu.wait_indirect_dma semaphore(%arg15 : memref<!tpu.dma_semaphore, #tpu.memory_space<semaphore_mem>>) src(%dma_wait3A_215 : memref<10000x128xf32, #tpu.memory_space<hbm>>) dst(%arg12 : memref<128x128xf32, #tpu.memory_space<vmem>>)
      %run_scoped3A_216 = arith.constant 1 : i32
      "tpu.region"() ({
        %run_scoped3A_260 = tpu.sem_alloc : memref<!tpu.dma_semaphore, #tpu.memory_space<semaphore_mem>>
        %dma_start3A_261 = arith.constant 0 : i32
        %dma_start3A_262 = tpu.memref_slice %arg10[%run_scoped3A_216, %dma_start3A_261] : memref<2x128xi32, #tpu.memory_space<vmem>> -> memref<1x128xi32, #tpu.memory_space<vmem>>
        %dma_start3A_263 = tpu.memref_squeeze %dma_start3A_262 : memref<1x128xi32, #tpu.memory_space<vmem>> -> memref<128xi32, #tpu.memory_space<vmem>>
        %dma_start3A_264 = arith.constant 0 : i32
        %dma_start3A_265 = arith.constant 0 : i32
        %dma_start3A_266 = tpu.memref_slice %arg14[%dma_start3A_264, %dma_start3A_265] : memref<10000x128xf32, #tpu.memory_space<vmem_shared>> -> memref<10000x128xf32, #tpu.memory_space<vmem_shared>>
        tpu.enqueue_indirect_dma source(%arg12 : memref<128x128xf32, #tpu.memory_space<vmem>>) target(%dma_start3A_266 : memref<10000x128xf32, #tpu.memory_space<vmem_shared>>) offsets(%dma_start3A_263 : memref<128xi32, #tpu.memory_space<vmem>>) semaphore(%run_scoped3A_260 : memref<!tpu.dma_semaphore, #tpu.memory_space<semaphore_mem>>) {add = true}
        %dma_wait3A_267 = arith.constant 0 : i32
        %dma_wait3A_268 = tpu.memref_slice %arg10[%run_scoped3A_216, %dma_wait3A_267] : memref<2x128xi32, #tpu.memory_space<vmem>> -> memref<1x128xi32, #tpu.memory_space<vmem>>
        %dma_wait3A_269 = tpu.memref_squeeze %dma_wait3A_268 : memref<1x128xi32, #tpu.memory_space<vmem>> -> memref<128xi32, #tpu.memory_space<vmem>>
        %dma_wait3A_270 = arith.constant 0 : i32
        %dma_wait3A_271 = arith.constant 0 : i32
        %dma_wait3A_272 = tpu.memref_slice %arg14[%dma_wait3A_270, %dma_wait3A_271] : memref<10000x128xf32, #tpu.memory_space<vmem_shared>> -> memref<10000x128xf32, #tpu.memory_space<vmem_shared>>
        tpu.wait_indirect_dma semaphore(%run_scoped3A_260 : memref<!tpu.dma_semaphore, #tpu.memory_space<semaphore_mem>>) src(%arg12 : memref<128x128xf32, #tpu.memory_space<vmem>>) dst(%dma_wait3A_272 : memref<10000x128xf32, #tpu.memory_space<vmem_shared>>)
        tpu.yield
      }) : () -> ()
      %dma_wait3A_217 = arith.constant 0 : i32
      %dma_wait3A_218 = arith.constant 0 : i32
      %dma_wait3A_219 = tpu.memref_slice %arg11[%dma_wait3A_217, %dma_wait3A_218] : memref<2x128xi32, #tpu.memory_space<vmem>> -> memref<1x128xi32, #tpu.memory_space<vmem>>
      %dma_wait3A_220 = tpu.memref_squeeze %dma_wait3A_219 : memref<1x128xi32, #tpu.memory_space<vmem>> -> memref<128xi32, #tpu.memory_space<vmem>>
      %dma_wait3A_221 = arith.constant 0 : i32
      %dma_wait3A_222 = arith.constant 0 : i32
      %dma_wait3A_223 = tpu.memref_slice %arg3[%dma_wait3A_221, %dma_wait3A_222] : memref<10000x128xf32, #tpu.memory_space<hbm>> -> memref<10000x128xf32, #tpu.memory_space<hbm>>
      tpu.wait_indirect_dma semaphore(%arg16 : memref<!tpu.dma_semaphore, #tpu.memory_space<semaphore_mem>>) src(%dma_wait3A_223 : memref<10000x128xf32, #tpu.memory_space<hbm>>) dst(%arg13 : memref<128x128xf32, #tpu.memory_space<vmem>>)
      %run_scoped3A_224 = arith.constant 1 : i32
      "tpu.region"() ({
        %run_scoped3A_260 = tpu.sem_alloc : memref<!tpu.dma_semaphore, #tpu.memory_space<semaphore_mem>>
        %dma_start3A_261 = arith.constant 0 : i32
        %dma_start3A_262 = tpu.memref_slice %arg11[%run_scoped3A_224, %dma_start3A_261] : memref<2x128xi32, #tpu.memory_space<vmem>> -> memref<1x128xi32, #tpu.memory_space<vmem>>
        %dma_start3A_263 = tpu.memref_squeeze %dma_start3A_262 : memref<1x128xi32, #tpu.memory_space<vmem>> -> memref<128xi32, #tpu.memory_space<vmem>>
        %dma_start3A_264 = arith.constant 0 : i32
        %dma_start3A_265 = arith.constant 0 : i32
        %dma_start3A_266 = tpu.memref_slice %arg14[%dma_start3A_264, %dma_start3A_265] : memref<10000x128xf32, #tpu.memory_space<vmem_shared>> -> memref<10000x128xf32, #tpu.memory_space<vmem_shared>>
        tpu.enqueue_indirect_dma source(%arg13 : memref<128x128xf32, #tpu.memory_space<vmem>>) target(%dma_start3A_266 : memref<10000x128xf32, #tpu.memory_space<vmem_shared>>) offsets(%dma_start3A_263 : memref<128xi32, #tpu.memory_space<vmem>>) semaphore(%run_scoped3A_260 : memref<!tpu.dma_semaphore, #tpu.memory_space<semaphore_mem>>) {add = true}
        %dma_wait3A_267 = arith.constant 0 : i32
        %dma_wait3A_268 = tpu.memref_slice %arg11[%run_scoped3A_224, %dma_wait3A_267] : memref<2x128xi32, #tpu.memory_space<vmem>> -> memref<1x128xi32, #tpu.memory_space<vmem>>
        %dma_wait3A_269 = tpu.memref_squeeze %dma_wait3A_268 : memref<1x128xi32, #tpu.memory_space<vmem>> -> memref<128xi32, #tpu.memory_space<vmem>>
        %dma_wait3A_270 = arith.constant 0 : i32
        %dma_wait3A_271 = arith.constant 0 : i32
        %dma_wait3A_272 = tpu.memref_slice %arg14[%dma_wait3A_270, %dma_wait3A_271] : memref<10000x128xf32, #tpu.memory_space<vmem_shared>> -> memref<10000x128xf32, #tpu.memory_space<vmem_shared>>
        tpu.wait_indirect_dma semaphore(%run_scoped3A_260 : memref<!tpu.dma_semaphore, #tpu.memory_space<semaphore_mem>>) src(%arg13 : memref<128x128xf32, #tpu.memory_space<vmem>>) dst(%dma_wait3A_272 : memref<10000x128xf32, #tpu.memory_space<vmem_shared>>)
        tpu.yield
      }) : () -> ()
      %jit3A_225 = arith.constant 4 : i32
      %div3A_226 = arith.divsi %select_n3A, %jit3A_225 : i32
      %sign3A_227 = arith.constant 0 : i32
      %sign3A_228 = arith.cmpi sgt, %select_n3A, %sign3A_227 : i32
      %sign3A_229 = arith.extui %sign3A_228 : i1 to i32
      %sign3A_230 = arith.constant 0 : i32
      %sign3A_231 = arith.cmpi slt, %select_n3A, %sign3A_230 : i32
      %sign3A_232 = arith.extui %sign3A_231 : i1 to i32
      %sign3A_233 = arith.subi %sign3A_229, %sign3A_232 : i32
      %sign3A_234 = arith.constant 0 : i32
      %sign3A_235 = arith.cmpi sgt, %jit3A_225, %sign3A_234 : i32
      %sign3A_236 = arith.extui %sign3A_235 : i1 to i32
      %sign3A_237 = arith.constant 0 : i32
      %sign3A_238 = arith.cmpi slt, %jit3A_225, %sign3A_237 : i32
      %sign3A_239 = arith.extui %sign3A_238 : i1 to i32
      %sign3A_240 = arith.subi %sign3A_236, %sign3A_239 : i32
      %ne3A_241 = arith.cmpi ne, %sign3A_233, %sign3A_240 : i32
      %rem3A_242 = arith.remsi %select_n3A, %jit3A_225 : i32
      %ne3A_243 = arith.constant 0 : i32
      %ne3A_244 = arith.cmpi ne, %rem3A_242, %ne3A_243 : i32
      %and3A_245 = arith.andi %ne3A_241, %ne3A_244 : i1
      %sub3A_246 = arith.constant 1 : i32
      %sub3A_247 = arith.subi %div3A_226, %sub3A_246 : i32
      %select_n3A_248 = arith.select %and3A_245, %sub3A_247, %div3A_226 : i32
      %mul3A_249 = arith.constant 4 : i32
      %mul3A_250 = arith.muli %mul3A_249, %select_n3A_248 : i32
      %while3A_251 = arith.constant 0 : i32
      %while3A_252 = arith.subi %select_n3A, %mul3A_250 : i32
      %while3A_253 = arith.addi %mul3A_250, %while3A_252 : i32
      %while3A_254 = arith.constant 1 : i32
      %while3A_255 = arith.divsi %while3A_252, %while3A_254 : i32
      %while3A_256 = arith.muli %while3A_255, %while3A_254 : i32
      %while3A_257 = arith.addi %mul3A_250, %while3A_256 : i32
      %while3A_258 = arith.constant 1 : i32
      scf.for %while3A_260 = %mul3A_250 to %while3A_257 step %while3A_258  : i32 {
        %mul3A_261 = arith.constant 16 : i32
        %mul3A_262 = arith.muli %mul3A_261, %while3A_260 : i32
        %add3A_263 = arith.addi %arg1, %mul3A_262 : i32
        %mul3A_264 = arith.constant 128 : i32
        %mul3A_265 = arith.muli %add3A_263, %mul3A_264 : i32
        %dma_start3A_266 = arith.constant 0 : i32
        %dma_start3A_267 = tpu.memref_slice %arg5[%dma_start3A_266, %mul3A_265] : memref<2x320000xi32, #tpu.memory_space<hbm>> -> memref<2x128xi32, #tpu.memory_space<hbm>>
        %dma_start3A_268 = arith.constant 0 : i32
        %dma_start3A_269 = tpu.memref_slice %arg5[%dma_start3A_268, %mul3A_265] : memref<2x320000xi32, #tpu.memory_space<hbm>> -> memref<2x128xi32, #tpu.memory_space<hbm>>
        tpu.enqueue_dma source(%dma_start3A_269 : memref<2x128xi32, #tpu.memory_space<hbm>>) target(%arg8 : memref<2x128xi32, #tpu.memory_space<vmem>>) target_semaphore(%arg17 : memref<!tpu.dma_semaphore, #tpu.memory_space<semaphore_mem>>)
        %mul3A_270 = arith.constant 16 : i32
        %mul3A_271 = arith.muli %mul3A_270, %while3A_260 : i32
        %add3A_272 = arith.addi %arg1, %mul3A_271 : i32
        %mul3A_273 = arith.constant 128 : i32
        %mul3A_274 = arith.muli %add3A_272, %mul3A_273 : i32
        %dma_wait3A_275 = arith.constant 0 : i32
        %dma_wait3A_276 = tpu.memref_slice %arg5[%dma_wait3A_275, %mul3A_274] : memref<2x320000xi32, #tpu.memory_space<hbm>> -> memref<2x128xi32, #tpu.memory_space<hbm>>
        %dma_wait3A_277 = arith.constant 0 : i32
        %dma_wait3A_278 = tpu.memref_slice %arg5[%dma_wait3A_277, %mul3A_274] : memref<2x320000xi32, #tpu.memory_space<hbm>> -> memref<2x128xi32, #tpu.memory_space<hbm>>
        tpu.wait_dma2 semaphore(%arg17 : memref<!tpu.dma_semaphore, #tpu.memory_space<semaphore_mem>>) src(%dma_wait3A_278 : memref<2x128xi32, #tpu.memory_space<hbm>>) dst(%arg8 : memref<2x128xi32, #tpu.memory_space<vmem>>)
        %dma_start3A_279 = arith.constant 0 : i32
        %dma_start3A_280 = arith.constant 0 : i32
        %dma_start3A_281 = tpu.memref_slice %arg8[%dma_start3A_279, %dma_start3A_280] : memref<2x128xi32, #tpu.memory_space<vmem>> -> memref<1x128xi32, #tpu.memory_space<vmem>>
        %dma_start3A_282 = tpu.memref_squeeze %dma_start3A_281 : memref<1x128xi32, #tpu.memory_space<vmem>> -> memref<128xi32, #tpu.memory_space<vmem>>
        %dma_start3A_283 = arith.constant 0 : i32
        %dma_start3A_284 = arith.constant 0 : i32
        %dma_start3A_285 = tpu.memref_slice %arg3[%dma_start3A_283, %dma_start3A_284] : memref<10000x128xf32, #tpu.memory_space<hbm>> -> memref<10000x128xf32, #tpu.memory_space<hbm>>
        tpu.enqueue_indirect_dma source(%dma_start3A_285 : memref<10000x128xf32, #tpu.memory_space<hbm>>) target(%arg12 : memref<128x128xf32, #tpu.memory_space<vmem>>) offsets(%dma_start3A_282 : memref<128xi32, #tpu.memory_space<vmem>>) semaphore(%arg15 : memref<!tpu.dma_semaphore, #tpu.memory_space<semaphore_mem>>)
        %dma_wait3A_286 = arith.constant 0 : i32
        %dma_wait3A_287 = arith.constant 0 : i32
        %dma_wait3A_288 = tpu.memref_slice %arg8[%dma_wait3A_286, %dma_wait3A_287] : memref<2x128xi32, #tpu.memory_space<vmem>> -> memref<1x128xi32, #tpu.memory_space<vmem>>
        %dma_wait3A_289 = tpu.memref_squeeze %dma_wait3A_288 : memref<1x128xi32, #tpu.memory_space<vmem>> -> memref<128xi32, #tpu.memory_space<vmem>>
        %dma_wait3A_290 = arith.constant 0 : i32
        %dma_wait3A_291 = arith.constant 0 : i32
        %dma_wait3A_292 = tpu.memref_slice %arg3[%dma_wait3A_290, %dma_wait3A_291] : memref<10000x128xf32, #tpu.memory_space<hbm>> -> memref<10000x128xf32, #tpu.memory_space<hbm>>
        tpu.wait_indirect_dma semaphore(%arg15 : memref<!tpu.dma_semaphore, #tpu.memory_space<semaphore_mem>>) src(%dma_wait3A_292 : memref<10000x128xf32, #tpu.memory_space<hbm>>) dst(%arg12 : memref<128x128xf32, #tpu.memory_space<vmem>>)
        %run_scoped3A_293 = arith.constant 1 : i32
        "tpu.region"() ({
          %run_scoped3A_294 = tpu.sem_alloc : memref<!tpu.dma_semaphore, #tpu.memory_space<semaphore_mem>>
          %dma_start3A_295 = arith.constant 0 : i32
          %dma_start3A_296 = tpu.memref_slice %arg8[%run_scoped3A_293, %dma_start3A_295] : memref<2x128xi32, #tpu.memory_space<vmem>> -> memref<1x128xi32, #tpu.memory_space<vmem>>
          %dma_start3A_297 = tpu.memref_squeeze %dma_start3A_296 : memref<1x128xi32, #tpu.memory_space<vmem>> -> memref<128xi32, #tpu.memory_space<vmem>>
          %dma_start3A_298 = arith.constant 0 : i32
          %dma_start3A_299 = arith.constant 0 : i32
          %dma_start3A_300 = tpu.memref_slice %arg14[%dma_start3A_298, %dma_start3A_299] : memref<10000x128xf32, #tpu.memory_space<vmem_shared>> -> memref<10000x128xf32, #tpu.memory_space<vmem_shared>>
          tpu.enqueue_indirect_dma source(%arg12 : memref<128x128xf32, #tpu.memory_space<vmem>>) target(%dma_start3A_300 : memref<10000x128xf32, #tpu.memory_space<vmem_shared>>) offsets(%dma_start3A_297 : memref<128xi32, #tpu.memory_space<vmem>>) semaphore(%run_scoped3A_294 : memref<!tpu.dma_semaphore, #tpu.memory_space<semaphore_mem>>) {add = true}
          %dma_wait3A_301 = arith.constant 0 : i32
          %dma_wait3A_302 = tpu.memref_slice %arg8[%run_scoped3A_293, %dma_wait3A_301] : memref<2x128xi32, #tpu.memory_space<vmem>> -> memref<1x128xi32, #tpu.memory_space<vmem>>
          %dma_wait3A_303 = tpu.memref_squeeze %dma_wait3A_302 : memref<1x128xi32, #tpu.memory_space<vmem>> -> memref<128xi32, #tpu.memory_space<vmem>>
          %dma_wait3A_304 = arith.constant 0 : i32
          %dma_wait3A_305 = arith.constant 0 : i32
          %dma_wait3A_306 = tpu.memref_slice %arg14[%dma_wait3A_304, %dma_wait3A_305] : memref<10000x128xf32, #tpu.memory_space<vmem_shared>> -> memref<10000x128xf32, #tpu.memory_space<vmem_shared>>
          tpu.wait_indirect_dma semaphore(%run_scoped3A_294 : memref<!tpu.dma_semaphore, #tpu.memory_space<semaphore_mem>>) src(%arg12 : memref<128x128xf32, #tpu.memory_space<vmem>>) dst(%dma_wait3A_306 : memref<10000x128xf32, #tpu.memory_space<vmem_shared>>)
          tpu.yield
        }) : () -> ()
      }
      %while3A_259 = arith.constant 1 : i32
      scf.for %while3A_260 = %while3A_257 to %while3A_253 step %while3A_259  : i32 {
        %mul3A_261 = arith.constant 16 : i32
        %mul3A_262 = arith.muli %mul3A_261, %while3A_260 : i32
        %add3A_263 = arith.addi %arg1, %mul3A_262 : i32
        %mul3A_264 = arith.constant 128 : i32
        %mul3A_265 = arith.muli %add3A_263, %mul3A_264 : i32
        %dma_start3A_266 = arith.constant 0 : i32
        %dma_start3A_267 = tpu.memref_slice %arg5[%dma_start3A_266, %mul3A_265] : memref<2x320000xi32, #tpu.memory_space<hbm>> -> memref<2x128xi32, #tpu.memory_space<hbm>>
        %dma_start3A_268 = arith.constant 0 : i32
        %dma_start3A_269 = tpu.memref_slice %arg5[%dma_start3A_268, %mul3A_265] : memref<2x320000xi32, #tpu.memory_space<hbm>> -> memref<2x128xi32, #tpu.memory_space<hbm>>
        tpu.enqueue_dma source(%dma_start3A_269 : memref<2x128xi32, #tpu.memory_space<hbm>>) target(%arg8 : memref<2x128xi32, #tpu.memory_space<vmem>>) target_semaphore(%arg17 : memref<!tpu.dma_semaphore, #tpu.memory_space<semaphore_mem>>)
        %mul3A_270 = arith.constant 16 : i32
        %mul3A_271 = arith.muli %mul3A_270, %while3A_260 : i32
        %add3A_272 = arith.addi %arg1, %mul3A_271 : i32
        %mul3A_273 = arith.constant 128 : i32
        %mul3A_274 = arith.muli %add3A_272, %mul3A_273 : i32
        %dma_wait3A_275 = arith.constant 0 : i32
        %dma_wait3A_276 = tpu.memref_slice %arg5[%dma_wait3A_275, %mul3A_274] : memref<2x320000xi32, #tpu.memory_space<hbm>> -> memref<2x128xi32, #tpu.memory_space<hbm>>
        %dma_wait3A_277 = arith.constant 0 : i32
        %dma_wait3A_278 = tpu.memref_slice %arg5[%dma_wait3A_277, %mul3A_274] : memref<2x320000xi32, #tpu.memory_space<hbm>> -> memref<2x128xi32, #tpu.memory_space<hbm>>
        tpu.wait_dma2 semaphore(%arg17 : memref<!tpu.dma_semaphore, #tpu.memory_space<semaphore_mem>>) src(%dma_wait3A_278 : memref<2x128xi32, #tpu.memory_space<hbm>>) dst(%arg8 : memref<2x128xi32, #tpu.memory_space<vmem>>)
        %dma_start3A_279 = arith.constant 0 : i32
        %dma_start3A_280 = arith.constant 0 : i32
        %dma_start3A_281 = tpu.memref_slice %arg8[%dma_start3A_279, %dma_start3A_280] : memref<2x128xi32, #tpu.memory_space<vmem>> -> memref<1x128xi32, #tpu.memory_space<vmem>>
        %dma_start3A_282 = tpu.memref_squeeze %dma_start3A_281 : memref<1x128xi32, #tpu.memory_space<vmem>> -> memref<128xi32, #tpu.memory_space<vmem>>
        %dma_start3A_283 = arith.constant 0 : i32
        %dma_start3A_284 = arith.constant 0 : i32
        %dma_start3A_285 = tpu.memref_slice %arg3[%dma_start3A_283, %dma_start3A_284] : memref<10000x128xf32, #tpu.memory_space<hbm>> -> memref<10000x128xf32, #tpu.memory_space<hbm>>
        tpu.enqueue_indirect_dma source(%dma_start3A_285 : memref<10000x128xf32, #tpu.memory_space<hbm>>) target(%arg12 : memref<128x128xf32, #tpu.memory_space<vmem>>) offsets(%dma_start3A_282 : memref<128xi32, #tpu.memory_space<vmem>>) semaphore(%arg15 : memref<!tpu.dma_semaphore, #tpu.memory_space<semaphore_mem>>)
        %dma_wait3A_286 = arith.constant 0 : i32
        %dma_wait3A_287 = arith.constant 0 : i32
        %dma_wait3A_288 = tpu.memref_slice %arg8[%dma_wait3A_286, %dma_wait3A_287] : memref<2x128xi32, #tpu.memory_space<vmem>> -> memref<1x128xi32, #tpu.memory_space<vmem>>
        %dma_wait3A_289 = tpu.memref_squeeze %dma_wait3A_288 : memref<1x128xi32, #tpu.memory_space<vmem>> -> memref<128xi32, #tpu.memory_space<vmem>>
        %dma_wait3A_290 = arith.constant 0 : i32
        %dma_wait3A_291 = arith.constant 0 : i32
        %dma_wait3A_292 = tpu.memref_slice %arg3[%dma_wait3A_290, %dma_wait3A_291] : memref<10000x128xf32, #tpu.memory_space<hbm>> -> memref<10000x128xf32, #tpu.memory_space<hbm>>
        tpu.wait_indirect_dma semaphore(%arg15 : memref<!tpu.dma_semaphore, #tpu.memory_space<semaphore_mem>>) src(%dma_wait3A_292 : memref<10000x128xf32, #tpu.memory_space<hbm>>) dst(%arg12 : memref<128x128xf32, #tpu.memory_space<vmem>>)
        %run_scoped3A_293 = arith.constant 1 : i32
        "tpu.region"() ({
          %run_scoped3A_294 = tpu.sem_alloc : memref<!tpu.dma_semaphore, #tpu.memory_space<semaphore_mem>>
          %dma_start3A_295 = arith.constant 0 : i32
          %dma_start3A_296 = tpu.memref_slice %arg8[%run_scoped3A_293, %dma_start3A_295] : memref<2x128xi32, #tpu.memory_space<vmem>> -> memref<1x128xi32, #tpu.memory_space<vmem>>
          %dma_start3A_297 = tpu.memref_squeeze %dma_start3A_296 : memref<1x128xi32, #tpu.memory_space<vmem>> -> memref<128xi32, #tpu.memory_space<vmem>>
          %dma_start3A_298 = arith.constant 0 : i32
          %dma_start3A_299 = arith.constant 0 : i32
          %dma_start3A_300 = tpu.memref_slice %arg14[%dma_start3A_298, %dma_start3A_299] : memref<10000x128xf32, #tpu.memory_space<vmem_shared>> -> memref<10000x128xf32, #tpu.memory_space<vmem_shared>>
          tpu.enqueue_indirect_dma source(%arg12 : memref<128x128xf32, #tpu.memory_space<vmem>>) target(%dma_start3A_300 : memref<10000x128xf32, #tpu.memory_space<vmem_shared>>) offsets(%dma_start3A_297 : memref<128xi32, #tpu.memory_space<vmem>>) semaphore(%run_scoped3A_294 : memref<!tpu.dma_semaphore, #tpu.memory_space<semaphore_mem>>) {add = true}
          %dma_wait3A_301 = arith.constant 0 : i32
          %dma_wait3A_302 = tpu.memref_slice %arg8[%run_scoped3A_293, %dma_wait3A_301] : memref<2x128xi32, #tpu.memory_space<vmem>> -> memref<1x128xi32, #tpu.memory_space<vmem>>
          %dma_wait3A_303 = tpu.memref_squeeze %dma_wait3A_302 : memref<1x128xi32, #tpu.memory_space<vmem>> -> memref<128xi32, #tpu.memory_space<vmem>>
          %dma_wait3A_304 = arith.constant 0 : i32
          %dma_wait3A_305 = arith.constant 0 : i32
          %dma_wait3A_306 = tpu.memref_slice %arg14[%dma_wait3A_304, %dma_wait3A_305] : memref<10000x128xf32, #tpu.memory_space<vmem_shared>> -> memref<10000x128xf32, #tpu.memory_space<vmem_shared>>
          tpu.wait_indirect_dma semaphore(%run_scoped3A_294 : memref<!tpu.dma_semaphore, #tpu.memory_space<semaphore_mem>>) src(%arg12 : memref<128x128xf32, #tpu.memory_space<vmem>>) dst(%dma_wait3A_306 : memref<10000x128xf32, #tpu.memory_space<vmem_shared>>)
          tpu.yield
        }) : () -> ()
      }
    } else {
    }
    %barrier3A_26 = arith.constant 0 : index
    tpu.barrier barrier_id(%barrier3A_26)
    %eq3A_27 = arith.constant 0 : i32
    %eq3A_28 = arith.cmpi eq, %arg0, %eq3A_27 : i32
    %convert_element_type3A_29 = arith.extui %eq3A_28 : i1 to i32
    %cond3A_30 = arith.constant 0 : i32
    %cond3A_31 = arith.cmpi ne, %convert_element_type3A_29, %cond3A_30 : i32
    scf.if %cond3A_31 {
      "tpu.region"() ({
        %run_scoped3A = tpu.sem_alloc : memref<!tpu.dma_semaphore, #tpu.memory_space<semaphore_mem>>
        %dma_start3A = arith.constant 0 : i32
        %dma_start3A_37 = tpu.memref_slice %arg6[%min3A_7, %dma_start3A] : memref<10000x128xf32, #tpu.memory_space<hbm>> -> memref<640x128xf32, #tpu.memory_space<hbm>>
        %dma_start3A_38 = arith.constant 0 : i32
        %dma_start3A_39 = tpu.memref_slice %arg14[%min3A_7, %dma_start3A_38] : memref<10000x128xf32, #tpu.memory_space<vmem_shared>> -> memref<640x128xf32, #tpu.memory_space<vmem_shared>>
        tpu.enqueue_dma source(%dma_start3A_39 : memref<640x128xf32, #tpu.memory_space<vmem_shared>>) target(%dma_start3A_37 : memref<640x128xf32, #tpu.memory_space<hbm>>) target_semaphore(%run_scoped3A : memref<!tpu.dma_semaphore, #tpu.memory_space<semaphore_mem>>)
        %dma_wait3A = arith.constant 0 : i32
        %dma_wait3A_40 = tpu.memref_slice %arg6[%min3A_7, %dma_wait3A] : memref<10000x128xf32, #tpu.memory_space<hbm>> -> memref<640x128xf32, #tpu.memory_space<hbm>>
        %dma_wait3A_41 = arith.constant 0 : i32
        %dma_wait3A_42 = tpu.memref_slice %arg14[%min3A_7, %dma_wait3A_41] : memref<10000x128xf32, #tpu.memory_space<vmem_shared>> -> memref<640x128xf32, #tpu.memory_space<vmem_shared>>
        tpu.wait_dma2 semaphore(%run_scoped3A : memref<!tpu.dma_semaphore, #tpu.memory_space<semaphore_mem>>) src(%dma_wait3A_42 : memref<640x128xf32, #tpu.memory_space<vmem_shared>>) dst(%dma_wait3A_40 : memref<640x128xf32, #tpu.memory_space<hbm>>)
        tpu.yield
      }) : () -> ()
    } else {
    }
    %eq3A_32 = arith.constant 1 : i32
    %eq3A_33 = arith.cmpi eq, %arg0, %eq3A_32 : i32
    %convert_element_type3A_34 = arith.extui %eq3A_33 : i1 to i32
    %cond3A_35 = arith.constant 0 : i32
    %cond3A_36 = arith.cmpi ne, %convert_element_type3A_34, %cond3A_35 : i32
    scf.if %cond3A_36 {
      "tpu.region"() ({
        %run_scoped3A = tpu.sem_alloc : memref<!tpu.dma_semaphore, #tpu.memory_space<semaphore_mem>>
        %dma_start3A = arith.constant 0 : i32
        %dma_start3A_37 = tpu.memref_slice %arg7[%min3A_7, %dma_start3A] : memref<10000x128xf32, #tpu.memory_space<hbm>> -> memref<640x128xf32, #tpu.memory_space<hbm>>
        %dma_start3A_38 = arith.constant 0 : i32
        %dma_start3A_39 = tpu.memref_slice %arg14[%min3A_7, %dma_start3A_38] : memref<10000x128xf32, #tpu.memory_space<vmem_shared>> -> memref<640x128xf32, #tpu.memory_space<vmem_shared>>
        tpu.enqueue_dma source(%dma_start3A_39 : memref<640x128xf32, #tpu.memory_space<vmem_shared>>) target(%dma_start3A_37 : memref<640x128xf32, #tpu.memory_space<hbm>>) target_semaphore(%run_scoped3A : memref<!tpu.dma_semaphore, #tpu.memory_space<semaphore_mem>>)
        %dma_wait3A = arith.constant 0 : i32
        %dma_wait3A_40 = tpu.memref_slice %arg7[%min3A_7, %dma_wait3A] : memref<10000x128xf32, #tpu.memory_space<hbm>> -> memref<640x128xf32, #tpu.memory_space<hbm>>
        %dma_wait3A_41 = arith.constant 0 : i32
        %dma_wait3A_42 = tpu.memref_slice %arg14[%min3A_7, %dma_wait3A_41] : memref<10000x128xf32, #tpu.memory_space<vmem_shared>> -> memref<640x128xf32, #tpu.memory_space<vmem_shared>>
        tpu.wait_dma2 semaphore(%run_scoped3A : memref<!tpu.dma_semaphore, #tpu.memory_space<semaphore_mem>>) src(%dma_wait3A_42 : memref<640x128xf32, #tpu.memory_space<vmem_shared>>) dst(%dma_wait3A_40 : memref<640x128xf32, #tpu.memory_space<hbm>>)
        tpu.yield
      }) : () -> ()
    } else {
    }
    return
  }
}

#map = affine_map<(d0, d1) -> (0, 0)>
module attributes {stable_mosaic.version = 14 : i64} {
  func.func @_seg2_body(%arg0: i32, %arg1: i32, %arg2: memref<10000x128xf32, #tpu.memory_space<hbm>>, %arg3: memref<10000x128xf32, #tpu.memory_space<hbm>>, %arg4: memref<2x320000xi32, #tpu.memory_space<hbm>>, %arg5: memref<2x320000xi32, #tpu.memory_space<hbm>>, %arg6: memref<10000x128xf32, #tpu.memory_space<hbm>>, %arg7: memref<10000x128xf32, #tpu.memory_space<hbm>>, %arg8: memref<2x128xi32, #tpu.memory_space<vmem>>, %arg9: memref<2x128xi32, #tpu.memory_space<vmem>>, %arg10: memref<2x128xi32, #tpu.memory_space<vmem>>, %arg11: memref<2x128xi32, #tpu.memory_space<vmem>>, %arg12: memref<128x128xf32, #tpu.memory_space<vmem>>, %arg13: memref<128x128xf32, #tpu.memory_space<vmem>>, %arg14: memref<10000x128xf32, #tpu.memory_space<vmem_shared>>, %arg15: memref<!tpu.dma_semaphore, #tpu.memory_space<semaphore_mem>>, %arg16: memref<!tpu.dma_semaphore, #tpu.memory_space<semaphore_mem>>, %arg17: memref<!tpu.dma_semaphore, #tpu.memory_space<semaphore_mem>>, %arg18: memref<!tpu.dma_semaphore, #tpu.memory_space<semaphore_mem>>, %arg19: memref<!tpu.dma_semaphore, #tpu.memory_space<semaphore_mem>>, %arg20: memref<!tpu.dma_semaphore, #tpu.memory_space<semaphore_mem>>) attributes {dimension_semantics = [#tpu.dimension_semantics<core_parallel>, #tpu.dimension_semantics<subcore_parallel>], iteration_bounds = array<i64: 2, 16>, scalar_prefetch = 0 : i64, scratch_operands = 13 : i64, tpu.core_type = #tpu.core_type<sc_vector_subcore>, window_params = [{transform_indices = #map}, {transform_indices = #map}, {transform_indices = #map}, {transform_indices = #map}, {transform_indices = #map}, {transform_indices = #map}]} {
    %broadcast_in_dim3A = arith.constant 0.000000e+00 : f32
    %broadcast_in_dim3A_0 = vector.broadcast %broadcast_in_dim3A : f32 to vector<16xf32>
    %scan3A = arith.constant 0 : i32
    %scan3A_1 = arith.constant 0 : i32
    %scan3A_2 = arith.constant 128 : i32
    %scan3A_3 = arith.addi %scan3A_1, %scan3A_2 : i32
    %scan3A_4 = arith.constant 1 : i32
    scf.for %scan3A_37 = %scan3A_1 to %scan3A_3 step %scan3A_4  : i32 {
      %swap3A = arith.index_cast %scan3A_37 : i32 to index
      %swap3A_38 = arith.constant 0 : index
      %swap3A_39 = tpu.vector_load %arg12[%swap3A, %swap3A_38] {strides = array<i32>} : memref<128x128xf32, #tpu.memory_space<vmem>>, vector<1x16xf32>,
      %swap3A_40 = vector.shape_cast %swap3A_39 : vector<1x16xf32> to vector<16xf32>
      %swap3A_41 = vector.shape_cast %broadcast_in_dim3A_0 : vector<16xf32> to vector<1x16xf32>
      tpu.vector_store %arg12[%swap3A, %swap3A_38], %swap3A_41 {strides = array<i32>} : memref<128x128xf32, #tpu.memory_space<vmem>>, vector<1x16xf32>,
      %swap3A_42 = arith.index_cast %scan3A_37 : i32 to index
      %swap3A_43 = arith.constant 16 : index
      %swap3A_44 = tpu.vector_load %arg12[%swap3A_42, %swap3A_43] {strides = array<i32>} : memref<128x128xf32, #tpu.memory_space<vmem>>, vector<1x16xf32>,
      %swap3A_45 = vector.shape_cast %swap3A_44 : vector<1x16xf32> to vector<16xf32>
      %swap3A_46 = vector.shape_cast %broadcast_in_dim3A_0 : vector<16xf32> to vector<1x16xf32>
      tpu.vector_store %arg12[%swap3A_42, %swap3A_43], %swap3A_46 {strides = array<i32>} : memref<128x128xf32, #tpu.memory_space<vmem>>, vector<1x16xf32>,
      %swap3A_47 = arith.index_cast %scan3A_37 : i32 to index
      %swap3A_48 = arith.constant 32 : index
      %swap3A_49 = tpu.vector_load %arg12[%swap3A_47, %swap3A_48] {strides = array<i32>} : memref<128x128xf32, #tpu.memory_space<vmem>>, vector<1x16xf32>,
      %swap3A_50 = vector.shape_cast %swap3A_49 : vector<1x16xf32> to vector<16xf32>
      %swap3A_51 = vector.shape_cast %broadcast_in_dim3A_0 : vector<16xf32> to vector<1x16xf32>
      tpu.vector_store %arg12[%swap3A_47, %swap3A_48], %swap3A_51 {strides = array<i32>} : memref<128x128xf32, #tpu.memory_space<vmem>>, vector<1x16xf32>,
      %swap3A_52 = arith.index_cast %scan3A_37 : i32 to index
      %swap3A_53 = arith.constant 48 : index
      %swap3A_54 = tpu.vector_load %arg12[%swap3A_52, %swap3A_53] {strides = array<i32>} : memref<128x128xf32, #tpu.memory_space<vmem>>, vector<1x16xf32>,
      %swap3A_55 = vector.shape_cast %swap3A_54 : vector<1x16xf32> to vector<16xf32>
      %swap3A_56 = vector.shape_cast %broadcast_in_dim3A_0 : vector<16xf32> to vector<1x16xf32>
      tpu.vector_store %arg12[%swap3A_52, %swap3A_53], %swap3A_56 {strides = array<i32>} : memref<128x128xf32, #tpu.memory_space<vmem>>, vector<1x16xf32>,
      %swap3A_57 = arith.index_cast %scan3A_37 : i32 to index
      %swap3A_58 = arith.constant 64 : index
      %swap3A_59 = tpu.vector_load %arg12[%swap3A_57, %swap3A_58] {strides = array<i32>} : memref<128x128xf32, #tpu.memory_space<vmem>>, vector<1x16xf32>,
      %swap3A_60 = vector.shape_cast %swap3A_59 : vector<1x16xf32> to vector<16xf32>
      %swap3A_61 = vector.shape_cast %broadcast_in_dim3A_0 : vector<16xf32> to vector<1x16xf32>
      tpu.vector_store %arg12[%swap3A_57, %swap3A_58], %swap3A_61 {strides = array<i32>} : memref<128x128xf32, #tpu.memory_space<vmem>>, vector<1x16xf32>,
      %swap3A_62 = arith.index_cast %scan3A_37 : i32 to index
      %swap3A_63 = arith.constant 80 : index
      %swap3A_64 = tpu.vector_load %arg12[%swap3A_62, %swap3A_63] {strides = array<i32>} : memref<128x128xf32, #tpu.memory_space<vmem>>, vector<1x16xf32>,
      %swap3A_65 = vector.shape_cast %swap3A_64 : vector<1x16xf32> to vector<16xf32>
      %swap3A_66 = vector.shape_cast %broadcast_in_dim3A_0 : vector<16xf32> to vector<1x16xf32>
      tpu.vector_store %arg12[%swap3A_62, %swap3A_63], %swap3A_66 {strides = array<i32>} : memref<128x128xf32, #tpu.memory_space<vmem>>, vector<1x16xf32>,
      %swap3A_67 = arith.index_cast %scan3A_37 : i32 to index
      %swap3A_68 = arith.constant 96 : index
      %swap3A_69 = tpu.vector_load %arg12[%swap3A_67, %swap3A_68] {strides = array<i32>} : memref<128x128xf32, #tpu.memory_space<vmem>>, vector<1x16xf32>,
      %swap3A_70 = vector.shape_cast %swap3A_69 : vector<1x16xf32> to vector<16xf32>
      %swap3A_71 = vector.shape_cast %broadcast_in_dim3A_0 : vector<16xf32> to vector<1x16xf32>
      tpu.vector_store %arg12[%swap3A_67, %swap3A_68], %swap3A_71 {strides = array<i32>} : memref<128x128xf32, #tpu.memory_space<vmem>>, vector<1x16xf32>,
      %swap3A_72 = arith.index_cast %scan3A_37 : i32 to index
      %swap3A_73 = arith.constant 112 : index
      %swap3A_74 = tpu.vector_load %arg12[%swap3A_72, %swap3A_73] {strides = array<i32>} : memref<128x128xf32, #tpu.memory_space<vmem>>, vector<1x16xf32>,
      %swap3A_75 = vector.shape_cast %swap3A_74 : vector<1x16xf32> to vector<16xf32>
      %swap3A_76 = vector.shape_cast %broadcast_in_dim3A_0 : vector<16xf32> to vector<1x16xf32>
      tpu.vector_store %arg12[%swap3A_72, %swap3A_73], %swap3A_76 {strides = array<i32>} : memref<128x128xf32, #tpu.memory_space<vmem>>, vector<1x16xf32>,
    }
    %scan3A_5 = arith.constant 128 : i32
    %mul3A = arith.constant 640 : i32
    %mul3A_6 = arith.muli %arg1, %mul3A : i32
    %min3A = arith.constant 9360 : i32
    %min3A_7 = arith.minsi %mul3A_6, %min3A : i32
    %add3A = arith.constant 0 : i32
    %add3A_8 = arith.addi %min3A_7, %add3A : i32
    "tpu.region"() ({
      %run_scoped3A = tpu.sem_alloc : memref<!tpu.dma_semaphore, #tpu.memory_space<semaphore_mem>>
      %dma_start3A = arith.constant 0 : i32
      %dma_start3A_37 = tpu.memref_slice %arg14[%add3A_8, %dma_start3A] : memref<10000x128xf32, #tpu.memory_space<vmem_shared>> -> memref<128x128xf32, #tpu.memory_space<vmem_shared>>
      %dma_start3A_38 = arith.constant 0 : i32
      %dma_start3A_39 = tpu.memref_slice %arg14[%add3A_8, %dma_start3A_38] : memref<10000x128xf32, #tpu.memory_space<vmem_shared>> -> memref<128x128xf32, #tpu.memory_space<vmem_shared>>
      tpu.enqueue_dma source(%arg12 : memref<128x128xf32, #tpu.memory_space<vmem>>) target(%dma_start3A_39 : memref<128x128xf32, #tpu.memory_space<vmem_shared>>) target_semaphore(%run_scoped3A : memref<!tpu.dma_semaphore, #tpu.memory_space<semaphore_mem>>)
      %dma_wait3A = arith.constant 0 : i32
      %dma_wait3A_40 = tpu.memref_slice %arg14[%add3A_8, %dma_wait3A] : memref<10000x128xf32, #tpu.memory_space<vmem_shared>> -> memref<128x128xf32, #tpu.memory_space<vmem_shared>>
      %dma_wait3A_41 = arith.constant 0 : i32
      %dma_wait3A_42 = tpu.memref_slice %arg14[%add3A_8, %dma_wait3A_41] : memref<10000x128xf32, #tpu.memory_space<vmem_shared>> -> memref<128x128xf32, #tpu.memory_space<vmem_shared>>
      tpu.wait_dma2 semaphore(%run_scoped3A : memref<!tpu.dma_semaphore, #tpu.memory_space<semaphore_mem>>) src(%arg12 : memref<128x128xf32, #tpu.memory_space<vmem>>) dst(%dma_wait3A_42 : memref<128x128xf32, #tpu.memory_space<vmem_shared>>)
      tpu.yield
    }) : () -> ()
    %add3A_9 = arith.constant 128 : i32
    %add3A_10 = arith.addi %min3A_7, %add3A_9 : i32
    "tpu.region"() ({
      %run_scoped3A = tpu.sem_alloc : memref<!tpu.dma_semaphore, #tpu.memory_space<semaphore_mem>>
      %dma_start3A = arith.constant 0 : i32
      %dma_start3A_37 = tpu.memref_slice %arg14[%add3A_10, %dma_start3A] : memref<10000x128xf32, #tpu.memory_space<vmem_shared>> -> memref<128x128xf32, #tpu.memory_space<vmem_shared>>
      %dma_start3A_38 = arith.constant 0 : i32
      %dma_start3A_39 = tpu.memref_slice %arg14[%add3A_10, %dma_start3A_38] : memref<10000x128xf32, #tpu.memory_space<vmem_shared>> -> memref<128x128xf32, #tpu.memory_space<vmem_shared>>
      tpu.enqueue_dma source(%arg12 : memref<128x128xf32, #tpu.memory_space<vmem>>) target(%dma_start3A_39 : memref<128x128xf32, #tpu.memory_space<vmem_shared>>) target_semaphore(%run_scoped3A : memref<!tpu.dma_semaphore, #tpu.memory_space<semaphore_mem>>)
      %dma_wait3A = arith.constant 0 : i32
      %dma_wait3A_40 = tpu.memref_slice %arg14[%add3A_10, %dma_wait3A] : memref<10000x128xf32, #tpu.memory_space<vmem_shared>> -> memref<128x128xf32, #tpu.memory_space<vmem_shared>>
      %dma_wait3A_41 = arith.constant 0 : i32
      %dma_wait3A_42 = tpu.memref_slice %arg14[%add3A_10, %dma_wait3A_41] : memref<10000x128xf32, #tpu.memory_space<vmem_shared>> -> memref<128x128xf32, #tpu.memory_space<vmem_shared>>
      tpu.wait_dma2 semaphore(%run_scoped3A : memref<!tpu.dma_semaphore, #tpu.memory_space<semaphore_mem>>) src(%arg12 : memref<128x128xf32, #tpu.memory_space<vmem>>) dst(%dma_wait3A_42 : memref<128x128xf32, #tpu.memory_space<vmem_shared>>)
      tpu.yield
    }) : () -> ()
    %add3A_11 = arith.constant 256 : i32
    %add3A_12 = arith.addi %min3A_7, %add3A_11 : i32
    "tpu.region"() ({
      %run_scoped3A = tpu.sem_alloc : memref<!tpu.dma_semaphore, #tpu.memory_space<semaphore_mem>>
      %dma_start3A = arith.constant 0 : i32
      %dma_start3A_37 = tpu.memref_slice %arg14[%add3A_12, %dma_start3A] : memref<10000x128xf32, #tpu.memory_space<vmem_shared>> -> memref<128x128xf32, #tpu.memory_space<vmem_shared>>
      %dma_start3A_38 = arith.constant 0 : i32
      %dma_start3A_39 = tpu.memref_slice %arg14[%add3A_12, %dma_start3A_38] : memref<10000x128xf32, #tpu.memory_space<vmem_shared>> -> memref<128x128xf32, #tpu.memory_space<vmem_shared>>
      tpu.enqueue_dma source(%arg12 : memref<128x128xf32, #tpu.memory_space<vmem>>) target(%dma_start3A_39 : memref<128x128xf32, #tpu.memory_space<vmem_shared>>) target_semaphore(%run_scoped3A : memref<!tpu.dma_semaphore, #tpu.memory_space<semaphore_mem>>)
      %dma_wait3A = arith.constant 0 : i32
      %dma_wait3A_40 = tpu.memref_slice %arg14[%add3A_12, %dma_wait3A] : memref<10000x128xf32, #tpu.memory_space<vmem_shared>> -> memref<128x128xf32, #tpu.memory_space<vmem_shared>>
      %dma_wait3A_41 = arith.constant 0 : i32
      %dma_wait3A_42 = tpu.memref_slice %arg14[%add3A_12, %dma_wait3A_41] : memref<10000x128xf32, #tpu.memory_space<vmem_shared>> -> memref<128x128xf32, #tpu.memory_space<vmem_shared>>
      tpu.wait_dma2 semaphore(%run_scoped3A : memref<!tpu.dma_semaphore, #tpu.memory_space<semaphore_mem>>) src(%arg12 : memref<128x128xf32, #tpu.memory_space<vmem>>) dst(%dma_wait3A_42 : memref<128x128xf32, #tpu.memory_space<vmem_shared>>)
      tpu.yield
    }) : () -> ()
    %add3A_13 = arith.constant 384 : i32
    %add3A_14 = arith.addi %min3A_7, %add3A_13 : i32
    "tpu.region"() ({
      %run_scoped3A = tpu.sem_alloc : memref<!tpu.dma_semaphore, #tpu.memory_space<semaphore_mem>>
      %dma_start3A = arith.constant 0 : i32
      %dma_start3A_37 = tpu.memref_slice %arg14[%add3A_14, %dma_start3A] : memref<10000x128xf32, #tpu.memory_space<vmem_shared>> -> memref<128x128xf32, #tpu.memory_space<vmem_shared>>
      %dma_start3A_38 = arith.constant 0 : i32
      %dma_start3A_39 = tpu.memref_slice %arg14[%add3A_14, %dma_start3A_38] : memref<10000x128xf32, #tpu.memory_space<vmem_shared>> -> memref<128x128xf32, #tpu.memory_space<vmem_shared>>
      tpu.enqueue_dma source(%arg12 : memref<128x128xf32, #tpu.memory_space<vmem>>) target(%dma_start3A_39 : memref<128x128xf32, #tpu.memory_space<vmem_shared>>) target_semaphore(%run_scoped3A : memref<!tpu.dma_semaphore, #tpu.memory_space<semaphore_mem>>)
      %dma_wait3A = arith.constant 0 : i32
      %dma_wait3A_40 = tpu.memref_slice %arg14[%add3A_14, %dma_wait3A] : memref<10000x128xf32, #tpu.memory_space<vmem_shared>> -> memref<128x128xf32, #tpu.memory_space<vmem_shared>>
      %dma_wait3A_41 = arith.constant 0 : i32
      %dma_wait3A_42 = tpu.memref_slice %arg14[%add3A_14, %dma_wait3A_41] : memref<10000x128xf32, #tpu.memory_space<vmem_shared>> -> memref<128x128xf32, #tpu.memory_space<vmem_shared>>
      tpu.wait_dma2 semaphore(%run_scoped3A : memref<!tpu.dma_semaphore, #tpu.memory_space<semaphore_mem>>) src(%arg12 : memref<128x128xf32, #tpu.memory_space<vmem>>) dst(%dma_wait3A_42 : memref<128x128xf32, #tpu.memory_space<vmem_shared>>)
      tpu.yield
    }) : () -> ()
    %add3A_15 = arith.constant 512 : i32
    %add3A_16 = arith.addi %min3A_7, %add3A_15 : i32
    "tpu.region"() ({
      %run_scoped3A = tpu.sem_alloc : memref<!tpu.dma_semaphore, #tpu.memory_space<semaphore_mem>>
      %dma_start3A = arith.constant 0 : i32
      %dma_start3A_37 = tpu.memref_slice %arg14[%add3A_16, %dma_start3A] : memref<10000x128xf32, #tpu.memory_space<vmem_shared>> -> memref<128x128xf32, #tpu.memory_space<vmem_shared>>
      %dma_start3A_38 = arith.constant 0 : i32
      %dma_start3A_39 = tpu.memref_slice %arg14[%add3A_16, %dma_start3A_38] : memref<10000x128xf32, #tpu.memory_space<vmem_shared>> -> memref<128x128xf32, #tpu.memory_space<vmem_shared>>
      tpu.enqueue_dma source(%arg12 : memref<128x128xf32, #tpu.memory_space<vmem>>) target(%dma_start3A_39 : memref<128x128xf32, #tpu.memory_space<vmem_shared>>) target_semaphore(%run_scoped3A : memref<!tpu.dma_semaphore, #tpu.memory_space<semaphore_mem>>)
      %dma_wait3A = arith.constant 0 : i32
      %dma_wait3A_40 = tpu.memref_slice %arg14[%add3A_16, %dma_wait3A] : memref<10000x128xf32, #tpu.memory_space<vmem_shared>> -> memref<128x128xf32, #tpu.memory_space<vmem_shared>>
      %dma_wait3A_41 = arith.constant 0 : i32
      %dma_wait3A_42 = tpu.memref_slice %arg14[%add3A_16, %dma_wait3A_41] : memref<10000x128xf32, #tpu.memory_space<vmem_shared>> -> memref<128x128xf32, #tpu.memory_space<vmem_shared>>
      tpu.wait_dma2 semaphore(%run_scoped3A : memref<!tpu.dma_semaphore, #tpu.memory_space<semaphore_mem>>) src(%arg12 : memref<128x128xf32, #tpu.memory_space<vmem>>) dst(%dma_wait3A_42 : memref<128x128xf32, #tpu.memory_space<vmem_shared>>)
      tpu.yield
    }) : () -> ()
    %barrier3A = arith.constant 0 : index
    tpu.barrier barrier_id(%barrier3A)
    %lt3A = arith.constant 4 : i32
    %lt3A_17 = arith.cmpi slt, %arg1, %lt3A : i32
    %jit3A = arith.constant 157 : i32
    %jit3A_18 = arith.constant 156 : i32
    %select_n3A = arith.select %lt3A_17, %jit3A, %jit3A_18 : i32
    %eq3A = arith.constant 0 : i32
    %eq3A_19 = arith.cmpi eq, %arg0, %eq3A : i32
    %convert_element_type3A = arith.extui %eq3A_19 : i1 to i32
    %cond3A = arith.constant 0 : i32
    %cond3A_20 = arith.cmpi ne, %convert_element_type3A, %cond3A : i32
    scf.if %cond3A_20 {
      %add3A_37 = arith.constant 0 : i32
      %add3A_38 = arith.addi %arg1, %add3A_37 : i32
      %mul3A_39 = arith.constant 128 : i32
      %mul3A_40 = arith.muli %add3A_38, %mul3A_39 : i32
      %dma_start3A = arith.constant 0 : i32
      %dma_start3A_41 = tpu.memref_slice %arg4[%dma_start3A, %mul3A_40] : memref<2x320000xi32, #tpu.memory_space<hbm>> -> memref<2x128xi32, #tpu.memory_space<hbm>>
      %dma_start3A_42 = arith.constant 0 : i32
      %dma_start3A_43 = tpu.memref_slice %arg4[%dma_start3A_42, %mul3A_40] : memref<2x320000xi32, #tpu.memory_space<hbm>> -> memref<2x128xi32, #tpu.memory_space<hbm>>
      tpu.enqueue_dma source(%dma_start3A_43 : memref<2x128xi32, #tpu.memory_space<hbm>>) target(%arg8 : memref<2x128xi32, #tpu.memory_space<vmem>>) target_semaphore(%arg17 : memref<!tpu.dma_semaphore, #tpu.memory_space<semaphore_mem>>)
      %add3A_44 = arith.constant 16 : i32
      %add3A_45 = arith.addi %arg1, %add3A_44 : i32
      %mul3A_46 = arith.constant 128 : i32
      %mul3A_47 = arith.muli %add3A_45, %mul3A_46 : i32
      %dma_start3A_48 = arith.constant 0 : i32
      %dma_start3A_49 = tpu.memref_slice %arg4[%dma_start3A_48, %mul3A_47] : memref<2x320000xi32, #tpu.memory_space<hbm>> -> memref<2x128xi32, #tpu.memory_space<hbm>>
      %dma_start3A_50 = arith.constant 0 : i32
      %dma_start3A_51 = tpu.memref_slice %arg4[%dma_start3A_50, %mul3A_47] : memref<2x320000xi32, #tpu.memory_space<hbm>> -> memref<2x128xi32, #tpu.memory_space<hbm>>
      tpu.enqueue_dma source(%dma_start3A_51 : memref<2x128xi32, #tpu.memory_space<hbm>>) target(%arg9 : memref<2x128xi32, #tpu.memory_space<vmem>>) target_semaphore(%arg18 : memref<!tpu.dma_semaphore, #tpu.memory_space<semaphore_mem>>)
      %add3A_52 = arith.constant 32 : i32
      %add3A_53 = arith.addi %arg1, %add3A_52 : i32
      %mul3A_54 = arith.constant 128 : i32
      %mul3A_55 = arith.muli %add3A_53, %mul3A_54 : i32
      %dma_start3A_56 = arith.constant 0 : i32
      %dma_start3A_57 = tpu.memref_slice %arg4[%dma_start3A_56, %mul3A_55] : memref<2x320000xi32, #tpu.memory_space<hbm>> -> memref<2x128xi32, #tpu.memory_space<hbm>>
      %dma_start3A_58 = arith.constant 0 : i32
      %dma_start3A_59 = tpu.memref_slice %arg4[%dma_start3A_58, %mul3A_55] : memref<2x320000xi32, #tpu.memory_space<hbm>> -> memref<2x128xi32, #tpu.memory_space<hbm>>
      tpu.enqueue_dma source(%dma_start3A_59 : memref<2x128xi32, #tpu.memory_space<hbm>>) target(%arg10 : memref<2x128xi32, #tpu.memory_space<vmem>>) target_semaphore(%arg19 : memref<!tpu.dma_semaphore, #tpu.memory_space<semaphore_mem>>)
      %add3A_60 = arith.constant 48 : i32
      %add3A_61 = arith.addi %arg1, %add3A_60 : i32
      %mul3A_62 = arith.constant 128 : i32
      %mul3A_63 = arith.muli %add3A_61, %mul3A_62 : i32
      %dma_start3A_64 = arith.constant 0 : i32
      %dma_start3A_65 = tpu.memref_slice %arg4[%dma_start3A_64, %mul3A_63] : memref<2x320000xi32, #tpu.memory_space<hbm>> -> memref<2x128xi32, #tpu.memory_space<hbm>>
      %dma_start3A_66 = arith.constant 0 : i32
      %dma_start3A_67 = tpu.memref_slice %arg4[%dma_start3A_66, %mul3A_63] : memref<2x320000xi32, #tpu.memory_space<hbm>> -> memref<2x128xi32, #tpu.memory_space<hbm>>
      tpu.enqueue_dma source(%dma_start3A_67 : memref<2x128xi32, #tpu.memory_space<hbm>>) target(%arg11 : memref<2x128xi32, #tpu.memory_space<vmem>>) target_semaphore(%arg20 : memref<!tpu.dma_semaphore, #tpu.memory_space<semaphore_mem>>)
      %add3A_68 = arith.constant 0 : i32
      %add3A_69 = arith.addi %arg1, %add3A_68 : i32
      %mul3A_70 = arith.constant 128 : i32
      %mul3A_71 = arith.muli %add3A_69, %mul3A_70 : i32
      %dma_wait3A = arith.constant 0 : i32
      %dma_wait3A_72 = tpu.memref_slice %arg4[%dma_wait3A, %mul3A_71] : memref<2x320000xi32, #tpu.memory_space<hbm>> -> memref<2x128xi32, #tpu.memory_space<hbm>>
      %dma_wait3A_73 = arith.constant 0 : i32
      %dma_wait3A_74 = tpu.memref_slice %arg4[%dma_wait3A_73, %mul3A_71] : memref<2x320000xi32, #tpu.memory_space<hbm>> -> memref<2x128xi32, #tpu.memory_space<hbm>>
      tpu.wait_dma2 semaphore(%arg17 : memref<!tpu.dma_semaphore, #tpu.memory_space<semaphore_mem>>) src(%dma_wait3A_74 : memref<2x128xi32, #tpu.memory_space<hbm>>) dst(%arg8 : memref<2x128xi32, #tpu.memory_space<vmem>>)
      %dma_start3A_75 = arith.constant 0 : i32
      %dma_start3A_76 = arith.constant 0 : i32
      %dma_start3A_77 = tpu.memref_slice %arg8[%dma_start3A_75, %dma_start3A_76] : memref<2x128xi32, #tpu.memory_space<vmem>> -> memref<1x128xi32, #tpu.memory_space<vmem>>
      %dma_start3A_78 = tpu.memref_squeeze %dma_start3A_77 : memref<1x128xi32, #tpu.memory_space<vmem>> -> memref<128xi32, #tpu.memory_space<vmem>>
      %dma_start3A_79 = arith.constant 0 : i32
      %dma_start3A_80 = arith.constant 0 : i32
      %dma_start3A_81 = tpu.memref_slice %arg2[%dma_start3A_79, %dma_start3A_80] : memref<10000x128xf32, #tpu.memory_space<hbm>> -> memref<10000x128xf32, #tpu.memory_space<hbm>>
      tpu.enqueue_indirect_dma source(%dma_start3A_81 : memref<10000x128xf32, #tpu.memory_space<hbm>>) target(%arg12 : memref<128x128xf32, #tpu.memory_space<vmem>>) offsets(%dma_start3A_78 : memref<128xi32, #tpu.memory_space<vmem>>) semaphore(%arg15 : memref<!tpu.dma_semaphore, #tpu.memory_space<semaphore_mem>>)
      %add3A_82 = arith.constant 16 : i32
      %add3A_83 = arith.addi %arg1, %add3A_82 : i32
      %mul3A_84 = arith.constant 128 : i32
      %mul3A_85 = arith.muli %add3A_83, %mul3A_84 : i32
      %dma_wait3A_86 = arith.constant 0 : i32
      %dma_wait3A_87 = tpu.memref_slice %arg4[%dma_wait3A_86, %mul3A_85] : memref<2x320000xi32, #tpu.memory_space<hbm>> -> memref<2x128xi32, #tpu.memory_space<hbm>>
      %dma_wait3A_88 = arith.constant 0 : i32
      %dma_wait3A_89 = tpu.memref_slice %arg4[%dma_wait3A_88, %mul3A_85] : memref<2x320000xi32, #tpu.memory_space<hbm>> -> memref<2x128xi32, #tpu.memory_space<hbm>>
      tpu.wait_dma2 semaphore(%arg18 : memref<!tpu.dma_semaphore, #tpu.memory_space<semaphore_mem>>) src(%dma_wait3A_89 : memref<2x128xi32, #tpu.memory_space<hbm>>) dst(%arg9 : memref<2x128xi32, #tpu.memory_space<vmem>>)
      %dma_start3A_90 = arith.constant 0 : i32
      %dma_start3A_91 = arith.constant 0 : i32
      %dma_start3A_92 = tpu.memref_slice %arg9[%dma_start3A_90, %dma_start3A_91] : memref<2x128xi32, #tpu.memory_space<vmem>> -> memref<1x128xi32, #tpu.memory_space<vmem>>
      %dma_start3A_93 = tpu.memref_squeeze %dma_start3A_92 : memref<1x128xi32, #tpu.memory_space<vmem>> -> memref<128xi32, #tpu.memory_space<vmem>>
      %dma_start3A_94 = arith.constant 0 : i32
      %dma_start3A_95 = arith.constant 0 : i32
      %dma_start3A_96 = tpu.memref_slice %arg2[%dma_start3A_94, %dma_start3A_95] : memref<10000x128xf32, #tpu.memory_space<hbm>> -> memref<10000x128xf32, #tpu.memory_space<hbm>>
      tpu.enqueue_indirect_dma source(%dma_start3A_96 : memref<10000x128xf32, #tpu.memory_space<hbm>>) target(%arg13 : memref<128x128xf32, #tpu.memory_space<vmem>>) offsets(%dma_start3A_93 : memref<128xi32, #tpu.memory_space<vmem>>) semaphore(%arg16 : memref<!tpu.dma_semaphore, #tpu.memory_space<semaphore_mem>>)
      %jit3A_97 = arith.constant 4 : i32
      %div3A = arith.divsi %select_n3A, %jit3A_97 : i32
      %sign3A = arith.constant 0 : i32
      %sign3A_98 = arith.cmpi sgt, %select_n3A, %sign3A : i32
      %sign3A_99 = arith.extui %sign3A_98 : i1 to i32
      %sign3A_100 = arith.constant 0 : i32
      %sign3A_101 = arith.cmpi slt, %select_n3A, %sign3A_100 : i32
      %sign3A_102 = arith.extui %sign3A_101 : i1 to i32
      %sign3A_103 = arith.subi %sign3A_99, %sign3A_102 : i32
      %sign3A_104 = arith.constant 0 : i32
      %sign3A_105 = arith.cmpi sgt, %jit3A_97, %sign3A_104 : i32
      %sign3A_106 = arith.extui %sign3A_105 : i1 to i32
      %sign3A_107 = arith.constant 0 : i32
      %sign3A_108 = arith.cmpi slt, %jit3A_97, %sign3A_107 : i32
      %sign3A_109 = arith.extui %sign3A_108 : i1 to i32
      %sign3A_110 = arith.subi %sign3A_106, %sign3A_109 : i32
      %ne3A = arith.cmpi ne, %sign3A_103, %sign3A_110 : i32
      %rem3A = arith.remsi %select_n3A, %jit3A_97 : i32
      %ne3A_111 = arith.constant 0 : i32
      %ne3A_112 = arith.cmpi ne, %rem3A, %ne3A_111 : i32
      %and3A = arith.andi %ne3A, %ne3A_112 : i1
      %sub3A = arith.constant 1 : i32
      %sub3A_113 = arith.subi %div3A, %sub3A : i32
      %select_n3A_114 = arith.select %and3A, %sub3A_113, %div3A : i32
      %sub3A_115 = arith.constant 1 : i32
      %sub3A_116 = arith.subi %select_n3A_114, %sub3A_115 : i32
      %while3A = arith.constant 0 : i32
      %while3A_117 = arith.constant 0 : i32
      %while3A_118 = arith.subi %sub3A_116, %while3A_117 : i32
      %while3A_119 = arith.addi %while3A_117, %while3A_118 : i32
      %while3A_120 = arith.constant 1 : i32
      %while3A_121 = arith.divsi %while3A_118, %while3A_120 : i32
      %while3A_122 = arith.muli %while3A_121, %while3A_120 : i32
      %while3A_123 = arith.addi %while3A_117, %while3A_122 : i32
      %while3A_124 = arith.constant 1 : i32
      scf.for %while3A_260 = %while3A_117 to %while3A_123 step %while3A_124  : i32 {
        %mul3A_261 = arith.constant 4 : i32
        %mul3A_262 = arith.muli %mul3A_261, %while3A_260 : i32
        %dma_wait3A_263 = arith.constant 0 : i32
        %dma_wait3A_264 = arith.constant 0 : i32
        %dma_wait3A_265 = tpu.memref_slice %arg8[%dma_wait3A_263, %dma_wait3A_264] : memref<2x128xi32, #tpu.memory_space<vmem>> -> memref<1x128xi32, #tpu.memory_space<vmem>>
        %dma_wait3A_266 = tpu.memref_squeeze %dma_wait3A_265 : memref<1x128xi32, #tpu.memory_space<vmem>> -> memref<128xi32, #tpu.memory_space<vmem>>
        %dma_wait3A_267 = arith.constant 0 : i32
        %dma_wait3A_268 = arith.constant 0 : i32
        %dma_wait3A_269 = tpu.memref_slice %arg2[%dma_wait3A_267, %dma_wait3A_268] : memref<10000x128xf32, #tpu.memory_space<hbm>> -> memref<10000x128xf32, #tpu.memory_space<hbm>>
        tpu.wait_indirect_dma semaphore(%arg15 : memref<!tpu.dma_semaphore, #tpu.memory_space<semaphore_mem>>) src(%dma_wait3A_269 : memref<10000x128xf32, #tpu.memory_space<hbm>>) dst(%arg12 : memref<128x128xf32, #tpu.memory_space<vmem>>)
        %run_scoped3A_270 = arith.constant 1 : i32
        "tpu.region"() ({
          %run_scoped3A_427 = tpu.sem_alloc : memref<!tpu.dma_semaphore, #tpu.memory_space<semaphore_mem>>
          %dma_start3A_428 = arith.constant 0 : i32
          %dma_start3A_429 = tpu.memref_slice %arg8[%run_scoped3A_270, %dma_start3A_428] : memref<2x128xi32, #tpu.memory_space<vmem>> -> memref<1x128xi32, #tpu.memory_space<vmem>>
          %dma_start3A_430 = tpu.memref_squeeze %dma_start3A_429 : memref<1x128xi32, #tpu.memory_space<vmem>> -> memref<128xi32, #tpu.memory_space<vmem>>
          %dma_start3A_431 = arith.constant 0 : i32
          %dma_start3A_432 = arith.constant 0 : i32
          %dma_start3A_433 = tpu.memref_slice %arg14[%dma_start3A_431, %dma_start3A_432] : memref<10000x128xf32, #tpu.memory_space<vmem_shared>> -> memref<10000x128xf32, #tpu.memory_space<vmem_shared>>
          tpu.enqueue_indirect_dma source(%arg12 : memref<128x128xf32, #tpu.memory_space<vmem>>) target(%dma_start3A_433 : memref<10000x128xf32, #tpu.memory_space<vmem_shared>>) offsets(%dma_start3A_430 : memref<128xi32, #tpu.memory_space<vmem>>) semaphore(%run_scoped3A_427 : memref<!tpu.dma_semaphore, #tpu.memory_space<semaphore_mem>>) {add = true}
          %dma_wait3A_434 = arith.constant 0 : i32
          %dma_wait3A_435 = tpu.memref_slice %arg8[%run_scoped3A_270, %dma_wait3A_434] : memref<2x128xi32, #tpu.memory_space<vmem>> -> memref<1x128xi32, #tpu.memory_space<vmem>>
          %dma_wait3A_436 = tpu.memref_squeeze %dma_wait3A_435 : memref<1x128xi32, #tpu.memory_space<vmem>> -> memref<128xi32, #tpu.memory_space<vmem>>
          %dma_wait3A_437 = arith.constant 0 : i32
          %dma_wait3A_438 = arith.constant 0 : i32
          %dma_wait3A_439 = tpu.memref_slice %arg14[%dma_wait3A_437, %dma_wait3A_438] : memref<10000x128xf32, #tpu.memory_space<vmem_shared>> -> memref<10000x128xf32, #tpu.memory_space<vmem_shared>>
          tpu.wait_indirect_dma semaphore(%run_scoped3A_427 : memref<!tpu.dma_semaphore, #tpu.memory_space<semaphore_mem>>) src(%arg12 : memref<128x128xf32, #tpu.memory_space<vmem>>) dst(%dma_wait3A_439 : memref<10000x128xf32, #tpu.memory_space<vmem_shared>>)
          tpu.yield
        }) : () -> ()
        %add3A_271 = arith.constant 4 : i32
        %add3A_272 = arith.addi %mul3A_262, %add3A_271 : i32
        %add3A_273 = arith.constant 0 : i32
        %add3A_274 = arith.addi %add3A_272, %add3A_273 : i32
        %mul3A_275 = arith.constant 16 : i32
        %mul3A_276 = arith.muli %mul3A_275, %add3A_274 : i32
        %add3A_277 = arith.addi %arg1, %mul3A_276 : i32
        %mul3A_278 = arith.constant 128 : i32
        %mul3A_279 = arith.muli %add3A_277, %mul3A_278 : i32
        %dma_start3A_280 = arith.constant 0 : i32
        %dma_start3A_281 = tpu.memref_slice %arg4[%dma_start3A_280, %mul3A_279] : memref<2x320000xi32, #tpu.memory_space<hbm>> -> memref<2x128xi32, #tpu.memory_space<hbm>>
        %dma_start3A_282 = arith.constant 0 : i32
        %dma_start3A_283 = tpu.memref_slice %arg4[%dma_start3A_282, %mul3A_279] : memref<2x320000xi32, #tpu.memory_space<hbm>> -> memref<2x128xi32, #tpu.memory_space<hbm>>
        tpu.enqueue_dma source(%dma_start3A_283 : memref<2x128xi32, #tpu.memory_space<hbm>>) target(%arg8 : memref<2x128xi32, #tpu.memory_space<vmem>>) target_semaphore(%arg17 : memref<!tpu.dma_semaphore, #tpu.memory_space<semaphore_mem>>)
        %add3A_284 = arith.constant 2 : i32
        %add3A_285 = arith.addi %mul3A_262, %add3A_284 : i32
        %add3A_286 = arith.constant 0 : i32
        %add3A_287 = arith.addi %add3A_285, %add3A_286 : i32
        %mul3A_288 = arith.constant 16 : i32
        %mul3A_289 = arith.muli %mul3A_288, %add3A_287 : i32
        %add3A_290 = arith.addi %arg1, %mul3A_289 : i32
        %mul3A_291 = arith.constant 128 : i32
        %mul3A_292 = arith.muli %add3A_290, %mul3A_291 : i32
        %dma_wait3A_293 = arith.constant 0 : i32
        %dma_wait3A_294 = tpu.memref_slice %arg4[%dma_wait3A_293, %mul3A_292] : memref<2x320000xi32, #tpu.memory_space<hbm>> -> memref<2x128xi32, #tpu.memory_space<hbm>>
        %dma_wait3A_295 = arith.constant 0 : i32
        %dma_wait3A_296 = tpu.memref_slice %arg4[%dma_wait3A_295, %mul3A_292] : memref<2x320000xi32, #tpu.memory_space<hbm>> -> memref<2x128xi32, #tpu.memory_space<hbm>>
        tpu.wait_dma2 semaphore(%arg19 : memref<!tpu.dma_semaphore, #tpu.memory_space<semaphore_mem>>) src(%dma_wait3A_296 : memref<2x128xi32, #tpu.memory_space<hbm>>) dst(%arg10 : memref<2x128xi32, #tpu.memory_space<vmem>>)
        %dma_start3A_297 = arith.constant 0 : i32
        %dma_start3A_298 = arith.constant 0 : i32
        %dma_start3A_299 = tpu.memref_slice %arg10[%dma_start3A_297, %dma_start3A_298] : memref<2x128xi32, #tpu.memory_space<vmem>> -> memref<1x128xi32, #tpu.memory_space<vmem>>
        %dma_start3A_300 = tpu.memref_squeeze %dma_start3A_299 : memref<1x128xi32, #tpu.memory_space<vmem>> -> memref<128xi32, #tpu.memory_space<vmem>>
        %dma_start3A_301 = arith.constant 0 : i32
        %dma_start3A_302 = arith.constant 0 : i32
        %dma_start3A_303 = tpu.memref_slice %arg2[%dma_start3A_301, %dma_start3A_302] : memref<10000x128xf32, #tpu.memory_space<hbm>> -> memref<10000x128xf32, #tpu.memory_space<hbm>>
        tpu.enqueue_indirect_dma source(%dma_start3A_303 : memref<10000x128xf32, #tpu.memory_space<hbm>>) target(%arg12 : memref<128x128xf32, #tpu.memory_space<vmem>>) offsets(%dma_start3A_300 : memref<128xi32, #tpu.memory_space<vmem>>) semaphore(%arg15 : memref<!tpu.dma_semaphore, #tpu.memory_space<semaphore_mem>>)
        %dma_wait3A_304 = arith.constant 0 : i32
        %dma_wait3A_305 = arith.constant 0 : i32
        %dma_wait3A_306 = tpu.memref_slice %arg9[%dma_wait3A_304, %dma_wait3A_305] : memref<2x128xi32, #tpu.memory_space<vmem>> -> memref<1x128xi32, #tpu.memory_space<vmem>>
        %dma_wait3A_307 = tpu.memref_squeeze %dma_wait3A_306 : memref<1x128xi32, #tpu.memory_space<vmem>> -> memref<128xi32, #tpu.memory_space<vmem>>
        %dma_wait3A_308 = arith.constant 0 : i32
        %dma_wait3A_309 = arith.constant 0 : i32
        %dma_wait3A_310 = tpu.memref_slice %arg2[%dma_wait3A_308, %dma_wait3A_309] : memref<10000x128xf32, #tpu.memory_space<hbm>> -> memref<10000x128xf32, #tpu.memory_space<hbm>>
        tpu.wait_indirect_dma semaphore(%arg16 : memref<!tpu.dma_semaphore, #tpu.memory_space<semaphore_mem>>) src(%dma_wait3A_310 : memref<10000x128xf32, #tpu.memory_space<hbm>>) dst(%arg13 : memref<128x128xf32, #tpu.memory_space<vmem>>)
        %run_scoped3A_311 = arith.constant 1 : i32
        "tpu.region"() ({
          %run_scoped3A_427 = tpu.sem_alloc : memref<!tpu.dma_semaphore, #tpu.memory_space<semaphore_mem>>
          %dma_start3A_428 = arith.constant 0 : i32
          %dma_start3A_429 = tpu.memref_slice %arg9[%run_scoped3A_311, %dma_start3A_428] : memref<2x128xi32, #tpu.memory_space<vmem>> -> memref<1x128xi32, #tpu.memory_space<vmem>>
          %dma_start3A_430 = tpu.memref_squeeze %dma_start3A_429 : memref<1x128xi32, #tpu.memory_space<vmem>> -> memref<128xi32, #tpu.memory_space<vmem>>
          %dma_start3A_431 = arith.constant 0 : i32
          %dma_start3A_432 = arith.constant 0 : i32
          %dma_start3A_433 = tpu.memref_slice %arg14[%dma_start3A_431, %dma_start3A_432] : memref<10000x128xf32, #tpu.memory_space<vmem_shared>> -> memref<10000x128xf32, #tpu.memory_space<vmem_shared>>
          tpu.enqueue_indirect_dma source(%arg13 : memref<128x128xf32, #tpu.memory_space<vmem>>) target(%dma_start3A_433 : memref<10000x128xf32, #tpu.memory_space<vmem_shared>>) offsets(%dma_start3A_430 : memref<128xi32, #tpu.memory_space<vmem>>) semaphore(%run_scoped3A_427 : memref<!tpu.dma_semaphore, #tpu.memory_space<semaphore_mem>>) {add = true}
          %dma_wait3A_434 = arith.constant 0 : i32
          %dma_wait3A_435 = tpu.memref_slice %arg9[%run_scoped3A_311, %dma_wait3A_434] : memref<2x128xi32, #tpu.memory_space<vmem>> -> memref<1x128xi32, #tpu.memory_space<vmem>>
          %dma_wait3A_436 = tpu.memref_squeeze %dma_wait3A_435 : memref<1x128xi32, #tpu.memory_space<vmem>> -> memref<128xi32, #tpu.memory_space<vmem>>
          %dma_wait3A_437 = arith.constant 0 : i32
          %dma_wait3A_438 = arith.constant 0 : i32
          %dma_wait3A_439 = tpu.memref_slice %arg14[%dma_wait3A_437, %dma_wait3A_438] : memref<10000x128xf32, #tpu.memory_space<vmem_shared>> -> memref<10000x128xf32, #tpu.memory_space<vmem_shared>>
          tpu.wait_indirect_dma semaphore(%run_scoped3A_427 : memref<!tpu.dma_semaphore, #tpu.memory_space<semaphore_mem>>) src(%arg13 : memref<128x128xf32, #tpu.memory_space<vmem>>) dst(%dma_wait3A_439 : memref<10000x128xf32, #tpu.memory_space<vmem_shared>>)
          tpu.yield
        }) : () -> ()
        %add3A_312 = arith.constant 4 : i32
        %add3A_313 = arith.addi %mul3A_262, %add3A_312 : i32
        %add3A_314 = arith.constant 1 : i32
        %add3A_315 = arith.addi %add3A_313, %add3A_314 : i32
        %mul3A_316 = arith.constant 16 : i32
        %mul3A_317 = arith.muli %mul3A_316, %add3A_315 : i32
        %add3A_318 = arith.addi %arg1, %mul3A_317 : i32
        %mul3A_319 = arith.constant 128 : i32
        %mul3A_320 = arith.muli %add3A_318, %mul3A_319 : i32
        %dma_start3A_321 = arith.constant 0 : i32
        %dma_start3A_322 = tpu.memref_slice %arg4[%dma_start3A_321, %mul3A_320] : memref<2x320000xi32, #tpu.memory_space<hbm>> -> memref<2x128xi32, #tpu.memory_space<hbm>>
        %dma_start3A_323 = arith.constant 0 : i32
        %dma_start3A_324 = tpu.memref_slice %arg4[%dma_start3A_323, %mul3A_320] : memref<2x320000xi32, #tpu.memory_space<hbm>> -> memref<2x128xi32, #tpu.memory_space<hbm>>
        tpu.enqueue_dma source(%dma_start3A_324 : memref<2x128xi32, #tpu.memory_space<hbm>>) target(%arg9 : memref<2x128xi32, #tpu.memory_space<vmem>>) target_semaphore(%arg18 : memref<!tpu.dma_semaphore, #tpu.memory_space<semaphore_mem>>)
        %add3A_325 = arith.constant 2 : i32
        %add3A_326 = arith.addi %mul3A_262, %add3A_325 : i32
        %add3A_327 = arith.constant 1 : i32
        %add3A_328 = arith.addi %add3A_326, %add3A_327 : i32
        %mul3A_329 = arith.constant 16 : i32
        %mul3A_330 = arith.muli %mul3A_329, %add3A_328 : i32
        %add3A_331 = arith.addi %arg1, %mul3A_330 : i32
        %mul3A_332 = arith.constant 128 : i32
        %mul3A_333 = arith.muli %add3A_331, %mul3A_332 : i32
        %dma_wait3A_334 = arith.constant 0 : i32
        %dma_wait3A_335 = tpu.memref_slice %arg4[%dma_wait3A_334, %mul3A_333] : memref<2x320000xi32, #tpu.memory_space<hbm>> -> memref<2x128xi32, #tpu.memory_space<hbm>>
        %dma_wait3A_336 = arith.constant 0 : i32
        %dma_wait3A_337 = tpu.memref_slice %arg4[%dma_wait3A_336, %mul3A_333] : memref<2x320000xi32, #tpu.memory_space<hbm>> -> memref<2x128xi32, #tpu.memory_space<hbm>>
        tpu.wait_dma2 semaphore(%arg20 : memref<!tpu.dma_semaphore, #tpu.memory_space<semaphore_mem>>) src(%dma_wait3A_337 : memref<2x128xi32, #tpu.memory_space<hbm>>) dst(%arg11 : memref<2x128xi32, #tpu.memory_space<vmem>>)
        %dma_start3A_338 = arith.constant 0 : i32
        %dma_start3A_339 = arith.constant 0 : i32
        %dma_start3A_340 = tpu.memref_slice %arg11[%dma_start3A_338, %dma_start3A_339] : memref<2x128xi32, #tpu.memory_space<vmem>> -> memref<1x128xi32, #tpu.memory_space<vmem>>
        %dma_start3A_341 = tpu.memref_squeeze %dma_start3A_340 : memref<1x128xi32, #tpu.memory_space<vmem>> -> memref<128xi32, #tpu.memory_space<vmem>>
        %dma_start3A_342 = arith.constant 0 : i32
        %dma_start3A_343 = arith.constant 0 : i32
        %dma_start3A_344 = tpu.memref_slice %arg2[%dma_start3A_342, %dma_start3A_343] : memref<10000x128xf32, #tpu.memory_space<hbm>> -> memref<10000x128xf32, #tpu.memory_space<hbm>>
        tpu.enqueue_indirect_dma source(%dma_start3A_344 : memref<10000x128xf32, #tpu.memory_space<hbm>>) target(%arg13 : memref<128x128xf32, #tpu.memory_space<vmem>>) offsets(%dma_start3A_341 : memref<128xi32, #tpu.memory_space<vmem>>) semaphore(%arg16 : memref<!tpu.dma_semaphore, #tpu.memory_space<semaphore_mem>>)
        %dma_wait3A_345 = arith.constant 0 : i32
        %dma_wait3A_346 = arith.constant 0 : i32
        %dma_wait3A_347 = tpu.memref_slice %arg10[%dma_wait3A_345, %dma_wait3A_346] : memref<2x128xi32, #tpu.memory_space<vmem>> -> memref<1x128xi32, #tpu.memory_space<vmem>>
        %dma_wait3A_348 = tpu.memref_squeeze %dma_wait3A_347 : memref<1x128xi32, #tpu.memory_space<vmem>> -> memref<128xi32, #tpu.memory_space<vmem>>
        %dma_wait3A_349 = arith.constant 0 : i32
        %dma_wait3A_350 = arith.constant 0 : i32
        %dma_wait3A_351 = tpu.memref_slice %arg2[%dma_wait3A_349, %dma_wait3A_350] : memref<10000x128xf32, #tpu.memory_space<hbm>> -> memref<10000x128xf32, #tpu.memory_space<hbm>>
        tpu.wait_indirect_dma semaphore(%arg15 : memref<!tpu.dma_semaphore, #tpu.memory_space<semaphore_mem>>) src(%dma_wait3A_351 : memref<10000x128xf32, #tpu.memory_space<hbm>>) dst(%arg12 : memref<128x128xf32, #tpu.memory_space<vmem>>)
        %run_scoped3A_352 = arith.constant 1 : i32
        "tpu.region"() ({
          %run_scoped3A_427 = tpu.sem_alloc : memref<!tpu.dma_semaphore, #tpu.memory_space<semaphore_mem>>
          %dma_start3A_428 = arith.constant 0 : i32
          %dma_start3A_429 = tpu.memref_slice %arg10[%run_scoped3A_352, %dma_start3A_428] : memref<2x128xi32, #tpu.memory_space<vmem>> -> memref<1x128xi32, #tpu.memory_space<vmem>>
          %dma_start3A_430 = tpu.memref_squeeze %dma_start3A_429 : memref<1x128xi32, #tpu.memory_space<vmem>> -> memref<128xi32, #tpu.memory_space<vmem>>
          %dma_start3A_431 = arith.constant 0 : i32
          %dma_start3A_432 = arith.constant 0 : i32
          %dma_start3A_433 = tpu.memref_slice %arg14[%dma_start3A_431, %dma_start3A_432] : memref<10000x128xf32, #tpu.memory_space<vmem_shared>> -> memref<10000x128xf32, #tpu.memory_space<vmem_shared>>
          tpu.enqueue_indirect_dma source(%arg12 : memref<128x128xf32, #tpu.memory_space<vmem>>) target(%dma_start3A_433 : memref<10000x128xf32, #tpu.memory_space<vmem_shared>>) offsets(%dma_start3A_430 : memref<128xi32, #tpu.memory_space<vmem>>) semaphore(%run_scoped3A_427 : memref<!tpu.dma_semaphore, #tpu.memory_space<semaphore_mem>>) {add = true}
          %dma_wait3A_434 = arith.constant 0 : i32
          %dma_wait3A_435 = tpu.memref_slice %arg10[%run_scoped3A_352, %dma_wait3A_434] : memref<2x128xi32, #tpu.memory_space<vmem>> -> memref<1x128xi32, #tpu.memory_space<vmem>>
          %dma_wait3A_436 = tpu.memref_squeeze %dma_wait3A_435 : memref<1x128xi32, #tpu.memory_space<vmem>> -> memref<128xi32, #tpu.memory_space<vmem>>
          %dma_wait3A_437 = arith.constant 0 : i32
          %dma_wait3A_438 = arith.constant 0 : i32
          %dma_wait3A_439 = tpu.memref_slice %arg14[%dma_wait3A_437, %dma_wait3A_438] : memref<10000x128xf32, #tpu.memory_space<vmem_shared>> -> memref<10000x128xf32, #tpu.memory_space<vmem_shared>>
          tpu.wait_indirect_dma semaphore(%run_scoped3A_427 : memref<!tpu.dma_semaphore, #tpu.memory_space<semaphore_mem>>) src(%arg12 : memref<128x128xf32, #tpu.memory_space<vmem>>) dst(%dma_wait3A_439 : memref<10000x128xf32, #tpu.memory_space<vmem_shared>>)
          tpu.yield
        }) : () -> ()
        %add3A_353 = arith.constant 4 : i32
        %add3A_354 = arith.addi %mul3A_262, %add3A_353 : i32
        %add3A_355 = arith.constant 2 : i32
        %add3A_356 = arith.addi %add3A_354, %add3A_355 : i32
        %mul3A_357 = arith.constant 16 : i32
        %mul3A_358 = arith.muli %mul3A_357, %add3A_356 : i32
        %add3A_359 = arith.addi %arg1, %mul3A_358 : i32
        %mul3A_360 = arith.constant 128 : i32
        %mul3A_361 = arith.muli %add3A_359, %mul3A_360 : i32
        %dma_start3A_362 = arith.constant 0 : i32
        %dma_start3A_363 = tpu.memref_slice %arg4[%dma_start3A_362, %mul3A_361] : memref<2x320000xi32, #tpu.memory_space<hbm>> -> memref<2x128xi32, #tpu.memory_space<hbm>>
        %dma_start3A_364 = arith.constant 0 : i32
        %dma_start3A_365 = tpu.memref_slice %arg4[%dma_start3A_364, %mul3A_361] : memref<2x320000xi32, #tpu.memory_space<hbm>> -> memref<2x128xi32, #tpu.memory_space<hbm>>
        tpu.enqueue_dma source(%dma_start3A_365 : memref<2x128xi32, #tpu.memory_space<hbm>>) target(%arg10 : memref<2x128xi32, #tpu.memory_space<vmem>>) target_semaphore(%arg19 : memref<!tpu.dma_semaphore, #tpu.memory_space<semaphore_mem>>)
        %add3A_366 = arith.constant 2 : i32
        %add3A_367 = arith.addi %mul3A_262, %add3A_366 : i32
        %add3A_368 = arith.constant 2 : i32
        %add3A_369 = arith.addi %add3A_367, %add3A_368 : i32
        %mul3A_370 = arith.constant 16 : i32
        %mul3A_371 = arith.muli %mul3A_370, %add3A_369 : i32
        %add3A_372 = arith.addi %arg1, %mul3A_371 : i32
        %mul3A_373 = arith.constant 128 : i32
        %mul3A_374 = arith.muli %add3A_372, %mul3A_373 : i32
        %dma_wait3A_375 = arith.constant 0 : i32
        %dma_wait3A_376 = tpu.memref_slice %arg4[%dma_wait3A_375, %mul3A_374] : memref<2x320000xi32, #tpu.memory_space<hbm>> -> memref<2x128xi32, #tpu.memory_space<hbm>>
        %dma_wait3A_377 = arith.constant 0 : i32
        %dma_wait3A_378 = tpu.memref_slice %arg4[%dma_wait3A_377, %mul3A_374] : memref<2x320000xi32, #tpu.memory_space<hbm>> -> memref<2x128xi32, #tpu.memory_space<hbm>>
        tpu.wait_dma2 semaphore(%arg17 : memref<!tpu.dma_semaphore, #tpu.memory_space<semaphore_mem>>) src(%dma_wait3A_378 : memref<2x128xi32, #tpu.memory_space<hbm>>) dst(%arg8 : memref<2x128xi32, #tpu.memory_space<vmem>>)
        %dma_start3A_379 = arith.constant 0 : i32
        %dma_start3A_380 = arith.constant 0 : i32
        %dma_start3A_381 = tpu.memref_slice %arg8[%dma_start3A_379, %dma_start3A_380] : memref<2x128xi32, #tpu.memory_space<vmem>> -> memref<1x128xi32, #tpu.memory_space<vmem>>
        %dma_start3A_382 = tpu.memref_squeeze %dma_start3A_381 : memref<1x128xi32, #tpu.memory_space<vmem>> -> memref<128xi32, #tpu.memory_space<vmem>>
        %dma_start3A_383 = arith.constant 0 : i32
        %dma_start3A_384 = arith.constant 0 : i32
        %dma_start3A_385 = tpu.memref_slice %arg2[%dma_start3A_383, %dma_start3A_384] : memref<10000x128xf32, #tpu.memory_space<hbm>> -> memref<10000x128xf32, #tpu.memory_space<hbm>>
        tpu.enqueue_indirect_dma source(%dma_start3A_385 : memref<10000x128xf32, #tpu.memory_space<hbm>>) target(%arg12 : memref<128x128xf32, #tpu.memory_space<vmem>>) offsets(%dma_start3A_382 : memref<128xi32, #tpu.memory_space<vmem>>) semaphore(%arg15 : memref<!tpu.dma_semaphore, #tpu.memory_space<semaphore_mem>>)
        %dma_wait3A_386 = arith.constant 0 : i32
        %dma_wait3A_387 = arith.constant 0 : i32
        %dma_wait3A_388 = tpu.memref_slice %arg11[%dma_wait3A_386, %dma_wait3A_387] : memref<2x128xi32, #tpu.memory_space<vmem>> -> memref<1x128xi32, #tpu.memory_space<vmem>>
        %dma_wait3A_389 = tpu.memref_squeeze %dma_wait3A_388 : memref<1x128xi32, #tpu.memory_space<vmem>> -> memref<128xi32, #tpu.memory_space<vmem>>
        %dma_wait3A_390 = arith.constant 0 : i32
        %dma_wait3A_391 = arith.constant 0 : i32
        %dma_wait3A_392 = tpu.memref_slice %arg2[%dma_wait3A_390, %dma_wait3A_391] : memref<10000x128xf32, #tpu.memory_space<hbm>> -> memref<10000x128xf32, #tpu.memory_space<hbm>>
        tpu.wait_indirect_dma semaphore(%arg16 : memref<!tpu.dma_semaphore, #tpu.memory_space<semaphore_mem>>) src(%dma_wait3A_392 : memref<10000x128xf32, #tpu.memory_space<hbm>>) dst(%arg13 : memref<128x128xf32, #tpu.memory_space<vmem>>)
        %run_scoped3A_393 = arith.constant 1 : i32
        "tpu.region"() ({
          %run_scoped3A_427 = tpu.sem_alloc : memref<!tpu.dma_semaphore, #tpu.memory_space<semaphore_mem>>
          %dma_start3A_428 = arith.constant 0 : i32
          %dma_start3A_429 = tpu.memref_slice %arg11[%run_scoped3A_393, %dma_start3A_428] : memref<2x128xi32, #tpu.memory_space<vmem>> -> memref<1x128xi32, #tpu.memory_space<vmem>>
          %dma_start3A_430 = tpu.memref_squeeze %dma_start3A_429 : memref<1x128xi32, #tpu.memory_space<vmem>> -> memref<128xi32, #tpu.memory_space<vmem>>
          %dma_start3A_431 = arith.constant 0 : i32
          %dma_start3A_432 = arith.constant 0 : i32
          %dma_start3A_433 = tpu.memref_slice %arg14[%dma_start3A_431, %dma_start3A_432] : memref<10000x128xf32, #tpu.memory_space<vmem_shared>> -> memref<10000x128xf32, #tpu.memory_space<vmem_shared>>
          tpu.enqueue_indirect_dma source(%arg13 : memref<128x128xf32, #tpu.memory_space<vmem>>) target(%dma_start3A_433 : memref<10000x128xf32, #tpu.memory_space<vmem_shared>>) offsets(%dma_start3A_430 : memref<128xi32, #tpu.memory_space<vmem>>) semaphore(%run_scoped3A_427 : memref<!tpu.dma_semaphore, #tpu.memory_space<semaphore_mem>>) {add = true}
          %dma_wait3A_434 = arith.constant 0 : i32
          %dma_wait3A_435 = tpu.memref_slice %arg11[%run_scoped3A_393, %dma_wait3A_434] : memref<2x128xi32, #tpu.memory_space<vmem>> -> memref<1x128xi32, #tpu.memory_space<vmem>>
          %dma_wait3A_436 = tpu.memref_squeeze %dma_wait3A_435 : memref<1x128xi32, #tpu.memory_space<vmem>> -> memref<128xi32, #tpu.memory_space<vmem>>
          %dma_wait3A_437 = arith.constant 0 : i32
          %dma_wait3A_438 = arith.constant 0 : i32
          %dma_wait3A_439 = tpu.memref_slice %arg14[%dma_wait3A_437, %dma_wait3A_438] : memref<10000x128xf32, #tpu.memory_space<vmem_shared>> -> memref<10000x128xf32, #tpu.memory_space<vmem_shared>>
          tpu.wait_indirect_dma semaphore(%run_scoped3A_427 : memref<!tpu.dma_semaphore, #tpu.memory_space<semaphore_mem>>) src(%arg13 : memref<128x128xf32, #tpu.memory_space<vmem>>) dst(%dma_wait3A_439 : memref<10000x128xf32, #tpu.memory_space<vmem_shared>>)
          tpu.yield
        }) : () -> ()
        %add3A_394 = arith.constant 4 : i32
        %add3A_395 = arith.addi %mul3A_262, %add3A_394 : i32
        %add3A_396 = arith.constant 3 : i32
        %add3A_397 = arith.addi %add3A_395, %add3A_396 : i32
        %mul3A_398 = arith.constant 16 : i32
        %mul3A_399 = arith.muli %mul3A_398, %add3A_397 : i32
        %add3A_400 = arith.addi %arg1, %mul3A_399 : i32
        %mul3A_401 = arith.constant 128 : i32
        %mul3A_402 = arith.muli %add3A_400, %mul3A_401 : i32
        %dma_start3A_403 = arith.constant 0 : i32
        %dma_start3A_404 = tpu.memref_slice %arg4[%dma_start3A_403, %mul3A_402] : memref<2x320000xi32, #tpu.memory_space<hbm>> -> memref<2x128xi32, #tpu.memory_space<hbm>>
        %dma_start3A_405 = arith.constant 0 : i32
        %dma_start3A_406 = tpu.memref_slice %arg4[%dma_start3A_405, %mul3A_402] : memref<2x320000xi32, #tpu.memory_space<hbm>> -> memref<2x128xi32, #tpu.memory_space<hbm>>
        tpu.enqueue_dma source(%dma_start3A_406 : memref<2x128xi32, #tpu.memory_space<hbm>>) target(%arg11 : memref<2x128xi32, #tpu.memory_space<vmem>>) target_semaphore(%arg20 : memref<!tpu.dma_semaphore, #tpu.memory_space<semaphore_mem>>)
        %add3A_407 = arith.constant 2 : i32
        %add3A_408 = arith.addi %mul3A_262, %add3A_407 : i32
        %add3A_409 = arith.constant 3 : i32
        %add3A_410 = arith.addi %add3A_408, %add3A_409 : i32
        %mul3A_411 = arith.constant 16 : i32
        %mul3A_412 = arith.muli %mul3A_411, %add3A_410 : i32
        %add3A_413 = arith.addi %arg1, %mul3A_412 : i32
        %mul3A_414 = arith.constant 128 : i32
        %mul3A_415 = arith.muli %add3A_413, %mul3A_414 : i32
        %dma_wait3A_416 = arith.constant 0 : i32
        %dma_wait3A_417 = tpu.memref_slice %arg4[%dma_wait3A_416, %mul3A_415] : memref<2x320000xi32, #tpu.memory_space<hbm>> -> memref<2x128xi32, #tpu.memory_space<hbm>>
        %dma_wait3A_418 = arith.constant 0 : i32
        %dma_wait3A_419 = tpu.memref_slice %arg4[%dma_wait3A_418, %mul3A_415] : memref<2x320000xi32, #tpu.memory_space<hbm>> -> memref<2x128xi32, #tpu.memory_space<hbm>>
        tpu.wait_dma2 semaphore(%arg18 : memref<!tpu.dma_semaphore, #tpu.memory_space<semaphore_mem>>) src(%dma_wait3A_419 : memref<2x128xi32, #tpu.memory_space<hbm>>) dst(%arg9 : memref<2x128xi32, #tpu.memory_space<vmem>>)
        %dma_start3A_420 = arith.constant 0 : i32
        %dma_start3A_421 = arith.constant 0 : i32
        %dma_start3A_422 = tpu.memref_slice %arg9[%dma_start3A_420, %dma_start3A_421] : memref<2x128xi32, #tpu.memory_space<vmem>> -> memref<1x128xi32, #tpu.memory_space<vmem>>
        %dma_start3A_423 = tpu.memref_squeeze %dma_start3A_422 : memref<1x128xi32, #tpu.memory_space<vmem>> -> memref<128xi32, #tpu.memory_space<vmem>>
        %dma_start3A_424 = arith.constant 0 : i32
        %dma_start3A_425 = arith.constant 0 : i32
        %dma_start3A_426 = tpu.memref_slice %arg2[%dma_start3A_424, %dma_start3A_425] : memref<10000x128xf32, #tpu.memory_space<hbm>> -> memref<10000x128xf32, #tpu.memory_space<hbm>>
        tpu.enqueue_indirect_dma source(%dma_start3A_426 : memref<10000x128xf32, #tpu.memory_space<hbm>>) target(%arg13 : memref<128x128xf32, #tpu.memory_space<vmem>>) offsets(%dma_start3A_423 : memref<128xi32, #tpu.memory_space<vmem>>) semaphore(%arg16 : memref<!tpu.dma_semaphore, #tpu.memory_space<semaphore_mem>>)
      }
      %while3A_125 = arith.constant 1 : i32
      scf.for %while3A_260 = %while3A_123 to %while3A_119 step %while3A_125  : i32 {
        %mul3A_261 = arith.constant 4 : i32
        %mul3A_262 = arith.muli %mul3A_261, %while3A_260 : i32
        %dma_wait3A_263 = arith.constant 0 : i32
        %dma_wait3A_264 = arith.constant 0 : i32
        %dma_wait3A_265 = tpu.memref_slice %arg8[%dma_wait3A_263, %dma_wait3A_264] : memref<2x128xi32, #tpu.memory_space<vmem>> -> memref<1x128xi32, #tpu.memory_space<vmem>>
        %dma_wait3A_266 = tpu.memref_squeeze %dma_wait3A_265 : memref<1x128xi32, #tpu.memory_space<vmem>> -> memref<128xi32, #tpu.memory_space<vmem>>
        %dma_wait3A_267 = arith.constant 0 : i32
        %dma_wait3A_268 = arith.constant 0 : i32
        %dma_wait3A_269 = tpu.memref_slice %arg2[%dma_wait3A_267, %dma_wait3A_268] : memref<10000x128xf32, #tpu.memory_space<hbm>> -> memref<10000x128xf32, #tpu.memory_space<hbm>>
        tpu.wait_indirect_dma semaphore(%arg15 : memref<!tpu.dma_semaphore, #tpu.memory_space<semaphore_mem>>) src(%dma_wait3A_269 : memref<10000x128xf32, #tpu.memory_space<hbm>>) dst(%arg12 : memref<128x128xf32, #tpu.memory_space<vmem>>)
        %run_scoped3A_270 = arith.constant 1 : i32
        "tpu.region"() ({
          %run_scoped3A_427 = tpu.sem_alloc : memref<!tpu.dma_semaphore, #tpu.memory_space<semaphore_mem>>
          %dma_start3A_428 = arith.constant 0 : i32
          %dma_start3A_429 = tpu.memref_slice %arg8[%run_scoped3A_270, %dma_start3A_428] : memref<2x128xi32, #tpu.memory_space<vmem>> -> memref<1x128xi32, #tpu.memory_space<vmem>>
          %dma_start3A_430 = tpu.memref_squeeze %dma_start3A_429 : memref<1x128xi32, #tpu.memory_space<vmem>> -> memref<128xi32, #tpu.memory_space<vmem>>
          %dma_start3A_431 = arith.constant 0 : i32
          %dma_start3A_432 = arith.constant 0 : i32
          %dma_start3A_433 = tpu.memref_slice %arg14[%dma_start3A_431, %dma_start3A_432] : memref<10000x128xf32, #tpu.memory_space<vmem_shared>> -> memref<10000x128xf32, #tpu.memory_space<vmem_shared>>
          tpu.enqueue_indirect_dma source(%arg12 : memref<128x128xf32, #tpu.memory_space<vmem>>) target(%dma_start3A_433 : memref<10000x128xf32, #tpu.memory_space<vmem_shared>>) offsets(%dma_start3A_430 : memref<128xi32, #tpu.memory_space<vmem>>) semaphore(%run_scoped3A_427 : memref<!tpu.dma_semaphore, #tpu.memory_space<semaphore_mem>>) {add = true}
          %dma_wait3A_434 = arith.constant 0 : i32
          %dma_wait3A_435 = tpu.memref_slice %arg8[%run_scoped3A_270, %dma_wait3A_434] : memref<2x128xi32, #tpu.memory_space<vmem>> -> memref<1x128xi32, #tpu.memory_space<vmem>>
          %dma_wait3A_436 = tpu.memref_squeeze %dma_wait3A_435 : memref<1x128xi32, #tpu.memory_space<vmem>> -> memref<128xi32, #tpu.memory_space<vmem>>
          %dma_wait3A_437 = arith.constant 0 : i32
          %dma_wait3A_438 = arith.constant 0 : i32
          %dma_wait3A_439 = tpu.memref_slice %arg14[%dma_wait3A_437, %dma_wait3A_438] : memref<10000x128xf32, #tpu.memory_space<vmem_shared>> -> memref<10000x128xf32, #tpu.memory_space<vmem_shared>>
          tpu.wait_indirect_dma semaphore(%run_scoped3A_427 : memref<!tpu.dma_semaphore, #tpu.memory_space<semaphore_mem>>) src(%arg12 : memref<128x128xf32, #tpu.memory_space<vmem>>) dst(%dma_wait3A_439 : memref<10000x128xf32, #tpu.memory_space<vmem_shared>>)
          tpu.yield
        }) : () -> ()
        %add3A_271 = arith.constant 4 : i32
        %add3A_272 = arith.addi %mul3A_262, %add3A_271 : i32
        %add3A_273 = arith.constant 0 : i32
        %add3A_274 = arith.addi %add3A_272, %add3A_273 : i32
        %mul3A_275 = arith.constant 16 : i32
        %mul3A_276 = arith.muli %mul3A_275, %add3A_274 : i32
        %add3A_277 = arith.addi %arg1, %mul3A_276 : i32
        %mul3A_278 = arith.constant 128 : i32
        %mul3A_279 = arith.muli %add3A_277, %mul3A_278 : i32
        %dma_start3A_280 = arith.constant 0 : i32
        %dma_start3A_281 = tpu.memref_slice %arg4[%dma_start3A_280, %mul3A_279] : memref<2x320000xi32, #tpu.memory_space<hbm>> -> memref<2x128xi32, #tpu.memory_space<hbm>>
        %dma_start3A_282 = arith.constant 0 : i32
        %dma_start3A_283 = tpu.memref_slice %arg4[%dma_start3A_282, %mul3A_279] : memref<2x320000xi32, #tpu.memory_space<hbm>> -> memref<2x128xi32, #tpu.memory_space<hbm>>
        tpu.enqueue_dma source(%dma_start3A_283 : memref<2x128xi32, #tpu.memory_space<hbm>>) target(%arg8 : memref<2x128xi32, #tpu.memory_space<vmem>>) target_semaphore(%arg17 : memref<!tpu.dma_semaphore, #tpu.memory_space<semaphore_mem>>)
        %add3A_284 = arith.constant 2 : i32
        %add3A_285 = arith.addi %mul3A_262, %add3A_284 : i32
        %add3A_286 = arith.constant 0 : i32
        %add3A_287 = arith.addi %add3A_285, %add3A_286 : i32
        %mul3A_288 = arith.constant 16 : i32
        %mul3A_289 = arith.muli %mul3A_288, %add3A_287 : i32
        %add3A_290 = arith.addi %arg1, %mul3A_289 : i32
        %mul3A_291 = arith.constant 128 : i32
        %mul3A_292 = arith.muli %add3A_290, %mul3A_291 : i32
        %dma_wait3A_293 = arith.constant 0 : i32
        %dma_wait3A_294 = tpu.memref_slice %arg4[%dma_wait3A_293, %mul3A_292] : memref<2x320000xi32, #tpu.memory_space<hbm>> -> memref<2x128xi32, #tpu.memory_space<hbm>>
        %dma_wait3A_295 = arith.constant 0 : i32
        %dma_wait3A_296 = tpu.memref_slice %arg4[%dma_wait3A_295, %mul3A_292] : memref<2x320000xi32, #tpu.memory_space<hbm>> -> memref<2x128xi32, #tpu.memory_space<hbm>>
        tpu.wait_dma2 semaphore(%arg19 : memref<!tpu.dma_semaphore, #tpu.memory_space<semaphore_mem>>) src(%dma_wait3A_296 : memref<2x128xi32, #tpu.memory_space<hbm>>) dst(%arg10 : memref<2x128xi32, #tpu.memory_space<vmem>>)
        %dma_start3A_297 = arith.constant 0 : i32
        %dma_start3A_298 = arith.constant 0 : i32
        %dma_start3A_299 = tpu.memref_slice %arg10[%dma_start3A_297, %dma_start3A_298] : memref<2x128xi32, #tpu.memory_space<vmem>> -> memref<1x128xi32, #tpu.memory_space<vmem>>
        %dma_start3A_300 = tpu.memref_squeeze %dma_start3A_299 : memref<1x128xi32, #tpu.memory_space<vmem>> -> memref<128xi32, #tpu.memory_space<vmem>>
        %dma_start3A_301 = arith.constant 0 : i32
        %dma_start3A_302 = arith.constant 0 : i32
        %dma_start3A_303 = tpu.memref_slice %arg2[%dma_start3A_301, %dma_start3A_302] : memref<10000x128xf32, #tpu.memory_space<hbm>> -> memref<10000x128xf32, #tpu.memory_space<hbm>>
        tpu.enqueue_indirect_dma source(%dma_start3A_303 : memref<10000x128xf32, #tpu.memory_space<hbm>>) target(%arg12 : memref<128x128xf32, #tpu.memory_space<vmem>>) offsets(%dma_start3A_300 : memref<128xi32, #tpu.memory_space<vmem>>) semaphore(%arg15 : memref<!tpu.dma_semaphore, #tpu.memory_space<semaphore_mem>>)
        %dma_wait3A_304 = arith.constant 0 : i32
        %dma_wait3A_305 = arith.constant 0 : i32
        %dma_wait3A_306 = tpu.memref_slice %arg9[%dma_wait3A_304, %dma_wait3A_305] : memref<2x128xi32, #tpu.memory_space<vmem>> -> memref<1x128xi32, #tpu.memory_space<vmem>>
        %dma_wait3A_307 = tpu.memref_squeeze %dma_wait3A_306 : memref<1x128xi32, #tpu.memory_space<vmem>> -> memref<128xi32, #tpu.memory_space<vmem>>
        %dma_wait3A_308 = arith.constant 0 : i32
        %dma_wait3A_309 = arith.constant 0 : i32
        %dma_wait3A_310 = tpu.memref_slice %arg2[%dma_wait3A_308, %dma_wait3A_309] : memref<10000x128xf32, #tpu.memory_space<hbm>> -> memref<10000x128xf32, #tpu.memory_space<hbm>>
        tpu.wait_indirect_dma semaphore(%arg16 : memref<!tpu.dma_semaphore, #tpu.memory_space<semaphore_mem>>) src(%dma_wait3A_310 : memref<10000x128xf32, #tpu.memory_space<hbm>>) dst(%arg13 : memref<128x128xf32, #tpu.memory_space<vmem>>)
        %run_scoped3A_311 = arith.constant 1 : i32
        "tpu.region"() ({
          %run_scoped3A_427 = tpu.sem_alloc : memref<!tpu.dma_semaphore, #tpu.memory_space<semaphore_mem>>
          %dma_start3A_428 = arith.constant 0 : i32
          %dma_start3A_429 = tpu.memref_slice %arg9[%run_scoped3A_311, %dma_start3A_428] : memref<2x128xi32, #tpu.memory_space<vmem>> -> memref<1x128xi32, #tpu.memory_space<vmem>>
          %dma_start3A_430 = tpu.memref_squeeze %dma_start3A_429 : memref<1x128xi32, #tpu.memory_space<vmem>> -> memref<128xi32, #tpu.memory_space<vmem>>
          %dma_start3A_431 = arith.constant 0 : i32
          %dma_start3A_432 = arith.constant 0 : i32
          %dma_start3A_433 = tpu.memref_slice %arg14[%dma_start3A_431, %dma_start3A_432] : memref<10000x128xf32, #tpu.memory_space<vmem_shared>> -> memref<10000x128xf32, #tpu.memory_space<vmem_shared>>
          tpu.enqueue_indirect_dma source(%arg13 : memref<128x128xf32, #tpu.memory_space<vmem>>) target(%dma_start3A_433 : memref<10000x128xf32, #tpu.memory_space<vmem_shared>>) offsets(%dma_start3A_430 : memref<128xi32, #tpu.memory_space<vmem>>) semaphore(%run_scoped3A_427 : memref<!tpu.dma_semaphore, #tpu.memory_space<semaphore_mem>>) {add = true}
          %dma_wait3A_434 = arith.constant 0 : i32
          %dma_wait3A_435 = tpu.memref_slice %arg9[%run_scoped3A_311, %dma_wait3A_434] : memref<2x128xi32, #tpu.memory_space<vmem>> -> memref<1x128xi32, #tpu.memory_space<vmem>>
          %dma_wait3A_436 = tpu.memref_squeeze %dma_wait3A_435 : memref<1x128xi32, #tpu.memory_space<vmem>> -> memref<128xi32, #tpu.memory_space<vmem>>
          %dma_wait3A_437 = arith.constant 0 : i32
          %dma_wait3A_438 = arith.constant 0 : i32
          %dma_wait3A_439 = tpu.memref_slice %arg14[%dma_wait3A_437, %dma_wait3A_438] : memref<10000x128xf32, #tpu.memory_space<vmem_shared>> -> memref<10000x128xf32, #tpu.memory_space<vmem_shared>>
          tpu.wait_indirect_dma semaphore(%run_scoped3A_427 : memref<!tpu.dma_semaphore, #tpu.memory_space<semaphore_mem>>) src(%arg13 : memref<128x128xf32, #tpu.memory_space<vmem>>) dst(%dma_wait3A_439 : memref<10000x128xf32, #tpu.memory_space<vmem_shared>>)
          tpu.yield
        }) : () -> ()
        %add3A_312 = arith.constant 4 : i32
        %add3A_313 = arith.addi %mul3A_262, %add3A_312 : i32
        %add3A_314 = arith.constant 1 : i32
        %add3A_315 = arith.addi %add3A_313, %add3A_314 : i32
        %mul3A_316 = arith.constant 16 : i32
        %mul3A_317 = arith.muli %mul3A_316, %add3A_315 : i32
        %add3A_318 = arith.addi %arg1, %mul3A_317 : i32
        %mul3A_319 = arith.constant 128 : i32
        %mul3A_320 = arith.muli %add3A_318, %mul3A_319 : i32
        %dma_start3A_321 = arith.constant 0 : i32
        %dma_start3A_322 = tpu.memref_slice %arg4[%dma_start3A_321, %mul3A_320] : memref<2x320000xi32, #tpu.memory_space<hbm>> -> memref<2x128xi32, #tpu.memory_space<hbm>>
        %dma_start3A_323 = arith.constant 0 : i32
        %dma_start3A_324 = tpu.memref_slice %arg4[%dma_start3A_323, %mul3A_320] : memref<2x320000xi32, #tpu.memory_space<hbm>> -> memref<2x128xi32, #tpu.memory_space<hbm>>
        tpu.enqueue_dma source(%dma_start3A_324 : memref<2x128xi32, #tpu.memory_space<hbm>>) target(%arg9 : memref<2x128xi32, #tpu.memory_space<vmem>>) target_semaphore(%arg18 : memref<!tpu.dma_semaphore, #tpu.memory_space<semaphore_mem>>)
        %add3A_325 = arith.constant 2 : i32
        %add3A_326 = arith.addi %mul3A_262, %add3A_325 : i32
        %add3A_327 = arith.constant 1 : i32
        %add3A_328 = arith.addi %add3A_326, %add3A_327 : i32
        %mul3A_329 = arith.constant 16 : i32
        %mul3A_330 = arith.muli %mul3A_329, %add3A_328 : i32
        %add3A_331 = arith.addi %arg1, %mul3A_330 : i32
        %mul3A_332 = arith.constant 128 : i32
        %mul3A_333 = arith.muli %add3A_331, %mul3A_332 : i32
        %dma_wait3A_334 = arith.constant 0 : i32
        %dma_wait3A_335 = tpu.memref_slice %arg4[%dma_wait3A_334, %mul3A_333] : memref<2x320000xi32, #tpu.memory_space<hbm>> -> memref<2x128xi32, #tpu.memory_space<hbm>>
        %dma_wait3A_336 = arith.constant 0 : i32
        %dma_wait3A_337 = tpu.memref_slice %arg4[%dma_wait3A_336, %mul3A_333] : memref<2x320000xi32, #tpu.memory_space<hbm>> -> memref<2x128xi32, #tpu.memory_space<hbm>>
        tpu.wait_dma2 semaphore(%arg20 : memref<!tpu.dma_semaphore, #tpu.memory_space<semaphore_mem>>) src(%dma_wait3A_337 : memref<2x128xi32, #tpu.memory_space<hbm>>) dst(%arg11 : memref<2x128xi32, #tpu.memory_space<vmem>>)
        %dma_start3A_338 = arith.constant 0 : i32
        %dma_start3A_339 = arith.constant 0 : i32
        %dma_start3A_340 = tpu.memref_slice %arg11[%dma_start3A_338, %dma_start3A_339] : memref<2x128xi32, #tpu.memory_space<vmem>> -> memref<1x128xi32, #tpu.memory_space<vmem>>
        %dma_start3A_341 = tpu.memref_squeeze %dma_start3A_340 : memref<1x128xi32, #tpu.memory_space<vmem>> -> memref<128xi32, #tpu.memory_space<vmem>>
        %dma_start3A_342 = arith.constant 0 : i32
        %dma_start3A_343 = arith.constant 0 : i32
        %dma_start3A_344 = tpu.memref_slice %arg2[%dma_start3A_342, %dma_start3A_343] : memref<10000x128xf32, #tpu.memory_space<hbm>> -> memref<10000x128xf32, #tpu.memory_space<hbm>>
        tpu.enqueue_indirect_dma source(%dma_start3A_344 : memref<10000x128xf32, #tpu.memory_space<hbm>>) target(%arg13 : memref<128x128xf32, #tpu.memory_space<vmem>>) offsets(%dma_start3A_341 : memref<128xi32, #tpu.memory_space<vmem>>) semaphore(%arg16 : memref<!tpu.dma_semaphore, #tpu.memory_space<semaphore_mem>>)
        %dma_wait3A_345 = arith.constant 0 : i32
        %dma_wait3A_346 = arith.constant 0 : i32
        %dma_wait3A_347 = tpu.memref_slice %arg10[%dma_wait3A_345, %dma_wait3A_346] : memref<2x128xi32, #tpu.memory_space<vmem>> -> memref<1x128xi32, #tpu.memory_space<vmem>>
        %dma_wait3A_348 = tpu.memref_squeeze %dma_wait3A_347 : memref<1x128xi32, #tpu.memory_space<vmem>> -> memref<128xi32, #tpu.memory_space<vmem>>
        %dma_wait3A_349 = arith.constant 0 : i32
        %dma_wait3A_350 = arith.constant 0 : i32
        %dma_wait3A_351 = tpu.memref_slice %arg2[%dma_wait3A_349, %dma_wait3A_350] : memref<10000x128xf32, #tpu.memory_space<hbm>> -> memref<10000x128xf32, #tpu.memory_space<hbm>>
        tpu.wait_indirect_dma semaphore(%arg15 : memref<!tpu.dma_semaphore, #tpu.memory_space<semaphore_mem>>) src(%dma_wait3A_351 : memref<10000x128xf32, #tpu.memory_space<hbm>>) dst(%arg12 : memref<128x128xf32, #tpu.memory_space<vmem>>)
        %run_scoped3A_352 = arith.constant 1 : i32
        "tpu.region"() ({
          %run_scoped3A_427 = tpu.sem_alloc : memref<!tpu.dma_semaphore, #tpu.memory_space<semaphore_mem>>
          %dma_start3A_428 = arith.constant 0 : i32
          %dma_start3A_429 = tpu.memref_slice %arg10[%run_scoped3A_352, %dma_start3A_428] : memref<2x128xi32, #tpu.memory_space<vmem>> -> memref<1x128xi32, #tpu.memory_space<vmem>>
          %dma_start3A_430 = tpu.memref_squeeze %dma_start3A_429 : memref<1x128xi32, #tpu.memory_space<vmem>> -> memref<128xi32, #tpu.memory_space<vmem>>
          %dma_start3A_431 = arith.constant 0 : i32
          %dma_start3A_432 = arith.constant 0 : i32
          %dma_start3A_433 = tpu.memref_slice %arg14[%dma_start3A_431, %dma_start3A_432] : memref<10000x128xf32, #tpu.memory_space<vmem_shared>> -> memref<10000x128xf32, #tpu.memory_space<vmem_shared>>
          tpu.enqueue_indirect_dma source(%arg12 : memref<128x128xf32, #tpu.memory_space<vmem>>) target(%dma_start3A_433 : memref<10000x128xf32, #tpu.memory_space<vmem_shared>>) offsets(%dma_start3A_430 : memref<128xi32, #tpu.memory_space<vmem>>) semaphore(%run_scoped3A_427 : memref<!tpu.dma_semaphore, #tpu.memory_space<semaphore_mem>>) {add = true}
          %dma_wait3A_434 = arith.constant 0 : i32
          %dma_wait3A_435 = tpu.memref_slice %arg10[%run_scoped3A_352, %dma_wait3A_434] : memref<2x128xi32, #tpu.memory_space<vmem>> -> memref<1x128xi32, #tpu.memory_space<vmem>>
          %dma_wait3A_436 = tpu.memref_squeeze %dma_wait3A_435 : memref<1x128xi32, #tpu.memory_space<vmem>> -> memref<128xi32, #tpu.memory_space<vmem>>
          %dma_wait3A_437 = arith.constant 0 : i32
          %dma_wait3A_438 = arith.constant 0 : i32
          %dma_wait3A_439 = tpu.memref_slice %arg14[%dma_wait3A_437, %dma_wait3A_438] : memref<10000x128xf32, #tpu.memory_space<vmem_shared>> -> memref<10000x128xf32, #tpu.memory_space<vmem_shared>>
          tpu.wait_indirect_dma semaphore(%run_scoped3A_427 : memref<!tpu.dma_semaphore, #tpu.memory_space<semaphore_mem>>) src(%arg12 : memref<128x128xf32, #tpu.memory_space<vmem>>) dst(%dma_wait3A_439 : memref<10000x128xf32, #tpu.memory_space<vmem_shared>>)
          tpu.yield
        }) : () -> ()
        %add3A_353 = arith.constant 4 : i32
        %add3A_354 = arith.addi %mul3A_262, %add3A_353 : i32
        %add3A_355 = arith.constant 2 : i32
        %add3A_356 = arith.addi %add3A_354, %add3A_355 : i32
        %mul3A_357 = arith.constant 16 : i32
        %mul3A_358 = arith.muli %mul3A_357, %add3A_356 : i32
        %add3A_359 = arith.addi %arg1, %mul3A_358 : i32
        %mul3A_360 = arith.constant 128 : i32
        %mul3A_361 = arith.muli %add3A_359, %mul3A_360 : i32
        %dma_start3A_362 = arith.constant 0 : i32
        %dma_start3A_363 = tpu.memref_slice %arg4[%dma_start3A_362, %mul3A_361] : memref<2x320000xi32, #tpu.memory_space<hbm>> -> memref<2x128xi32, #tpu.memory_space<hbm>>
        %dma_start3A_364 = arith.constant 0 : i32
        %dma_start3A_365 = tpu.memref_slice %arg4[%dma_start3A_364, %mul3A_361] : memref<2x320000xi32, #tpu.memory_space<hbm>> -> memref<2x128xi32, #tpu.memory_space<hbm>>
        tpu.enqueue_dma source(%dma_start3A_365 : memref<2x128xi32, #tpu.memory_space<hbm>>) target(%arg10 : memref<2x128xi32, #tpu.memory_space<vmem>>) target_semaphore(%arg19 : memref<!tpu.dma_semaphore, #tpu.memory_space<semaphore_mem>>)
        %add3A_366 = arith.constant 2 : i32
        %add3A_367 = arith.addi %mul3A_262, %add3A_366 : i32
        %add3A_368 = arith.constant 2 : i32
        %add3A_369 = arith.addi %add3A_367, %add3A_368 : i32
        %mul3A_370 = arith.constant 16 : i32
        %mul3A_371 = arith.muli %mul3A_370, %add3A_369 : i32
        %add3A_372 = arith.addi %arg1, %mul3A_371 : i32
        %mul3A_373 = arith.constant 128 : i32
        %mul3A_374 = arith.muli %add3A_372, %mul3A_373 : i32
        %dma_wait3A_375 = arith.constant 0 : i32
        %dma_wait3A_376 = tpu.memref_slice %arg4[%dma_wait3A_375, %mul3A_374] : memref<2x320000xi32, #tpu.memory_space<hbm>> -> memref<2x128xi32, #tpu.memory_space<hbm>>
        %dma_wait3A_377 = arith.constant 0 : i32
        %dma_wait3A_378 = tpu.memref_slice %arg4[%dma_wait3A_377, %mul3A_374] : memref<2x320000xi32, #tpu.memory_space<hbm>> -> memref<2x128xi32, #tpu.memory_space<hbm>>
        tpu.wait_dma2 semaphore(%arg17 : memref<!tpu.dma_semaphore, #tpu.memory_space<semaphore_mem>>) src(%dma_wait3A_378 : memref<2x128xi32, #tpu.memory_space<hbm>>) dst(%arg8 : memref<2x128xi32, #tpu.memory_space<vmem>>)
        %dma_start3A_379 = arith.constant 0 : i32
        %dma_start3A_380 = arith.constant 0 : i32
        %dma_start3A_381 = tpu.memref_slice %arg8[%dma_start3A_379, %dma_start3A_380] : memref<2x128xi32, #tpu.memory_space<vmem>> -> memref<1x128xi32, #tpu.memory_space<vmem>>
        %dma_start3A_382 = tpu.memref_squeeze %dma_start3A_381 : memref<1x128xi32, #tpu.memory_space<vmem>> -> memref<128xi32, #tpu.memory_space<vmem>>
        %dma_start3A_383 = arith.constant 0 : i32
        %dma_start3A_384 = arith.constant 0 : i32
        %dma_start3A_385 = tpu.memref_slice %arg2[%dma_start3A_383, %dma_start3A_384] : memref<10000x128xf32, #tpu.memory_space<hbm>> -> memref<10000x128xf32, #tpu.memory_space<hbm>>
        tpu.enqueue_indirect_dma source(%dma_start3A_385 : memref<10000x128xf32, #tpu.memory_space<hbm>>) target(%arg12 : memref<128x128xf32, #tpu.memory_space<vmem>>) offsets(%dma_start3A_382 : memref<128xi32, #tpu.memory_space<vmem>>) semaphore(%arg15 : memref<!tpu.dma_semaphore, #tpu.memory_space<semaphore_mem>>)
        %dma_wait3A_386 = arith.constant 0 : i32
        %dma_wait3A_387 = arith.constant 0 : i32
        %dma_wait3A_388 = tpu.memref_slice %arg11[%dma_wait3A_386, %dma_wait3A_387] : memref<2x128xi32, #tpu.memory_space<vmem>> -> memref<1x128xi32, #tpu.memory_space<vmem>>
        %dma_wait3A_389 = tpu.memref_squeeze %dma_wait3A_388 : memref<1x128xi32, #tpu.memory_space<vmem>> -> memref<128xi32, #tpu.memory_space<vmem>>
        %dma_wait3A_390 = arith.constant 0 : i32
        %dma_wait3A_391 = arith.constant 0 : i32
        %dma_wait3A_392 = tpu.memref_slice %arg2[%dma_wait3A_390, %dma_wait3A_391] : memref<10000x128xf32, #tpu.memory_space<hbm>> -> memref<10000x128xf32, #tpu.memory_space<hbm>>
        tpu.wait_indirect_dma semaphore(%arg16 : memref<!tpu.dma_semaphore, #tpu.memory_space<semaphore_mem>>) src(%dma_wait3A_392 : memref<10000x128xf32, #tpu.memory_space<hbm>>) dst(%arg13 : memref<128x128xf32, #tpu.memory_space<vmem>>)
        %run_scoped3A_393 = arith.constant 1 : i32
        "tpu.region"() ({
          %run_scoped3A_427 = tpu.sem_alloc : memref<!tpu.dma_semaphore, #tpu.memory_space<semaphore_mem>>
          %dma_start3A_428 = arith.constant 0 : i32
          %dma_start3A_429 = tpu.memref_slice %arg11[%run_scoped3A_393, %dma_start3A_428] : memref<2x128xi32, #tpu.memory_space<vmem>> -> memref<1x128xi32, #tpu.memory_space<vmem>>
          %dma_start3A_430 = tpu.memref_squeeze %dma_start3A_429 : memref<1x128xi32, #tpu.memory_space<vmem>> -> memref<128xi32, #tpu.memory_space<vmem>>
          %dma_start3A_431 = arith.constant 0 : i32
          %dma_start3A_432 = arith.constant 0 : i32
          %dma_start3A_433 = tpu.memref_slice %arg14[%dma_start3A_431, %dma_start3A_432] : memref<10000x128xf32, #tpu.memory_space<vmem_shared>> -> memref<10000x128xf32, #tpu.memory_space<vmem_shared>>
          tpu.enqueue_indirect_dma source(%arg13 : memref<128x128xf32, #tpu.memory_space<vmem>>) target(%dma_start3A_433 : memref<10000x128xf32, #tpu.memory_space<vmem_shared>>) offsets(%dma_start3A_430 : memref<128xi32, #tpu.memory_space<vmem>>) semaphore(%run_scoped3A_427 : memref<!tpu.dma_semaphore, #tpu.memory_space<semaphore_mem>>) {add = true}
          %dma_wait3A_434 = arith.constant 0 : i32
          %dma_wait3A_435 = tpu.memref_slice %arg11[%run_scoped3A_393, %dma_wait3A_434] : memref<2x128xi32, #tpu.memory_space<vmem>> -> memref<1x128xi32, #tpu.memory_space<vmem>>
          %dma_wait3A_436 = tpu.memref_squeeze %dma_wait3A_435 : memref<1x128xi32, #tpu.memory_space<vmem>> -> memref<128xi32, #tpu.memory_space<vmem>>
          %dma_wait3A_437 = arith.constant 0 : i32
          %dma_wait3A_438 = arith.constant 0 : i32
          %dma_wait3A_439 = tpu.memref_slice %arg14[%dma_wait3A_437, %dma_wait3A_438] : memref<10000x128xf32, #tpu.memory_space<vmem_shared>> -> memref<10000x128xf32, #tpu.memory_space<vmem_shared>>
          tpu.wait_indirect_dma semaphore(%run_scoped3A_427 : memref<!tpu.dma_semaphore, #tpu.memory_space<semaphore_mem>>) src(%arg13 : memref<128x128xf32, #tpu.memory_space<vmem>>) dst(%dma_wait3A_439 : memref<10000x128xf32, #tpu.memory_space<vmem_shared>>)
          tpu.yield
        }) : () -> ()
        %add3A_394 = arith.constant 4 : i32
        %add3A_395 = arith.addi %mul3A_262, %add3A_394 : i32
        %add3A_396 = arith.constant 3 : i32
        %add3A_397 = arith.addi %add3A_395, %add3A_396 : i32
        %mul3A_398 = arith.constant 16 : i32
        %mul3A_399 = arith.muli %mul3A_398, %add3A_397 : i32
        %add3A_400 = arith.addi %arg1, %mul3A_399 : i32
        %mul3A_401 = arith.constant 128 : i32
        %mul3A_402 = arith.muli %add3A_400, %mul3A_401 : i32
        %dma_start3A_403 = arith.constant 0 : i32
        %dma_start3A_404 = tpu.memref_slice %arg4[%dma_start3A_403, %mul3A_402] : memref<2x320000xi32, #tpu.memory_space<hbm>> -> memref<2x128xi32, #tpu.memory_space<hbm>>
        %dma_start3A_405 = arith.constant 0 : i32
        %dma_start3A_406 = tpu.memref_slice %arg4[%dma_start3A_405, %mul3A_402] : memref<2x320000xi32, #tpu.memory_space<hbm>> -> memref<2x128xi32, #tpu.memory_space<hbm>>
        tpu.enqueue_dma source(%dma_start3A_406 : memref<2x128xi32, #tpu.memory_space<hbm>>) target(%arg11 : memref<2x128xi32, #tpu.memory_space<vmem>>) target_semaphore(%arg20 : memref<!tpu.dma_semaphore, #tpu.memory_space<semaphore_mem>>)
        %add3A_407 = arith.constant 2 : i32
        %add3A_408 = arith.addi %mul3A_262, %add3A_407 : i32
        %add3A_409 = arith.constant 3 : i32
        %add3A_410 = arith.addi %add3A_408, %add3A_409 : i32
        %mul3A_411 = arith.constant 16 : i32
        %mul3A_412 = arith.muli %mul3A_411, %add3A_410 : i32
        %add3A_413 = arith.addi %arg1, %mul3A_412 : i32
        %mul3A_414 = arith.constant 128 : i32
        %mul3A_415 = arith.muli %add3A_413, %mul3A_414 : i32
        %dma_wait3A_416 = arith.constant 0 : i32
        %dma_wait3A_417 = tpu.memref_slice %arg4[%dma_wait3A_416, %mul3A_415] : memref<2x320000xi32, #tpu.memory_space<hbm>> -> memref<2x128xi32, #tpu.memory_space<hbm>>
        %dma_wait3A_418 = arith.constant 0 : i32
        %dma_wait3A_419 = tpu.memref_slice %arg4[%dma_wait3A_418, %mul3A_415] : memref<2x320000xi32, #tpu.memory_space<hbm>> -> memref<2x128xi32, #tpu.memory_space<hbm>>
        tpu.wait_dma2 semaphore(%arg18 : memref<!tpu.dma_semaphore, #tpu.memory_space<semaphore_mem>>) src(%dma_wait3A_419 : memref<2x128xi32, #tpu.memory_space<hbm>>) dst(%arg9 : memref<2x128xi32, #tpu.memory_space<vmem>>)
        %dma_start3A_420 = arith.constant 0 : i32
        %dma_start3A_421 = arith.constant 0 : i32
        %dma_start3A_422 = tpu.memref_slice %arg9[%dma_start3A_420, %dma_start3A_421] : memref<2x128xi32, #tpu.memory_space<vmem>> -> memref<1x128xi32, #tpu.memory_space<vmem>>
        %dma_start3A_423 = tpu.memref_squeeze %dma_start3A_422 : memref<1x128xi32, #tpu.memory_space<vmem>> -> memref<128xi32, #tpu.memory_space<vmem>>
        %dma_start3A_424 = arith.constant 0 : i32
        %dma_start3A_425 = arith.constant 0 : i32
        %dma_start3A_426 = tpu.memref_slice %arg2[%dma_start3A_424, %dma_start3A_425] : memref<10000x128xf32, #tpu.memory_space<hbm>> -> memref<10000x128xf32, #tpu.memory_space<hbm>>
        tpu.enqueue_indirect_dma source(%dma_start3A_426 : memref<10000x128xf32, #tpu.memory_space<hbm>>) target(%arg13 : memref<128x128xf32, #tpu.memory_space<vmem>>) offsets(%dma_start3A_423 : memref<128xi32, #tpu.memory_space<vmem>>) semaphore(%arg16 : memref<!tpu.dma_semaphore, #tpu.memory_space<semaphore_mem>>)
      }
      %jit3A_126 = arith.constant 4 : i32
      %div3A_127 = arith.divsi %select_n3A, %jit3A_126 : i32
      %sign3A_128 = arith.constant 0 : i32
      %sign3A_129 = arith.cmpi sgt, %select_n3A, %sign3A_128 : i32
      %sign3A_130 = arith.extui %sign3A_129 : i1 to i32
      %sign3A_131 = arith.constant 0 : i32
      %sign3A_132 = arith.cmpi slt, %select_n3A, %sign3A_131 : i32
      %sign3A_133 = arith.extui %sign3A_132 : i1 to i32
      %sign3A_134 = arith.subi %sign3A_130, %sign3A_133 : i32
      %sign3A_135 = arith.constant 0 : i32
      %sign3A_136 = arith.cmpi sgt, %jit3A_126, %sign3A_135 : i32
      %sign3A_137 = arith.extui %sign3A_136 : i1 to i32
      %sign3A_138 = arith.constant 0 : i32
      %sign3A_139 = arith.cmpi slt, %jit3A_126, %sign3A_138 : i32
      %sign3A_140 = arith.extui %sign3A_139 : i1 to i32
      %sign3A_141 = arith.subi %sign3A_137, %sign3A_140 : i32
      %ne3A_142 = arith.cmpi ne, %sign3A_134, %sign3A_141 : i32
      %rem3A_143 = arith.remsi %select_n3A, %jit3A_126 : i32
      %ne3A_144 = arith.constant 0 : i32
      %ne3A_145 = arith.cmpi ne, %rem3A_143, %ne3A_144 : i32
      %and3A_146 = arith.andi %ne3A_142, %ne3A_145 : i1
      %sub3A_147 = arith.constant 1 : i32
      %sub3A_148 = arith.subi %div3A_127, %sub3A_147 : i32
      %select_n3A_149 = arith.select %and3A_146, %sub3A_148, %div3A_127 : i32
      %mul3A_150 = arith.constant 4 : i32
      %mul3A_151 = arith.muli %mul3A_150, %select_n3A_149 : i32
      %sub3A_152 = arith.constant 4 : i32
      %sub3A_153 = arith.subi %mul3A_151, %sub3A_152 : i32
      %dma_wait3A_154 = arith.constant 0 : i32
      %dma_wait3A_155 = arith.constant 0 : i32
      %dma_wait3A_156 = tpu.memref_slice %arg8[%dma_wait3A_154, %dma_wait3A_155] : memref<2x128xi32, #tpu.memory_space<vmem>> -> memref<1x128xi32, #tpu.memory_space<vmem>>
      %dma_wait3A_157 = tpu.memref_squeeze %dma_wait3A_156 : memref<1x128xi32, #tpu.memory_space<vmem>> -> memref<128xi32, #tpu.memory_space<vmem>>
      %dma_wait3A_158 = arith.constant 0 : i32
      %dma_wait3A_159 = arith.constant 0 : i32
      %dma_wait3A_160 = tpu.memref_slice %arg2[%dma_wait3A_158, %dma_wait3A_159] : memref<10000x128xf32, #tpu.memory_space<hbm>> -> memref<10000x128xf32, #tpu.memory_space<hbm>>
      tpu.wait_indirect_dma semaphore(%arg15 : memref<!tpu.dma_semaphore, #tpu.memory_space<semaphore_mem>>) src(%dma_wait3A_160 : memref<10000x128xf32, #tpu.memory_space<hbm>>) dst(%arg12 : memref<128x128xf32, #tpu.memory_space<vmem>>)
      %run_scoped3A = arith.constant 1 : i32
      "tpu.region"() ({
        %run_scoped3A_260 = tpu.sem_alloc : memref<!tpu.dma_semaphore, #tpu.memory_space<semaphore_mem>>
        %dma_start3A_261 = arith.constant 0 : i32
        %dma_start3A_262 = tpu.memref_slice %arg8[%run_scoped3A, %dma_start3A_261] : memref<2x128xi32, #tpu.memory_space<vmem>> -> memref<1x128xi32, #tpu.memory_space<vmem>>
        %dma_start3A_263 = tpu.memref_squeeze %dma_start3A_262 : memref<1x128xi32, #tpu.memory_space<vmem>> -> memref<128xi32, #tpu.memory_space<vmem>>
        %dma_start3A_264 = arith.constant 0 : i32
        %dma_start3A_265 = arith.constant 0 : i32
        %dma_start3A_266 = tpu.memref_slice %arg14[%dma_start3A_264, %dma_start3A_265] : memref<10000x128xf32, #tpu.memory_space<vmem_shared>> -> memref<10000x128xf32, #tpu.memory_space<vmem_shared>>
        tpu.enqueue_indirect_dma source(%arg12 : memref<128x128xf32, #tpu.memory_space<vmem>>) target(%dma_start3A_266 : memref<10000x128xf32, #tpu.memory_space<vmem_shared>>) offsets(%dma_start3A_263 : memref<128xi32, #tpu.memory_space<vmem>>) semaphore(%run_scoped3A_260 : memref<!tpu.dma_semaphore, #tpu.memory_space<semaphore_mem>>) {add = true}
        %dma_wait3A_267 = arith.constant 0 : i32
        %dma_wait3A_268 = tpu.memref_slice %arg8[%run_scoped3A, %dma_wait3A_267] : memref<2x128xi32, #tpu.memory_space<vmem>> -> memref<1x128xi32, #tpu.memory_space<vmem>>
        %dma_wait3A_269 = tpu.memref_squeeze %dma_wait3A_268 : memref<1x128xi32, #tpu.memory_space<vmem>> -> memref<128xi32, #tpu.memory_space<vmem>>
        %dma_wait3A_270 = arith.constant 0 : i32
        %dma_wait3A_271 = arith.constant 0 : i32
        %dma_wait3A_272 = tpu.memref_slice %arg14[%dma_wait3A_270, %dma_wait3A_271] : memref<10000x128xf32, #tpu.memory_space<vmem_shared>> -> memref<10000x128xf32, #tpu.memory_space<vmem_shared>>
        tpu.wait_indirect_dma semaphore(%run_scoped3A_260 : memref<!tpu.dma_semaphore, #tpu.memory_space<semaphore_mem>>) src(%arg12 : memref<128x128xf32, #tpu.memory_space<vmem>>) dst(%dma_wait3A_272 : memref<10000x128xf32, #tpu.memory_space<vmem_shared>>)
        tpu.yield
      }) : () -> ()
      %add3A_161 = arith.constant 2 : i32
      %add3A_162 = arith.addi %sub3A_153, %add3A_161 : i32
      %add3A_163 = arith.constant 0 : i32
      %add3A_164 = arith.addi %add3A_162, %add3A_163 : i32
      %mul3A_165 = arith.constant 16 : i32
      %mul3A_166 = arith.muli %mul3A_165, %add3A_164 : i32
      %add3A_167 = arith.addi %arg1, %mul3A_166 : i32
      %mul3A_168 = arith.constant 128 : i32
      %mul3A_169 = arith.muli %add3A_167, %mul3A_168 : i32
      %dma_wait3A_170 = arith.constant 0 : i32
      %dma_wait3A_171 = tpu.memref_slice %arg4[%dma_wait3A_170, %mul3A_169] : memref<2x320000xi32, #tpu.memory_space<hbm>> -> memref<2x128xi32, #tpu.memory_space<hbm>>
      %dma_wait3A_172 = arith.constant 0 : i32
      %dma_wait3A_173 = tpu.memref_slice %arg4[%dma_wait3A_172, %mul3A_169] : memref<2x320000xi32, #tpu.memory_space<hbm>> -> memref<2x128xi32, #tpu.memory_space<hbm>>
      tpu.wait_dma2 semaphore(%arg19 : memref<!tpu.dma_semaphore, #tpu.memory_space<semaphore_mem>>) src(%dma_wait3A_173 : memref<2x128xi32, #tpu.memory_space<hbm>>) dst(%arg10 : memref<2x128xi32, #tpu.memory_space<vmem>>)
      %dma_start3A_174 = arith.constant 0 : i32
      %dma_start3A_175 = arith.constant 0 : i32
      %dma_start3A_176 = tpu.memref_slice %arg10[%dma_start3A_174, %dma_start3A_175] : memref<2x128xi32, #tpu.memory_space<vmem>> -> memref<1x128xi32, #tpu.memory_space<vmem>>
      %dma_start3A_177 = tpu.memref_squeeze %dma_start3A_176 : memref<1x128xi32, #tpu.memory_space<vmem>> -> memref<128xi32, #tpu.memory_space<vmem>>
      %dma_start3A_178 = arith.constant 0 : i32
      %dma_start3A_179 = arith.constant 0 : i32
      %dma_start3A_180 = tpu.memref_slice %arg2[%dma_start3A_178, %dma_start3A_179] : memref<10000x128xf32, #tpu.memory_space<hbm>> -> memref<10000x128xf32, #tpu.memory_space<hbm>>
      tpu.enqueue_indirect_dma source(%dma_start3A_180 : memref<10000x128xf32, #tpu.memory_space<hbm>>) target(%arg12 : memref<128x128xf32, #tpu.memory_space<vmem>>) offsets(%dma_start3A_177 : memref<128xi32, #tpu.memory_space<vmem>>) semaphore(%arg15 : memref<!tpu.dma_semaphore, #tpu.memory_space<semaphore_mem>>)
      %dma_wait3A_181 = arith.constant 0 : i32
      %dma_wait3A_182 = arith.constant 0 : i32
      %dma_wait3A_183 = tpu.memref_slice %arg9[%dma_wait3A_181, %dma_wait3A_182] : memref<2x128xi32, #tpu.memory_space<vmem>> -> memref<1x128xi32, #tpu.memory_space<vmem>>
      %dma_wait3A_184 = tpu.memref_squeeze %dma_wait3A_183 : memref<1x128xi32, #tpu.memory_space<vmem>> -> memref<128xi32, #tpu.memory_space<vmem>>
      %dma_wait3A_185 = arith.constant 0 : i32
      %dma_wait3A_186 = arith.constant 0 : i32
      %dma_wait3A_187 = tpu.memref_slice %arg2[%dma_wait3A_185, %dma_wait3A_186] : memref<10000x128xf32, #tpu.memory_space<hbm>> -> memref<10000x128xf32, #tpu.memory_space<hbm>>
      tpu.wait_indirect_dma semaphore(%arg16 : memref<!tpu.dma_semaphore, #tpu.memory_space<semaphore_mem>>) src(%dma_wait3A_187 : memref<10000x128xf32, #tpu.memory_space<hbm>>) dst(%arg13 : memref<128x128xf32, #tpu.memory_space<vmem>>)
      %run_scoped3A_188 = arith.constant 1 : i32
      "tpu.region"() ({
        %run_scoped3A_260 = tpu.sem_alloc : memref<!tpu.dma_semaphore, #tpu.memory_space<semaphore_mem>>
        %dma_start3A_261 = arith.constant 0 : i32
        %dma_start3A_262 = tpu.memref_slice %arg9[%run_scoped3A_188, %dma_start3A_261] : memref<2x128xi32, #tpu.memory_space<vmem>> -> memref<1x128xi32, #tpu.memory_space<vmem>>
        %dma_start3A_263 = tpu.memref_squeeze %dma_start3A_262 : memref<1x128xi32, #tpu.memory_space<vmem>> -> memref<128xi32, #tpu.memory_space<vmem>>
        %dma_start3A_264 = arith.constant 0 : i32
        %dma_start3A_265 = arith.constant 0 : i32
        %dma_start3A_266 = tpu.memref_slice %arg14[%dma_start3A_264, %dma_start3A_265] : memref<10000x128xf32, #tpu.memory_space<vmem_shared>> -> memref<10000x128xf32, #tpu.memory_space<vmem_shared>>
        tpu.enqueue_indirect_dma source(%arg13 : memref<128x128xf32, #tpu.memory_space<vmem>>) target(%dma_start3A_266 : memref<10000x128xf32, #tpu.memory_space<vmem_shared>>) offsets(%dma_start3A_263 : memref<128xi32, #tpu.memory_space<vmem>>) semaphore(%run_scoped3A_260 : memref<!tpu.dma_semaphore, #tpu.memory_space<semaphore_mem>>) {add = true}
        %dma_wait3A_267 = arith.constant 0 : i32
        %dma_wait3A_268 = tpu.memref_slice %arg9[%run_scoped3A_188, %dma_wait3A_267] : memref<2x128xi32, #tpu.memory_space<vmem>> -> memref<1x128xi32, #tpu.memory_space<vmem>>
        %dma_wait3A_269 = tpu.memref_squeeze %dma_wait3A_268 : memref<1x128xi32, #tpu.memory_space<vmem>> -> memref<128xi32, #tpu.memory_space<vmem>>
        %dma_wait3A_270 = arith.constant 0 : i32
        %dma_wait3A_271 = arith.constant 0 : i32
        %dma_wait3A_272 = tpu.memref_slice %arg14[%dma_wait3A_270, %dma_wait3A_271] : memref<10000x128xf32, #tpu.memory_space<vmem_shared>> -> memref<10000x128xf32, #tpu.memory_space<vmem_shared>>
        tpu.wait_indirect_dma semaphore(%run_scoped3A_260 : memref<!tpu.dma_semaphore, #tpu.memory_space<semaphore_mem>>) src(%arg13 : memref<128x128xf32, #tpu.memory_space<vmem>>) dst(%dma_wait3A_272 : memref<10000x128xf32, #tpu.memory_space<vmem_shared>>)
        tpu.yield
      }) : () -> ()
      %add3A_189 = arith.constant 2 : i32
      %add3A_190 = arith.addi %sub3A_153, %add3A_189 : i32
      %add3A_191 = arith.constant 1 : i32
      %add3A_192 = arith.addi %add3A_190, %add3A_191 : i32
      %mul3A_193 = arith.constant 16 : i32
      %mul3A_194 = arith.muli %mul3A_193, %add3A_192 : i32
      %add3A_195 = arith.addi %arg1, %mul3A_194 : i32
      %mul3A_196 = arith.constant 128 : i32
      %mul3A_197 = arith.muli %add3A_195, %mul3A_196 : i32
      %dma_wait3A_198 = arith.constant 0 : i32
      %dma_wait3A_199 = tpu.memref_slice %arg4[%dma_wait3A_198, %mul3A_197] : memref<2x320000xi32, #tpu.memory_space<hbm>> -> memref<2x128xi32, #tpu.memory_space<hbm>>
      %dma_wait3A_200 = arith.constant 0 : i32
      %dma_wait3A_201 = tpu.memref_slice %arg4[%dma_wait3A_200, %mul3A_197] : memref<2x320000xi32, #tpu.memory_space<hbm>> -> memref<2x128xi32, #tpu.memory_space<hbm>>
      tpu.wait_dma2 semaphore(%arg20 : memref<!tpu.dma_semaphore, #tpu.memory_space<semaphore_mem>>) src(%dma_wait3A_201 : memref<2x128xi32, #tpu.memory_space<hbm>>) dst(%arg11 : memref<2x128xi32, #tpu.memory_space<vmem>>)
      %dma_start3A_202 = arith.constant 0 : i32
      %dma_start3A_203 = arith.constant 0 : i32
      %dma_start3A_204 = tpu.memref_slice %arg11[%dma_start3A_202, %dma_start3A_203] : memref<2x128xi32, #tpu.memory_space<vmem>> -> memref<1x128xi32, #tpu.memory_space<vmem>>
      %dma_start3A_205 = tpu.memref_squeeze %dma_start3A_204 : memref<1x128xi32, #tpu.memory_space<vmem>> -> memref<128xi32, #tpu.memory_space<vmem>>
      %dma_start3A_206 = arith.constant 0 : i32
      %dma_start3A_207 = arith.constant 0 : i32
      %dma_start3A_208 = tpu.memref_slice %arg2[%dma_start3A_206, %dma_start3A_207] : memref<10000x128xf32, #tpu.memory_space<hbm>> -> memref<10000x128xf32, #tpu.memory_space<hbm>>
      tpu.enqueue_indirect_dma source(%dma_start3A_208 : memref<10000x128xf32, #tpu.memory_space<hbm>>) target(%arg13 : memref<128x128xf32, #tpu.memory_space<vmem>>) offsets(%dma_start3A_205 : memref<128xi32, #tpu.memory_space<vmem>>) semaphore(%arg16 : memref<!tpu.dma_semaphore, #tpu.memory_space<semaphore_mem>>)
      %dma_wait3A_209 = arith.constant 0 : i32
      %dma_wait3A_210 = arith.constant 0 : i32
      %dma_wait3A_211 = tpu.memref_slice %arg10[%dma_wait3A_209, %dma_wait3A_210] : memref<2x128xi32, #tpu.memory_space<vmem>> -> memref<1x128xi32, #tpu.memory_space<vmem>>
      %dma_wait3A_212 = tpu.memref_squeeze %dma_wait3A_211 : memref<1x128xi32, #tpu.memory_space<vmem>> -> memref<128xi32, #tpu.memory_space<vmem>>
      %dma_wait3A_213 = arith.constant 0 : i32
      %dma_wait3A_214 = arith.constant 0 : i32
      %dma_wait3A_215 = tpu.memref_slice %arg2[%dma_wait3A_213, %dma_wait3A_214] : memref<10000x128xf32, #tpu.memory_space<hbm>> -> memref<10000x128xf32, #tpu.memory_space<hbm>>
      tpu.wait_indirect_dma semaphore(%arg15 : memref<!tpu.dma_semaphore, #tpu.memory_space<semaphore_mem>>) src(%dma_wait3A_215 : memref<10000x128xf32, #tpu.memory_space<hbm>>) dst(%arg12 : memref<128x128xf32, #tpu.memory_space<vmem>>)
      %run_scoped3A_216 = arith.constant 1 : i32
      "tpu.region"() ({
        %run_scoped3A_260 = tpu.sem_alloc : memref<!tpu.dma_semaphore, #tpu.memory_space<semaphore_mem>>
        %dma_start3A_261 = arith.constant 0 : i32
        %dma_start3A_262 = tpu.memref_slice %arg10[%run_scoped3A_216, %dma_start3A_261] : memref<2x128xi32, #tpu.memory_space<vmem>> -> memref<1x128xi32, #tpu.memory_space<vmem>>
        %dma_start3A_263 = tpu.memref_squeeze %dma_start3A_262 : memref<1x128xi32, #tpu.memory_space<vmem>> -> memref<128xi32, #tpu.memory_space<vmem>>
        %dma_start3A_264 = arith.constant 0 : i32
        %dma_start3A_265 = arith.constant 0 : i32
        %dma_start3A_266 = tpu.memref_slice %arg14[%dma_start3A_264, %dma_start3A_265] : memref<10000x128xf32, #tpu.memory_space<vmem_shared>> -> memref<10000x128xf32, #tpu.memory_space<vmem_shared>>
        tpu.enqueue_indirect_dma source(%arg12 : memref<128x128xf32, #tpu.memory_space<vmem>>) target(%dma_start3A_266 : memref<10000x128xf32, #tpu.memory_space<vmem_shared>>) offsets(%dma_start3A_263 : memref<128xi32, #tpu.memory_space<vmem>>) semaphore(%run_scoped3A_260 : memref<!tpu.dma_semaphore, #tpu.memory_space<semaphore_mem>>) {add = true}
        %dma_wait3A_267 = arith.constant 0 : i32
        %dma_wait3A_268 = tpu.memref_slice %arg10[%run_scoped3A_216, %dma_wait3A_267] : memref<2x128xi32, #tpu.memory_space<vmem>> -> memref<1x128xi32, #tpu.memory_space<vmem>>
        %dma_wait3A_269 = tpu.memref_squeeze %dma_wait3A_268 : memref<1x128xi32, #tpu.memory_space<vmem>> -> memref<128xi32, #tpu.memory_space<vmem>>
        %dma_wait3A_270 = arith.constant 0 : i32
        %dma_wait3A_271 = arith.constant 0 : i32
        %dma_wait3A_272 = tpu.memref_slice %arg14[%dma_wait3A_270, %dma_wait3A_271] : memref<10000x128xf32, #tpu.memory_space<vmem_shared>> -> memref<10000x128xf32, #tpu.memory_space<vmem_shared>>
        tpu.wait_indirect_dma semaphore(%run_scoped3A_260 : memref<!tpu.dma_semaphore, #tpu.memory_space<semaphore_mem>>) src(%arg12 : memref<128x128xf32, #tpu.memory_space<vmem>>) dst(%dma_wait3A_272 : memref<10000x128xf32, #tpu.memory_space<vmem_shared>>)
        tpu.yield
      }) : () -> ()
      %dma_wait3A_217 = arith.constant 0 : i32
      %dma_wait3A_218 = arith.constant 0 : i32
      %dma_wait3A_219 = tpu.memref_slice %arg11[%dma_wait3A_217, %dma_wait3A_218] : memref<2x128xi32, #tpu.memory_space<vmem>> -> memref<1x128xi32, #tpu.memory_space<vmem>>
      %dma_wait3A_220 = tpu.memref_squeeze %dma_wait3A_219 : memref<1x128xi32, #tpu.memory_space<vmem>> -> memref<128xi32, #tpu.memory_space<vmem>>
      %dma_wait3A_221 = arith.constant 0 : i32
      %dma_wait3A_222 = arith.constant 0 : i32
      %dma_wait3A_223 = tpu.memref_slice %arg2[%dma_wait3A_221, %dma_wait3A_222] : memref<10000x128xf32, #tpu.memory_space<hbm>> -> memref<10000x128xf32, #tpu.memory_space<hbm>>
      tpu.wait_indirect_dma semaphore(%arg16 : memref<!tpu.dma_semaphore, #tpu.memory_space<semaphore_mem>>) src(%dma_wait3A_223 : memref<10000x128xf32, #tpu.memory_space<hbm>>) dst(%arg13 : memref<128x128xf32, #tpu.memory_space<vmem>>)
      %run_scoped3A_224 = arith.constant 1 : i32
      "tpu.region"() ({
        %run_scoped3A_260 = tpu.sem_alloc : memref<!tpu.dma_semaphore, #tpu.memory_space<semaphore_mem>>
        %dma_start3A_261 = arith.constant 0 : i32
        %dma_start3A_262 = tpu.memref_slice %arg11[%run_scoped3A_224, %dma_start3A_261] : memref<2x128xi32, #tpu.memory_space<vmem>> -> memref<1x128xi32, #tpu.memory_space<vmem>>
        %dma_start3A_263 = tpu.memref_squeeze %dma_start3A_262 : memref<1x128xi32, #tpu.memory_space<vmem>> -> memref<128xi32, #tpu.memory_space<vmem>>
        %dma_start3A_264 = arith.constant 0 : i32
        %dma_start3A_265 = arith.constant 0 : i32
        %dma_start3A_266 = tpu.memref_slice %arg14[%dma_start3A_264, %dma_start3A_265] : memref<10000x128xf32, #tpu.memory_space<vmem_shared>> -> memref<10000x128xf32, #tpu.memory_space<vmem_shared>>
        tpu.enqueue_indirect_dma source(%arg13 : memref<128x128xf32, #tpu.memory_space<vmem>>) target(%dma_start3A_266 : memref<10000x128xf32, #tpu.memory_space<vmem_shared>>) offsets(%dma_start3A_263 : memref<128xi32, #tpu.memory_space<vmem>>) semaphore(%run_scoped3A_260 : memref<!tpu.dma_semaphore, #tpu.memory_space<semaphore_mem>>) {add = true}
        %dma_wait3A_267 = arith.constant 0 : i32
        %dma_wait3A_268 = tpu.memref_slice %arg11[%run_scoped3A_224, %dma_wait3A_267] : memref<2x128xi32, #tpu.memory_space<vmem>> -> memref<1x128xi32, #tpu.memory_space<vmem>>
        %dma_wait3A_269 = tpu.memref_squeeze %dma_wait3A_268 : memref<1x128xi32, #tpu.memory_space<vmem>> -> memref<128xi32, #tpu.memory_space<vmem>>
        %dma_wait3A_270 = arith.constant 0 : i32
        %dma_wait3A_271 = arith.constant 0 : i32
        %dma_wait3A_272 = tpu.memref_slice %arg14[%dma_wait3A_270, %dma_wait3A_271] : memref<10000x128xf32, #tpu.memory_space<vmem_shared>> -> memref<10000x128xf32, #tpu.memory_space<vmem_shared>>
        tpu.wait_indirect_dma semaphore(%run_scoped3A_260 : memref<!tpu.dma_semaphore, #tpu.memory_space<semaphore_mem>>) src(%arg13 : memref<128x128xf32, #tpu.memory_space<vmem>>) dst(%dma_wait3A_272 : memref<10000x128xf32, #tpu.memory_space<vmem_shared>>)
        tpu.yield
      }) : () -> ()
      %jit3A_225 = arith.constant 4 : i32
      %div3A_226 = arith.divsi %select_n3A, %jit3A_225 : i32
      %sign3A_227 = arith.constant 0 : i32
      %sign3A_228 = arith.cmpi sgt, %select_n3A, %sign3A_227 : i32
      %sign3A_229 = arith.extui %sign3A_228 : i1 to i32
      %sign3A_230 = arith.constant 0 : i32
      %sign3A_231 = arith.cmpi slt, %select_n3A, %sign3A_230 : i32
      %sign3A_232 = arith.extui %sign3A_231 : i1 to i32
      %sign3A_233 = arith.subi %sign3A_229, %sign3A_232 : i32
      %sign3A_234 = arith.constant 0 : i32
      %sign3A_235 = arith.cmpi sgt, %jit3A_225, %sign3A_234 : i32
      %sign3A_236 = arith.extui %sign3A_235 : i1 to i32
      %sign3A_237 = arith.constant 0 : i32
      %sign3A_238 = arith.cmpi slt, %jit3A_225, %sign3A_237 : i32
      %sign3A_239 = arith.extui %sign3A_238 : i1 to i32
      %sign3A_240 = arith.subi %sign3A_236, %sign3A_239 : i32
      %ne3A_241 = arith.cmpi ne, %sign3A_233, %sign3A_240 : i32
      %rem3A_242 = arith.remsi %select_n3A, %jit3A_225 : i32
      %ne3A_243 = arith.constant 0 : i32
      %ne3A_244 = arith.cmpi ne, %rem3A_242, %ne3A_243 : i32
      %and3A_245 = arith.andi %ne3A_241, %ne3A_244 : i1
      %sub3A_246 = arith.constant 1 : i32
      %sub3A_247 = arith.subi %div3A_226, %sub3A_246 : i32
      %select_n3A_248 = arith.select %and3A_245, %sub3A_247, %div3A_226 : i32
      %mul3A_249 = arith.constant 4 : i32
      %mul3A_250 = arith.muli %mul3A_249, %select_n3A_248 : i32
      %while3A_251 = arith.constant 0 : i32
      %while3A_252 = arith.subi %select_n3A, %mul3A_250 : i32
      %while3A_253 = arith.addi %mul3A_250, %while3A_252 : i32
      %while3A_254 = arith.constant 1 : i32
      %while3A_255 = arith.divsi %while3A_252, %while3A_254 : i32
      %while3A_256 = arith.muli %while3A_255, %while3A_254 : i32
      %while3A_257 = arith.addi %mul3A_250, %while3A_256 : i32
      %while3A_258 = arith.constant 1 : i32
      scf.for %while3A_260 = %mul3A_250 to %while3A_257 step %while3A_258  : i32 {
        %mul3A_261 = arith.constant 16 : i32
        %mul3A_262 = arith.muli %mul3A_261, %while3A_260 : i32
        %add3A_263 = arith.addi %arg1, %mul3A_262 : i32
        %mul3A_264 = arith.constant 128 : i32
        %mul3A_265 = arith.muli %add3A_263, %mul3A_264 : i32
        %dma_start3A_266 = arith.constant 0 : i32
        %dma_start3A_267 = tpu.memref_slice %arg4[%dma_start3A_266, %mul3A_265] : memref<2x320000xi32, #tpu.memory_space<hbm>> -> memref<2x128xi32, #tpu.memory_space<hbm>>
        %dma_start3A_268 = arith.constant 0 : i32
        %dma_start3A_269 = tpu.memref_slice %arg4[%dma_start3A_268, %mul3A_265] : memref<2x320000xi32, #tpu.memory_space<hbm>> -> memref<2x128xi32, #tpu.memory_space<hbm>>
        tpu.enqueue_dma source(%dma_start3A_269 : memref<2x128xi32, #tpu.memory_space<hbm>>) target(%arg8 : memref<2x128xi32, #tpu.memory_space<vmem>>) target_semaphore(%arg17 : memref<!tpu.dma_semaphore, #tpu.memory_space<semaphore_mem>>)
        %mul3A_270 = arith.constant 16 : i32
        %mul3A_271 = arith.muli %mul3A_270, %while3A_260 : i32
        %add3A_272 = arith.addi %arg1, %mul3A_271 : i32
        %mul3A_273 = arith.constant 128 : i32
        %mul3A_274 = arith.muli %add3A_272, %mul3A_273 : i32
        %dma_wait3A_275 = arith.constant 0 : i32
        %dma_wait3A_276 = tpu.memref_slice %arg4[%dma_wait3A_275, %mul3A_274] : memref<2x320000xi32, #tpu.memory_space<hbm>> -> memref<2x128xi32, #tpu.memory_space<hbm>>
        %dma_wait3A_277 = arith.constant 0 : i32
        %dma_wait3A_278 = tpu.memref_slice %arg4[%dma_wait3A_277, %mul3A_274] : memref<2x320000xi32, #tpu.memory_space<hbm>> -> memref<2x128xi32, #tpu.memory_space<hbm>>
        tpu.wait_dma2 semaphore(%arg17 : memref<!tpu.dma_semaphore, #tpu.memory_space<semaphore_mem>>) src(%dma_wait3A_278 : memref<2x128xi32, #tpu.memory_space<hbm>>) dst(%arg8 : memref<2x128xi32, #tpu.memory_space<vmem>>)
        %dma_start3A_279 = arith.constant 0 : i32
        %dma_start3A_280 = arith.constant 0 : i32
        %dma_start3A_281 = tpu.memref_slice %arg8[%dma_start3A_279, %dma_start3A_280] : memref<2x128xi32, #tpu.memory_space<vmem>> -> memref<1x128xi32, #tpu.memory_space<vmem>>
        %dma_start3A_282 = tpu.memref_squeeze %dma_start3A_281 : memref<1x128xi32, #tpu.memory_space<vmem>> -> memref<128xi32, #tpu.memory_space<vmem>>
        %dma_start3A_283 = arith.constant 0 : i32
        %dma_start3A_284 = arith.constant 0 : i32
        %dma_start3A_285 = tpu.memref_slice %arg2[%dma_start3A_283, %dma_start3A_284] : memref<10000x128xf32, #tpu.memory_space<hbm>> -> memref<10000x128xf32, #tpu.memory_space<hbm>>
        tpu.enqueue_indirect_dma source(%dma_start3A_285 : memref<10000x128xf32, #tpu.memory_space<hbm>>) target(%arg12 : memref<128x128xf32, #tpu.memory_space<vmem>>) offsets(%dma_start3A_282 : memref<128xi32, #tpu.memory_space<vmem>>) semaphore(%arg15 : memref<!tpu.dma_semaphore, #tpu.memory_space<semaphore_mem>>)
        %dma_wait3A_286 = arith.constant 0 : i32
        %dma_wait3A_287 = arith.constant 0 : i32
        %dma_wait3A_288 = tpu.memref_slice %arg8[%dma_wait3A_286, %dma_wait3A_287] : memref<2x128xi32, #tpu.memory_space<vmem>> -> memref<1x128xi32, #tpu.memory_space<vmem>>
        %dma_wait3A_289 = tpu.memref_squeeze %dma_wait3A_288 : memref<1x128xi32, #tpu.memory_space<vmem>> -> memref<128xi32, #tpu.memory_space<vmem>>
        %dma_wait3A_290 = arith.constant 0 : i32
        %dma_wait3A_291 = arith.constant 0 : i32
        %dma_wait3A_292 = tpu.memref_slice %arg2[%dma_wait3A_290, %dma_wait3A_291] : memref<10000x128xf32, #tpu.memory_space<hbm>> -> memref<10000x128xf32, #tpu.memory_space<hbm>>
        tpu.wait_indirect_dma semaphore(%arg15 : memref<!tpu.dma_semaphore, #tpu.memory_space<semaphore_mem>>) src(%dma_wait3A_292 : memref<10000x128xf32, #tpu.memory_space<hbm>>) dst(%arg12 : memref<128x128xf32, #tpu.memory_space<vmem>>)
        %run_scoped3A_293 = arith.constant 1 : i32
        "tpu.region"() ({
          %run_scoped3A_294 = tpu.sem_alloc : memref<!tpu.dma_semaphore, #tpu.memory_space<semaphore_mem>>
          %dma_start3A_295 = arith.constant 0 : i32
          %dma_start3A_296 = tpu.memref_slice %arg8[%run_scoped3A_293, %dma_start3A_295] : memref<2x128xi32, #tpu.memory_space<vmem>> -> memref<1x128xi32, #tpu.memory_space<vmem>>
          %dma_start3A_297 = tpu.memref_squeeze %dma_start3A_296 : memref<1x128xi32, #tpu.memory_space<vmem>> -> memref<128xi32, #tpu.memory_space<vmem>>
          %dma_start3A_298 = arith.constant 0 : i32
          %dma_start3A_299 = arith.constant 0 : i32
          %dma_start3A_300 = tpu.memref_slice %arg14[%dma_start3A_298, %dma_start3A_299] : memref<10000x128xf32, #tpu.memory_space<vmem_shared>> -> memref<10000x128xf32, #tpu.memory_space<vmem_shared>>
          tpu.enqueue_indirect_dma source(%arg12 : memref<128x128xf32, #tpu.memory_space<vmem>>) target(%dma_start3A_300 : memref<10000x128xf32, #tpu.memory_space<vmem_shared>>) offsets(%dma_start3A_297 : memref<128xi32, #tpu.memory_space<vmem>>) semaphore(%run_scoped3A_294 : memref<!tpu.dma_semaphore, #tpu.memory_space<semaphore_mem>>) {add = true}
          %dma_wait3A_301 = arith.constant 0 : i32
          %dma_wait3A_302 = tpu.memref_slice %arg8[%run_scoped3A_293, %dma_wait3A_301] : memref<2x128xi32, #tpu.memory_space<vmem>> -> memref<1x128xi32, #tpu.memory_space<vmem>>
          %dma_wait3A_303 = tpu.memref_squeeze %dma_wait3A_302 : memref<1x128xi32, #tpu.memory_space<vmem>> -> memref<128xi32, #tpu.memory_space<vmem>>
          %dma_wait3A_304 = arith.constant 0 : i32
          %dma_wait3A_305 = arith.constant 0 : i32
          %dma_wait3A_306 = tpu.memref_slice %arg14[%dma_wait3A_304, %dma_wait3A_305] : memref<10000x128xf32, #tpu.memory_space<vmem_shared>> -> memref<10000x128xf32, #tpu.memory_space<vmem_shared>>
          tpu.wait_indirect_dma semaphore(%run_scoped3A_294 : memref<!tpu.dma_semaphore, #tpu.memory_space<semaphore_mem>>) src(%arg12 : memref<128x128xf32, #tpu.memory_space<vmem>>) dst(%dma_wait3A_306 : memref<10000x128xf32, #tpu.memory_space<vmem_shared>>)
          tpu.yield
        }) : () -> ()
      }
      %while3A_259 = arith.constant 1 : i32
      scf.for %while3A_260 = %while3A_257 to %while3A_253 step %while3A_259  : i32 {
        %mul3A_261 = arith.constant 16 : i32
        %mul3A_262 = arith.muli %mul3A_261, %while3A_260 : i32
        %add3A_263 = arith.addi %arg1, %mul3A_262 : i32
        %mul3A_264 = arith.constant 128 : i32
        %mul3A_265 = arith.muli %add3A_263, %mul3A_264 : i32
        %dma_start3A_266 = arith.constant 0 : i32
        %dma_start3A_267 = tpu.memref_slice %arg4[%dma_start3A_266, %mul3A_265] : memref<2x320000xi32, #tpu.memory_space<hbm>> -> memref<2x128xi32, #tpu.memory_space<hbm>>
        %dma_start3A_268 = arith.constant 0 : i32
        %dma_start3A_269 = tpu.memref_slice %arg4[%dma_start3A_268, %mul3A_265] : memref<2x320000xi32, #tpu.memory_space<hbm>> -> memref<2x128xi32, #tpu.memory_space<hbm>>
        tpu.enqueue_dma source(%dma_start3A_269 : memref<2x128xi32, #tpu.memory_space<hbm>>) target(%arg8 : memref<2x128xi32, #tpu.memory_space<vmem>>) target_semaphore(%arg17 : memref<!tpu.dma_semaphore, #tpu.memory_space<semaphore_mem>>)
        %mul3A_270 = arith.constant 16 : i32
        %mul3A_271 = arith.muli %mul3A_270, %while3A_260 : i32
        %add3A_272 = arith.addi %arg1, %mul3A_271 : i32
        %mul3A_273 = arith.constant 128 : i32
        %mul3A_274 = arith.muli %add3A_272, %mul3A_273 : i32
        %dma_wait3A_275 = arith.constant 0 : i32
        %dma_wait3A_276 = tpu.memref_slice %arg4[%dma_wait3A_275, %mul3A_274] : memref<2x320000xi32, #tpu.memory_space<hbm>> -> memref<2x128xi32, #tpu.memory_space<hbm>>
        %dma_wait3A_277 = arith.constant 0 : i32
        %dma_wait3A_278 = tpu.memref_slice %arg4[%dma_wait3A_277, %mul3A_274] : memref<2x320000xi32, #tpu.memory_space<hbm>> -> memref<2x128xi32, #tpu.memory_space<hbm>>
        tpu.wait_dma2 semaphore(%arg17 : memref<!tpu.dma_semaphore, #tpu.memory_space<semaphore_mem>>) src(%dma_wait3A_278 : memref<2x128xi32, #tpu.memory_space<hbm>>) dst(%arg8 : memref<2x128xi32, #tpu.memory_space<vmem>>)
        %dma_start3A_279 = arith.constant 0 : i32
        %dma_start3A_280 = arith.constant 0 : i32
        %dma_start3A_281 = tpu.memref_slice %arg8[%dma_start3A_279, %dma_start3A_280] : memref<2x128xi32, #tpu.memory_space<vmem>> -> memref<1x128xi32, #tpu.memory_space<vmem>>
        %dma_start3A_282 = tpu.memref_squeeze %dma_start3A_281 : memref<1x128xi32, #tpu.memory_space<vmem>> -> memref<128xi32, #tpu.memory_space<vmem>>
        %dma_start3A_283 = arith.constant 0 : i32
        %dma_start3A_284 = arith.constant 0 : i32
        %dma_start3A_285 = tpu.memref_slice %arg2[%dma_start3A_283, %dma_start3A_284] : memref<10000x128xf32, #tpu.memory_space<hbm>> -> memref<10000x128xf32, #tpu.memory_space<hbm>>
        tpu.enqueue_indirect_dma source(%dma_start3A_285 : memref<10000x128xf32, #tpu.memory_space<hbm>>) target(%arg12 : memref<128x128xf32, #tpu.memory_space<vmem>>) offsets(%dma_start3A_282 : memref<128xi32, #tpu.memory_space<vmem>>) semaphore(%arg15 : memref<!tpu.dma_semaphore, #tpu.memory_space<semaphore_mem>>)
        %dma_wait3A_286 = arith.constant 0 : i32
        %dma_wait3A_287 = arith.constant 0 : i32
        %dma_wait3A_288 = tpu.memref_slice %arg8[%dma_wait3A_286, %dma_wait3A_287] : memref<2x128xi32, #tpu.memory_space<vmem>> -> memref<1x128xi32, #tpu.memory_space<vmem>>
        %dma_wait3A_289 = tpu.memref_squeeze %dma_wait3A_288 : memref<1x128xi32, #tpu.memory_space<vmem>> -> memref<128xi32, #tpu.memory_space<vmem>>
        %dma_wait3A_290 = arith.constant 0 : i32
        %dma_wait3A_291 = arith.constant 0 : i32
        %dma_wait3A_292 = tpu.memref_slice %arg2[%dma_wait3A_290, %dma_wait3A_291] : memref<10000x128xf32, #tpu.memory_space<hbm>> -> memref<10000x128xf32, #tpu.memory_space<hbm>>
        tpu.wait_indirect_dma semaphore(%arg15 : memref<!tpu.dma_semaphore, #tpu.memory_space<semaphore_mem>>) src(%dma_wait3A_292 : memref<10000x128xf32, #tpu.memory_space<hbm>>) dst(%arg12 : memref<128x128xf32, #tpu.memory_space<vmem>>)
        %run_scoped3A_293 = arith.constant 1 : i32
        "tpu.region"() ({
          %run_scoped3A_294 = tpu.sem_alloc : memref<!tpu.dma_semaphore, #tpu.memory_space<semaphore_mem>>
          %dma_start3A_295 = arith.constant 0 : i32
          %dma_start3A_296 = tpu.memref_slice %arg8[%run_scoped3A_293, %dma_start3A_295] : memref<2x128xi32, #tpu.memory_space<vmem>> -> memref<1x128xi32, #tpu.memory_space<vmem>>
          %dma_start3A_297 = tpu.memref_squeeze %dma_start3A_296 : memref<1x128xi32, #tpu.memory_space<vmem>> -> memref<128xi32, #tpu.memory_space<vmem>>
          %dma_start3A_298 = arith.constant 0 : i32
          %dma_start3A_299 = arith.constant 0 : i32
          %dma_start3A_300 = tpu.memref_slice %arg14[%dma_start3A_298, %dma_start3A_299] : memref<10000x128xf32, #tpu.memory_space<vmem_shared>> -> memref<10000x128xf32, #tpu.memory_space<vmem_shared>>
          tpu.enqueue_indirect_dma source(%arg12 : memref<128x128xf32, #tpu.memory_space<vmem>>) target(%dma_start3A_300 : memref<10000x128xf32, #tpu.memory_space<vmem_shared>>) offsets(%dma_start3A_297 : memref<128xi32, #tpu.memory_space<vmem>>) semaphore(%run_scoped3A_294 : memref<!tpu.dma_semaphore, #tpu.memory_space<semaphore_mem>>) {add = true}
          %dma_wait3A_301 = arith.constant 0 : i32
          %dma_wait3A_302 = tpu.memref_slice %arg8[%run_scoped3A_293, %dma_wait3A_301] : memref<2x128xi32, #tpu.memory_space<vmem>> -> memref<1x128xi32, #tpu.memory_space<vmem>>
          %dma_wait3A_303 = tpu.memref_squeeze %dma_wait3A_302 : memref<1x128xi32, #tpu.memory_space<vmem>> -> memref<128xi32, #tpu.memory_space<vmem>>
          %dma_wait3A_304 = arith.constant 0 : i32
          %dma_wait3A_305 = arith.constant 0 : i32
          %dma_wait3A_306 = tpu.memref_slice %arg14[%dma_wait3A_304, %dma_wait3A_305] : memref<10000x128xf32, #tpu.memory_space<vmem_shared>> -> memref<10000x128xf32, #tpu.memory_space<vmem_shared>>
          tpu.wait_indirect_dma semaphore(%run_scoped3A_294 : memref<!tpu.dma_semaphore, #tpu.memory_space<semaphore_mem>>) src(%arg12 : memref<128x128xf32, #tpu.memory_space<vmem>>) dst(%dma_wait3A_306 : memref<10000x128xf32, #tpu.memory_space<vmem_shared>>)
          tpu.yield
        }) : () -> ()
      }
    } else {
    }
    %eq3A_21 = arith.constant 1 : i32
    %eq3A_22 = arith.cmpi eq, %arg0, %eq3A_21 : i32
    %convert_element_type3A_23 = arith.extui %eq3A_22 : i1 to i32
    %cond3A_24 = arith.constant 0 : i32
    %cond3A_25 = arith.cmpi ne, %convert_element_type3A_23, %cond3A_24 : i32
    scf.if %cond3A_25 {
      %add3A_37 = arith.constant 0 : i32
      %add3A_38 = arith.addi %arg1, %add3A_37 : i32
      %mul3A_39 = arith.constant 128 : i32
      %mul3A_40 = arith.muli %add3A_38, %mul3A_39 : i32
      %dma_start3A = arith.constant 0 : i32
      %dma_start3A_41 = tpu.memref_slice %arg5[%dma_start3A, %mul3A_40] : memref<2x320000xi32, #tpu.memory_space<hbm>> -> memref<2x128xi32, #tpu.memory_space<hbm>>
      %dma_start3A_42 = arith.constant 0 : i32
      %dma_start3A_43 = tpu.memref_slice %arg5[%dma_start3A_42, %mul3A_40] : memref<2x320000xi32, #tpu.memory_space<hbm>> -> memref<2x128xi32, #tpu.memory_space<hbm>>
      tpu.enqueue_dma source(%dma_start3A_43 : memref<2x128xi32, #tpu.memory_space<hbm>>) target(%arg8 : memref<2x128xi32, #tpu.memory_space<vmem>>) target_semaphore(%arg17 : memref<!tpu.dma_semaphore, #tpu.memory_space<semaphore_mem>>)
      %add3A_44 = arith.constant 16 : i32
      %add3A_45 = arith.addi %arg1, %add3A_44 : i32
      %mul3A_46 = arith.constant 128 : i32
      %mul3A_47 = arith.muli %add3A_45, %mul3A_46 : i32
      %dma_start3A_48 = arith.constant 0 : i32
      %dma_start3A_49 = tpu.memref_slice %arg5[%dma_start3A_48, %mul3A_47] : memref<2x320000xi32, #tpu.memory_space<hbm>> -> memref<2x128xi32, #tpu.memory_space<hbm>>
      %dma_start3A_50 = arith.constant 0 : i32
      %dma_start3A_51 = tpu.memref_slice %arg5[%dma_start3A_50, %mul3A_47] : memref<2x320000xi32, #tpu.memory_space<hbm>> -> memref<2x128xi32, #tpu.memory_space<hbm>>
      tpu.enqueue_dma source(%dma_start3A_51 : memref<2x128xi32, #tpu.memory_space<hbm>>) target(%arg9 : memref<2x128xi32, #tpu.memory_space<vmem>>) target_semaphore(%arg18 : memref<!tpu.dma_semaphore, #tpu.memory_space<semaphore_mem>>)
      %add3A_52 = arith.constant 32 : i32
      %add3A_53 = arith.addi %arg1, %add3A_52 : i32
      %mul3A_54 = arith.constant 128 : i32
      %mul3A_55 = arith.muli %add3A_53, %mul3A_54 : i32
      %dma_start3A_56 = arith.constant 0 : i32
      %dma_start3A_57 = tpu.memref_slice %arg5[%dma_start3A_56, %mul3A_55] : memref<2x320000xi32, #tpu.memory_space<hbm>> -> memref<2x128xi32, #tpu.memory_space<hbm>>
      %dma_start3A_58 = arith.constant 0 : i32
      %dma_start3A_59 = tpu.memref_slice %arg5[%dma_start3A_58, %mul3A_55] : memref<2x320000xi32, #tpu.memory_space<hbm>> -> memref<2x128xi32, #tpu.memory_space<hbm>>
      tpu.enqueue_dma source(%dma_start3A_59 : memref<2x128xi32, #tpu.memory_space<hbm>>) target(%arg10 : memref<2x128xi32, #tpu.memory_space<vmem>>) target_semaphore(%arg19 : memref<!tpu.dma_semaphore, #tpu.memory_space<semaphore_mem>>)
      %add3A_60 = arith.constant 48 : i32
      %add3A_61 = arith.addi %arg1, %add3A_60 : i32
      %mul3A_62 = arith.constant 128 : i32
      %mul3A_63 = arith.muli %add3A_61, %mul3A_62 : i32
      %dma_start3A_64 = arith.constant 0 : i32
      %dma_start3A_65 = tpu.memref_slice %arg5[%dma_start3A_64, %mul3A_63] : memref<2x320000xi32, #tpu.memory_space<hbm>> -> memref<2x128xi32, #tpu.memory_space<hbm>>
      %dma_start3A_66 = arith.constant 0 : i32
      %dma_start3A_67 = tpu.memref_slice %arg5[%dma_start3A_66, %mul3A_63] : memref<2x320000xi32, #tpu.memory_space<hbm>> -> memref<2x128xi32, #tpu.memory_space<hbm>>
      tpu.enqueue_dma source(%dma_start3A_67 : memref<2x128xi32, #tpu.memory_space<hbm>>) target(%arg11 : memref<2x128xi32, #tpu.memory_space<vmem>>) target_semaphore(%arg20 : memref<!tpu.dma_semaphore, #tpu.memory_space<semaphore_mem>>)
      %add3A_68 = arith.constant 0 : i32
      %add3A_69 = arith.addi %arg1, %add3A_68 : i32
      %mul3A_70 = arith.constant 128 : i32
      %mul3A_71 = arith.muli %add3A_69, %mul3A_70 : i32
      %dma_wait3A = arith.constant 0 : i32
      %dma_wait3A_72 = tpu.memref_slice %arg5[%dma_wait3A, %mul3A_71] : memref<2x320000xi32, #tpu.memory_space<hbm>> -> memref<2x128xi32, #tpu.memory_space<hbm>>
      %dma_wait3A_73 = arith.constant 0 : i32
      %dma_wait3A_74 = tpu.memref_slice %arg5[%dma_wait3A_73, %mul3A_71] : memref<2x320000xi32, #tpu.memory_space<hbm>> -> memref<2x128xi32, #tpu.memory_space<hbm>>
      tpu.wait_dma2 semaphore(%arg17 : memref<!tpu.dma_semaphore, #tpu.memory_space<semaphore_mem>>) src(%dma_wait3A_74 : memref<2x128xi32, #tpu.memory_space<hbm>>) dst(%arg8 : memref<2x128xi32, #tpu.memory_space<vmem>>)
      %dma_start3A_75 = arith.constant 0 : i32
      %dma_start3A_76 = arith.constant 0 : i32
      %dma_start3A_77 = tpu.memref_slice %arg8[%dma_start3A_75, %dma_start3A_76] : memref<2x128xi32, #tpu.memory_space<vmem>> -> memref<1x128xi32, #tpu.memory_space<vmem>>
      %dma_start3A_78 = tpu.memref_squeeze %dma_start3A_77 : memref<1x128xi32, #tpu.memory_space<vmem>> -> memref<128xi32, #tpu.memory_space<vmem>>
      %dma_start3A_79 = arith.constant 0 : i32
      %dma_start3A_80 = arith.constant 0 : i32
      %dma_start3A_81 = tpu.memref_slice %arg3[%dma_start3A_79, %dma_start3A_80] : memref<10000x128xf32, #tpu.memory_space<hbm>> -> memref<10000x128xf32, #tpu.memory_space<hbm>>
      tpu.enqueue_indirect_dma source(%dma_start3A_81 : memref<10000x128xf32, #tpu.memory_space<hbm>>) target(%arg12 : memref<128x128xf32, #tpu.memory_space<vmem>>) offsets(%dma_start3A_78 : memref<128xi32, #tpu.memory_space<vmem>>) semaphore(%arg15 : memref<!tpu.dma_semaphore, #tpu.memory_space<semaphore_mem>>)
      %add3A_82 = arith.constant 16 : i32
      %add3A_83 = arith.addi %arg1, %add3A_82 : i32
      %mul3A_84 = arith.constant 128 : i32
      %mul3A_85 = arith.muli %add3A_83, %mul3A_84 : i32
      %dma_wait3A_86 = arith.constant 0 : i32
      %dma_wait3A_87 = tpu.memref_slice %arg5[%dma_wait3A_86, %mul3A_85] : memref<2x320000xi32, #tpu.memory_space<hbm>> -> memref<2x128xi32, #tpu.memory_space<hbm>>
      %dma_wait3A_88 = arith.constant 0 : i32
      %dma_wait3A_89 = tpu.memref_slice %arg5[%dma_wait3A_88, %mul3A_85] : memref<2x320000xi32, #tpu.memory_space<hbm>> -> memref<2x128xi32, #tpu.memory_space<hbm>>
      tpu.wait_dma2 semaphore(%arg18 : memref<!tpu.dma_semaphore, #tpu.memory_space<semaphore_mem>>) src(%dma_wait3A_89 : memref<2x128xi32, #tpu.memory_space<hbm>>) dst(%arg9 : memref<2x128xi32, #tpu.memory_space<vmem>>)
      %dma_start3A_90 = arith.constant 0 : i32
      %dma_start3A_91 = arith.constant 0 : i32
      %dma_start3A_92 = tpu.memref_slice %arg9[%dma_start3A_90, %dma_start3A_91] : memref<2x128xi32, #tpu.memory_space<vmem>> -> memref<1x128xi32, #tpu.memory_space<vmem>>
      %dma_start3A_93 = tpu.memref_squeeze %dma_start3A_92 : memref<1x128xi32, #tpu.memory_space<vmem>> -> memref<128xi32, #tpu.memory_space<vmem>>
      %dma_start3A_94 = arith.constant 0 : i32
      %dma_start3A_95 = arith.constant 0 : i32
      %dma_start3A_96 = tpu.memref_slice %arg3[%dma_start3A_94, %dma_start3A_95] : memref<10000x128xf32, #tpu.memory_space<hbm>> -> memref<10000x128xf32, #tpu.memory_space<hbm>>
      tpu.enqueue_indirect_dma source(%dma_start3A_96 : memref<10000x128xf32, #tpu.memory_space<hbm>>) target(%arg13 : memref<128x128xf32, #tpu.memory_space<vmem>>) offsets(%dma_start3A_93 : memref<128xi32, #tpu.memory_space<vmem>>) semaphore(%arg16 : memref<!tpu.dma_semaphore, #tpu.memory_space<semaphore_mem>>)
      %jit3A_97 = arith.constant 4 : i32
      %div3A = arith.divsi %select_n3A, %jit3A_97 : i32
      %sign3A = arith.constant 0 : i32
      %sign3A_98 = arith.cmpi sgt, %select_n3A, %sign3A : i32
      %sign3A_99 = arith.extui %sign3A_98 : i1 to i32
      %sign3A_100 = arith.constant 0 : i32
      %sign3A_101 = arith.cmpi slt, %select_n3A, %sign3A_100 : i32
      %sign3A_102 = arith.extui %sign3A_101 : i1 to i32
      %sign3A_103 = arith.subi %sign3A_99, %sign3A_102 : i32
      %sign3A_104 = arith.constant 0 : i32
      %sign3A_105 = arith.cmpi sgt, %jit3A_97, %sign3A_104 : i32
      %sign3A_106 = arith.extui %sign3A_105 : i1 to i32
      %sign3A_107 = arith.constant 0 : i32
      %sign3A_108 = arith.cmpi slt, %jit3A_97, %sign3A_107 : i32
      %sign3A_109 = arith.extui %sign3A_108 : i1 to i32
      %sign3A_110 = arith.subi %sign3A_106, %sign3A_109 : i32
      %ne3A = arith.cmpi ne, %sign3A_103, %sign3A_110 : i32
      %rem3A = arith.remsi %select_n3A, %jit3A_97 : i32
      %ne3A_111 = arith.constant 0 : i32
      %ne3A_112 = arith.cmpi ne, %rem3A, %ne3A_111 : i32
      %and3A = arith.andi %ne3A, %ne3A_112 : i1
      %sub3A = arith.constant 1 : i32
      %sub3A_113 = arith.subi %div3A, %sub3A : i32
      %select_n3A_114 = arith.select %and3A, %sub3A_113, %div3A : i32
      %sub3A_115 = arith.constant 1 : i32
      %sub3A_116 = arith.subi %select_n3A_114, %sub3A_115 : i32
      %while3A = arith.constant 0 : i32
      %while3A_117 = arith.constant 0 : i32
      %while3A_118 = arith.subi %sub3A_116, %while3A_117 : i32
      %while3A_119 = arith.addi %while3A_117, %while3A_118 : i32
      %while3A_120 = arith.constant 1 : i32
      %while3A_121 = arith.divsi %while3A_118, %while3A_120 : i32
      %while3A_122 = arith.muli %while3A_121, %while3A_120 : i32
      %while3A_123 = arith.addi %while3A_117, %while3A_122 : i32
      %while3A_124 = arith.constant 1 : i32
      scf.for %while3A_260 = %while3A_117 to %while3A_123 step %while3A_124  : i32 {
        %mul3A_261 = arith.constant 4 : i32
        %mul3A_262 = arith.muli %mul3A_261, %while3A_260 : i32
        %dma_wait3A_263 = arith.constant 0 : i32
        %dma_wait3A_264 = arith.constant 0 : i32
        %dma_wait3A_265 = tpu.memref_slice %arg8[%dma_wait3A_263, %dma_wait3A_264] : memref<2x128xi32, #tpu.memory_space<vmem>> -> memref<1x128xi32, #tpu.memory_space<vmem>>
        %dma_wait3A_266 = tpu.memref_squeeze %dma_wait3A_265 : memref<1x128xi32, #tpu.memory_space<vmem>> -> memref<128xi32, #tpu.memory_space<vmem>>
        %dma_wait3A_267 = arith.constant 0 : i32
        %dma_wait3A_268 = arith.constant 0 : i32
        %dma_wait3A_269 = tpu.memref_slice %arg3[%dma_wait3A_267, %dma_wait3A_268] : memref<10000x128xf32, #tpu.memory_space<hbm>> -> memref<10000x128xf32, #tpu.memory_space<hbm>>
        tpu.wait_indirect_dma semaphore(%arg15 : memref<!tpu.dma_semaphore, #tpu.memory_space<semaphore_mem>>) src(%dma_wait3A_269 : memref<10000x128xf32, #tpu.memory_space<hbm>>) dst(%arg12 : memref<128x128xf32, #tpu.memory_space<vmem>>)
        %run_scoped3A_270 = arith.constant 1 : i32
        "tpu.region"() ({
          %run_scoped3A_427 = tpu.sem_alloc : memref<!tpu.dma_semaphore, #tpu.memory_space<semaphore_mem>>
          %dma_start3A_428 = arith.constant 0 : i32
          %dma_start3A_429 = tpu.memref_slice %arg8[%run_scoped3A_270, %dma_start3A_428] : memref<2x128xi32, #tpu.memory_space<vmem>> -> memref<1x128xi32, #tpu.memory_space<vmem>>
          %dma_start3A_430 = tpu.memref_squeeze %dma_start3A_429 : memref<1x128xi32, #tpu.memory_space<vmem>> -> memref<128xi32, #tpu.memory_space<vmem>>
          %dma_start3A_431 = arith.constant 0 : i32
          %dma_start3A_432 = arith.constant 0 : i32
          %dma_start3A_433 = tpu.memref_slice %arg14[%dma_start3A_431, %dma_start3A_432] : memref<10000x128xf32, #tpu.memory_space<vmem_shared>> -> memref<10000x128xf32, #tpu.memory_space<vmem_shared>>
          tpu.enqueue_indirect_dma source(%arg12 : memref<128x128xf32, #tpu.memory_space<vmem>>) target(%dma_start3A_433 : memref<10000x128xf32, #tpu.memory_space<vmem_shared>>) offsets(%dma_start3A_430 : memref<128xi32, #tpu.memory_space<vmem>>) semaphore(%run_scoped3A_427 : memref<!tpu.dma_semaphore, #tpu.memory_space<semaphore_mem>>) {add = true}
          %dma_wait3A_434 = arith.constant 0 : i32
          %dma_wait3A_435 = tpu.memref_slice %arg8[%run_scoped3A_270, %dma_wait3A_434] : memref<2x128xi32, #tpu.memory_space<vmem>> -> memref<1x128xi32, #tpu.memory_space<vmem>>
          %dma_wait3A_436 = tpu.memref_squeeze %dma_wait3A_435 : memref<1x128xi32, #tpu.memory_space<vmem>> -> memref<128xi32, #tpu.memory_space<vmem>>
          %dma_wait3A_437 = arith.constant 0 : i32
          %dma_wait3A_438 = arith.constant 0 : i32
          %dma_wait3A_439 = tpu.memref_slice %arg14[%dma_wait3A_437, %dma_wait3A_438] : memref<10000x128xf32, #tpu.memory_space<vmem_shared>> -> memref<10000x128xf32, #tpu.memory_space<vmem_shared>>
          tpu.wait_indirect_dma semaphore(%run_scoped3A_427 : memref<!tpu.dma_semaphore, #tpu.memory_space<semaphore_mem>>) src(%arg12 : memref<128x128xf32, #tpu.memory_space<vmem>>) dst(%dma_wait3A_439 : memref<10000x128xf32, #tpu.memory_space<vmem_shared>>)
          tpu.yield
        }) : () -> ()
        %add3A_271 = arith.constant 4 : i32
        %add3A_272 = arith.addi %mul3A_262, %add3A_271 : i32
        %add3A_273 = arith.constant 0 : i32
        %add3A_274 = arith.addi %add3A_272, %add3A_273 : i32
        %mul3A_275 = arith.constant 16 : i32
        %mul3A_276 = arith.muli %mul3A_275, %add3A_274 : i32
        %add3A_277 = arith.addi %arg1, %mul3A_276 : i32
        %mul3A_278 = arith.constant 128 : i32
        %mul3A_279 = arith.muli %add3A_277, %mul3A_278 : i32
        %dma_start3A_280 = arith.constant 0 : i32
        %dma_start3A_281 = tpu.memref_slice %arg5[%dma_start3A_280, %mul3A_279] : memref<2x320000xi32, #tpu.memory_space<hbm>> -> memref<2x128xi32, #tpu.memory_space<hbm>>
        %dma_start3A_282 = arith.constant 0 : i32
        %dma_start3A_283 = tpu.memref_slice %arg5[%dma_start3A_282, %mul3A_279] : memref<2x320000xi32, #tpu.memory_space<hbm>> -> memref<2x128xi32, #tpu.memory_space<hbm>>
        tpu.enqueue_dma source(%dma_start3A_283 : memref<2x128xi32, #tpu.memory_space<hbm>>) target(%arg8 : memref<2x128xi32, #tpu.memory_space<vmem>>) target_semaphore(%arg17 : memref<!tpu.dma_semaphore, #tpu.memory_space<semaphore_mem>>)
        %add3A_284 = arith.constant 2 : i32
        %add3A_285 = arith.addi %mul3A_262, %add3A_284 : i32
        %add3A_286 = arith.constant 0 : i32
        %add3A_287 = arith.addi %add3A_285, %add3A_286 : i32
        %mul3A_288 = arith.constant 16 : i32
        %mul3A_289 = arith.muli %mul3A_288, %add3A_287 : i32
        %add3A_290 = arith.addi %arg1, %mul3A_289 : i32
        %mul3A_291 = arith.constant 128 : i32
        %mul3A_292 = arith.muli %add3A_290, %mul3A_291 : i32
        %dma_wait3A_293 = arith.constant 0 : i32
        %dma_wait3A_294 = tpu.memref_slice %arg5[%dma_wait3A_293, %mul3A_292] : memref<2x320000xi32, #tpu.memory_space<hbm>> -> memref<2x128xi32, #tpu.memory_space<hbm>>
        %dma_wait3A_295 = arith.constant 0 : i32
        %dma_wait3A_296 = tpu.memref_slice %arg5[%dma_wait3A_295, %mul3A_292] : memref<2x320000xi32, #tpu.memory_space<hbm>> -> memref<2x128xi32, #tpu.memory_space<hbm>>
        tpu.wait_dma2 semaphore(%arg19 : memref<!tpu.dma_semaphore, #tpu.memory_space<semaphore_mem>>) src(%dma_wait3A_296 : memref<2x128xi32, #tpu.memory_space<hbm>>) dst(%arg10 : memref<2x128xi32, #tpu.memory_space<vmem>>)
        %dma_start3A_297 = arith.constant 0 : i32
        %dma_start3A_298 = arith.constant 0 : i32
        %dma_start3A_299 = tpu.memref_slice %arg10[%dma_start3A_297, %dma_start3A_298] : memref<2x128xi32, #tpu.memory_space<vmem>> -> memref<1x128xi32, #tpu.memory_space<vmem>>
        %dma_start3A_300 = tpu.memref_squeeze %dma_start3A_299 : memref<1x128xi32, #tpu.memory_space<vmem>> -> memref<128xi32, #tpu.memory_space<vmem>>
        %dma_start3A_301 = arith.constant 0 : i32
        %dma_start3A_302 = arith.constant 0 : i32
        %dma_start3A_303 = tpu.memref_slice %arg3[%dma_start3A_301, %dma_start3A_302] : memref<10000x128xf32, #tpu.memory_space<hbm>> -> memref<10000x128xf32, #tpu.memory_space<hbm>>
        tpu.enqueue_indirect_dma source(%dma_start3A_303 : memref<10000x128xf32, #tpu.memory_space<hbm>>) target(%arg12 : memref<128x128xf32, #tpu.memory_space<vmem>>) offsets(%dma_start3A_300 : memref<128xi32, #tpu.memory_space<vmem>>) semaphore(%arg15 : memref<!tpu.dma_semaphore, #tpu.memory_space<semaphore_mem>>)
        %dma_wait3A_304 = arith.constant 0 : i32
        %dma_wait3A_305 = arith.constant 0 : i32
        %dma_wait3A_306 = tpu.memref_slice %arg9[%dma_wait3A_304, %dma_wait3A_305] : memref<2x128xi32, #tpu.memory_space<vmem>> -> memref<1x128xi32, #tpu.memory_space<vmem>>
        %dma_wait3A_307 = tpu.memref_squeeze %dma_wait3A_306 : memref<1x128xi32, #tpu.memory_space<vmem>> -> memref<128xi32, #tpu.memory_space<vmem>>
        %dma_wait3A_308 = arith.constant 0 : i32
        %dma_wait3A_309 = arith.constant 0 : i32
        %dma_wait3A_310 = tpu.memref_slice %arg3[%dma_wait3A_308, %dma_wait3A_309] : memref<10000x128xf32, #tpu.memory_space<hbm>> -> memref<10000x128xf32, #tpu.memory_space<hbm>>
        tpu.wait_indirect_dma semaphore(%arg16 : memref<!tpu.dma_semaphore, #tpu.memory_space<semaphore_mem>>) src(%dma_wait3A_310 : memref<10000x128xf32, #tpu.memory_space<hbm>>) dst(%arg13 : memref<128x128xf32, #tpu.memory_space<vmem>>)
        %run_scoped3A_311 = arith.constant 1 : i32
        "tpu.region"() ({
          %run_scoped3A_427 = tpu.sem_alloc : memref<!tpu.dma_semaphore, #tpu.memory_space<semaphore_mem>>
          %dma_start3A_428 = arith.constant 0 : i32
          %dma_start3A_429 = tpu.memref_slice %arg9[%run_scoped3A_311, %dma_start3A_428] : memref<2x128xi32, #tpu.memory_space<vmem>> -> memref<1x128xi32, #tpu.memory_space<vmem>>
          %dma_start3A_430 = tpu.memref_squeeze %dma_start3A_429 : memref<1x128xi32, #tpu.memory_space<vmem>> -> memref<128xi32, #tpu.memory_space<vmem>>
          %dma_start3A_431 = arith.constant 0 : i32
          %dma_start3A_432 = arith.constant 0 : i32
          %dma_start3A_433 = tpu.memref_slice %arg14[%dma_start3A_431, %dma_start3A_432] : memref<10000x128xf32, #tpu.memory_space<vmem_shared>> -> memref<10000x128xf32, #tpu.memory_space<vmem_shared>>
          tpu.enqueue_indirect_dma source(%arg13 : memref<128x128xf32, #tpu.memory_space<vmem>>) target(%dma_start3A_433 : memref<10000x128xf32, #tpu.memory_space<vmem_shared>>) offsets(%dma_start3A_430 : memref<128xi32, #tpu.memory_space<vmem>>) semaphore(%run_scoped3A_427 : memref<!tpu.dma_semaphore, #tpu.memory_space<semaphore_mem>>) {add = true}
          %dma_wait3A_434 = arith.constant 0 : i32
          %dma_wait3A_435 = tpu.memref_slice %arg9[%run_scoped3A_311, %dma_wait3A_434] : memref<2x128xi32, #tpu.memory_space<vmem>> -> memref<1x128xi32, #tpu.memory_space<vmem>>
          %dma_wait3A_436 = tpu.memref_squeeze %dma_wait3A_435 : memref<1x128xi32, #tpu.memory_space<vmem>> -> memref<128xi32, #tpu.memory_space<vmem>>
          %dma_wait3A_437 = arith.constant 0 : i32
          %dma_wait3A_438 = arith.constant 0 : i32
          %dma_wait3A_439 = tpu.memref_slice %arg14[%dma_wait3A_437, %dma_wait3A_438] : memref<10000x128xf32, #tpu.memory_space<vmem_shared>> -> memref<10000x128xf32, #tpu.memory_space<vmem_shared>>
          tpu.wait_indirect_dma semaphore(%run_scoped3A_427 : memref<!tpu.dma_semaphore, #tpu.memory_space<semaphore_mem>>) src(%arg13 : memref<128x128xf32, #tpu.memory_space<vmem>>) dst(%dma_wait3A_439 : memref<10000x128xf32, #tpu.memory_space<vmem_shared>>)
          tpu.yield
        }) : () -> ()
        %add3A_312 = arith.constant 4 : i32
        %add3A_313 = arith.addi %mul3A_262, %add3A_312 : i32
        %add3A_314 = arith.constant 1 : i32
        %add3A_315 = arith.addi %add3A_313, %add3A_314 : i32
        %mul3A_316 = arith.constant 16 : i32
        %mul3A_317 = arith.muli %mul3A_316, %add3A_315 : i32
        %add3A_318 = arith.addi %arg1, %mul3A_317 : i32
        %mul3A_319 = arith.constant 128 : i32
        %mul3A_320 = arith.muli %add3A_318, %mul3A_319 : i32
        %dma_start3A_321 = arith.constant 0 : i32
        %dma_start3A_322 = tpu.memref_slice %arg5[%dma_start3A_321, %mul3A_320] : memref<2x320000xi32, #tpu.memory_space<hbm>> -> memref<2x128xi32, #tpu.memory_space<hbm>>
        %dma_start3A_323 = arith.constant 0 : i32
        %dma_start3A_324 = tpu.memref_slice %arg5[%dma_start3A_323, %mul3A_320] : memref<2x320000xi32, #tpu.memory_space<hbm>> -> memref<2x128xi32, #tpu.memory_space<hbm>>
        tpu.enqueue_dma source(%dma_start3A_324 : memref<2x128xi32, #tpu.memory_space<hbm>>) target(%arg9 : memref<2x128xi32, #tpu.memory_space<vmem>>) target_semaphore(%arg18 : memref<!tpu.dma_semaphore, #tpu.memory_space<semaphore_mem>>)
        %add3A_325 = arith.constant 2 : i32
        %add3A_326 = arith.addi %mul3A_262, %add3A_325 : i32
        %add3A_327 = arith.constant 1 : i32
        %add3A_328 = arith.addi %add3A_326, %add3A_327 : i32
        %mul3A_329 = arith.constant 16 : i32
        %mul3A_330 = arith.muli %mul3A_329, %add3A_328 : i32
        %add3A_331 = arith.addi %arg1, %mul3A_330 : i32
        %mul3A_332 = arith.constant 128 : i32
        %mul3A_333 = arith.muli %add3A_331, %mul3A_332 : i32
        %dma_wait3A_334 = arith.constant 0 : i32
        %dma_wait3A_335 = tpu.memref_slice %arg5[%dma_wait3A_334, %mul3A_333] : memref<2x320000xi32, #tpu.memory_space<hbm>> -> memref<2x128xi32, #tpu.memory_space<hbm>>
        %dma_wait3A_336 = arith.constant 0 : i32
        %dma_wait3A_337 = tpu.memref_slice %arg5[%dma_wait3A_336, %mul3A_333] : memref<2x320000xi32, #tpu.memory_space<hbm>> -> memref<2x128xi32, #tpu.memory_space<hbm>>
        tpu.wait_dma2 semaphore(%arg20 : memref<!tpu.dma_semaphore, #tpu.memory_space<semaphore_mem>>) src(%dma_wait3A_337 : memref<2x128xi32, #tpu.memory_space<hbm>>) dst(%arg11 : memref<2x128xi32, #tpu.memory_space<vmem>>)
        %dma_start3A_338 = arith.constant 0 : i32
        %dma_start3A_339 = arith.constant 0 : i32
        %dma_start3A_340 = tpu.memref_slice %arg11[%dma_start3A_338, %dma_start3A_339] : memref<2x128xi32, #tpu.memory_space<vmem>> -> memref<1x128xi32, #tpu.memory_space<vmem>>
        %dma_start3A_341 = tpu.memref_squeeze %dma_start3A_340 : memref<1x128xi32, #tpu.memory_space<vmem>> -> memref<128xi32, #tpu.memory_space<vmem>>
        %dma_start3A_342 = arith.constant 0 : i32
        %dma_start3A_343 = arith.constant 0 : i32
        %dma_start3A_344 = tpu.memref_slice %arg3[%dma_start3A_342, %dma_start3A_343] : memref<10000x128xf32, #tpu.memory_space<hbm>> -> memref<10000x128xf32, #tpu.memory_space<hbm>>
        tpu.enqueue_indirect_dma source(%dma_start3A_344 : memref<10000x128xf32, #tpu.memory_space<hbm>>) target(%arg13 : memref<128x128xf32, #tpu.memory_space<vmem>>) offsets(%dma_start3A_341 : memref<128xi32, #tpu.memory_space<vmem>>) semaphore(%arg16 : memref<!tpu.dma_semaphore, #tpu.memory_space<semaphore_mem>>)
        %dma_wait3A_345 = arith.constant 0 : i32
        %dma_wait3A_346 = arith.constant 0 : i32
        %dma_wait3A_347 = tpu.memref_slice %arg10[%dma_wait3A_345, %dma_wait3A_346] : memref<2x128xi32, #tpu.memory_space<vmem>> -> memref<1x128xi32, #tpu.memory_space<vmem>>
        %dma_wait3A_348 = tpu.memref_squeeze %dma_wait3A_347 : memref<1x128xi32, #tpu.memory_space<vmem>> -> memref<128xi32, #tpu.memory_space<vmem>>
        %dma_wait3A_349 = arith.constant 0 : i32
        %dma_wait3A_350 = arith.constant 0 : i32
        %dma_wait3A_351 = tpu.memref_slice %arg3[%dma_wait3A_349, %dma_wait3A_350] : memref<10000x128xf32, #tpu.memory_space<hbm>> -> memref<10000x128xf32, #tpu.memory_space<hbm>>
        tpu.wait_indirect_dma semaphore(%arg15 : memref<!tpu.dma_semaphore, #tpu.memory_space<semaphore_mem>>) src(%dma_wait3A_351 : memref<10000x128xf32, #tpu.memory_space<hbm>>) dst(%arg12 : memref<128x128xf32, #tpu.memory_space<vmem>>)
        %run_scoped3A_352 = arith.constant 1 : i32
        "tpu.region"() ({
          %run_scoped3A_427 = tpu.sem_alloc : memref<!tpu.dma_semaphore, #tpu.memory_space<semaphore_mem>>
          %dma_start3A_428 = arith.constant 0 : i32
          %dma_start3A_429 = tpu.memref_slice %arg10[%run_scoped3A_352, %dma_start3A_428] : memref<2x128xi32, #tpu.memory_space<vmem>> -> memref<1x128xi32, #tpu.memory_space<vmem>>
          %dma_start3A_430 = tpu.memref_squeeze %dma_start3A_429 : memref<1x128xi32, #tpu.memory_space<vmem>> -> memref<128xi32, #tpu.memory_space<vmem>>
          %dma_start3A_431 = arith.constant 0 : i32
          %dma_start3A_432 = arith.constant 0 : i32
          %dma_start3A_433 = tpu.memref_slice %arg14[%dma_start3A_431, %dma_start3A_432] : memref<10000x128xf32, #tpu.memory_space<vmem_shared>> -> memref<10000x128xf32, #tpu.memory_space<vmem_shared>>
          tpu.enqueue_indirect_dma source(%arg12 : memref<128x128xf32, #tpu.memory_space<vmem>>) target(%dma_start3A_433 : memref<10000x128xf32, #tpu.memory_space<vmem_shared>>) offsets(%dma_start3A_430 : memref<128xi32, #tpu.memory_space<vmem>>) semaphore(%run_scoped3A_427 : memref<!tpu.dma_semaphore, #tpu.memory_space<semaphore_mem>>) {add = true}
          %dma_wait3A_434 = arith.constant 0 : i32
          %dma_wait3A_435 = tpu.memref_slice %arg10[%run_scoped3A_352, %dma_wait3A_434] : memref<2x128xi32, #tpu.memory_space<vmem>> -> memref<1x128xi32, #tpu.memory_space<vmem>>
          %dma_wait3A_436 = tpu.memref_squeeze %dma_wait3A_435 : memref<1x128xi32, #tpu.memory_space<vmem>> -> memref<128xi32, #tpu.memory_space<vmem>>
          %dma_wait3A_437 = arith.constant 0 : i32
          %dma_wait3A_438 = arith.constant 0 : i32
          %dma_wait3A_439 = tpu.memref_slice %arg14[%dma_wait3A_437, %dma_wait3A_438] : memref<10000x128xf32, #tpu.memory_space<vmem_shared>> -> memref<10000x128xf32, #tpu.memory_space<vmem_shared>>
          tpu.wait_indirect_dma semaphore(%run_scoped3A_427 : memref<!tpu.dma_semaphore, #tpu.memory_space<semaphore_mem>>) src(%arg12 : memref<128x128xf32, #tpu.memory_space<vmem>>) dst(%dma_wait3A_439 : memref<10000x128xf32, #tpu.memory_space<vmem_shared>>)
          tpu.yield
        }) : () -> ()
        %add3A_353 = arith.constant 4 : i32
        %add3A_354 = arith.addi %mul3A_262, %add3A_353 : i32
        %add3A_355 = arith.constant 2 : i32
        %add3A_356 = arith.addi %add3A_354, %add3A_355 : i32
        %mul3A_357 = arith.constant 16 : i32
        %mul3A_358 = arith.muli %mul3A_357, %add3A_356 : i32
        %add3A_359 = arith.addi %arg1, %mul3A_358 : i32
        %mul3A_360 = arith.constant 128 : i32
        %mul3A_361 = arith.muli %add3A_359, %mul3A_360 : i32
        %dma_start3A_362 = arith.constant 0 : i32
        %dma_start3A_363 = tpu.memref_slice %arg5[%dma_start3A_362, %mul3A_361] : memref<2x320000xi32, #tpu.memory_space<hbm>> -> memref<2x128xi32, #tpu.memory_space<hbm>>
        %dma_start3A_364 = arith.constant 0 : i32
        %dma_start3A_365 = tpu.memref_slice %arg5[%dma_start3A_364, %mul3A_361] : memref<2x320000xi32, #tpu.memory_space<hbm>> -> memref<2x128xi32, #tpu.memory_space<hbm>>
        tpu.enqueue_dma source(%dma_start3A_365 : memref<2x128xi32, #tpu.memory_space<hbm>>) target(%arg10 : memref<2x128xi32, #tpu.memory_space<vmem>>) target_semaphore(%arg19 : memref<!tpu.dma_semaphore, #tpu.memory_space<semaphore_mem>>)
        %add3A_366 = arith.constant 2 : i32
        %add3A_367 = arith.addi %mul3A_262, %add3A_366 : i32
        %add3A_368 = arith.constant 2 : i32
        %add3A_369 = arith.addi %add3A_367, %add3A_368 : i32
        %mul3A_370 = arith.constant 16 : i32
        %mul3A_371 = arith.muli %mul3A_370, %add3A_369 : i32
        %add3A_372 = arith.addi %arg1, %mul3A_371 : i32
        %mul3A_373 = arith.constant 128 : i32
        %mul3A_374 = arith.muli %add3A_372, %mul3A_373 : i32
        %dma_wait3A_375 = arith.constant 0 : i32
        %dma_wait3A_376 = tpu.memref_slice %arg5[%dma_wait3A_375, %mul3A_374] : memref<2x320000xi32, #tpu.memory_space<hbm>> -> memref<2x128xi32, #tpu.memory_space<hbm>>
        %dma_wait3A_377 = arith.constant 0 : i32
        %dma_wait3A_378 = tpu.memref_slice %arg5[%dma_wait3A_377, %mul3A_374] : memref<2x320000xi32, #tpu.memory_space<hbm>> -> memref<2x128xi32, #tpu.memory_space<hbm>>
        tpu.wait_dma2 semaphore(%arg17 : memref<!tpu.dma_semaphore, #tpu.memory_space<semaphore_mem>>) src(%dma_wait3A_378 : memref<2x128xi32, #tpu.memory_space<hbm>>) dst(%arg8 : memref<2x128xi32, #tpu.memory_space<vmem>>)
        %dma_start3A_379 = arith.constant 0 : i32
        %dma_start3A_380 = arith.constant 0 : i32
        %dma_start3A_381 = tpu.memref_slice %arg8[%dma_start3A_379, %dma_start3A_380] : memref<2x128xi32, #tpu.memory_space<vmem>> -> memref<1x128xi32, #tpu.memory_space<vmem>>
        %dma_start3A_382 = tpu.memref_squeeze %dma_start3A_381 : memref<1x128xi32, #tpu.memory_space<vmem>> -> memref<128xi32, #tpu.memory_space<vmem>>
        %dma_start3A_383 = arith.constant 0 : i32
        %dma_start3A_384 = arith.constant 0 : i32
        %dma_start3A_385 = tpu.memref_slice %arg3[%dma_start3A_383, %dma_start3A_384] : memref<10000x128xf32, #tpu.memory_space<hbm>> -> memref<10000x128xf32, #tpu.memory_space<hbm>>
        tpu.enqueue_indirect_dma source(%dma_start3A_385 : memref<10000x128xf32, #tpu.memory_space<hbm>>) target(%arg12 : memref<128x128xf32, #tpu.memory_space<vmem>>) offsets(%dma_start3A_382 : memref<128xi32, #tpu.memory_space<vmem>>) semaphore(%arg15 : memref<!tpu.dma_semaphore, #tpu.memory_space<semaphore_mem>>)
        %dma_wait3A_386 = arith.constant 0 : i32
        %dma_wait3A_387 = arith.constant 0 : i32
        %dma_wait3A_388 = tpu.memref_slice %arg11[%dma_wait3A_386, %dma_wait3A_387] : memref<2x128xi32, #tpu.memory_space<vmem>> -> memref<1x128xi32, #tpu.memory_space<vmem>>
        %dma_wait3A_389 = tpu.memref_squeeze %dma_wait3A_388 : memref<1x128xi32, #tpu.memory_space<vmem>> -> memref<128xi32, #tpu.memory_space<vmem>>
        %dma_wait3A_390 = arith.constant 0 : i32
        %dma_wait3A_391 = arith.constant 0 : i32
        %dma_wait3A_392 = tpu.memref_slice %arg3[%dma_wait3A_390, %dma_wait3A_391] : memref<10000x128xf32, #tpu.memory_space<hbm>> -> memref<10000x128xf32, #tpu.memory_space<hbm>>
        tpu.wait_indirect_dma semaphore(%arg16 : memref<!tpu.dma_semaphore, #tpu.memory_space<semaphore_mem>>) src(%dma_wait3A_392 : memref<10000x128xf32, #tpu.memory_space<hbm>>) dst(%arg13 : memref<128x128xf32, #tpu.memory_space<vmem>>)
        %run_scoped3A_393 = arith.constant 1 : i32
        "tpu.region"() ({
          %run_scoped3A_427 = tpu.sem_alloc : memref<!tpu.dma_semaphore, #tpu.memory_space<semaphore_mem>>
          %dma_start3A_428 = arith.constant 0 : i32
          %dma_start3A_429 = tpu.memref_slice %arg11[%run_scoped3A_393, %dma_start3A_428] : memref<2x128xi32, #tpu.memory_space<vmem>> -> memref<1x128xi32, #tpu.memory_space<vmem>>
          %dma_start3A_430 = tpu.memref_squeeze %dma_start3A_429 : memref<1x128xi32, #tpu.memory_space<vmem>> -> memref<128xi32, #tpu.memory_space<vmem>>
          %dma_start3A_431 = arith.constant 0 : i32
          %dma_start3A_432 = arith.constant 0 : i32
          %dma_start3A_433 = tpu.memref_slice %arg14[%dma_start3A_431, %dma_start3A_432] : memref<10000x128xf32, #tpu.memory_space<vmem_shared>> -> memref<10000x128xf32, #tpu.memory_space<vmem_shared>>
          tpu.enqueue_indirect_dma source(%arg13 : memref<128x128xf32, #tpu.memory_space<vmem>>) target(%dma_start3A_433 : memref<10000x128xf32, #tpu.memory_space<vmem_shared>>) offsets(%dma_start3A_430 : memref<128xi32, #tpu.memory_space<vmem>>) semaphore(%run_scoped3A_427 : memref<!tpu.dma_semaphore, #tpu.memory_space<semaphore_mem>>) {add = true}
          %dma_wait3A_434 = arith.constant 0 : i32
          %dma_wait3A_435 = tpu.memref_slice %arg11[%run_scoped3A_393, %dma_wait3A_434] : memref<2x128xi32, #tpu.memory_space<vmem>> -> memref<1x128xi32, #tpu.memory_space<vmem>>
          %dma_wait3A_436 = tpu.memref_squeeze %dma_wait3A_435 : memref<1x128xi32, #tpu.memory_space<vmem>> -> memref<128xi32, #tpu.memory_space<vmem>>
          %dma_wait3A_437 = arith.constant 0 : i32
          %dma_wait3A_438 = arith.constant 0 : i32
          %dma_wait3A_439 = tpu.memref_slice %arg14[%dma_wait3A_437, %dma_wait3A_438] : memref<10000x128xf32, #tpu.memory_space<vmem_shared>> -> memref<10000x128xf32, #tpu.memory_space<vmem_shared>>
          tpu.wait_indirect_dma semaphore(%run_scoped3A_427 : memref<!tpu.dma_semaphore, #tpu.memory_space<semaphore_mem>>) src(%arg13 : memref<128x128xf32, #tpu.memory_space<vmem>>) dst(%dma_wait3A_439 : memref<10000x128xf32, #tpu.memory_space<vmem_shared>>)
          tpu.yield
        }) : () -> ()
        %add3A_394 = arith.constant 4 : i32
        %add3A_395 = arith.addi %mul3A_262, %add3A_394 : i32
        %add3A_396 = arith.constant 3 : i32
        %add3A_397 = arith.addi %add3A_395, %add3A_396 : i32
        %mul3A_398 = arith.constant 16 : i32
        %mul3A_399 = arith.muli %mul3A_398, %add3A_397 : i32
        %add3A_400 = arith.addi %arg1, %mul3A_399 : i32
        %mul3A_401 = arith.constant 128 : i32
        %mul3A_402 = arith.muli %add3A_400, %mul3A_401 : i32
        %dma_start3A_403 = arith.constant 0 : i32
        %dma_start3A_404 = tpu.memref_slice %arg5[%dma_start3A_403, %mul3A_402] : memref<2x320000xi32, #tpu.memory_space<hbm>> -> memref<2x128xi32, #tpu.memory_space<hbm>>
        %dma_start3A_405 = arith.constant 0 : i32
        %dma_start3A_406 = tpu.memref_slice %arg5[%dma_start3A_405, %mul3A_402] : memref<2x320000xi32, #tpu.memory_space<hbm>> -> memref<2x128xi32, #tpu.memory_space<hbm>>
        tpu.enqueue_dma source(%dma_start3A_406 : memref<2x128xi32, #tpu.memory_space<hbm>>) target(%arg11 : memref<2x128xi32, #tpu.memory_space<vmem>>) target_semaphore(%arg20 : memref<!tpu.dma_semaphore, #tpu.memory_space<semaphore_mem>>)
        %add3A_407 = arith.constant 2 : i32
        %add3A_408 = arith.addi %mul3A_262, %add3A_407 : i32
        %add3A_409 = arith.constant 3 : i32
        %add3A_410 = arith.addi %add3A_408, %add3A_409 : i32
        %mul3A_411 = arith.constant 16 : i32
        %mul3A_412 = arith.muli %mul3A_411, %add3A_410 : i32
        %add3A_413 = arith.addi %arg1, %mul3A_412 : i32
        %mul3A_414 = arith.constant 128 : i32
        %mul3A_415 = arith.muli %add3A_413, %mul3A_414 : i32
        %dma_wait3A_416 = arith.constant 0 : i32
        %dma_wait3A_417 = tpu.memref_slice %arg5[%dma_wait3A_416, %mul3A_415] : memref<2x320000xi32, #tpu.memory_space<hbm>> -> memref<2x128xi32, #tpu.memory_space<hbm>>
        %dma_wait3A_418 = arith.constant 0 : i32
        %dma_wait3A_419 = tpu.memref_slice %arg5[%dma_wait3A_418, %mul3A_415] : memref<2x320000xi32, #tpu.memory_space<hbm>> -> memref<2x128xi32, #tpu.memory_space<hbm>>
        tpu.wait_dma2 semaphore(%arg18 : memref<!tpu.dma_semaphore, #tpu.memory_space<semaphore_mem>>) src(%dma_wait3A_419 : memref<2x128xi32, #tpu.memory_space<hbm>>) dst(%arg9 : memref<2x128xi32, #tpu.memory_space<vmem>>)
        %dma_start3A_420 = arith.constant 0 : i32
        %dma_start3A_421 = arith.constant 0 : i32
        %dma_start3A_422 = tpu.memref_slice %arg9[%dma_start3A_420, %dma_start3A_421] : memref<2x128xi32, #tpu.memory_space<vmem>> -> memref<1x128xi32, #tpu.memory_space<vmem>>
        %dma_start3A_423 = tpu.memref_squeeze %dma_start3A_422 : memref<1x128xi32, #tpu.memory_space<vmem>> -> memref<128xi32, #tpu.memory_space<vmem>>
        %dma_start3A_424 = arith.constant 0 : i32
        %dma_start3A_425 = arith.constant 0 : i32
        %dma_start3A_426 = tpu.memref_slice %arg3[%dma_start3A_424, %dma_start3A_425] : memref<10000x128xf32, #tpu.memory_space<hbm>> -> memref<10000x128xf32, #tpu.memory_space<hbm>>
        tpu.enqueue_indirect_dma source(%dma_start3A_426 : memref<10000x128xf32, #tpu.memory_space<hbm>>) target(%arg13 : memref<128x128xf32, #tpu.memory_space<vmem>>) offsets(%dma_start3A_423 : memref<128xi32, #tpu.memory_space<vmem>>) semaphore(%arg16 : memref<!tpu.dma_semaphore, #tpu.memory_space<semaphore_mem>>)
      }
      %while3A_125 = arith.constant 1 : i32
      scf.for %while3A_260 = %while3A_123 to %while3A_119 step %while3A_125  : i32 {
        %mul3A_261 = arith.constant 4 : i32
        %mul3A_262 = arith.muli %mul3A_261, %while3A_260 : i32
        %dma_wait3A_263 = arith.constant 0 : i32
        %dma_wait3A_264 = arith.constant 0 : i32
        %dma_wait3A_265 = tpu.memref_slice %arg8[%dma_wait3A_263, %dma_wait3A_264] : memref<2x128xi32, #tpu.memory_space<vmem>> -> memref<1x128xi32, #tpu.memory_space<vmem>>
        %dma_wait3A_266 = tpu.memref_squeeze %dma_wait3A_265 : memref<1x128xi32, #tpu.memory_space<vmem>> -> memref<128xi32, #tpu.memory_space<vmem>>
        %dma_wait3A_267 = arith.constant 0 : i32
        %dma_wait3A_268 = arith.constant 0 : i32
        %dma_wait3A_269 = tpu.memref_slice %arg3[%dma_wait3A_267, %dma_wait3A_268] : memref<10000x128xf32, #tpu.memory_space<hbm>> -> memref<10000x128xf32, #tpu.memory_space<hbm>>
        tpu.wait_indirect_dma semaphore(%arg15 : memref<!tpu.dma_semaphore, #tpu.memory_space<semaphore_mem>>) src(%dma_wait3A_269 : memref<10000x128xf32, #tpu.memory_space<hbm>>) dst(%arg12 : memref<128x128xf32, #tpu.memory_space<vmem>>)
        %run_scoped3A_270 = arith.constant 1 : i32
        "tpu.region"() ({
          %run_scoped3A_427 = tpu.sem_alloc : memref<!tpu.dma_semaphore, #tpu.memory_space<semaphore_mem>>
          %dma_start3A_428 = arith.constant 0 : i32
          %dma_start3A_429 = tpu.memref_slice %arg8[%run_scoped3A_270, %dma_start3A_428] : memref<2x128xi32, #tpu.memory_space<vmem>> -> memref<1x128xi32, #tpu.memory_space<vmem>>
          %dma_start3A_430 = tpu.memref_squeeze %dma_start3A_429 : memref<1x128xi32, #tpu.memory_space<vmem>> -> memref<128xi32, #tpu.memory_space<vmem>>
          %dma_start3A_431 = arith.constant 0 : i32
          %dma_start3A_432 = arith.constant 0 : i32
          %dma_start3A_433 = tpu.memref_slice %arg14[%dma_start3A_431, %dma_start3A_432] : memref<10000x128xf32, #tpu.memory_space<vmem_shared>> -> memref<10000x128xf32, #tpu.memory_space<vmem_shared>>
          tpu.enqueue_indirect_dma source(%arg12 : memref<128x128xf32, #tpu.memory_space<vmem>>) target(%dma_start3A_433 : memref<10000x128xf32, #tpu.memory_space<vmem_shared>>) offsets(%dma_start3A_430 : memref<128xi32, #tpu.memory_space<vmem>>) semaphore(%run_scoped3A_427 : memref<!tpu.dma_semaphore, #tpu.memory_space<semaphore_mem>>) {add = true}
          %dma_wait3A_434 = arith.constant 0 : i32
          %dma_wait3A_435 = tpu.memref_slice %arg8[%run_scoped3A_270, %dma_wait3A_434] : memref<2x128xi32, #tpu.memory_space<vmem>> -> memref<1x128xi32, #tpu.memory_space<vmem>>
          %dma_wait3A_436 = tpu.memref_squeeze %dma_wait3A_435 : memref<1x128xi32, #tpu.memory_space<vmem>> -> memref<128xi32, #tpu.memory_space<vmem>>
          %dma_wait3A_437 = arith.constant 0 : i32
          %dma_wait3A_438 = arith.constant 0 : i32
          %dma_wait3A_439 = tpu.memref_slice %arg14[%dma_wait3A_437, %dma_wait3A_438] : memref<10000x128xf32, #tpu.memory_space<vmem_shared>> -> memref<10000x128xf32, #tpu.memory_space<vmem_shared>>
          tpu.wait_indirect_dma semaphore(%run_scoped3A_427 : memref<!tpu.dma_semaphore, #tpu.memory_space<semaphore_mem>>) src(%arg12 : memref<128x128xf32, #tpu.memory_space<vmem>>) dst(%dma_wait3A_439 : memref<10000x128xf32, #tpu.memory_space<vmem_shared>>)
          tpu.yield
        }) : () -> ()
        %add3A_271 = arith.constant 4 : i32
        %add3A_272 = arith.addi %mul3A_262, %add3A_271 : i32
        %add3A_273 = arith.constant 0 : i32
        %add3A_274 = arith.addi %add3A_272, %add3A_273 : i32
        %mul3A_275 = arith.constant 16 : i32
        %mul3A_276 = arith.muli %mul3A_275, %add3A_274 : i32
        %add3A_277 = arith.addi %arg1, %mul3A_276 : i32
        %mul3A_278 = arith.constant 128 : i32
        %mul3A_279 = arith.muli %add3A_277, %mul3A_278 : i32
        %dma_start3A_280 = arith.constant 0 : i32
        %dma_start3A_281 = tpu.memref_slice %arg5[%dma_start3A_280, %mul3A_279] : memref<2x320000xi32, #tpu.memory_space<hbm>> -> memref<2x128xi32, #tpu.memory_space<hbm>>
        %dma_start3A_282 = arith.constant 0 : i32
        %dma_start3A_283 = tpu.memref_slice %arg5[%dma_start3A_282, %mul3A_279] : memref<2x320000xi32, #tpu.memory_space<hbm>> -> memref<2x128xi32, #tpu.memory_space<hbm>>
        tpu.enqueue_dma source(%dma_start3A_283 : memref<2x128xi32, #tpu.memory_space<hbm>>) target(%arg8 : memref<2x128xi32, #tpu.memory_space<vmem>>) target_semaphore(%arg17 : memref<!tpu.dma_semaphore, #tpu.memory_space<semaphore_mem>>)
        %add3A_284 = arith.constant 2 : i32
        %add3A_285 = arith.addi %mul3A_262, %add3A_284 : i32
        %add3A_286 = arith.constant 0 : i32
        %add3A_287 = arith.addi %add3A_285, %add3A_286 : i32
        %mul3A_288 = arith.constant 16 : i32
        %mul3A_289 = arith.muli %mul3A_288, %add3A_287 : i32
        %add3A_290 = arith.addi %arg1, %mul3A_289 : i32
        %mul3A_291 = arith.constant 128 : i32
        %mul3A_292 = arith.muli %add3A_290, %mul3A_291 : i32
        %dma_wait3A_293 = arith.constant 0 : i32
        %dma_wait3A_294 = tpu.memref_slice %arg5[%dma_wait3A_293, %mul3A_292] : memref<2x320000xi32, #tpu.memory_space<hbm>> -> memref<2x128xi32, #tpu.memory_space<hbm>>
        %dma_wait3A_295 = arith.constant 0 : i32
        %dma_wait3A_296 = tpu.memref_slice %arg5[%dma_wait3A_295, %mul3A_292] : memref<2x320000xi32, #tpu.memory_space<hbm>> -> memref<2x128xi32, #tpu.memory_space<hbm>>
        tpu.wait_dma2 semaphore(%arg19 : memref<!tpu.dma_semaphore, #tpu.memory_space<semaphore_mem>>) src(%dma_wait3A_296 : memref<2x128xi32, #tpu.memory_space<hbm>>) dst(%arg10 : memref<2x128xi32, #tpu.memory_space<vmem>>)
        %dma_start3A_297 = arith.constant 0 : i32
        %dma_start3A_298 = arith.constant 0 : i32
        %dma_start3A_299 = tpu.memref_slice %arg10[%dma_start3A_297, %dma_start3A_298] : memref<2x128xi32, #tpu.memory_space<vmem>> -> memref<1x128xi32, #tpu.memory_space<vmem>>
        %dma_start3A_300 = tpu.memref_squeeze %dma_start3A_299 : memref<1x128xi32, #tpu.memory_space<vmem>> -> memref<128xi32, #tpu.memory_space<vmem>>
        %dma_start3A_301 = arith.constant 0 : i32
        %dma_start3A_302 = arith.constant 0 : i32
        %dma_start3A_303 = tpu.memref_slice %arg3[%dma_start3A_301, %dma_start3A_302] : memref<10000x128xf32, #tpu.memory_space<hbm>> -> memref<10000x128xf32, #tpu.memory_space<hbm>>
        tpu.enqueue_indirect_dma source(%dma_start3A_303 : memref<10000x128xf32, #tpu.memory_space<hbm>>) target(%arg12 : memref<128x128xf32, #tpu.memory_space<vmem>>) offsets(%dma_start3A_300 : memref<128xi32, #tpu.memory_space<vmem>>) semaphore(%arg15 : memref<!tpu.dma_semaphore, #tpu.memory_space<semaphore_mem>>)
        %dma_wait3A_304 = arith.constant 0 : i32
        %dma_wait3A_305 = arith.constant 0 : i32
        %dma_wait3A_306 = tpu.memref_slice %arg9[%dma_wait3A_304, %dma_wait3A_305] : memref<2x128xi32, #tpu.memory_space<vmem>> -> memref<1x128xi32, #tpu.memory_space<vmem>>
        %dma_wait3A_307 = tpu.memref_squeeze %dma_wait3A_306 : memref<1x128xi32, #tpu.memory_space<vmem>> -> memref<128xi32, #tpu.memory_space<vmem>>
        %dma_wait3A_308 = arith.constant 0 : i32
        %dma_wait3A_309 = arith.constant 0 : i32
        %dma_wait3A_310 = tpu.memref_slice %arg3[%dma_wait3A_308, %dma_wait3A_309] : memref<10000x128xf32, #tpu.memory_space<hbm>> -> memref<10000x128xf32, #tpu.memory_space<hbm>>
        tpu.wait_indirect_dma semaphore(%arg16 : memref<!tpu.dma_semaphore, #tpu.memory_space<semaphore_mem>>) src(%dma_wait3A_310 : memref<10000x128xf32, #tpu.memory_space<hbm>>) dst(%arg13 : memref<128x128xf32, #tpu.memory_space<vmem>>)
        %run_scoped3A_311 = arith.constant 1 : i32
        "tpu.region"() ({
          %run_scoped3A_427 = tpu.sem_alloc : memref<!tpu.dma_semaphore, #tpu.memory_space<semaphore_mem>>
          %dma_start3A_428 = arith.constant 0 : i32
          %dma_start3A_429 = tpu.memref_slice %arg9[%run_scoped3A_311, %dma_start3A_428] : memref<2x128xi32, #tpu.memory_space<vmem>> -> memref<1x128xi32, #tpu.memory_space<vmem>>
          %dma_start3A_430 = tpu.memref_squeeze %dma_start3A_429 : memref<1x128xi32, #tpu.memory_space<vmem>> -> memref<128xi32, #tpu.memory_space<vmem>>
          %dma_start3A_431 = arith.constant 0 : i32
          %dma_start3A_432 = arith.constant 0 : i32
          %dma_start3A_433 = tpu.memref_slice %arg14[%dma_start3A_431, %dma_start3A_432] : memref<10000x128xf32, #tpu.memory_space<vmem_shared>> -> memref<10000x128xf32, #tpu.memory_space<vmem_shared>>
          tpu.enqueue_indirect_dma source(%arg13 : memref<128x128xf32, #tpu.memory_space<vmem>>) target(%dma_start3A_433 : memref<10000x128xf32, #tpu.memory_space<vmem_shared>>) offsets(%dma_start3A_430 : memref<128xi32, #tpu.memory_space<vmem>>) semaphore(%run_scoped3A_427 : memref<!tpu.dma_semaphore, #tpu.memory_space<semaphore_mem>>) {add = true}
          %dma_wait3A_434 = arith.constant 0 : i32
          %dma_wait3A_435 = tpu.memref_slice %arg9[%run_scoped3A_311, %dma_wait3A_434] : memref<2x128xi32, #tpu.memory_space<vmem>> -> memref<1x128xi32, #tpu.memory_space<vmem>>
          %dma_wait3A_436 = tpu.memref_squeeze %dma_wait3A_435 : memref<1x128xi32, #tpu.memory_space<vmem>> -> memref<128xi32, #tpu.memory_space<vmem>>
          %dma_wait3A_437 = arith.constant 0 : i32
          %dma_wait3A_438 = arith.constant 0 : i32
          %dma_wait3A_439 = tpu.memref_slice %arg14[%dma_wait3A_437, %dma_wait3A_438] : memref<10000x128xf32, #tpu.memory_space<vmem_shared>> -> memref<10000x128xf32, #tpu.memory_space<vmem_shared>>
          tpu.wait_indirect_dma semaphore(%run_scoped3A_427 : memref<!tpu.dma_semaphore, #tpu.memory_space<semaphore_mem>>) src(%arg13 : memref<128x128xf32, #tpu.memory_space<vmem>>) dst(%dma_wait3A_439 : memref<10000x128xf32, #tpu.memory_space<vmem_shared>>)
          tpu.yield
        }) : () -> ()
        %add3A_312 = arith.constant 4 : i32
        %add3A_313 = arith.addi %mul3A_262, %add3A_312 : i32
        %add3A_314 = arith.constant 1 : i32
        %add3A_315 = arith.addi %add3A_313, %add3A_314 : i32
        %mul3A_316 = arith.constant 16 : i32
        %mul3A_317 = arith.muli %mul3A_316, %add3A_315 : i32
        %add3A_318 = arith.addi %arg1, %mul3A_317 : i32
        %mul3A_319 = arith.constant 128 : i32
        %mul3A_320 = arith.muli %add3A_318, %mul3A_319 : i32
        %dma_start3A_321 = arith.constant 0 : i32
        %dma_start3A_322 = tpu.memref_slice %arg5[%dma_start3A_321, %mul3A_320] : memref<2x320000xi32, #tpu.memory_space<hbm>> -> memref<2x128xi32, #tpu.memory_space<hbm>>
        %dma_start3A_323 = arith.constant 0 : i32
        %dma_start3A_324 = tpu.memref_slice %arg5[%dma_start3A_323, %mul3A_320] : memref<2x320000xi32, #tpu.memory_space<hbm>> -> memref<2x128xi32, #tpu.memory_space<hbm>>
        tpu.enqueue_dma source(%dma_start3A_324 : memref<2x128xi32, #tpu.memory_space<hbm>>) target(%arg9 : memref<2x128xi32, #tpu.memory_space<vmem>>) target_semaphore(%arg18 : memref<!tpu.dma_semaphore, #tpu.memory_space<semaphore_mem>>)
        %add3A_325 = arith.constant 2 : i32
        %add3A_326 = arith.addi %mul3A_262, %add3A_325 : i32
        %add3A_327 = arith.constant 1 : i32
        %add3A_328 = arith.addi %add3A_326, %add3A_327 : i32
        %mul3A_329 = arith.constant 16 : i32
        %mul3A_330 = arith.muli %mul3A_329, %add3A_328 : i32
        %add3A_331 = arith.addi %arg1, %mul3A_330 : i32
        %mul3A_332 = arith.constant 128 : i32
        %mul3A_333 = arith.muli %add3A_331, %mul3A_332 : i32
        %dma_wait3A_334 = arith.constant 0 : i32
        %dma_wait3A_335 = tpu.memref_slice %arg5[%dma_wait3A_334, %mul3A_333] : memref<2x320000xi32, #tpu.memory_space<hbm>> -> memref<2x128xi32, #tpu.memory_space<hbm>>
        %dma_wait3A_336 = arith.constant 0 : i32
        %dma_wait3A_337 = tpu.memref_slice %arg5[%dma_wait3A_336, %mul3A_333] : memref<2x320000xi32, #tpu.memory_space<hbm>> -> memref<2x128xi32, #tpu.memory_space<hbm>>
        tpu.wait_dma2 semaphore(%arg20 : memref<!tpu.dma_semaphore, #tpu.memory_space<semaphore_mem>>) src(%dma_wait3A_337 : memref<2x128xi32, #tpu.memory_space<hbm>>) dst(%arg11 : memref<2x128xi32, #tpu.memory_space<vmem>>)
        %dma_start3A_338 = arith.constant 0 : i32
        %dma_start3A_339 = arith.constant 0 : i32
        %dma_start3A_340 = tpu.memref_slice %arg11[%dma_start3A_338, %dma_start3A_339] : memref<2x128xi32, #tpu.memory_space<vmem>> -> memref<1x128xi32, #tpu.memory_space<vmem>>
        %dma_start3A_341 = tpu.memref_squeeze %dma_start3A_340 : memref<1x128xi32, #tpu.memory_space<vmem>> -> memref<128xi32, #tpu.memory_space<vmem>>
        %dma_start3A_342 = arith.constant 0 : i32
        %dma_start3A_343 = arith.constant 0 : i32
        %dma_start3A_344 = tpu.memref_slice %arg3[%dma_start3A_342, %dma_start3A_343] : memref<10000x128xf32, #tpu.memory_space<hbm>> -> memref<10000x128xf32, #tpu.memory_space<hbm>>
        tpu.enqueue_indirect_dma source(%dma_start3A_344 : memref<10000x128xf32, #tpu.memory_space<hbm>>) target(%arg13 : memref<128x128xf32, #tpu.memory_space<vmem>>) offsets(%dma_start3A_341 : memref<128xi32, #tpu.memory_space<vmem>>) semaphore(%arg16 : memref<!tpu.dma_semaphore, #tpu.memory_space<semaphore_mem>>)
        %dma_wait3A_345 = arith.constant 0 : i32
        %dma_wait3A_346 = arith.constant 0 : i32
        %dma_wait3A_347 = tpu.memref_slice %arg10[%dma_wait3A_345, %dma_wait3A_346] : memref<2x128xi32, #tpu.memory_space<vmem>> -> memref<1x128xi32, #tpu.memory_space<vmem>>
        %dma_wait3A_348 = tpu.memref_squeeze %dma_wait3A_347 : memref<1x128xi32, #tpu.memory_space<vmem>> -> memref<128xi32, #tpu.memory_space<vmem>>
        %dma_wait3A_349 = arith.constant 0 : i32
        %dma_wait3A_350 = arith.constant 0 : i32
        %dma_wait3A_351 = tpu.memref_slice %arg3[%dma_wait3A_349, %dma_wait3A_350] : memref<10000x128xf32, #tpu.memory_space<hbm>> -> memref<10000x128xf32, #tpu.memory_space<hbm>>
        tpu.wait_indirect_dma semaphore(%arg15 : memref<!tpu.dma_semaphore, #tpu.memory_space<semaphore_mem>>) src(%dma_wait3A_351 : memref<10000x128xf32, #tpu.memory_space<hbm>>) dst(%arg12 : memref<128x128xf32, #tpu.memory_space<vmem>>)
        %run_scoped3A_352 = arith.constant 1 : i32
        "tpu.region"() ({
          %run_scoped3A_427 = tpu.sem_alloc : memref<!tpu.dma_semaphore, #tpu.memory_space<semaphore_mem>>
          %dma_start3A_428 = arith.constant 0 : i32
          %dma_start3A_429 = tpu.memref_slice %arg10[%run_scoped3A_352, %dma_start3A_428] : memref<2x128xi32, #tpu.memory_space<vmem>> -> memref<1x128xi32, #tpu.memory_space<vmem>>
          %dma_start3A_430 = tpu.memref_squeeze %dma_start3A_429 : memref<1x128xi32, #tpu.memory_space<vmem>> -> memref<128xi32, #tpu.memory_space<vmem>>
          %dma_start3A_431 = arith.constant 0 : i32
          %dma_start3A_432 = arith.constant 0 : i32
          %dma_start3A_433 = tpu.memref_slice %arg14[%dma_start3A_431, %dma_start3A_432] : memref<10000x128xf32, #tpu.memory_space<vmem_shared>> -> memref<10000x128xf32, #tpu.memory_space<vmem_shared>>
          tpu.enqueue_indirect_dma source(%arg12 : memref<128x128xf32, #tpu.memory_space<vmem>>) target(%dma_start3A_433 : memref<10000x128xf32, #tpu.memory_space<vmem_shared>>) offsets(%dma_start3A_430 : memref<128xi32, #tpu.memory_space<vmem>>) semaphore(%run_scoped3A_427 : memref<!tpu.dma_semaphore, #tpu.memory_space<semaphore_mem>>) {add = true}
          %dma_wait3A_434 = arith.constant 0 : i32
          %dma_wait3A_435 = tpu.memref_slice %arg10[%run_scoped3A_352, %dma_wait3A_434] : memref<2x128xi32, #tpu.memory_space<vmem>> -> memref<1x128xi32, #tpu.memory_space<vmem>>
          %dma_wait3A_436 = tpu.memref_squeeze %dma_wait3A_435 : memref<1x128xi32, #tpu.memory_space<vmem>> -> memref<128xi32, #tpu.memory_space<vmem>>
          %dma_wait3A_437 = arith.constant 0 : i32
          %dma_wait3A_438 = arith.constant 0 : i32
          %dma_wait3A_439 = tpu.memref_slice %arg14[%dma_wait3A_437, %dma_wait3A_438] : memref<10000x128xf32, #tpu.memory_space<vmem_shared>> -> memref<10000x128xf32, #tpu.memory_space<vmem_shared>>
          tpu.wait_indirect_dma semaphore(%run_scoped3A_427 : memref<!tpu.dma_semaphore, #tpu.memory_space<semaphore_mem>>) src(%arg12 : memref<128x128xf32, #tpu.memory_space<vmem>>) dst(%dma_wait3A_439 : memref<10000x128xf32, #tpu.memory_space<vmem_shared>>)
          tpu.yield
        }) : () -> ()
        %add3A_353 = arith.constant 4 : i32
        %add3A_354 = arith.addi %mul3A_262, %add3A_353 : i32
        %add3A_355 = arith.constant 2 : i32
        %add3A_356 = arith.addi %add3A_354, %add3A_355 : i32
        %mul3A_357 = arith.constant 16 : i32
        %mul3A_358 = arith.muli %mul3A_357, %add3A_356 : i32
        %add3A_359 = arith.addi %arg1, %mul3A_358 : i32
        %mul3A_360 = arith.constant 128 : i32
        %mul3A_361 = arith.muli %add3A_359, %mul3A_360 : i32
        %dma_start3A_362 = arith.constant 0 : i32
        %dma_start3A_363 = tpu.memref_slice %arg5[%dma_start3A_362, %mul3A_361] : memref<2x320000xi32, #tpu.memory_space<hbm>> -> memref<2x128xi32, #tpu.memory_space<hbm>>
        %dma_start3A_364 = arith.constant 0 : i32
        %dma_start3A_365 = tpu.memref_slice %arg5[%dma_start3A_364, %mul3A_361] : memref<2x320000xi32, #tpu.memory_space<hbm>> -> memref<2x128xi32, #tpu.memory_space<hbm>>
        tpu.enqueue_dma source(%dma_start3A_365 : memref<2x128xi32, #tpu.memory_space<hbm>>) target(%arg10 : memref<2x128xi32, #tpu.memory_space<vmem>>) target_semaphore(%arg19 : memref<!tpu.dma_semaphore, #tpu.memory_space<semaphore_mem>>)
        %add3A_366 = arith.constant 2 : i32
        %add3A_367 = arith.addi %mul3A_262, %add3A_366 : i32
        %add3A_368 = arith.constant 2 : i32
        %add3A_369 = arith.addi %add3A_367, %add3A_368 : i32
        %mul3A_370 = arith.constant 16 : i32
        %mul3A_371 = arith.muli %mul3A_370, %add3A_369 : i32
        %add3A_372 = arith.addi %arg1, %mul3A_371 : i32
        %mul3A_373 = arith.constant 128 : i32
        %mul3A_374 = arith.muli %add3A_372, %mul3A_373 : i32
        %dma_wait3A_375 = arith.constant 0 : i32
        %dma_wait3A_376 = tpu.memref_slice %arg5[%dma_wait3A_375, %mul3A_374] : memref<2x320000xi32, #tpu.memory_space<hbm>> -> memref<2x128xi32, #tpu.memory_space<hbm>>
        %dma_wait3A_377 = arith.constant 0 : i32
        %dma_wait3A_378 = tpu.memref_slice %arg5[%dma_wait3A_377, %mul3A_374] : memref<2x320000xi32, #tpu.memory_space<hbm>> -> memref<2x128xi32, #tpu.memory_space<hbm>>
        tpu.wait_dma2 semaphore(%arg17 : memref<!tpu.dma_semaphore, #tpu.memory_space<semaphore_mem>>) src(%dma_wait3A_378 : memref<2x128xi32, #tpu.memory_space<hbm>>) dst(%arg8 : memref<2x128xi32, #tpu.memory_space<vmem>>)
        %dma_start3A_379 = arith.constant 0 : i32
        %dma_start3A_380 = arith.constant 0 : i32
        %dma_start3A_381 = tpu.memref_slice %arg8[%dma_start3A_379, %dma_start3A_380] : memref<2x128xi32, #tpu.memory_space<vmem>> -> memref<1x128xi32, #tpu.memory_space<vmem>>
        %dma_start3A_382 = tpu.memref_squeeze %dma_start3A_381 : memref<1x128xi32, #tpu.memory_space<vmem>> -> memref<128xi32, #tpu.memory_space<vmem>>
        %dma_start3A_383 = arith.constant 0 : i32
        %dma_start3A_384 = arith.constant 0 : i32
        %dma_start3A_385 = tpu.memref_slice %arg3[%dma_start3A_383, %dma_start3A_384] : memref<10000x128xf32, #tpu.memory_space<hbm>> -> memref<10000x128xf32, #tpu.memory_space<hbm>>
        tpu.enqueue_indirect_dma source(%dma_start3A_385 : memref<10000x128xf32, #tpu.memory_space<hbm>>) target(%arg12 : memref<128x128xf32, #tpu.memory_space<vmem>>) offsets(%dma_start3A_382 : memref<128xi32, #tpu.memory_space<vmem>>) semaphore(%arg15 : memref<!tpu.dma_semaphore, #tpu.memory_space<semaphore_mem>>)
        %dma_wait3A_386 = arith.constant 0 : i32
        %dma_wait3A_387 = arith.constant 0 : i32
        %dma_wait3A_388 = tpu.memref_slice %arg11[%dma_wait3A_386, %dma_wait3A_387] : memref<2x128xi32, #tpu.memory_space<vmem>> -> memref<1x128xi32, #tpu.memory_space<vmem>>
        %dma_wait3A_389 = tpu.memref_squeeze %dma_wait3A_388 : memref<1x128xi32, #tpu.memory_space<vmem>> -> memref<128xi32, #tpu.memory_space<vmem>>
        %dma_wait3A_390 = arith.constant 0 : i32
        %dma_wait3A_391 = arith.constant 0 : i32
        %dma_wait3A_392 = tpu.memref_slice %arg3[%dma_wait3A_390, %dma_wait3A_391] : memref<10000x128xf32, #tpu.memory_space<hbm>> -> memref<10000x128xf32, #tpu.memory_space<hbm>>
        tpu.wait_indirect_dma semaphore(%arg16 : memref<!tpu.dma_semaphore, #tpu.memory_space<semaphore_mem>>) src(%dma_wait3A_392 : memref<10000x128xf32, #tpu.memory_space<hbm>>) dst(%arg13 : memref<128x128xf32, #tpu.memory_space<vmem>>)
        %run_scoped3A_393 = arith.constant 1 : i32
        "tpu.region"() ({
          %run_scoped3A_427 = tpu.sem_alloc : memref<!tpu.dma_semaphore, #tpu.memory_space<semaphore_mem>>
          %dma_start3A_428 = arith.constant 0 : i32
          %dma_start3A_429 = tpu.memref_slice %arg11[%run_scoped3A_393, %dma_start3A_428] : memref<2x128xi32, #tpu.memory_space<vmem>> -> memref<1x128xi32, #tpu.memory_space<vmem>>
          %dma_start3A_430 = tpu.memref_squeeze %dma_start3A_429 : memref<1x128xi32, #tpu.memory_space<vmem>> -> memref<128xi32, #tpu.memory_space<vmem>>
          %dma_start3A_431 = arith.constant 0 : i32
          %dma_start3A_432 = arith.constant 0 : i32
          %dma_start3A_433 = tpu.memref_slice %arg14[%dma_start3A_431, %dma_start3A_432] : memref<10000x128xf32, #tpu.memory_space<vmem_shared>> -> memref<10000x128xf32, #tpu.memory_space<vmem_shared>>
          tpu.enqueue_indirect_dma source(%arg13 : memref<128x128xf32, #tpu.memory_space<vmem>>) target(%dma_start3A_433 : memref<10000x128xf32, #tpu.memory_space<vmem_shared>>) offsets(%dma_start3A_430 : memref<128xi32, #tpu.memory_space<vmem>>) semaphore(%run_scoped3A_427 : memref<!tpu.dma_semaphore, #tpu.memory_space<semaphore_mem>>) {add = true}
          %dma_wait3A_434 = arith.constant 0 : i32
          %dma_wait3A_435 = tpu.memref_slice %arg11[%run_scoped3A_393, %dma_wait3A_434] : memref<2x128xi32, #tpu.memory_space<vmem>> -> memref<1x128xi32, #tpu.memory_space<vmem>>
          %dma_wait3A_436 = tpu.memref_squeeze %dma_wait3A_435 : memref<1x128xi32, #tpu.memory_space<vmem>> -> memref<128xi32, #tpu.memory_space<vmem>>
          %dma_wait3A_437 = arith.constant 0 : i32
          %dma_wait3A_438 = arith.constant 0 : i32
          %dma_wait3A_439 = tpu.memref_slice %arg14[%dma_wait3A_437, %dma_wait3A_438] : memref<10000x128xf32, #tpu.memory_space<vmem_shared>> -> memref<10000x128xf32, #tpu.memory_space<vmem_shared>>
          tpu.wait_indirect_dma semaphore(%run_scoped3A_427 : memref<!tpu.dma_semaphore, #tpu.memory_space<semaphore_mem>>) src(%arg13 : memref<128x128xf32, #tpu.memory_space<vmem>>) dst(%dma_wait3A_439 : memref<10000x128xf32, #tpu.memory_space<vmem_shared>>)
          tpu.yield
        }) : () -> ()
        %add3A_394 = arith.constant 4 : i32
        %add3A_395 = arith.addi %mul3A_262, %add3A_394 : i32
        %add3A_396 = arith.constant 3 : i32
        %add3A_397 = arith.addi %add3A_395, %add3A_396 : i32
        %mul3A_398 = arith.constant 16 : i32
        %mul3A_399 = arith.muli %mul3A_398, %add3A_397 : i32
        %add3A_400 = arith.addi %arg1, %mul3A_399 : i32
        %mul3A_401 = arith.constant 128 : i32
        %mul3A_402 = arith.muli %add3A_400, %mul3A_401 : i32
        %dma_start3A_403 = arith.constant 0 : i32
        %dma_start3A_404 = tpu.memref_slice %arg5[%dma_start3A_403, %mul3A_402] : memref<2x320000xi32, #tpu.memory_space<hbm>> -> memref<2x128xi32, #tpu.memory_space<hbm>>
        %dma_start3A_405 = arith.constant 0 : i32
        %dma_start3A_406 = tpu.memref_slice %arg5[%dma_start3A_405, %mul3A_402] : memref<2x320000xi32, #tpu.memory_space<hbm>> -> memref<2x128xi32, #tpu.memory_space<hbm>>
        tpu.enqueue_dma source(%dma_start3A_406 : memref<2x128xi32, #tpu.memory_space<hbm>>) target(%arg11 : memref<2x128xi32, #tpu.memory_space<vmem>>) target_semaphore(%arg20 : memref<!tpu.dma_semaphore, #tpu.memory_space<semaphore_mem>>)
        %add3A_407 = arith.constant 2 : i32
        %add3A_408 = arith.addi %mul3A_262, %add3A_407 : i32
        %add3A_409 = arith.constant 3 : i32
        %add3A_410 = arith.addi %add3A_408, %add3A_409 : i32
        %mul3A_411 = arith.constant 16 : i32
        %mul3A_412 = arith.muli %mul3A_411, %add3A_410 : i32
        %add3A_413 = arith.addi %arg1, %mul3A_412 : i32
        %mul3A_414 = arith.constant 128 : i32
        %mul3A_415 = arith.muli %add3A_413, %mul3A_414 : i32
        %dma_wait3A_416 = arith.constant 0 : i32
        %dma_wait3A_417 = tpu.memref_slice %arg5[%dma_wait3A_416, %mul3A_415] : memref<2x320000xi32, #tpu.memory_space<hbm>> -> memref<2x128xi32, #tpu.memory_space<hbm>>
        %dma_wait3A_418 = arith.constant 0 : i32
        %dma_wait3A_419 = tpu.memref_slice %arg5[%dma_wait3A_418, %mul3A_415] : memref<2x320000xi32, #tpu.memory_space<hbm>> -> memref<2x128xi32, #tpu.memory_space<hbm>>
        tpu.wait_dma2 semaphore(%arg18 : memref<!tpu.dma_semaphore, #tpu.memory_space<semaphore_mem>>) src(%dma_wait3A_419 : memref<2x128xi32, #tpu.memory_space<hbm>>) dst(%arg9 : memref<2x128xi32, #tpu.memory_space<vmem>>)
        %dma_start3A_420 = arith.constant 0 : i32
        %dma_start3A_421 = arith.constant 0 : i32
        %dma_start3A_422 = tpu.memref_slice %arg9[%dma_start3A_420, %dma_start3A_421] : memref<2x128xi32, #tpu.memory_space<vmem>> -> memref<1x128xi32, #tpu.memory_space<vmem>>
        %dma_start3A_423 = tpu.memref_squeeze %dma_start3A_422 : memref<1x128xi32, #tpu.memory_space<vmem>> -> memref<128xi32, #tpu.memory_space<vmem>>
        %dma_start3A_424 = arith.constant 0 : i32
        %dma_start3A_425 = arith.constant 0 : i32
        %dma_start3A_426 = tpu.memref_slice %arg3[%dma_start3A_424, %dma_start3A_425] : memref<10000x128xf32, #tpu.memory_space<hbm>> -> memref<10000x128xf32, #tpu.memory_space<hbm>>
        tpu.enqueue_indirect_dma source(%dma_start3A_426 : memref<10000x128xf32, #tpu.memory_space<hbm>>) target(%arg13 : memref<128x128xf32, #tpu.memory_space<vmem>>) offsets(%dma_start3A_423 : memref<128xi32, #tpu.memory_space<vmem>>) semaphore(%arg16 : memref<!tpu.dma_semaphore, #tpu.memory_space<semaphore_mem>>)
      }
      %jit3A_126 = arith.constant 4 : i32
      %div3A_127 = arith.divsi %select_n3A, %jit3A_126 : i32
      %sign3A_128 = arith.constant 0 : i32
      %sign3A_129 = arith.cmpi sgt, %select_n3A, %sign3A_128 : i32
      %sign3A_130 = arith.extui %sign3A_129 : i1 to i32
      %sign3A_131 = arith.constant 0 : i32
      %sign3A_132 = arith.cmpi slt, %select_n3A, %sign3A_131 : i32
      %sign3A_133 = arith.extui %sign3A_132 : i1 to i32
      %sign3A_134 = arith.subi %sign3A_130, %sign3A_133 : i32
      %sign3A_135 = arith.constant 0 : i32
      %sign3A_136 = arith.cmpi sgt, %jit3A_126, %sign3A_135 : i32
      %sign3A_137 = arith.extui %sign3A_136 : i1 to i32
      %sign3A_138 = arith.constant 0 : i32
      %sign3A_139 = arith.cmpi slt, %jit3A_126, %sign3A_138 : i32
      %sign3A_140 = arith.extui %sign3A_139 : i1 to i32
      %sign3A_141 = arith.subi %sign3A_137, %sign3A_140 : i32
      %ne3A_142 = arith.cmpi ne, %sign3A_134, %sign3A_141 : i32
      %rem3A_143 = arith.remsi %select_n3A, %jit3A_126 : i32
      %ne3A_144 = arith.constant 0 : i32
      %ne3A_145 = arith.cmpi ne, %rem3A_143, %ne3A_144 : i32
      %and3A_146 = arith.andi %ne3A_142, %ne3A_145 : i1
      %sub3A_147 = arith.constant 1 : i32
      %sub3A_148 = arith.subi %div3A_127, %sub3A_147 : i32
      %select_n3A_149 = arith.select %and3A_146, %sub3A_148, %div3A_127 : i32
      %mul3A_150 = arith.constant 4 : i32
      %mul3A_151 = arith.muli %mul3A_150, %select_n3A_149 : i32
      %sub3A_152 = arith.constant 4 : i32
      %sub3A_153 = arith.subi %mul3A_151, %sub3A_152 : i32
      %dma_wait3A_154 = arith.constant 0 : i32
      %dma_wait3A_155 = arith.constant 0 : i32
      %dma_wait3A_156 = tpu.memref_slice %arg8[%dma_wait3A_154, %dma_wait3A_155] : memref<2x128xi32, #tpu.memory_space<vmem>> -> memref<1x128xi32, #tpu.memory_space<vmem>>
      %dma_wait3A_157 = tpu.memref_squeeze %dma_wait3A_156 : memref<1x128xi32, #tpu.memory_space<vmem>> -> memref<128xi32, #tpu.memory_space<vmem>>
      %dma_wait3A_158 = arith.constant 0 : i32
      %dma_wait3A_159 = arith.constant 0 : i32
      %dma_wait3A_160 = tpu.memref_slice %arg3[%dma_wait3A_158, %dma_wait3A_159] : memref<10000x128xf32, #tpu.memory_space<hbm>> -> memref<10000x128xf32, #tpu.memory_space<hbm>>
      tpu.wait_indirect_dma semaphore(%arg15 : memref<!tpu.dma_semaphore, #tpu.memory_space<semaphore_mem>>) src(%dma_wait3A_160 : memref<10000x128xf32, #tpu.memory_space<hbm>>) dst(%arg12 : memref<128x128xf32, #tpu.memory_space<vmem>>)
      %run_scoped3A = arith.constant 1 : i32
      "tpu.region"() ({
        %run_scoped3A_260 = tpu.sem_alloc : memref<!tpu.dma_semaphore, #tpu.memory_space<semaphore_mem>>
        %dma_start3A_261 = arith.constant 0 : i32
        %dma_start3A_262 = tpu.memref_slice %arg8[%run_scoped3A, %dma_start3A_261] : memref<2x128xi32, #tpu.memory_space<vmem>> -> memref<1x128xi32, #tpu.memory_space<vmem>>
        %dma_start3A_263 = tpu.memref_squeeze %dma_start3A_262 : memref<1x128xi32, #tpu.memory_space<vmem>> -> memref<128xi32, #tpu.memory_space<vmem>>
        %dma_start3A_264 = arith.constant 0 : i32
        %dma_start3A_265 = arith.constant 0 : i32
        %dma_start3A_266 = tpu.memref_slice %arg14[%dma_start3A_264, %dma_start3A_265] : memref<10000x128xf32, #tpu.memory_space<vmem_shared>> -> memref<10000x128xf32, #tpu.memory_space<vmem_shared>>
        tpu.enqueue_indirect_dma source(%arg12 : memref<128x128xf32, #tpu.memory_space<vmem>>) target(%dma_start3A_266 : memref<10000x128xf32, #tpu.memory_space<vmem_shared>>) offsets(%dma_start3A_263 : memref<128xi32, #tpu.memory_space<vmem>>) semaphore(%run_scoped3A_260 : memref<!tpu.dma_semaphore, #tpu.memory_space<semaphore_mem>>) {add = true}
        %dma_wait3A_267 = arith.constant 0 : i32
        %dma_wait3A_268 = tpu.memref_slice %arg8[%run_scoped3A, %dma_wait3A_267] : memref<2x128xi32, #tpu.memory_space<vmem>> -> memref<1x128xi32, #tpu.memory_space<vmem>>
        %dma_wait3A_269 = tpu.memref_squeeze %dma_wait3A_268 : memref<1x128xi32, #tpu.memory_space<vmem>> -> memref<128xi32, #tpu.memory_space<vmem>>
        %dma_wait3A_270 = arith.constant 0 : i32
        %dma_wait3A_271 = arith.constant 0 : i32
        %dma_wait3A_272 = tpu.memref_slice %arg14[%dma_wait3A_270, %dma_wait3A_271] : memref<10000x128xf32, #tpu.memory_space<vmem_shared>> -> memref<10000x128xf32, #tpu.memory_space<vmem_shared>>
        tpu.wait_indirect_dma semaphore(%run_scoped3A_260 : memref<!tpu.dma_semaphore, #tpu.memory_space<semaphore_mem>>) src(%arg12 : memref<128x128xf32, #tpu.memory_space<vmem>>) dst(%dma_wait3A_272 : memref<10000x128xf32, #tpu.memory_space<vmem_shared>>)
        tpu.yield
      }) : () -> ()
      %add3A_161 = arith.constant 2 : i32
      %add3A_162 = arith.addi %sub3A_153, %add3A_161 : i32
      %add3A_163 = arith.constant 0 : i32
      %add3A_164 = arith.addi %add3A_162, %add3A_163 : i32
      %mul3A_165 = arith.constant 16 : i32
      %mul3A_166 = arith.muli %mul3A_165, %add3A_164 : i32
      %add3A_167 = arith.addi %arg1, %mul3A_166 : i32
      %mul3A_168 = arith.constant 128 : i32
      %mul3A_169 = arith.muli %add3A_167, %mul3A_168 : i32
      %dma_wait3A_170 = arith.constant 0 : i32
      %dma_wait3A_171 = tpu.memref_slice %arg5[%dma_wait3A_170, %mul3A_169] : memref<2x320000xi32, #tpu.memory_space<hbm>> -> memref<2x128xi32, #tpu.memory_space<hbm>>
      %dma_wait3A_172 = arith.constant 0 : i32
      %dma_wait3A_173 = tpu.memref_slice %arg5[%dma_wait3A_172, %mul3A_169] : memref<2x320000xi32, #tpu.memory_space<hbm>> -> memref<2x128xi32, #tpu.memory_space<hbm>>
      tpu.wait_dma2 semaphore(%arg19 : memref<!tpu.dma_semaphore, #tpu.memory_space<semaphore_mem>>) src(%dma_wait3A_173 : memref<2x128xi32, #tpu.memory_space<hbm>>) dst(%arg10 : memref<2x128xi32, #tpu.memory_space<vmem>>)
      %dma_start3A_174 = arith.constant 0 : i32
      %dma_start3A_175 = arith.constant 0 : i32
      %dma_start3A_176 = tpu.memref_slice %arg10[%dma_start3A_174, %dma_start3A_175] : memref<2x128xi32, #tpu.memory_space<vmem>> -> memref<1x128xi32, #tpu.memory_space<vmem>>
      %dma_start3A_177 = tpu.memref_squeeze %dma_start3A_176 : memref<1x128xi32, #tpu.memory_space<vmem>> -> memref<128xi32, #tpu.memory_space<vmem>>
      %dma_start3A_178 = arith.constant 0 : i32
      %dma_start3A_179 = arith.constant 0 : i32
      %dma_start3A_180 = tpu.memref_slice %arg3[%dma_start3A_178, %dma_start3A_179] : memref<10000x128xf32, #tpu.memory_space<hbm>> -> memref<10000x128xf32, #tpu.memory_space<hbm>>
      tpu.enqueue_indirect_dma source(%dma_start3A_180 : memref<10000x128xf32, #tpu.memory_space<hbm>>) target(%arg12 : memref<128x128xf32, #tpu.memory_space<vmem>>) offsets(%dma_start3A_177 : memref<128xi32, #tpu.memory_space<vmem>>) semaphore(%arg15 : memref<!tpu.dma_semaphore, #tpu.memory_space<semaphore_mem>>)
      %dma_wait3A_181 = arith.constant 0 : i32
      %dma_wait3A_182 = arith.constant 0 : i32
      %dma_wait3A_183 = tpu.memref_slice %arg9[%dma_wait3A_181, %dma_wait3A_182] : memref<2x128xi32, #tpu.memory_space<vmem>> -> memref<1x128xi32, #tpu.memory_space<vmem>>
      %dma_wait3A_184 = tpu.memref_squeeze %dma_wait3A_183 : memref<1x128xi32, #tpu.memory_space<vmem>> -> memref<128xi32, #tpu.memory_space<vmem>>
      %dma_wait3A_185 = arith.constant 0 : i32
      %dma_wait3A_186 = arith.constant 0 : i32
      %dma_wait3A_187 = tpu.memref_slice %arg3[%dma_wait3A_185, %dma_wait3A_186] : memref<10000x128xf32, #tpu.memory_space<hbm>> -> memref<10000x128xf32, #tpu.memory_space<hbm>>
      tpu.wait_indirect_dma semaphore(%arg16 : memref<!tpu.dma_semaphore, #tpu.memory_space<semaphore_mem>>) src(%dma_wait3A_187 : memref<10000x128xf32, #tpu.memory_space<hbm>>) dst(%arg13 : memref<128x128xf32, #tpu.memory_space<vmem>>)
      %run_scoped3A_188 = arith.constant 1 : i32
      "tpu.region"() ({
        %run_scoped3A_260 = tpu.sem_alloc : memref<!tpu.dma_semaphore, #tpu.memory_space<semaphore_mem>>
        %dma_start3A_261 = arith.constant 0 : i32
        %dma_start3A_262 = tpu.memref_slice %arg9[%run_scoped3A_188, %dma_start3A_261] : memref<2x128xi32, #tpu.memory_space<vmem>> -> memref<1x128xi32, #tpu.memory_space<vmem>>
        %dma_start3A_263 = tpu.memref_squeeze %dma_start3A_262 : memref<1x128xi32, #tpu.memory_space<vmem>> -> memref<128xi32, #tpu.memory_space<vmem>>
        %dma_start3A_264 = arith.constant 0 : i32
        %dma_start3A_265 = arith.constant 0 : i32
        %dma_start3A_266 = tpu.memref_slice %arg14[%dma_start3A_264, %dma_start3A_265] : memref<10000x128xf32, #tpu.memory_space<vmem_shared>> -> memref<10000x128xf32, #tpu.memory_space<vmem_shared>>
        tpu.enqueue_indirect_dma source(%arg13 : memref<128x128xf32, #tpu.memory_space<vmem>>) target(%dma_start3A_266 : memref<10000x128xf32, #tpu.memory_space<vmem_shared>>) offsets(%dma_start3A_263 : memref<128xi32, #tpu.memory_space<vmem>>) semaphore(%run_scoped3A_260 : memref<!tpu.dma_semaphore, #tpu.memory_space<semaphore_mem>>) {add = true}
        %dma_wait3A_267 = arith.constant 0 : i32
        %dma_wait3A_268 = tpu.memref_slice %arg9[%run_scoped3A_188, %dma_wait3A_267] : memref<2x128xi32, #tpu.memory_space<vmem>> -> memref<1x128xi32, #tpu.memory_space<vmem>>
        %dma_wait3A_269 = tpu.memref_squeeze %dma_wait3A_268 : memref<1x128xi32, #tpu.memory_space<vmem>> -> memref<128xi32, #tpu.memory_space<vmem>>
        %dma_wait3A_270 = arith.constant 0 : i32
        %dma_wait3A_271 = arith.constant 0 : i32
        %dma_wait3A_272 = tpu.memref_slice %arg14[%dma_wait3A_270, %dma_wait3A_271] : memref<10000x128xf32, #tpu.memory_space<vmem_shared>> -> memref<10000x128xf32, #tpu.memory_space<vmem_shared>>
        tpu.wait_indirect_dma semaphore(%run_scoped3A_260 : memref<!tpu.dma_semaphore, #tpu.memory_space<semaphore_mem>>) src(%arg13 : memref<128x128xf32, #tpu.memory_space<vmem>>) dst(%dma_wait3A_272 : memref<10000x128xf32, #tpu.memory_space<vmem_shared>>)
        tpu.yield
      }) : () -> ()
      %add3A_189 = arith.constant 2 : i32
      %add3A_190 = arith.addi %sub3A_153, %add3A_189 : i32
      %add3A_191 = arith.constant 1 : i32
      %add3A_192 = arith.addi %add3A_190, %add3A_191 : i32
      %mul3A_193 = arith.constant 16 : i32
      %mul3A_194 = arith.muli %mul3A_193, %add3A_192 : i32
      %add3A_195 = arith.addi %arg1, %mul3A_194 : i32
      %mul3A_196 = arith.constant 128 : i32
      %mul3A_197 = arith.muli %add3A_195, %mul3A_196 : i32
      %dma_wait3A_198 = arith.constant 0 : i32
      %dma_wait3A_199 = tpu.memref_slice %arg5[%dma_wait3A_198, %mul3A_197] : memref<2x320000xi32, #tpu.memory_space<hbm>> -> memref<2x128xi32, #tpu.memory_space<hbm>>
      %dma_wait3A_200 = arith.constant 0 : i32
      %dma_wait3A_201 = tpu.memref_slice %arg5[%dma_wait3A_200, %mul3A_197] : memref<2x320000xi32, #tpu.memory_space<hbm>> -> memref<2x128xi32, #tpu.memory_space<hbm>>
      tpu.wait_dma2 semaphore(%arg20 : memref<!tpu.dma_semaphore, #tpu.memory_space<semaphore_mem>>) src(%dma_wait3A_201 : memref<2x128xi32, #tpu.memory_space<hbm>>) dst(%arg11 : memref<2x128xi32, #tpu.memory_space<vmem>>)
      %dma_start3A_202 = arith.constant 0 : i32
      %dma_start3A_203 = arith.constant 0 : i32
      %dma_start3A_204 = tpu.memref_slice %arg11[%dma_start3A_202, %dma_start3A_203] : memref<2x128xi32, #tpu.memory_space<vmem>> -> memref<1x128xi32, #tpu.memory_space<vmem>>
      %dma_start3A_205 = tpu.memref_squeeze %dma_start3A_204 : memref<1x128xi32, #tpu.memory_space<vmem>> -> memref<128xi32, #tpu.memory_space<vmem>>
      %dma_start3A_206 = arith.constant 0 : i32
      %dma_start3A_207 = arith.constant 0 : i32
      %dma_start3A_208 = tpu.memref_slice %arg3[%dma_start3A_206, %dma_start3A_207] : memref<10000x128xf32, #tpu.memory_space<hbm>> -> memref<10000x128xf32, #tpu.memory_space<hbm>>
      tpu.enqueue_indirect_dma source(%dma_start3A_208 : memref<10000x128xf32, #tpu.memory_space<hbm>>) target(%arg13 : memref<128x128xf32, #tpu.memory_space<vmem>>) offsets(%dma_start3A_205 : memref<128xi32, #tpu.memory_space<vmem>>) semaphore(%arg16 : memref<!tpu.dma_semaphore, #tpu.memory_space<semaphore_mem>>)
      %dma_wait3A_209 = arith.constant 0 : i32
      %dma_wait3A_210 = arith.constant 0 : i32
      %dma_wait3A_211 = tpu.memref_slice %arg10[%dma_wait3A_209, %dma_wait3A_210] : memref<2x128xi32, #tpu.memory_space<vmem>> -> memref<1x128xi32, #tpu.memory_space<vmem>>
      %dma_wait3A_212 = tpu.memref_squeeze %dma_wait3A_211 : memref<1x128xi32, #tpu.memory_space<vmem>> -> memref<128xi32, #tpu.memory_space<vmem>>
      %dma_wait3A_213 = arith.constant 0 : i32
      %dma_wait3A_214 = arith.constant 0 : i32
      %dma_wait3A_215 = tpu.memref_slice %arg3[%dma_wait3A_213, %dma_wait3A_214] : memref<10000x128xf32, #tpu.memory_space<hbm>> -> memref<10000x128xf32, #tpu.memory_space<hbm>>
      tpu.wait_indirect_dma semaphore(%arg15 : memref<!tpu.dma_semaphore, #tpu.memory_space<semaphore_mem>>) src(%dma_wait3A_215 : memref<10000x128xf32, #tpu.memory_space<hbm>>) dst(%arg12 : memref<128x128xf32, #tpu.memory_space<vmem>>)
      %run_scoped3A_216 = arith.constant 1 : i32
      "tpu.region"() ({
        %run_scoped3A_260 = tpu.sem_alloc : memref<!tpu.dma_semaphore, #tpu.memory_space<semaphore_mem>>
        %dma_start3A_261 = arith.constant 0 : i32
        %dma_start3A_262 = tpu.memref_slice %arg10[%run_scoped3A_216, %dma_start3A_261] : memref<2x128xi32, #tpu.memory_space<vmem>> -> memref<1x128xi32, #tpu.memory_space<vmem>>
        %dma_start3A_263 = tpu.memref_squeeze %dma_start3A_262 : memref<1x128xi32, #tpu.memory_space<vmem>> -> memref<128xi32, #tpu.memory_space<vmem>>
        %dma_start3A_264 = arith.constant 0 : i32
        %dma_start3A_265 = arith.constant 0 : i32
        %dma_start3A_266 = tpu.memref_slice %arg14[%dma_start3A_264, %dma_start3A_265] : memref<10000x128xf32, #tpu.memory_space<vmem_shared>> -> memref<10000x128xf32, #tpu.memory_space<vmem_shared>>
        tpu.enqueue_indirect_dma source(%arg12 : memref<128x128xf32, #tpu.memory_space<vmem>>) target(%dma_start3A_266 : memref<10000x128xf32, #tpu.memory_space<vmem_shared>>) offsets(%dma_start3A_263 : memref<128xi32, #tpu.memory_space<vmem>>) semaphore(%run_scoped3A_260 : memref<!tpu.dma_semaphore, #tpu.memory_space<semaphore_mem>>) {add = true}
        %dma_wait3A_267 = arith.constant 0 : i32
        %dma_wait3A_268 = tpu.memref_slice %arg10[%run_scoped3A_216, %dma_wait3A_267] : memref<2x128xi32, #tpu.memory_space<vmem>> -> memref<1x128xi32, #tpu.memory_space<vmem>>
        %dma_wait3A_269 = tpu.memref_squeeze %dma_wait3A_268 : memref<1x128xi32, #tpu.memory_space<vmem>> -> memref<128xi32, #tpu.memory_space<vmem>>
        %dma_wait3A_270 = arith.constant 0 : i32
        %dma_wait3A_271 = arith.constant 0 : i32
        %dma_wait3A_272 = tpu.memref_slice %arg14[%dma_wait3A_270, %dma_wait3A_271] : memref<10000x128xf32, #tpu.memory_space<vmem_shared>> -> memref<10000x128xf32, #tpu.memory_space<vmem_shared>>
        tpu.wait_indirect_dma semaphore(%run_scoped3A_260 : memref<!tpu.dma_semaphore, #tpu.memory_space<semaphore_mem>>) src(%arg12 : memref<128x128xf32, #tpu.memory_space<vmem>>) dst(%dma_wait3A_272 : memref<10000x128xf32, #tpu.memory_space<vmem_shared>>)
        tpu.yield
      }) : () -> ()
      %dma_wait3A_217 = arith.constant 0 : i32
      %dma_wait3A_218 = arith.constant 0 : i32
      %dma_wait3A_219 = tpu.memref_slice %arg11[%dma_wait3A_217, %dma_wait3A_218] : memref<2x128xi32, #tpu.memory_space<vmem>> -> memref<1x128xi32, #tpu.memory_space<vmem>>
      %dma_wait3A_220 = tpu.memref_squeeze %dma_wait3A_219 : memref<1x128xi32, #tpu.memory_space<vmem>> -> memref<128xi32, #tpu.memory_space<vmem>>
      %dma_wait3A_221 = arith.constant 0 : i32
      %dma_wait3A_222 = arith.constant 0 : i32
      %dma_wait3A_223 = tpu.memref_slice %arg3[%dma_wait3A_221, %dma_wait3A_222] : memref<10000x128xf32, #tpu.memory_space<hbm>> -> memref<10000x128xf32, #tpu.memory_space<hbm>>
      tpu.wait_indirect_dma semaphore(%arg16 : memref<!tpu.dma_semaphore, #tpu.memory_space<semaphore_mem>>) src(%dma_wait3A_223 : memref<10000x128xf32, #tpu.memory_space<hbm>>) dst(%arg13 : memref<128x128xf32, #tpu.memory_space<vmem>>)
      %run_scoped3A_224 = arith.constant 1 : i32
      "tpu.region"() ({
        %run_scoped3A_260 = tpu.sem_alloc : memref<!tpu.dma_semaphore, #tpu.memory_space<semaphore_mem>>
        %dma_start3A_261 = arith.constant 0 : i32
        %dma_start3A_262 = tpu.memref_slice %arg11[%run_scoped3A_224, %dma_start3A_261] : memref<2x128xi32, #tpu.memory_space<vmem>> -> memref<1x128xi32, #tpu.memory_space<vmem>>
        %dma_start3A_263 = tpu.memref_squeeze %dma_start3A_262 : memref<1x128xi32, #tpu.memory_space<vmem>> -> memref<128xi32, #tpu.memory_space<vmem>>
        %dma_start3A_264 = arith.constant 0 : i32
        %dma_start3A_265 = arith.constant 0 : i32
        %dma_start3A_266 = tpu.memref_slice %arg14[%dma_start3A_264, %dma_start3A_265] : memref<10000x128xf32, #tpu.memory_space<vmem_shared>> -> memref<10000x128xf32, #tpu.memory_space<vmem_shared>>
        tpu.enqueue_indirect_dma source(%arg13 : memref<128x128xf32, #tpu.memory_space<vmem>>) target(%dma_start3A_266 : memref<10000x128xf32, #tpu.memory_space<vmem_shared>>) offsets(%dma_start3A_263 : memref<128xi32, #tpu.memory_space<vmem>>) semaphore(%run_scoped3A_260 : memref<!tpu.dma_semaphore, #tpu.memory_space<semaphore_mem>>) {add = true}
        %dma_wait3A_267 = arith.constant 0 : i32
        %dma_wait3A_268 = tpu.memref_slice %arg11[%run_scoped3A_224, %dma_wait3A_267] : memref<2x128xi32, #tpu.memory_space<vmem>> -> memref<1x128xi32, #tpu.memory_space<vmem>>
        %dma_wait3A_269 = tpu.memref_squeeze %dma_wait3A_268 : memref<1x128xi32, #tpu.memory_space<vmem>> -> memref<128xi32, #tpu.memory_space<vmem>>
        %dma_wait3A_270 = arith.constant 0 : i32
        %dma_wait3A_271 = arith.constant 0 : i32
        %dma_wait3A_272 = tpu.memref_slice %arg14[%dma_wait3A_270, %dma_wait3A_271] : memref<10000x128xf32, #tpu.memory_space<vmem_shared>> -> memref<10000x128xf32, #tpu.memory_space<vmem_shared>>
        tpu.wait_indirect_dma semaphore(%run_scoped3A_260 : memref<!tpu.dma_semaphore, #tpu.memory_space<semaphore_mem>>) src(%arg13 : memref<128x128xf32, #tpu.memory_space<vmem>>) dst(%dma_wait3A_272 : memref<10000x128xf32, #tpu.memory_space<vmem_shared>>)
        tpu.yield
      }) : () -> ()
      %jit3A_225 = arith.constant 4 : i32
      %div3A_226 = arith.divsi %select_n3A, %jit3A_225 : i32
      %sign3A_227 = arith.constant 0 : i32
      %sign3A_228 = arith.cmpi sgt, %select_n3A, %sign3A_227 : i32
      %sign3A_229 = arith.extui %sign3A_228 : i1 to i32
      %sign3A_230 = arith.constant 0 : i32
      %sign3A_231 = arith.cmpi slt, %select_n3A, %sign3A_230 : i32
      %sign3A_232 = arith.extui %sign3A_231 : i1 to i32
      %sign3A_233 = arith.subi %sign3A_229, %sign3A_232 : i32
      %sign3A_234 = arith.constant 0 : i32
      %sign3A_235 = arith.cmpi sgt, %jit3A_225, %sign3A_234 : i32
      %sign3A_236 = arith.extui %sign3A_235 : i1 to i32
      %sign3A_237 = arith.constant 0 : i32
      %sign3A_238 = arith.cmpi slt, %jit3A_225, %sign3A_237 : i32
      %sign3A_239 = arith.extui %sign3A_238 : i1 to i32
      %sign3A_240 = arith.subi %sign3A_236, %sign3A_239 : i32
      %ne3A_241 = arith.cmpi ne, %sign3A_233, %sign3A_240 : i32
      %rem3A_242 = arith.remsi %select_n3A, %jit3A_225 : i32
      %ne3A_243 = arith.constant 0 : i32
      %ne3A_244 = arith.cmpi ne, %rem3A_242, %ne3A_243 : i32
      %and3A_245 = arith.andi %ne3A_241, %ne3A_244 : i1
      %sub3A_246 = arith.constant 1 : i32
      %sub3A_247 = arith.subi %div3A_226, %sub3A_246 : i32
      %select_n3A_248 = arith.select %and3A_245, %sub3A_247, %div3A_226 : i32
      %mul3A_249 = arith.constant 4 : i32
      %mul3A_250 = arith.muli %mul3A_249, %select_n3A_248 : i32
      %while3A_251 = arith.constant 0 : i32
      %while3A_252 = arith.subi %select_n3A, %mul3A_250 : i32
      %while3A_253 = arith.addi %mul3A_250, %while3A_252 : i32
      %while3A_254 = arith.constant 1 : i32
      %while3A_255 = arith.divsi %while3A_252, %while3A_254 : i32
      %while3A_256 = arith.muli %while3A_255, %while3A_254 : i32
      %while3A_257 = arith.addi %mul3A_250, %while3A_256 : i32
      %while3A_258 = arith.constant 1 : i32
      scf.for %while3A_260 = %mul3A_250 to %while3A_257 step %while3A_258  : i32 {
        %mul3A_261 = arith.constant 16 : i32
        %mul3A_262 = arith.muli %mul3A_261, %while3A_260 : i32
        %add3A_263 = arith.addi %arg1, %mul3A_262 : i32
        %mul3A_264 = arith.constant 128 : i32
        %mul3A_265 = arith.muli %add3A_263, %mul3A_264 : i32
        %dma_start3A_266 = arith.constant 0 : i32
        %dma_start3A_267 = tpu.memref_slice %arg5[%dma_start3A_266, %mul3A_265] : memref<2x320000xi32, #tpu.memory_space<hbm>> -> memref<2x128xi32, #tpu.memory_space<hbm>>
        %dma_start3A_268 = arith.constant 0 : i32
        %dma_start3A_269 = tpu.memref_slice %arg5[%dma_start3A_268, %mul3A_265] : memref<2x320000xi32, #tpu.memory_space<hbm>> -> memref<2x128xi32, #tpu.memory_space<hbm>>
        tpu.enqueue_dma source(%dma_start3A_269 : memref<2x128xi32, #tpu.memory_space<hbm>>) target(%arg8 : memref<2x128xi32, #tpu.memory_space<vmem>>) target_semaphore(%arg17 : memref<!tpu.dma_semaphore, #tpu.memory_space<semaphore_mem>>)
        %mul3A_270 = arith.constant 16 : i32
        %mul3A_271 = arith.muli %mul3A_270, %while3A_260 : i32
        %add3A_272 = arith.addi %arg1, %mul3A_271 : i32
        %mul3A_273 = arith.constant 128 : i32
        %mul3A_274 = arith.muli %add3A_272, %mul3A_273 : i32
        %dma_wait3A_275 = arith.constant 0 : i32
        %dma_wait3A_276 = tpu.memref_slice %arg5[%dma_wait3A_275, %mul3A_274] : memref<2x320000xi32, #tpu.memory_space<hbm>> -> memref<2x128xi32, #tpu.memory_space<hbm>>
        %dma_wait3A_277 = arith.constant 0 : i32
        %dma_wait3A_278 = tpu.memref_slice %arg5[%dma_wait3A_277, %mul3A_274] : memref<2x320000xi32, #tpu.memory_space<hbm>> -> memref<2x128xi32, #tpu.memory_space<hbm>>
        tpu.wait_dma2 semaphore(%arg17 : memref<!tpu.dma_semaphore, #tpu.memory_space<semaphore_mem>>) src(%dma_wait3A_278 : memref<2x128xi32, #tpu.memory_space<hbm>>) dst(%arg8 : memref<2x128xi32, #tpu.memory_space<vmem>>)
        %dma_start3A_279 = arith.constant 0 : i32
        %dma_start3A_280 = arith.constant 0 : i32
        %dma_start3A_281 = tpu.memref_slice %arg8[%dma_start3A_279, %dma_start3A_280] : memref<2x128xi32, #tpu.memory_space<vmem>> -> memref<1x128xi32, #tpu.memory_space<vmem>>
        %dma_start3A_282 = tpu.memref_squeeze %dma_start3A_281 : memref<1x128xi32, #tpu.memory_space<vmem>> -> memref<128xi32, #tpu.memory_space<vmem>>
        %dma_start3A_283 = arith.constant 0 : i32
        %dma_start3A_284 = arith.constant 0 : i32
        %dma_start3A_285 = tpu.memref_slice %arg3[%dma_start3A_283, %dma_start3A_284] : memref<10000x128xf32, #tpu.memory_space<hbm>> -> memref<10000x128xf32, #tpu.memory_space<hbm>>
        tpu.enqueue_indirect_dma source(%dma_start3A_285 : memref<10000x128xf32, #tpu.memory_space<hbm>>) target(%arg12 : memref<128x128xf32, #tpu.memory_space<vmem>>) offsets(%dma_start3A_282 : memref<128xi32, #tpu.memory_space<vmem>>) semaphore(%arg15 : memref<!tpu.dma_semaphore, #tpu.memory_space<semaphore_mem>>)
        %dma_wait3A_286 = arith.constant 0 : i32
        %dma_wait3A_287 = arith.constant 0 : i32
        %dma_wait3A_288 = tpu.memref_slice %arg8[%dma_wait3A_286, %dma_wait3A_287] : memref<2x128xi32, #tpu.memory_space<vmem>> -> memref<1x128xi32, #tpu.memory_space<vmem>>
        %dma_wait3A_289 = tpu.memref_squeeze %dma_wait3A_288 : memref<1x128xi32, #tpu.memory_space<vmem>> -> memref<128xi32, #tpu.memory_space<vmem>>
        %dma_wait3A_290 = arith.constant 0 : i32
        %dma_wait3A_291 = arith.constant 0 : i32
        %dma_wait3A_292 = tpu.memref_slice %arg3[%dma_wait3A_290, %dma_wait3A_291] : memref<10000x128xf32, #tpu.memory_space<hbm>> -> memref<10000x128xf32, #tpu.memory_space<hbm>>
        tpu.wait_indirect_dma semaphore(%arg15 : memref<!tpu.dma_semaphore, #tpu.memory_space<semaphore_mem>>) src(%dma_wait3A_292 : memref<10000x128xf32, #tpu.memory_space<hbm>>) dst(%arg12 : memref<128x128xf32, #tpu.memory_space<vmem>>)
        %run_scoped3A_293 = arith.constant 1 : i32
        "tpu.region"() ({
          %run_scoped3A_294 = tpu.sem_alloc : memref<!tpu.dma_semaphore, #tpu.memory_space<semaphore_mem>>
          %dma_start3A_295 = arith.constant 0 : i32
          %dma_start3A_296 = tpu.memref_slice %arg8[%run_scoped3A_293, %dma_start3A_295] : memref<2x128xi32, #tpu.memory_space<vmem>> -> memref<1x128xi32, #tpu.memory_space<vmem>>
          %dma_start3A_297 = tpu.memref_squeeze %dma_start3A_296 : memref<1x128xi32, #tpu.memory_space<vmem>> -> memref<128xi32, #tpu.memory_space<vmem>>
          %dma_start3A_298 = arith.constant 0 : i32
          %dma_start3A_299 = arith.constant 0 : i32
          %dma_start3A_300 = tpu.memref_slice %arg14[%dma_start3A_298, %dma_start3A_299] : memref<10000x128xf32, #tpu.memory_space<vmem_shared>> -> memref<10000x128xf32, #tpu.memory_space<vmem_shared>>
          tpu.enqueue_indirect_dma source(%arg12 : memref<128x128xf32, #tpu.memory_space<vmem>>) target(%dma_start3A_300 : memref<10000x128xf32, #tpu.memory_space<vmem_shared>>) offsets(%dma_start3A_297 : memref<128xi32, #tpu.memory_space<vmem>>) semaphore(%run_scoped3A_294 : memref<!tpu.dma_semaphore, #tpu.memory_space<semaphore_mem>>) {add = true}
          %dma_wait3A_301 = arith.constant 0 : i32
          %dma_wait3A_302 = tpu.memref_slice %arg8[%run_scoped3A_293, %dma_wait3A_301] : memref<2x128xi32, #tpu.memory_space<vmem>> -> memref<1x128xi32, #tpu.memory_space<vmem>>
          %dma_wait3A_303 = tpu.memref_squeeze %dma_wait3A_302 : memref<1x128xi32, #tpu.memory_space<vmem>> -> memref<128xi32, #tpu.memory_space<vmem>>
          %dma_wait3A_304 = arith.constant 0 : i32
          %dma_wait3A_305 = arith.constant 0 : i32
          %dma_wait3A_306 = tpu.memref_slice %arg14[%dma_wait3A_304, %dma_wait3A_305] : memref<10000x128xf32, #tpu.memory_space<vmem_shared>> -> memref<10000x128xf32, #tpu.memory_space<vmem_shared>>
          tpu.wait_indirect_dma semaphore(%run_scoped3A_294 : memref<!tpu.dma_semaphore, #tpu.memory_space<semaphore_mem>>) src(%arg12 : memref<128x128xf32, #tpu.memory_space<vmem>>) dst(%dma_wait3A_306 : memref<10000x128xf32, #tpu.memory_space<vmem_shared>>)
          tpu.yield
        }) : () -> ()
      }
      %while3A_259 = arith.constant 1 : i32
      scf.for %while3A_260 = %while3A_257 to %while3A_253 step %while3A_259  : i32 {
        %mul3A_261 = arith.constant 16 : i32
        %mul3A_262 = arith.muli %mul3A_261, %while3A_260 : i32
        %add3A_263 = arith.addi %arg1, %mul3A_262 : i32
        %mul3A_264 = arith.constant 128 : i32
        %mul3A_265 = arith.muli %add3A_263, %mul3A_264 : i32
        %dma_start3A_266 = arith.constant 0 : i32
        %dma_start3A_267 = tpu.memref_slice %arg5[%dma_start3A_266, %mul3A_265] : memref<2x320000xi32, #tpu.memory_space<hbm>> -> memref<2x128xi32, #tpu.memory_space<hbm>>
        %dma_start3A_268 = arith.constant 0 : i32
        %dma_start3A_269 = tpu.memref_slice %arg5[%dma_start3A_268, %mul3A_265] : memref<2x320000xi32, #tpu.memory_space<hbm>> -> memref<2x128xi32, #tpu.memory_space<hbm>>
        tpu.enqueue_dma source(%dma_start3A_269 : memref<2x128xi32, #tpu.memory_space<hbm>>) target(%arg8 : memref<2x128xi32, #tpu.memory_space<vmem>>) target_semaphore(%arg17 : memref<!tpu.dma_semaphore, #tpu.memory_space<semaphore_mem>>)
        %mul3A_270 = arith.constant 16 : i32
        %mul3A_271 = arith.muli %mul3A_270, %while3A_260 : i32
        %add3A_272 = arith.addi %arg1, %mul3A_271 : i32
        %mul3A_273 = arith.constant 128 : i32
        %mul3A_274 = arith.muli %add3A_272, %mul3A_273 : i32
        %dma_wait3A_275 = arith.constant 0 : i32
        %dma_wait3A_276 = tpu.memref_slice %arg5[%dma_wait3A_275, %mul3A_274] : memref<2x320000xi32, #tpu.memory_space<hbm>> -> memref<2x128xi32, #tpu.memory_space<hbm>>
        %dma_wait3A_277 = arith.constant 0 : i32
        %dma_wait3A_278 = tpu.memref_slice %arg5[%dma_wait3A_277, %mul3A_274] : memref<2x320000xi32, #tpu.memory_space<hbm>> -> memref<2x128xi32, #tpu.memory_space<hbm>>
        tpu.wait_dma2 semaphore(%arg17 : memref<!tpu.dma_semaphore, #tpu.memory_space<semaphore_mem>>) src(%dma_wait3A_278 : memref<2x128xi32, #tpu.memory_space<hbm>>) dst(%arg8 : memref<2x128xi32, #tpu.memory_space<vmem>>)
        %dma_start3A_279 = arith.constant 0 : i32
        %dma_start3A_280 = arith.constant 0 : i32
        %dma_start3A_281 = tpu.memref_slice %arg8[%dma_start3A_279, %dma_start3A_280] : memref<2x128xi32, #tpu.memory_space<vmem>> -> memref<1x128xi32, #tpu.memory_space<vmem>>
        %dma_start3A_282 = tpu.memref_squeeze %dma_start3A_281 : memref<1x128xi32, #tpu.memory_space<vmem>> -> memref<128xi32, #tpu.memory_space<vmem>>
        %dma_start3A_283 = arith.constant 0 : i32
        %dma_start3A_284 = arith.constant 0 : i32
        %dma_start3A_285 = tpu.memref_slice %arg3[%dma_start3A_283, %dma_start3A_284] : memref<10000x128xf32, #tpu.memory_space<hbm>> -> memref<10000x128xf32, #tpu.memory_space<hbm>>
        tpu.enqueue_indirect_dma source(%dma_start3A_285 : memref<10000x128xf32, #tpu.memory_space<hbm>>) target(%arg12 : memref<128x128xf32, #tpu.memory_space<vmem>>) offsets(%dma_start3A_282 : memref<128xi32, #tpu.memory_space<vmem>>) semaphore(%arg15 : memref<!tpu.dma_semaphore, #tpu.memory_space<semaphore_mem>>)
        %dma_wait3A_286 = arith.constant 0 : i32
        %dma_wait3A_287 = arith.constant 0 : i32
        %dma_wait3A_288 = tpu.memref_slice %arg8[%dma_wait3A_286, %dma_wait3A_287] : memref<2x128xi32, #tpu.memory_space<vmem>> -> memref<1x128xi32, #tpu.memory_space<vmem>>
        %dma_wait3A_289 = tpu.memref_squeeze %dma_wait3A_288 : memref<1x128xi32, #tpu.memory_space<vmem>> -> memref<128xi32, #tpu.memory_space<vmem>>
        %dma_wait3A_290 = arith.constant 0 : i32
        %dma_wait3A_291 = arith.constant 0 : i32
        %dma_wait3A_292 = tpu.memref_slice %arg3[%dma_wait3A_290, %dma_wait3A_291] : memref<10000x128xf32, #tpu.memory_space<hbm>> -> memref<10000x128xf32, #tpu.memory_space<hbm>>
        tpu.wait_indirect_dma semaphore(%arg15 : memref<!tpu.dma_semaphore, #tpu.memory_space<semaphore_mem>>) src(%dma_wait3A_292 : memref<10000x128xf32, #tpu.memory_space<hbm>>) dst(%arg12 : memref<128x128xf32, #tpu.memory_space<vmem>>)
        %run_scoped3A_293 = arith.constant 1 : i32
        "tpu.region"() ({
          %run_scoped3A_294 = tpu.sem_alloc : memref<!tpu.dma_semaphore, #tpu.memory_space<semaphore_mem>>
          %dma_start3A_295 = arith.constant 0 : i32
          %dma_start3A_296 = tpu.memref_slice %arg8[%run_scoped3A_293, %dma_start3A_295] : memref<2x128xi32, #tpu.memory_space<vmem>> -> memref<1x128xi32, #tpu.memory_space<vmem>>
          %dma_start3A_297 = tpu.memref_squeeze %dma_start3A_296 : memref<1x128xi32, #tpu.memory_space<vmem>> -> memref<128xi32, #tpu.memory_space<vmem>>
          %dma_start3A_298 = arith.constant 0 : i32
          %dma_start3A_299 = arith.constant 0 : i32
          %dma_start3A_300 = tpu.memref_slice %arg14[%dma_start3A_298, %dma_start3A_299] : memref<10000x128xf32, #tpu.memory_space<vmem_shared>> -> memref<10000x128xf32, #tpu.memory_space<vmem_shared>>
          tpu.enqueue_indirect_dma source(%arg12 : memref<128x128xf32, #tpu.memory_space<vmem>>) target(%dma_start3A_300 : memref<10000x128xf32, #tpu.memory_space<vmem_shared>>) offsets(%dma_start3A_297 : memref<128xi32, #tpu.memory_space<vmem>>) semaphore(%run_scoped3A_294 : memref<!tpu.dma_semaphore, #tpu.memory_space<semaphore_mem>>) {add = true}
          %dma_wait3A_301 = arith.constant 0 : i32
          %dma_wait3A_302 = tpu.memref_slice %arg8[%run_scoped3A_293, %dma_wait3A_301] : memref<2x128xi32, #tpu.memory_space<vmem>> -> memref<1x128xi32, #tpu.memory_space<vmem>>
          %dma_wait3A_303 = tpu.memref_squeeze %dma_wait3A_302 : memref<1x128xi32, #tpu.memory_space<vmem>> -> memref<128xi32, #tpu.memory_space<vmem>>
          %dma_wait3A_304 = arith.constant 0 : i32
          %dma_wait3A_305 = arith.constant 0 : i32
          %dma_wait3A_306 = tpu.memref_slice %arg14[%dma_wait3A_304, %dma_wait3A_305] : memref<10000x128xf32, #tpu.memory_space<vmem_shared>> -> memref<10000x128xf32, #tpu.memory_space<vmem_shared>>
          tpu.wait_indirect_dma semaphore(%run_scoped3A_294 : memref<!tpu.dma_semaphore, #tpu.memory_space<semaphore_mem>>) src(%arg12 : memref<128x128xf32, #tpu.memory_space<vmem>>) dst(%dma_wait3A_306 : memref<10000x128xf32, #tpu.memory_space<vmem_shared>>)
          tpu.yield
        }) : () -> ()
      }
    } else {
    }
    %barrier3A_26 = arith.constant 0 : index
    tpu.barrier barrier_id(%barrier3A_26)
    %eq3A_27 = arith.constant 0 : i32
    %eq3A_28 = arith.cmpi eq, %arg0, %eq3A_27 : i32
    %convert_element_type3A_29 = arith.extui %eq3A_28 : i1 to i32
    %cond3A_30 = arith.constant 0 : i32
    %cond3A_31 = arith.cmpi ne, %convert_element_type3A_29, %cond3A_30 : i32
    scf.if %cond3A_31 {
      "tpu.region"() ({
        %run_scoped3A = tpu.sem_alloc : memref<!tpu.dma_semaphore, #tpu.memory_space<semaphore_mem>>
        %dma_start3A = arith.constant 0 : i32
        %dma_start3A_37 = tpu.memref_slice %arg6[%min3A_7, %dma_start3A] : memref<10000x128xf32, #tpu.memory_space<hbm>> -> memref<640x128xf32, #tpu.memory_space<hbm>>
        %dma_start3A_38 = arith.constant 0 : i32
        %dma_start3A_39 = tpu.memref_slice %arg14[%min3A_7, %dma_start3A_38] : memref<10000x128xf32, #tpu.memory_space<vmem_shared>> -> memref<640x128xf32, #tpu.memory_space<vmem_shared>>
        tpu.enqueue_dma source(%dma_start3A_39 : memref<640x128xf32, #tpu.memory_space<vmem_shared>>) target(%dma_start3A_37 : memref<640x128xf32, #tpu.memory_space<hbm>>) target_semaphore(%run_scoped3A : memref<!tpu.dma_semaphore, #tpu.memory_space<semaphore_mem>>)
        %dma_wait3A = arith.constant 0 : i32
        %dma_wait3A_40 = tpu.memref_slice %arg6[%min3A_7, %dma_wait3A] : memref<10000x128xf32, #tpu.memory_space<hbm>> -> memref<640x128xf32, #tpu.memory_space<hbm>>
        %dma_wait3A_41 = arith.constant 0 : i32
        %dma_wait3A_42 = tpu.memref_slice %arg14[%min3A_7, %dma_wait3A_41] : memref<10000x128xf32, #tpu.memory_space<vmem_shared>> -> memref<640x128xf32, #tpu.memory_space<vmem_shared>>
        tpu.wait_dma2 semaphore(%run_scoped3A : memref<!tpu.dma_semaphore, #tpu.memory_space<semaphore_mem>>) src(%dma_wait3A_42 : memref<640x128xf32, #tpu.memory_space<vmem_shared>>) dst(%dma_wait3A_40 : memref<640x128xf32, #tpu.memory_space<hbm>>)
        tpu.yield
      }) : () -> ()
    } else {
    }
    %eq3A_32 = arith.constant 1 : i32
    %eq3A_33 = arith.cmpi eq, %arg0, %eq3A_32 : i32
    %convert_element_type3A_34 = arith.extui %eq3A_33 : i1 to i32
    %cond3A_35 = arith.constant 0 : i32
    %cond3A_36 = arith.cmpi ne, %convert_element_type3A_34, %cond3A_35 : i32
    scf.if %cond3A_36 {
      "tpu.region"() ({
        %run_scoped3A = tpu.sem_alloc : memref<!tpu.dma_semaphore, #tpu.memory_space<semaphore_mem>>
        %dma_start3A = arith.constant 0 : i32
        %dma_start3A_37 = tpu.memref_slice %arg7[%min3A_7, %dma_start3A] : memref<10000x128xf32, #tpu.memory_space<hbm>> -> memref<640x128xf32, #tpu.memory_space<hbm>>
        %dma_start3A_38 = arith.constant 0 : i32
        %dma_start3A_39 = tpu.memref_slice %arg14[%min3A_7, %dma_start3A_38] : memref<10000x128xf32, #tpu.memory_space<vmem_shared>> -> memref<640x128xf32, #tpu.memory_space<vmem_shared>>
        tpu.enqueue_dma source(%dma_start3A_39 : memref<640x128xf32, #tpu.memory_space<vmem_shared>>) target(%dma_start3A_37 : memref<640x128xf32, #tpu.memory_space<hbm>>) target_semaphore(%run_scoped3A : memref<!tpu.dma_semaphore, #tpu.memory_space<semaphore_mem>>)
        %dma_wait3A = arith.constant 0 : i32
        %dma_wait3A_40 = tpu.memref_slice %arg7[%min3A_7, %dma_wait3A] : memref<10000x128xf32, #tpu.memory_space<hbm>> -> memref<640x128xf32, #tpu.memory_space<hbm>>
        %dma_wait3A_41 = arith.constant 0 : i32
        %dma_wait3A_42 = tpu.memref_slice %arg14[%min3A_7, %dma_wait3A_41] : memref<10000x128xf32, #tpu.memory_space<vmem_shared>> -> memref<640x128xf32, #tpu.memory_space<vmem_shared>>
        tpu.wait_dma2 semaphore(%run_scoped3A : memref<!tpu.dma_semaphore, #tpu.memory_space<semaphore_mem>>) src(%dma_wait3A_42 : memref<640x128xf32, #tpu.memory_space<vmem_shared>>) dst(%dma_wait3A_40 : memref<640x128xf32, #tpu.memory_space<hbm>>)
        tpu.yield
      }) : () -> ()
    } else {
    }
    return
  }
}

module attributes {stable_mosaic.version = 14 : i64} {
  func.func @_head_body(%arg0: i32, %arg1: memref<1000x128xf32, #tpu.memory_space<vmem>>, %arg2: memref<1000x128xf32, #tpu.memory_space<vmem>>, %arg3: memref<1000x128xf32, #tpu.memory_space<vmem>>, %arg4: memref<1000x128xf32, #tpu.memory_space<vmem>>, %arg5: memref<1x128xf32, #tpu.memory_space<vmem>>, %arg6: memref<1x128xf32, #tpu.memory_space<vmem>>, %arg7: memref<128x128xf32, #tpu.memory_space<vmem>>, %arg8: memref<1x128xf32, #tpu.memory_space<vmem>>, %arg9: memref<128x128xf32, #tpu.memory_space<vmem>>, %arg10: memref<1x128xf32, #tpu.memory_space<vmem>>, %arg11: memref<1000x128xf32, #tpu.memory_space<vmem>>) attributes {dimension_semantics = [#tpu.dimension_semantics<arbitrary>], iteration_bounds = array<i64: 10>, scalar_prefetch = 0 : i64, scratch_operands = 0 : i64, tpu.core_type = #tpu.core_type<tc>, window_params = [{transform_indices = @transform_0, window_bounds = array<i64: 1000, 128>}, {transform_indices = @transform_1, window_bounds = array<i64: 1000, 128>}, {transform_indices = @transform_2, window_bounds = array<i64: 1000, 128>}, {transform_indices = @transform_3, window_bounds = array<i64: 1000, 128>}, {pipeline_mode = #tpu.pipeline_mode<synchronous>, transform_indices = @transform_4, window_bounds = array<i64: 1, 128>}, {pipeline_mode = #tpu.pipeline_mode<synchronous>, transform_indices = @transform_5, window_bounds = array<i64: 1, 128>}, {pipeline_mode = #tpu.pipeline_mode<synchronous>, transform_indices = @transform_6, window_bounds = array<i64: 128, 128>}, {pipeline_mode = #tpu.pipeline_mode<synchronous>, transform_indices = @transform_7, window_bounds = array<i64: 1, 128>}, {pipeline_mode = #tpu.pipeline_mode<synchronous>, transform_indices = @transform_8, window_bounds = array<i64: 128, 128>}, {pipeline_mode = #tpu.pipeline_mode<synchronous>, transform_indices = @transform_9, window_bounds = array<i64: 1, 128>}, {transform_indices = @transform_10, window_bounds = array<i64: 1000, 128>}]} {
    %get3A = arith.constant 0 : index
    %get3A_0 = arith.constant 0 : index
    %get3A_1 = vector.load %arg1[%get3A, %get3A_0] : memref<1000x128xf32, #tpu.memory_space<vmem>>, vector<1000x128xf32>
    %get3A_2 = arith.constant 0 : index
    %get3A_3 = arith.constant 0 : index
    %get3A_4 = vector.load %arg2[%get3A_2, %get3A_3] : memref<1000x128xf32, #tpu.memory_space<vmem>>, vector<1000x128xf32>
    %add3A = arith.addf %get3A_1, %get3A_4 : vector<1000x128xf32>
    %get3A_5 = arith.constant 0 : index
    %get3A_6 = arith.constant 0 : index
    %get3A_7 = vector.load %arg3[%get3A_5, %get3A_6] : memref<1000x128xf32, #tpu.memory_space<vmem>>, vector<1000x128xf32>
    %add3A_8 = arith.addf %add3A, %get3A_7 : vector<1000x128xf32>
    %get3A_9 = arith.constant 0 : index
    %get3A_10 = arith.constant 0 : index
    %get3A_11 = vector.load %arg4[%get3A_9, %get3A_10] : memref<1000x128xf32, #tpu.memory_space<vmem>>, vector<1000x128xf32>
    %add3A_12 = arith.addf %add3A_8, %get3A_11 : vector<1000x128xf32>
    %get3A_13 = arith.constant 0 : index
    %get3A_14 = arith.constant 0 : index
    %get3A_15 = vector.load %arg5[%get3A_13, %get3A_14] : memref<1x128xf32, #tpu.memory_space<vmem>>, vector<1x128xf32>
    %add3A_16 = vector.broadcast %get3A_15 : vector<1x128xf32> to vector<1000x128xf32>
    %add3A_17 = arith.addf %add3A_12, %add3A_16 : vector<1000x128xf32>
    %get3A_18 = arith.constant 0 : index
    %get3A_19 = arith.constant 0 : index
    %get3A_20 = vector.load %arg6[%get3A_18, %get3A_19] : memref<1x128xf32, #tpu.memory_space<vmem>>, vector<1x128xf32>
    %add3A_21 = vector.broadcast %get3A_20 : vector<1x128xf32> to vector<1000x128xf32>
    %add3A_22 = arith.addf %add3A_17, %add3A_21 : vector<1000x128xf32>
    %mul3A = arith.constant 5.000000e-01 : f32
    %mul3A_23 = vector.broadcast %mul3A : f32 to vector<1000x128xf32>
    %mul3A_24 = arith.mulf %mul3A_23, %add3A_22 : vector<1000x128xf32>
    %mul3A_25 = arith.constant 0.707106769 : f32
    %mul3A_26 = vector.broadcast %mul3A_25 : f32 to vector<1000x128xf32>
    %mul3A_27 = arith.mulf %add3A_22, %mul3A_26 : vector<1000x128xf32>
    %erf3A = math.erf %mul3A_27 : vector<1000x128xf32>
    %add3A_28 = arith.constant 1.000000e+00 : f32
    %add3A_29 = vector.broadcast %add3A_28 : f32 to vector<1000x128xf32>
    %add3A_30 = arith.addf %add3A_29, %erf3A : vector<1000x128xf32>
    %mul3A_31 = arith.mulf %mul3A_24, %add3A_30 : vector<1000x128xf32>
    %get3A_32 = arith.constant 0 : index
    %get3A_33 = arith.constant 0 : index
    %get3A_34 = vector.load %arg7[%get3A_32, %get3A_33] : memref<128x128xf32, #tpu.memory_space<vmem>>, vector<128x128xf32>
    %dot_general3A = arith.constant dense<0.000000e+00> : vector<1000x128xf32>
    %dot_general3A_35 = tpu.matmul %mul3A_31, %get3A_34, %dot_general3A {dimension_numbers = #tpu.dot_dimension_numbers<[1], [0], [0], [1], [0, 0, 1, 1], [], []>, transpose_lhs_hint = false} : vector<1000x128xf32>, vector<128x128xf32>, vector<1000x128xf32> -> vector<1000x128xf32>
    %get3A_36 = arith.constant 0 : index
    %get3A_37 = arith.constant 0 : index
    %get3A_38 = vector.load %arg8[%get3A_36, %get3A_37] : memref<1x128xf32, #tpu.memory_space<vmem>>, vector<1x128xf32>
    %add3A_39 = vector.broadcast %get3A_38 : vector<1x128xf32> to vector<1000x128xf32>
    %add3A_40 = arith.addf %dot_general3A_35, %add3A_39 : vector<1000x128xf32>
    %mul3A_41 = arith.constant 5.000000e-01 : f32
    %mul3A_42 = vector.broadcast %mul3A_41 : f32 to vector<1000x128xf32>
    %mul3A_43 = arith.mulf %mul3A_42, %add3A_40 : vector<1000x128xf32>
    %mul3A_44 = arith.constant 0.707106769 : f32
    %mul3A_45 = vector.broadcast %mul3A_44 : f32 to vector<1000x128xf32>
    %mul3A_46 = arith.mulf %add3A_40, %mul3A_45 : vector<1000x128xf32>
    %erf3A_47 = math.erf %mul3A_46 : vector<1000x128xf32>
    %add3A_48 = arith.constant 1.000000e+00 : f32
    %add3A_49 = vector.broadcast %add3A_48 : f32 to vector<1000x128xf32>
    %add3A_50 = arith.addf %add3A_49, %erf3A_47 : vector<1000x128xf32>
    %mul3A_51 = arith.mulf %mul3A_43, %add3A_50 : vector<1000x128xf32>
    %get3A_52 = arith.constant 0 : index
    %get3A_53 = arith.constant 0 : index
    %get3A_54 = vector.load %arg9[%get3A_52, %get3A_53] : memref<128x128xf32, #tpu.memory_space<vmem>>, vector<128x128xf32>
    %dot_general3A_55 = arith.constant dense<0.000000e+00> : vector<1000x128xf32>
    %dot_general3A_56 = tpu.matmul %mul3A_51, %get3A_54, %dot_general3A_55 {dimension_numbers = #tpu.dot_dimension_numbers<[1], [0], [0], [1], [0, 0, 1, 1], [], []>, transpose_lhs_hint = false} : vector<1000x128xf32>, vector<128x128xf32>, vector<1000x128xf32> -> vector<1000x128xf32>
    %get3A_57 = arith.constant 0 : index
    %get3A_58 = arith.constant 0 : index
    %get3A_59 = vector.load %arg10[%get3A_57, %get3A_58] : memref<1x128xf32, #tpu.memory_space<vmem>>, vector<1x128xf32>
    %add3A_60 = vector.broadcast %get3A_59 : vector<1x128xf32> to vector<1000x128xf32>
    %add3A_61 = arith.addf %dot_general3A_56, %add3A_60 : vector<1000x128xf32>
    %swap3A = arith.constant 0 : index
    %swap3A_62 = arith.constant 0 : index
    %swap3A_63 = vector.load %arg11[%swap3A, %swap3A_62] : memref<1000x128xf32, #tpu.memory_space<vmem>>, vector<1000x128xf32>
    tpu.vector_store %arg11[%swap3A, %swap3A_62], %add3A_61 {strides = array<i32>} : memref<1000x128xf32, #tpu.memory_space<vmem>>, vector<1000x128xf32>,
    return
  }
  func.func @transform_0(%arg0: i32) -> (i32, i32) {
    %c0_i32 = arith.constant 0 : i32
    %c0_i32_0 = arith.constant 0 : i32
    return %arg0, %c0_i32 : i32, i32
  }
  func.func @transform_1(%arg0: i32) -> (i32, i32) {
    %c0_i32 = arith.constant 0 : i32
    %c0_i32_0 = arith.constant 0 : i32
    return %arg0, %c0_i32 : i32, i32
  }
  func.func @transform_2(%arg0: i32) -> (i32, i32) {
    %c0_i32 = arith.constant 0 : i32
    %c0_i32_0 = arith.constant 0 : i32
    return %arg0, %c0_i32 : i32, i32
  }
  func.func @transform_3(%arg0: i32) -> (i32, i32) {
    %c0_i32 = arith.constant 0 : i32
    %c0_i32_0 = arith.constant 0 : i32
    return %arg0, %c0_i32 : i32, i32
  }
  func.func @transform_4(%arg0: i32) -> (i32, i32) {
    %c0_i32 = arith.constant 0 : i32
    %c0_i32_0 = arith.constant 0 : i32
    %c0_i32_1 = arith.constant 0 : i32
    return %c0_i32, %c0_i32_0 : i32, i32
  }
  func.func @transform_5(%arg0: i32) -> (i32, i32) {
    %c0_i32 = arith.constant 0 : i32
    %c0_i32_0 = arith.constant 0 : i32
    %c0_i32_1 = arith.constant 0 : i32
    return %c0_i32, %c0_i32_0 : i32, i32
  }
  func.func @transform_6(%arg0: i32) -> (i32, i32) {
    %c0_i32 = arith.constant 0 : i32
    %c0_i32_0 = arith.constant 0 : i32
    %c0_i32_1 = arith.constant 0 : i32
    return %c0_i32, %c0_i32_0 : i32, i32
  }
  func.func @transform_7(%arg0: i32) -> (i32, i32) {
    %c0_i32 = arith.constant 0 : i32
    %c0_i32_0 = arith.constant 0 : i32
    %c0_i32_1 = arith.constant 0 : i32
    return %c0_i32, %c0_i32_0 : i32, i32
  }
  func.func @transform_8(%arg0: i32) -> (i32, i32) {
    %c0_i32 = arith.constant 0 : i32
    %c0_i32_0 = arith.constant 0 : i32
    %c0_i32_1 = arith.constant 0 : i32
    return %c0_i32, %c0_i32_0 : i32, i32
  }
  func.func @transform_9(%arg0: i32) -> (i32, i32) {
    %c0_i32 = arith.constant 0 : i32
    %c0_i32_0 = arith.constant 0 : i32
    %c0_i32_1 = arith.constant 0 : i32
    return %c0_i32, %c0_i32_0 : i32, i32
  }
  func.func @transform_10(%arg0: i32) -> (i32, i32) {
    %c0_i32 = arith.constant 0 : i32
    %c0_i32_0 = arith.constant 0 : i32
    return %arg0, %c0_i32 : i32, i32
  }
}

module attributes {stable_mosaic.version = 14 : i64} {
  func.func @_mm2_body(%arg0: i32, %arg1: memref<1000x128xf32, #tpu.memory_space<vmem>>, %arg2: memref<128x128xf32, #tpu.memory_space<vmem>>, %arg3: memref<128x128xf32, #tpu.memory_space<vmem>>, %arg4: memref<1000x128xf32, #tpu.memory_space<vmem>>, %arg5: memref<1000x128xf32, #tpu.memory_space<vmem>>) attributes {dimension_semantics = [#tpu.dimension_semantics<arbitrary>], iteration_bounds = array<i64: 10>, scalar_prefetch = 0 : i64, scratch_operands = 0 : i64, tpu.core_type = #tpu.core_type<tc>, window_params = [{transform_indices = @transform_0, window_bounds = array<i64: 1000, 128>}, {pipeline_mode = #tpu.pipeline_mode<synchronous>, transform_indices = @transform_1, window_bounds = array<i64: 128, 128>}, {pipeline_mode = #tpu.pipeline_mode<synchronous>, transform_indices = @transform_2, window_bounds = array<i64: 128, 128>}, {transform_indices = @transform_3, window_bounds = array<i64: 1000, 128>}, {transform_indices = @transform_4, window_bounds = array<i64: 1000, 128>}]} {
    %get3A = arith.constant 0 : index
    %get3A_0 = arith.constant 0 : index
    %get3A_1 = vector.load %arg1[%get3A, %get3A_0] : memref<1000x128xf32, #tpu.memory_space<vmem>>, vector<1000x128xf32>
    %get3A_2 = arith.constant 0 : index
    %get3A_3 = arith.constant 0 : index
    %get3A_4 = vector.load %arg2[%get3A_2, %get3A_3] : memref<128x128xf32, #tpu.memory_space<vmem>>, vector<128x128xf32>
    %dot_general3A = arith.constant dense<0.000000e+00> : vector<1000x128xf32>
    %dot_general3A_5 = tpu.matmul %get3A_1, %get3A_4, %dot_general3A {dimension_numbers = #tpu.dot_dimension_numbers<[1], [0], [0], [1], [0, 0, 1, 1], [], []>, transpose_lhs_hint = false} : vector<1000x128xf32>, vector<128x128xf32>, vector<1000x128xf32> -> vector<1000x128xf32>
    %swap3A = arith.constant 0 : index
    %swap3A_6 = arith.constant 0 : index
    %swap3A_7 = vector.load %arg4[%swap3A, %swap3A_6] : memref<1000x128xf32, #tpu.memory_space<vmem>>, vector<1000x128xf32>
    tpu.vector_store %arg4[%swap3A, %swap3A_6], %dot_general3A_5 {strides = array<i32>} : memref<1000x128xf32, #tpu.memory_space<vmem>>, vector<1000x128xf32>,
    %get3A_8 = arith.constant 0 : index
    %get3A_9 = arith.constant 0 : index
    %get3A_10 = vector.load %arg3[%get3A_8, %get3A_9] : memref<128x128xf32, #tpu.memory_space<vmem>>, vector<128x128xf32>
    %dot_general3A_11 = arith.constant dense<0.000000e+00> : vector<1000x128xf32>
    %dot_general3A_12 = tpu.matmul %get3A_1, %get3A_10, %dot_general3A_11 {dimension_numbers = #tpu.dot_dimension_numbers<[1], [0], [0], [1], [0, 0, 1, 1], [], []>, transpose_lhs_hint = false} : vector<1000x128xf32>, vector<128x128xf32>, vector<1000x128xf32> -> vector<1000x128xf32>
    %swap3A_13 = arith.constant 0 : index
    %swap3A_14 = arith.constant 0 : index
    %swap3A_15 = vector.load %arg5[%swap3A_13, %swap3A_14] : memref<1000x128xf32, #tpu.memory_space<vmem>>, vector<1000x128xf32>
    tpu.vector_store %arg5[%swap3A_13, %swap3A_14], %dot_general3A_12 {strides = array<i32>} : memref<1000x128xf32, #tpu.memory_space<vmem>>, vector<1000x128xf32>,
    return
  }
  func.func @transform_0(%arg0: i32) -> (i32, i32) {
    %c0_i32 = arith.constant 0 : i32
    %c0_i32_0 = arith.constant 0 : i32
    return %arg0, %c0_i32 : i32, i32
  }
  func.func @transform_1(%arg0: i32) -> (i32, i32) {
    %c0_i32 = arith.constant 0 : i32
    %c0_i32_0 = arith.constant 0 : i32
    %c0_i32_1 = arith.constant 0 : i32
    return %c0_i32, %c0_i32_0 : i32, i32
  }
  func.func @transform_2(%arg0: i32) -> (i32, i32) {
    %c0_i32 = arith.constant 0 : i32
    %c0_i32_0 = arith.constant 0 : i32
    %c0_i32_1 = arith.constant 0 : i32
    return %c0_i32, %c0_i32_0 : i32, i32
  }
  func.func @transform_3(%arg0: i32) -> (i32, i32) {
    %c0_i32 = arith.constant 0 : i32
    %c0_i32_0 = arith.constant 0 : i32
    return %arg0, %c0_i32 : i32, i32
  }
  func.func @transform_4(%arg0: i32) -> (i32, i32) {
    %c0_i32 = arith.constant 0 : i32
    %c0_i32_0 = arith.constant 0 : i32
    return %arg0, %c0_i32 : i32, i32
  }
}

module attributes {stable_mosaic.version = 14 : i64} {
  func.func @_comb_body(%arg0: i32, %arg1: memref<1000x128xf32, #tpu.memory_space<vmem>>, %arg2: memref<1000x128xf32, #tpu.memory_space<vmem>>, %arg3: memref<1000x128xf32, #tpu.memory_space<vmem>>, %arg4: memref<1000x128xf32, #tpu.memory_space<vmem>>, %arg5: memref<1x128xf32, #tpu.memory_space<vmem>>, %arg6: memref<1x128xf32, #tpu.memory_space<vmem>>, %arg7: memref<128x128xf32, #tpu.memory_space<vmem>>, %arg8: memref<128x128xf32, #tpu.memory_space<vmem>>, %arg9: memref<1000x128xf32, #tpu.memory_space<vmem>>, %arg10: memref<1000x128xf32, #tpu.memory_space<vmem>>) attributes {dimension_semantics = [#tpu.dimension_semantics<arbitrary>], iteration_bounds = array<i64: 10>, scalar_prefetch = 0 : i64, scratch_operands = 0 : i64, tpu.core_type = #tpu.core_type<tc>, window_params = [{transform_indices = @transform_0, window_bounds = array<i64: 1000, 128>}, {transform_indices = @transform_1, window_bounds = array<i64: 1000, 128>}, {transform_indices = @transform_2, window_bounds = array<i64: 1000, 128>}, {transform_indices = @transform_3, window_bounds = array<i64: 1000, 128>}, {pipeline_mode = #tpu.pipeline_mode<synchronous>, transform_indices = @transform_4, window_bounds = array<i64: 1, 128>}, {pipeline_mode = #tpu.pipeline_mode<synchronous>, transform_indices = @transform_5, window_bounds = array<i64: 1, 128>}, {pipeline_mode = #tpu.pipeline_mode<synchronous>, transform_indices = @transform_6, window_bounds = array<i64: 128, 128>}, {pipeline_mode = #tpu.pipeline_mode<synchronous>, transform_indices = @transform_7, window_bounds = array<i64: 128, 128>}, {transform_indices = @transform_8, window_bounds = array<i64: 1000, 128>}, {transform_indices = @transform_9, window_bounds = array<i64: 1000, 128>}]} {
    %get3A = arith.constant 0 : index
    %get3A_0 = arith.constant 0 : index
    %get3A_1 = vector.load %arg1[%get3A, %get3A_0] : memref<1000x128xf32, #tpu.memory_space<vmem>>, vector<1000x128xf32>
    %get3A_2 = arith.constant 0 : index
    %get3A_3 = arith.constant 0 : index
    %get3A_4 = vector.load %arg2[%get3A_2, %get3A_3] : memref<1000x128xf32, #tpu.memory_space<vmem>>, vector<1000x128xf32>
    %add3A = arith.addf %get3A_1, %get3A_4 : vector<1000x128xf32>
    %get3A_5 = arith.constant 0 : index
    %get3A_6 = arith.constant 0 : index
    %get3A_7 = vector.load %arg3[%get3A_5, %get3A_6] : memref<1000x128xf32, #tpu.memory_space<vmem>>, vector<1000x128xf32>
    %add3A_8 = arith.addf %add3A, %get3A_7 : vector<1000x128xf32>
    %get3A_9 = arith.constant 0 : index
    %get3A_10 = arith.constant 0 : index
    %get3A_11 = vector.load %arg4[%get3A_9, %get3A_10] : memref<1000x128xf32, #tpu.memory_space<vmem>>, vector<1000x128xf32>
    %add3A_12 = arith.addf %add3A_8, %get3A_11 : vector<1000x128xf32>
    %get3A_13 = arith.constant 0 : index
    %get3A_14 = arith.constant 0 : index
    %get3A_15 = vector.load %arg5[%get3A_13, %get3A_14] : memref<1x128xf32, #tpu.memory_space<vmem>>, vector<1x128xf32>
    %add3A_16 = vector.broadcast %get3A_15 : vector<1x128xf32> to vector<1000x128xf32>
    %add3A_17 = arith.addf %add3A_12, %add3A_16 : vector<1000x128xf32>
    %get3A_18 = arith.constant 0 : index
    %get3A_19 = arith.constant 0 : index
    %get3A_20 = vector.load %arg6[%get3A_18, %get3A_19] : memref<1x128xf32, #tpu.memory_space<vmem>>, vector<1x128xf32>
    %add3A_21 = vector.broadcast %get3A_20 : vector<1x128xf32> to vector<1000x128xf32>
    %add3A_22 = arith.addf %add3A_17, %add3A_21 : vector<1000x128xf32>
    %mul3A = arith.constant 5.000000e-01 : f32
    %mul3A_23 = vector.broadcast %mul3A : f32 to vector<1000x128xf32>
    %mul3A_24 = arith.mulf %mul3A_23, %add3A_22 : vector<1000x128xf32>
    %mul3A_25 = arith.constant 0.707106769 : f32
    %mul3A_26 = vector.broadcast %mul3A_25 : f32 to vector<1000x128xf32>
    %mul3A_27 = arith.mulf %add3A_22, %mul3A_26 : vector<1000x128xf32>
    %erf3A = math.erf %mul3A_27 : vector<1000x128xf32>
    %add3A_28 = arith.constant 1.000000e+00 : f32
    %add3A_29 = vector.broadcast %add3A_28 : f32 to vector<1000x128xf32>
    %add3A_30 = arith.addf %add3A_29, %erf3A : vector<1000x128xf32>
    %mul3A_31 = arith.mulf %mul3A_24, %add3A_30 : vector<1000x128xf32>
    %get3A_32 = arith.constant 0 : index
    %get3A_33 = arith.constant 0 : index
    %get3A_34 = vector.load %arg7[%get3A_32, %get3A_33] : memref<128x128xf32, #tpu.memory_space<vmem>>, vector<128x128xf32>
    %dot_general3A = arith.constant dense<0.000000e+00> : vector<1000x128xf32>
    %dot_general3A_35 = tpu.matmul %mul3A_31, %get3A_34, %dot_general3A {dimension_numbers = #tpu.dot_dimension_numbers<[1], [0], [0], [1], [0, 0, 1, 1], [], []>, transpose_lhs_hint = false} : vector<1000x128xf32>, vector<128x128xf32>, vector<1000x128xf32> -> vector<1000x128xf32>
    %swap3A = arith.constant 0 : index
    %swap3A_36 = arith.constant 0 : index
    %swap3A_37 = vector.load %arg9[%swap3A, %swap3A_36] : memref<1000x128xf32, #tpu.memory_space<vmem>>, vector<1000x128xf32>
    tpu.vector_store %arg9[%swap3A, %swap3A_36], %dot_general3A_35 {strides = array<i32>} : memref<1000x128xf32, #tpu.memory_space<vmem>>, vector<1000x128xf32>,
    %get3A_38 = arith.constant 0 : index
    %get3A_39 = arith.constant 0 : index
    %get3A_40 = vector.load %arg8[%get3A_38, %get3A_39] : memref<128x128xf32, #tpu.memory_space<vmem>>, vector<128x128xf32>
    %dot_general3A_41 = arith.constant dense<0.000000e+00> : vector<1000x128xf32>
    %dot_general3A_42 = tpu.matmul %mul3A_31, %get3A_40, %dot_general3A_41 {dimension_numbers = #tpu.dot_dimension_numbers<[1], [0], [0], [1], [0, 0, 1, 1], [], []>, transpose_lhs_hint = false} : vector<1000x128xf32>, vector<128x128xf32>, vector<1000x128xf32> -> vector<1000x128xf32>
    %swap3A_43 = arith.constant 0 : index
    %swap3A_44 = arith.constant 0 : index
    %swap3A_45 = vector.load %arg10[%swap3A_43, %swap3A_44] : memref<1000x128xf32, #tpu.memory_space<vmem>>, vector<1000x128xf32>
    tpu.vector_store %arg10[%swap3A_43, %swap3A_44], %dot_general3A_42 {strides = array<i32>} : memref<1000x128xf32, #tpu.memory_space<vmem>>, vector<1000x128xf32>,
    return
  }
  func.func @transform_0(%arg0: i32) -> (i32, i32) {
    %c0_i32 = arith.constant 0 : i32
    %c0_i32_0 = arith.constant 0 : i32
    return %arg0, %c0_i32 : i32, i32
  }
  func.func @transform_1(%arg0: i32) -> (i32, i32) {
    %c0_i32 = arith.constant 0 : i32
    %c0_i32_0 = arith.constant 0 : i32
    return %arg0, %c0_i32 : i32, i32
  }
  func.func @transform_2(%arg0: i32) -> (i32, i32) {
    %c0_i32 = arith.constant 0 : i32
    %c0_i32_0 = arith.constant 0 : i32
    return %arg0, %c0_i32 : i32, i32
  }
  func.func @transform_3(%arg0: i32) -> (i32, i32) {
    %c0_i32 = arith.constant 0 : i32
    %c0_i32_0 = arith.constant 0 : i32
    return %arg0, %c0_i32 : i32, i32
  }
  func.func @transform_4(%arg0: i32) -> (i32, i32) {
    %c0_i32 = arith.constant 0 : i32
    %c0_i32_0 = arith.constant 0 : i32
    %c0_i32_1 = arith.constant 0 : i32
    return %c0_i32, %c0_i32_0 : i32, i32
  }
  func.func @transform_5(%arg0: i32) -> (i32, i32) {
    %c0_i32 = arith.constant 0 : i32
    %c0_i32_0 = arith.constant 0 : i32
    %c0_i32_1 = arith.constant 0 : i32
    return %c0_i32, %c0_i32_0 : i32, i32
  }
  func.func @transform_6(%arg0: i32) -> (i32, i32) {
    %c0_i32 = arith.constant 0 : i32
    %c0_i32_0 = arith.constant 0 : i32
    %c0_i32_1 = arith.constant 0 : i32
    return %c0_i32, %c0_i32_0 : i32, i32
  }
  func.func @transform_7(%arg0: i32) -> (i32, i32) {
    %c0_i32 = arith.constant 0 : i32
    %c0_i32_0 = arith.constant 0 : i32
    %c0_i32_1 = arith.constant 0 : i32
    return %c0_i32, %c0_i32_0 : i32, i32
  }
  func.func @transform_8(%arg0: i32) -> (i32, i32) {
    %c0_i32 = arith.constant 0 : i32
    %c0_i32_0 = arith.constant 0 : i32
    return %arg0, %c0_i32 : i32, i32
  }
  func.func @transform_9(%arg0: i32) -> (i32, i32) {
    %c0_i32 = arith.constant 0 : i32
    %c0_i32_0 = arith.constant 0 : i32
    return %arg0, %c0_i32 : i32, i32
  }
}

</mosaic_0001>

<sc_bundles>
// kernel: kernel.10.cloned.1.call-start
scs
__scs_entry_jumppad:
0x0: {  	(pc) =	sbr.rel $0x88, $3  }
0x1: {  	(tag) =	ssettag $0x0;
	lr =	simm.s32 $0x1  }
0x2: {  	[smem:$0x3F92] =	sst lr;
	_ =	strace $0xD0000000  }
0x3: {  	_ = 	snop  }
0x4: {  	_ = 	snop  }
0x5: {  	_ = 	snop  }
0x6: {  	_ = 	snop  }
0x7: {  	_ = 	snop  }
__scs_overlays_trampoline_lowered:
0x8: {  	[smem:$0x3FA1] =	sst s0  }
0x9: {  	[smem:$0x3FA2] =	sst s1  }
0xa: {  	[smem:$0x3FA3] =	sst s2  }
0xb: {  	[smem:$0x3FA4] =	sst s3  }
0xc: {  	[smem:$0x3FA5] =	sst s4  }
0xd: {  	[smem:$0x3FA6] =	sst s5  }
0xe: {  	[smem:$0x3FA7] =	sst s6  }
0xf: {  	[smem:$0x3FA8] =	sst s7  }
0x10: {  	[smem:$0x3FA9] =	sst s8  }
0x11: {  	[smem:$0x3FAA] =	sst s9;
	s0 =	simm.s32 @!p0 $0x0  }
0x12: {  	s1 =	sld [smem:$0x3F90];
	s0 =	simm.s32 @p0 $0x1  }
0x13: {  	[smem:$0x3FAB] =	sst s0;
	s0 =	simm.s32 @!p1 $0x0  }
0x14: {  	s2 =	sld [smem:$0x3F8F];
	s0 =	simm.s32 @p1 $0x1  }
0x15: {  	[smem:$0x3FAC] =	sst s0;
	s0 =	simm.s32 @!p2 $0x0  }
0x16: {  	s3 =	sld [smem:$0x3FDB];
	s0 =	simm.s32 @p2 $0x1  }
0x17: {  	s4 =	simm.s32 $0x1BF5;
	[smem:$0x3FAE] =	sst s0  }
0x18: {  	s0 =	sld [smem:$0x3F91];
	_ =	swait.ge [sflag:s4], $0x0  }
0x19: {  	s7 =	sld [smem:$0x3F92]  }
0x1a: {  	s8 =	sadd.s32 $0xFFFFE003, lr  }
0x1b: {  	s9 =	sadd.s32 $0xFFFFFEF7, lr;
	s5 =	simm.s32 $0xFFFFFFFF;
	p2 =	slt.u32 s8, $0xFFFFF086  }
0x1c: {  	p1 =	slt.u32 s9, $0xF7A;
	s5 =	simm.s32 @!p2 $0x0  }
0x1d: {  	s5 =	simm.s32 @p1 $0x1;
	p0 =	seq.s32 s7, s2  }
0x1e: {  	s7 =	smul.u32 @!p0 $0xF7A, s2;
	p2 =	seq.s32 @!p0 s5, $0x0  }
0x1f: {  	s9 =	smul.u32 $0xF7A, s1;
	s8 =	simm.s32 @!p0 $0x1BF5;
	p2 =	por !p2, p0  }
0x20: {  	[sflag:s8] =	ssyncset.s32 @!p0 $0xFFFFF086;
	s6 =	sadd.s32 @!p0 s3, s7;
	s7 =	simm.s32 @!p0 $0x108  }
0x21: {  	s3 =	sadd.s32 s3, s9;
	s6 =	sadd.s32 @!p0 $0x88, s6;
	s7 =	simm.s32 @p2 $0x1082  }
0x22: {  	[simem:s7], [sflag:s8] =	dma.local @!p0 [hbm:s6], $0xF7A  }
0x23: {  	s9 =	sor.u32 $0xD0000000, s2;
	s6 =	simm.s32 $0x108;
	_ =	swait.ge @!p0 [sflag:s8], $0x0  }
0x24: {  	s3 =	sadd.s32 $0x88, s3;
	s6 =	simm.s32 @!p1 $0x1082;
	[sflag:s4] =	ssyncset.s32 $0xFFFFF086  }
0x25: {  	[simem:s6], [sflag:s4] =	dma.local [hbm:s3], $0xF7A  }
0x26: {  	[smem:$0x3F92] =	sst s1;
	(tag) =	ssettag s2;
	_ =	strace s9  }
0x27: {  	s1 =	sld [smem:$0x3FA2]  }
0x28: {  	s2 =	sld [smem:$0x3FA3]  }
0x29: {  	s4 =	sld [smem:$0x3FA5]  }
0x2a: {  	p0 =	seq.s32 s5, $0x0;
	s5 =	sld [smem:$0x3FA6]  }
0x2b: {  	s6 =	sld [smem:$0x3FA7]  }
0x2c: {  	s7 =	sld [smem:$0x3FA8]  }
0x2d: {  	s3 =	simm.s32 $0x108;
	s8 =	sld [smem:$0x3FA9]  }
0x2e: {  	s3 =	simm.s32 @!p0 $0x1082;
	s9 =	sld [smem:$0x3FAA]  }
0x2f: {  	lr =	sadd.s32 s0, s3;
	s0 =	sld [smem:$0x3FA1]  }
0x30: {  	s3 =	sld [smem:$0x3FA4]  }
0x31: {  	[smem:$0x3FAD] =	sst s10  }
0x32: {  	s10 =	sld [smem:$0x3FAB];
	_ =	sdelay $0x3  }
0x33: {  	p0 =	seq.s32 s10, $0x1;
	s10 =	sld [smem:$0x3FAD];
	_ =	sdelay $0x3  }
0x34: {  	[smem:$0x3FAD] =	sst s10  }
0x35: {  	s10 =	sld [smem:$0x3FAC];
	_ =	sdelay $0x3  }
0x36: {  	p1 =	seq.s32 s10, $0x1;
	s10 =	sld [smem:$0x3FAD];
	_ =	sdelay $0x3  }
0x37: {  	[smem:$0x3FAD] =	sst s10  }
0x38: {  	s10 =	sld [smem:$0x3FAE]  }
0x39: {  	_ = 	snop;
	(pc) =	sbr.ind lr, $3  }
0x3a: {  	_ = 	snop  }
0x3b: {  	_ = 	snop  }
0x3c: {  	p2 =	seq.s32 s10, $0x1;
	s10 =	sld [smem:$0x3FAD]  }
0x3d: {  	_ =	shalt  }
0x3e: {  	_ =	shalt  }
0x3f: {  	_ =	shalt  }
0x40: {  	_ =	shalt  }
0x41: {  	_ =	shalt  }
0x42: {  	_ =	shalt  }
0x43: {  	_ =	shalt  }
0x44: {  	_ =	shalt  }
0x45: {  	_ =	shalt  }
0x46: {  	_ =	shalt  }
0x47: {  	_ =	shalt  }
0x48: {  	_ =	shalt  }
0x49: {  	_ =	shalt  }
0x4a: {  	_ =	shalt  }
0x4b: {  	_ =	shalt  }
0x4c: {  	_ =	shalt  }
0x4d: {  	_ =	shalt  }
0x4e: {  	_ =	shalt  }
0x4f: {  	_ =	shalt  }
0x50: {  	_ =	shalt  }
0x51: {  	_ =	shalt  }
0x52: {  	_ =	shalt  }
0x53: {  	_ =	shalt  }
0x54: {  	_ =	shalt  }
0x55: {  	_ =	shalt  }
0x56: {  	_ =	shalt  }
0x57: {  	_ =	shalt  }
0x58: {  	_ =	shalt  }
0x59: {  	_ =	shalt  }
0x5a: {  	_ =	shalt  }
0x5b: {  	_ =	shalt  }
0x5c: {  	_ =	shalt  }
0x5d: {  	_ =	shalt  }
0x5e: {  	_ =	shalt  }
0x5f: {  	_ =	shalt  }
0x60: {  	_ =	shalt  }
0x61: {  	_ =	shalt  }
0x62: {  	_ =	shalt  }
0x63: {  	_ =	shalt  }
0x64: {  	_ =	shalt  }
0x65: {  	_ =	shalt  }
0x66: {  	_ =	shalt  }
0x67: {  	_ =	shalt  }
0x68: {  	_ =	shalt  }
0x69: {  	_ =	shalt  }
0x6a: {  	_ =	shalt  }
0x6b: {  	_ =	shalt  }
0x6c: {  	_ =	shalt  }
0x6d: {  	_ =	shalt  }
0x6e: {  	_ =	shalt  }
0x6f: {  	_ =	shalt  }
0x70: {  	_ =	shalt  }
0x71: {  	_ =	shalt  }
0x72: {  	_ =	shalt  }
0x73: {  	_ =	shalt  }
0x74: {  	_ =	shalt  }
0x75: {  	_ =	shalt  }
0x76: {  	_ =	shalt  }
0x77: {  	_ =	shalt  }
0x78: {  	_ =	shalt  }
0x79: {  	_ =	shalt  }
0x7a: {  	_ =	shalt  }
0x7b: {  	_ =	shalt  }
0x7c: {  	_ =	shalt  }
0x7d: {  	_ =	shalt  }
0x7e: {  	_ =	shalt  }
0x7f: {  	_ =	shalt  }
0x80: {  	_ =	shalt  }
0x81: {  	_ =	shalt  }
0x82: {  	_ =	shalt  }
0x83: {  	_ =	shalt  }
0x84: {  	_ =	shalt  }
0x85: {  	_ =	shalt  }
0x86: {  	_ =	shalt  }
0x87: {  	_ =	shalt  }
.Lfunc_end0:
.L_simem_size_0:
called_computation.1_lowered:
.L_overlay_start_0:
0x88: {  	s2 =	sld [smem:$0x3FD9]  }
0x89: {  	s3 =	sld [smem:$0x3FFE];
	_ =	sdelay $0x1  }
0x8a: {  	s1 =	srdreg.scid  }
0x8b: {  	s0 =	sand.u32 $0x1, s1  }
0x8c: {  	s17 =	sshll.u32 s0, $0xA;
	s2 =	sadd.s32 s3, s2  }
0x8d: {  	s2 =	sadd.s32 s2, s17  }
0x8e: {  	[smem:$0x3FB9] =	sst s2  }
0x8f: {  	_ = 	snop  }
0x90: {  	s2 =	sld [smem:$0x3FC8]  }
0x91: {  	s18 =	sld [smem:$0x3FC7]  }
0x92: {  	s4 =	sld [smem:$0x3FD0];
	(tm) =	ssettm $0x1  }
0x93: {  	s5 =	sld [smem:$0x3FFB];
	_ =	sdelay $0x3  }
0x94: {  	_ =	strace s5  }
0x95: {  	s5 =	sld [smem:$0x3FFC];
	_ =	sdelay $0x3  }
0x96: {  	_ =	strace s5  }
0x97: {  	s5 =	sld [smem:$0x3FFD];
	_ =	sdelay $0x3  }
0x98: {  	_ =	strace s5  }
0x99: {  	_ =	strace $0x8FFFFFFF  }
0x9a: {  	s19 =	sld [smem:$0x3FDB];
	_ =	sdelay $0x1  }
0x9b: {  	s6 =	simm.s32 $_scs_section_size  }
0x9c: {  	s7 =	simm.s32 $_size__tile_overlayer_lowered;
	s8 =	simm.s32 $_tile_overlayer_lowered  }
0x9d: {  	s22 =	simm.s32 $0x1BFF;
	s21 =	sshll.u32 s8, $0x1;
	s5 =	sadd.s32 s6, s19  }
0x9e: {  	s9 =	simm.s32 $0x0;
	s20 =	sshll.u32 s7, $0x1;
	s7 =	sadd.s32 s21, s5  }
0x9f: {  	[timem:s9], [sflag:s22] =	dma.local [hbm:s7], s20  }
0xa0: {  	_ =	swait.ge [sflag:s22], s20  }
0xa1: {  	s6 =	ssub.s32 $0x0, s20;
	[sflag:s22] =	ssyncset.done $0x0  }
0xa2: {  	[sflag:s22] =	ssyncadd.s32 s6;
	_ =	sdelay $0x1  }
0xa3: {  	s23 =	simm.s32 $0x1B8B  }
0xa4: {  	_ =	swait.ge [sflag:s23], $0x1  }
0xa5: {  	[sflag:s23] =	ssyncset.done $0x0  }
0xa6: {  	s25 =	simm.s32 $0x1B8E;
	s24 =	sld [smem:$0x3FFE];
	[sflag:s23] =	ssyncadd.s32 $0xFFFFFFFF  }
0xa7: {  	s26 =	simm.s32 $execute0_lowered;
	[smem:$0x3FD2] =	sst s25  }
0xa8: {  	s7 =	sshll.u32 s26, $0x1;
	_ =	strace $0x80000049;
	[dreg:$0x1] =	wrdreg $0xFFFFFFFF  }
0xa9: {  	s28 =	simm.s32 $_size_execute0_lowered;
	s5 =	sadd.s32 s5, s7;
	[dreg:$0x0] =	wrdreg $0x0  }
0xaa: {  	s7 =	sshll.u32 s28, $0x1;
	[dreg:$0x2] =	wrdreg s5  }
0xab: {  	[dreg:$0x3] =	wrdreg s7  }
0xac: {  	[dreg:$0x4] =	wrdreg $0xC0  }
0xad: {  	_ =	task [dreg:s9], $0x5FFFF  }
0xae: {  	[dreg:$0x1] =	wrdreg $0xFFFFFFFF  }
0xaf: {  	[dreg:$0x0] =	wrdreg $0x60  }
0xb0: {  	[dreg:$0x2] =	wrdreg s4  }
0xb1: {  	[dreg:$0x3] =	wrdreg s24  }
0xb2: {  	[dreg:$0x4] =	wrdreg s2  }
0xb3: {  	[dreg:$0x5] =	wrdreg s18  }
0xb4: {  	[dreg:$0x6] =	wrdreg $0x84000  }
0xb5: {  	[dreg:$0x7] =	wrdreg $0x9  }
0xb6: {  	_ =	task.clear_ibuf [dreg:s9], $0x8FFFF;
	_ =	strace $0x90000049  }
0xb7: {  	s29 =	simm.s32 $0x9;
	_ =	strace $0x8000004B  }
0xb8: {  	_ =	swait.ge [sflag:s29], $0x1  }
0xb9: {  	[sflag:s29] =	ssyncadd.s32 $0xFFFFFFFF  }
0xba: {  	_ =	strace $0x9000004B  }
0xbb: {  	_ =	sfence  }
0xbc: {  	s30 =	sld [smem:$0x0];
	_ =	sdelay $0x2  }
0xbd: {  	s31 =	sshll.u32 s1, $0xD;
	s1 =	sshrl.u32 s1, $0x2  }
0xbe: {  	s3 =	sand.u32 $0x4000, s31;
	s1 =	sadd.s32 s1, s30  }
0xbf: {  	s0 =	sor.u32 s3, s0;
	s1 =	sshll.u32 s1, $0x11  }
0xc0: {  	s0 =	sor.u32 s1, s0  }
0xc1: {  	s0 =	sadd.s32 $0x8F2B, s0  }
0xc2: {  	[sflag:s0] =	ssyncadd.remote.s32 $0x1  }
0xc3: {  	_ =	sfence.sel $0xFFFF  }
0xc4: {  	[dreg:$0x0] =	wrdreg $0xFFFFFFFF;
	(pc) =	sbr.abs _section_cstart, $3  }
0xc5: {  	[dreg:$0x1] =	wrdreg $0xFFFFFFFF  }
0xc6: {  	_ =	task.clear_ibuf [dreg:s9], $0x2FFFF;
	_ =	strace $0x9FFFFFFF  }
0xc7: {  	(tm) =	ssettm $0x7FFFFFFF  }
tec
execute0_lowered:
.L_overlay_start_1:
0x0: {  	(tag) =	ssettag $0x1  }
0x1: {  	s1 =	rddreg [dreg:$0x0]  }
0x2: {  	s0 =	rddreg [dreg:$0x1]  }
0x3: {  	s14 =	rddreg [dreg:$0x2]  }
0x4: {  	s11 =	rddreg [dreg:$0x3]  }
0x5: {  	s5 =	rddreg [dreg:$0x4];
	s9 =	stileid.u32  }
0x6: {  	s6 =	simm.s32 $0x0;
	s3 =	srdreg.scid;
	s28 =	simm.s32 $0x100  }
0x7: {  	s29 =	simm.s32 $0x200;
	s30 =	simm.s32 $0x300;
	s31 =	simm.s32 $0x3  }
0x8: {  	s16 =	simm.s32 $0x2;
	s2 =	smul.u32 $0x280, s9;
	[smem:$0x7FF] =	sst s6  }
0x9: {  	s3 =	sand.u32 $0x1, s3;
	s7 =	sadd.s32 $0x4200, s0;
	s19 =	sshll.u32 s9, $0x5  }
0xa: {  	p1 =	slt.u32 s9, $0x4;
	p2 =	sgt.u32 s9, $0x3;
	_ =	strace $0x8000004A  }
0xb: {  	s8 =	ssub.s32 $0x2, s3;
	s11 =	sadd.s32 s11, s19;
	s17 =	sadd.s32 s14, s19  }
0xc: {  	s26 =	sor.u32 $0x13800, s19;
	p0 =	sne.s32 s3, $0x0;
	s3 =	simm.s32 $0x4  }
0xd: {  	s14 =	simm.s32 $0x1;
	s15 =	sadd.s32 $0x200, s11;
	[dreg:$0xf] =	wrdreg s26  }
0xe: {  	s19 =	simm.s32 $0x180;
	s20 =	sadd.s32 $0x400, s11;
	[dreg:$0x7] =	wrdreg s15  }
0xf: {  	s2 =	smin.u32 s2, $0x2490;
	s21 =	sadd.s32 $0x600, s11;
	[dreg:$0x8] =	wrdreg s20  }
0x10: {  	s18 =	sshrl.u32 s8, $0x1;
	s23 =	sadd.s32 $0x200, s17;
	[dreg:$0x9] =	wrdreg s21  }
0x11: {  	s24 =	sadd.s32 $0x400, s17;
	s25 =	sadd.s32 $0x600, s17;
	[dreg:$0xb] =	wrdreg s23  }
0x12: {  	s26 =	simm.s32 $0x7;
	s4 =	sshll.u32 s2, $0x4;
	[dreg:$0xc] =	wrdreg s24  }
0x13: {  	s2 =	sshll.u32 s2, $0x7;
	[dreg:$0xd] =	wrdreg s25;
	s25 =	simm.s32 $0x400  }
0x14: {  	s15 =	simm.s32 $0x5;
	s20 =	simm.s32 $0x6;
	s21 =	simm.s32 $0x280  }
0x15: {  	s24 =	simm.s32 $0x0;
	s0 =	sadd.s32 s4, s0;
	s4 =	ssub.s32 s8, s18  }
.Ltmp0:
0x16: {  	s8 =	sadd.s32 s2, s5;
	s18 =	simm.s32 $0x380;
	(pc) =	sbr.rel .LBB2_1-.Ltmp0, $4  }
0x17: {  	s10 =	sadd.s32 $0x4000, s8;
	s12 =	sadd.s32 $0xC000, s8;
	s13 =	sadd.s32 $0x10000, s8  }
0x18: {  	s22 =	sadd.s32 $0x52600, s0;
	s0 =	sadd.s32 $0x2B400, s0;
	[dreg:$0x6] =	wrdreg s10  }
0x19: {  	s23 =	smax.u32 s4, $0x1;
	s4 =	simm.s32 $0x4400;
	[dreg:$0xa] =	wrdreg s22  }
0x1a: {  	v0 =	vimm.f32 $0.0e+00;
	s10 =	sadd.s32 $0x8000, s8;
	[dreg:$0xe] =	wrdreg s0;
	s0 =	simm.s32 $0x80  }
.LBB2_10:
0x1b: {  	[dreg:$0x10] =	wrdreg s24  }
0x1c: {  	s24 =	smov.u32 s8;
	s8 =	smov.u32 s23;
	s23 =	smov.u32 s13  }
0x1d: {  	s13 =	smov.u32 s12;
	s12 =	smov.u32 s10;
	s10 =	rddreg [dreg:$0xf]  }
0x1e: {  	s9 =	sadd.s32 s10, s9;
	s10 =	smov.u32 s12  }
0x1f: {  	s12 =	smov.u32 s13;
	s13 =	smov.u32 s23;
	s23 =	smov.u32 s8  }
0x20: {  	[tilespmem:s6], [sflag:$0x3] =	stream.linear.gather [hbm4b:s9+s6], $0x100, $0x38;
	[tilespmem:$0x1BC80] =	vst v63  }
0x21: {  	s8 =	smov.u32 s24;
	s24 =	rddreg [dreg:$0x10];
	_ =	swait.ge [sflag:s31], $0x100  }
0x22: {  	[sflag:s31] =	ssyncset.done $0x0  }
0x23: {  	[sflag:s31] =	ssyncadd.s32 $0xFFFFFF00  }
0x24: {  	[tilespmem:s25], [sflag:$0x1] =	stream.indirect.gather [hbm4b:s22+s0], $0x80, s6, s0, $0xb8;
	[tilespmem:$0x1BC80] =	vst v63  }
0x25: {  	_ =	swait.ge [sflag:s14], $0x4000  }
0x26: {  	[sflag:s14] =	ssyncset.done $0x0  }
0x27: {  	[sflag:s14] =	ssyncadd.s32 $0xFFFFC000  }
0x28: {  	[spmem:s5] =	stream.indirect.scatter.add.f32 [tilespmem:s25], [sflag:$0x7], $0x80, s0, s0, $0xb8;
	[tilespmem:$0x1BC80] =	vst v63  }
0x29: {  	_ =	swait.ge [sflag:s26], $0x4000  }
0x2a: {  	[sflag:s26] =	ssyncset.done $0x0  }
0x2b: {  	[sflag:s26] =	ssyncadd.s32 $0xFFFFC000  }
.LBB2_11:
0x2c: {  	s9 =	stileid.u32;
	s24 =	sadd.s32 $0x1, s24  }
0x2d: {  	[bflag:$0x0] =	sbarrier.arrive $0xFFFF;
	s9 =	sshll.u32 s9, $0x6;
	p3 =	sne.s32 s24, s23  }
.Ltmp1:
0x2e: {  	s22 =	sshrl.u32 s8, $0x3;
	s9 =	sor.u32 $0x1C07, s9;
	(pc) =	sbr.rel @!p3 .LBB2_12-.Ltmp1, $4  }
0x2f: {  	[hbm:s2], [sflag:s9] =	dma.local [spmem:s22], $0x2800  }
0x30: {  	_ =	swait.ge [sflag:s26], $0x2800  }
0x31: {  	[sflag:s26] =	ssyncset.done $0x0  }
0x32: {  	[sflag:s26] =	ssyncadd.s32 $0xFFFFD800  }
.LBB2_1:
0x33: {  	s2 =	simm.s32 $0x0;
	s22 =	simm.s32 $0x200  }
.LBB2_2:
0x34: {  	p3 =	sne.s32 s22, $0xFE00;
	[tilespmem:s2+$0x470] =	vst v0  }
0x35: {  	[tilespmem:s2+$0x400] =	vst v0  }
0x36: {  	[tilespmem:s2+$0x410] =	vst v0  }
.Ltmp2:
0x37: {  	[tilespmem:s2+$0x420] =	vst v0;
	(pc) =	sbr.rel @p3 .LBB2_2-.Ltmp2, $4  }
0x38: {  	[tilespmem:s2+$0x430] =	vst v0  }
0x39: {  	[tilespmem:s2+$0x440] =	vst v0  }
0x3a: {  	[tilespmem:s2+$0x450] =	vst v0  }
0x3b: {  	[tilespmem:s2+$0x460] =	vst v0;
	s2 =	sshra.s32 s22, $0x2;
	s22 =	sadd.s32 $0x200, s22  }
0x3c: {  	[tilespmem:s2+$0x470] =	vst v0  }
0x3d: {  	[tilespmem:s2+$0x400] =	vst v0  }
0x3e: {  	[tilespmem:s2+$0x410] =	vst v0  }
0x3f: {  	[tilespmem:s2+$0x420] =	vst v0  }
0x40: {  	[tilespmem:s2+$0x430] =	vst v0  }
0x41: {  	[tilespmem:s2+$0x440] =	vst v0  }
0x42: {  	[tilespmem:s2+$0x450] =	vst v0  }
0x43: {  	[tilespmem:s2+$0x460] =	vst v0  }
0x44: {  	[spmem:s8] =	stream.linear.scatter [tilespmem:s25], [sflag:$0x7], $0x4000, $0x38;
	[tilespmem:$0x1BC80] =	vst v63  }
0x45: {  	_ =	swait.ge [sflag:s26], $0x4000  }
0x46: {  	[sflag:s26] =	ssyncset.done $0x0  }
0x47: {  	s22 =	rddreg [dreg:$0x6];
	[sflag:s26] =	ssyncadd.s32 $0xFFFFC000  }
0x48: {  	[spmem:s22] =	stream.linear.scatter [tilespmem:s25], [sflag:$0x7], $0x4000, $0x38;
	[tilespmem:$0x1BC80] =	vst v63  }
0x49: {  	_ =	swait.ge [sflag:s26], $0x4000  }
0x4a: {  	[sflag:s26] =	ssyncset.done $0x0  }
0x4b: {  	[sflag:s26] =	ssyncadd.s32 $0xFFFFC000  }
0x4c: {  	[spmem:s10] =	stream.linear.scatter [tilespmem:s25], [sflag:$0x7], $0x4000, $0x38;
	[tilespmem:$0x1BC80] =	vst v63  }
0x4d: {  	_ =	swait.ge [sflag:s26], $0x4000  }
0x4e: {  	[sflag:s26] =	ssyncset.done $0x0  }
0x4f: {  	[sflag:s26] =	ssyncadd.s32 $0xFFFFC000  }
0x50: {  	[spmem:s12] =	stream.linear.scatter [tilespmem:s25], [sflag:$0x7], $0x4000, $0x38;
	[tilespmem:$0x1BC80] =	vst v63  }
0x51: {  	_ =	swait.ge [sflag:s26], $0x4000  }
0x52: {  	[sflag:s26] =	ssyncset.done $0x0  }
0x53: {  	[sflag:s26] =	ssyncadd.s32 $0xFFFFC000  }
0x54: {  	[spmem:s13] =	stream.linear.scatter [tilespmem:s25], [sflag:$0x7], $0x4000, $0x38;
	[tilespmem:$0x1BC80] =	vst v63  }
.Ltmp3:
0x55: {  	_ =	swait.ge [sflag:s26], $0x4000;
	(pc) =	sbr.rel @p0 .LBB2_7-.Ltmp3, $3  }
0x56: {  	[sflag:s26] =	ssyncset.done $0x0  }
0x57: {  	[sflag:s26] =	ssyncadd.s32 $0xFFFFC000  }
0x58: {  	[bflag:$0x0] =	sbarrier.arrive $0xFFFF;
	_ =	sdelay $0x1  }
0x59: {  	[tilespmem:s6], [sflag:$0x3] =	stream.linear.gather [hbm4b:s17+s6], $0x100, $0x38;
	[tilespmem:$0x1BC80] =	vst v63  }
0x5a: {  	s2 =	rddreg [dreg:$0xb]  }
0x5b: {  	[tilespmem:s28], [sflag:$0x4] =	stream.linear.gather [hbm4b:s2+s6], $0x100, $0x38;
	[tilespmem:$0x1BC80] =	vst v63  }
0x5c: {  	s22 =	rddreg [dreg:$0xc]  }
0x5d: {  	[tilespmem:s29], [sflag:$0x5] =	stream.linear.gather [hbm4b:s22+s6], $0x100, $0x38;
	[tilespmem:$0x1BC80] =	vst v63  }
0x5e: {  	s9 =	rddreg [dreg:$0xd]  }
0x5f: {  	[tilespmem:s30], [sflag:$0x6] =	stream.linear.gather [hbm4b:s9+s6], $0x100, $0x38;
	[tilespmem:$0x1BC80] =	vst v63  }
0x60: {  	_ =	swait.ge [sflag:s31], $0x100  }
0x61: {  	[sflag:s31] =	ssyncset.done $0x0  }
0x62: {  	[sflag:s31] =	ssyncadd.s32 $0xFFFFFF00  }
0x63: {  	[tilespmem:s25], [sflag:$0x1] =	stream.indirect.gather [hbm4b:s1+s0], $0x80, s6, s0, $0xb8;
	[tilespmem:$0x1BC80] =	vst v63  }
0x64: {  	_ =	swait.ge [sflag:s3], $0x100  }
0x65: {  	[sflag:s3] =	ssyncset.done $0x0  }
0x66: {  	[sflag:s3] =	ssyncadd.s32 $0xFFFFFF00  }
0x67: {  	[tilespmem:s4], [sflag:$0x2] =	stream.indirect.gather [hbm4b:s1+s0], $0x80, s28, s0, $0xb8;
	[tilespmem:$0x1BC80] =	vst v63  }
0x68: {  	_ =	swait.ge [sflag:s14], $0x4000  }
0x69: {  	[sflag:s14] =	ssyncset.done $0x0  }
0x6a: {  	[sflag:s14] =	ssyncadd.s32 $0xFFFFC000  }
0x6b: {  	[spmem:s5] =	stream.indirect.scatter.add.f32 [tilespmem:s25], [sflag:$0x7], $0x80, s0, s0, $0xb8;
	[tilespmem:$0x1BC80] =	vst v63  }
0x6c: {  	_ =	swait.ge [sflag:s26], $0x4000  }
0x6d: {  	s2 =	sadd.s32 $0xFFFED000, s17;
	[sflag:s26] =	ssyncset.done $0x0  }
0x6e: {  	s9 =	sadd.s32 $0x13800, s2;
	[sflag:s26] =	ssyncadd.s32 $0xFFFFC000  }
0x6f: {  	[tilespmem:s6], [sflag:$0x3] =	stream.linear.gather [hbm4b:s9+s6], $0x100, $0x38;
	[tilespmem:$0x1BC80] =	vst v63  }
0x70: {  	_ =	swait.ge [sflag:s15], $0x100  }
0x71: {  	[sflag:s15] =	ssyncset.done $0x0  }
0x72: {  	[sflag:s15] =	ssyncadd.s32 $0xFFFFFF00  }
0x73: {  	[tilespmem:s25], [sflag:$0x1] =	stream.indirect.gather [hbm4b:s1+s0], $0x80, s29, s0, $0xb8;
	[tilespmem:$0x1BC80] =	vst v63  }
0x74: {  	_ =	swait.ge [sflag:s16], $0x4000  }
0x75: {  	[sflag:s16] =	ssyncset.done $0x0  }
0x76: {  	[sflag:s16] =	ssyncadd.s32 $0xFFFFC000  }
0x77: {  	[spmem:s5] =	stream.indirect.scatter.add.f32 [tilespmem:s4], [sflag:$0x7], $0x80, s19, s0, $0xb8;
	[tilespmem:$0x1BC80] =	vst v63  }
0x78: {  	_ =	swait.ge [sflag:s26], $0x4000  }
0x79: {  	[sflag:s26] =	ssyncset.done $0x0  }
0x7a: {  	s22 =	sadd.s32 $0x13A00, s2;
	[sflag:s26] =	ssyncadd.s32 $0xFFFFC000  }
0x7b: {  	[tilespmem:s28], [sflag:$0x4] =	stream.linear.gather [hbm4b:s22+s6], $0x100, $0x38;
	[tilespmem:$0x1BC80] =	vst v63  }
0x7c: {  	_ =	swait.ge [sflag:s20], $0x100  }
0x7d: {  	[sflag:s20] =	ssyncset.done $0x0  }
0x7e: {  	[sflag:s20] =	ssyncadd.s32 $0xFFFFFF00  }
0x7f: {  	[tilespmem:s4], [sflag:$0x2] =	stream.indirect.gather [hbm4b:s1+s0], $0x80, s30, s0, $0xb8;
	[tilespmem:$0x1BC80] =	vst v63  }
0x80: {  	_ =	swait.ge [sflag:s14], $0x4000  }
0x81: {  	[sflag:s14] =	ssyncset.done $0x0  }
0x82: {  	[sflag:s14] =	ssyncadd.s32 $0xFFFFC000  }
0x83: {  	[spmem:s5] =	stream.indirect.scatter.add.f32 [tilespmem:s25], [sflag:$0x7], $0x80, s21, s0, $0xb8;
	[tilespmem:$0x1BC80] =	vst v63  }
0x84: {  	_ =	swait.ge [sflag:s26], $0x4000  }
0x85: {  	[sflag:s26] =	ssyncset.done $0x0  }
0x86: {  	s22 =	sadd.s32 $0x13C00, s2;
	[sflag:s26] =	ssyncadd.s32 $0xFFFFC000  }
0x87: {  	[tilespmem:s29], [sflag:$0x5] =	stream.linear.gather [hbm4b:s22+s6], $0x100, $0x38;
	[tilespmem:$0x1BC80] =	vst v63  }
0x88: {  	_ =	swait.ge [sflag:s31], $0x100  }
0x89: {  	[sflag:s31] =	ssyncset.done $0x0  }
0x8a: {  	[sflag:s31] =	ssyncadd.s32 $0xFFFFFF00  }
0x8b: {  	[tilespmem:s25], [sflag:$0x1] =	stream.indirect.gather [hbm4b:s1+s0], $0x80, s6, s0, $0xb8;
	[tilespmem:$0x1BC80] =	vst v63  }
0x8c: {  	_ =	swait.ge [sflag:s16], $0x4000  }
0x8d: {  	[sflag:s16] =	ssyncset.done $0x0  }
0x8e: {  	[sflag:s16] =	ssyncadd.s32 $0xFFFFC000  }
0x8f: {  	[spmem:s5] =	stream.indirect.scatter.add.f32 [tilespmem:s4], [sflag:$0x7], $0x80, s18, s0, $0xb8;
	[tilespmem:$0x1BC80] =	vst v63  }
0x90: {  	_ =	swait.ge [sflag:s26], $0x4000  }
0x91: {  	[sflag:s26] =	ssyncset.done $0x0  }
0x92: {  	s2 =	sadd.s32 $0x13E00, s2;
	[sflag:s26] =	ssyncadd.s32 $0xFFFFC000  }
0x93: {  	[tilespmem:s30], [sflag:$0x6] =	stream.linear.gather [hbm4b:s2+s6], $0x100, $0x38;
	[tilespmem:$0x1BC80] =	vst v63  }
0x94: {  	_ =	swait.ge [sflag:s3], $0x100  }
0x95: {  	[sflag:s3] =	ssyncset.done $0x0  }
0x96: {  	s22 =	simm.s32 $0xFFFED800;
	[sflag:s3] =	ssyncadd.s32 $0xFFFFFF00  }
.LBB2_5:
0x97: {  	[tilespmem:s4], [sflag:$0x2] =	stream.indirect.gather [hbm4b:s1+s0], $0x80, s28, s0, $0xb8;
	[tilespmem:$0x1BC80] =	vst v63  }
0x98: {  	s2 =	smov.u32 s22  }
0x99: {  	p3 =	sne.s32 s22, $0xFFFFF800;
	s22 =	sadd.s32 $0x800, s22;
	_ =	swait.ge [sflag:s14], $0x4000  }
0x9a: {  	[sflag:s14] =	ssyncset.done $0x0  }
0x9b: {  	[sflag:s14] =	ssyncadd.s32 $0xFFFFC000  }
0x9c: {  	[spmem:s5] =	stream.indirect.scatter.add.f32 [tilespmem:s25], [sflag:$0x7], $0x80, s0, s0, $0xb8;
	[tilespmem:$0x1BC80] =	vst v63  }
0x9d: {  	_ =	swait.ge [sflag:s26], $0x4000  }
0x9e: {  	s2 =	sadd.s32 s2, s17;
	[sflag:s26] =	ssyncset.done $0x0  }
0x9f: {  	s9 =	sadd.s32 $0x13800, s2;
	[sflag:s26] =	ssyncadd.s32 $0xFFFFC000  }
0xa0: {  	[tilespmem:s6], [sflag:$0x3] =	stream.linear.gather [hbm4b:s9+s6], $0x100, $0x38;
	[tilespmem:$0x1BC80] =	vst v63  }
0xa1: {  	_ =	swait.ge [sflag:s15], $0x100  }
0xa2: {  	[sflag:s15] =	ssyncset.done $0x0  }
0xa3: {  	[sflag:s15] =	ssyncadd.s32 $0xFFFFFF00  }
0xa4: {  	[tilespmem:s25], [sflag:$0x1] =	stream.indirect.gather [hbm4b:s1+s0], $0x80, s29, s0, $0xb8;
	[tilespmem:$0x1BC80] =	vst v63  }
0xa5: {  	_ =	swait.ge [sflag:s16], $0x4000  }
0xa6: {  	[sflag:s16] =	ssyncset.done $0x0  }
0xa7: {  	[sflag:s16] =	ssyncadd.s32 $0xFFFFC000  }
0xa8: {  	[spmem:s5] =	stream.indirect.scatter.add.f32 [tilespmem:s4], [sflag:$0x7], $0x80, s19, s0, $0xb8;
	[tilespmem:$0x1BC80] =	vst v63  }
0xa9: {  	_ =	swait.ge [sflag:s26], $0x4000  }
0xaa: {  	[sflag:s26] =	ssyncset.done $0x0  }
0xab: {  	s9 =	sadd.s32 $0x13A00, s2;
	[sflag:s26] =	ssyncadd.s32 $0xFFFFC000  }
0xac: {  	[tilespmem:s28], [sflag:$0x4] =	stream.linear.gather [hbm4b:s9+s6], $0x100, $0x38;
	[tilespmem:$0x1BC80] =	vst v63  }
0xad: {  	_ =	swait.ge [sflag:s20], $0x100  }
0xae: {  	[sflag:s20] =	ssyncset.done $0x0  }
0xaf: {  	[sflag:s20] =	ssyncadd.s32 $0xFFFFFF00  }
0xb0: {  	[tilespmem:s4], [sflag:$0x2] =	stream.indirect.gather [hbm4b:s1+s0], $0x80, s30, s0, $0xb8;
	[tilespmem:$0x1BC80] =	vst v63  }
0xb1: {  	_ =	swait.ge [sflag:s14], $0x4000  }
0xb2: {  	[sflag:s14] =	ssyncset.done $0x0  }
0xb3: {  	[sflag:s14] =	ssyncadd.s32 $0xFFFFC000  }
0xb4: {  	[spmem:s5] =	stream.indirect.scatter.add.f32 [tilespmem:s25], [sflag:$0x7], $0x80, s21, s0, $0xb8;
	[tilespmem:$0x1BC80] =	vst v63  }
0xb5: {  	_ =	swait.ge [sflag:s26], $0x4000  }
0xb6: {  	[sflag:s26] =	ssyncset.done $0x0  }
0xb7: {  	s9 =	sadd.s32 $0x13C00, s2;
	[sflag:s26] =	ssyncadd.s32 $0xFFFFC000  }
0xb8: {  	[tilespmem:s29], [sflag:$0x5] =	stream.linear.gather [hbm4b:s9+s6], $0x100, $0x38;
	[tilespmem:$0x1BC80] =	vst v63  }
0xb9: {  	_ =	swait.ge [sflag:s31], $0x100  }
0xba: {  	[sflag:s31] =	ssyncset.done $0x0  }
0xbb: {  	[sflag:s31] =	ssyncadd.s32 $0xFFFFFF00  }
0xbc: {  	[tilespmem:s25], [sflag:$0x1] =	stream.indirect.gather [hbm4b:s1+s0], $0x80, s6, s0, $0xb8;
	[tilespmem:$0x1BC80] =	vst v63  }
0xbd: {  	_ =	swait.ge [sflag:s16], $0x4000  }
0xbe: {  	[sflag:s16] =	ssyncset.done $0x0  }
0xbf: {  	[sflag:s16] =	ssyncadd.s32 $0xFFFFC000  }
0xc0: {  	[spmem:s5] =	stream.indirect.scatter.add.f32 [tilespmem:s4], [sflag:$0x7], $0x80, s18, s0, $0xb8;
	[tilespmem:$0x1BC80] =	vst v63  }
0xc1: {  	_ =	swait.ge [sflag:s26], $0x4000  }
0xc2: {  	[sflag:s26] =	ssyncset.done $0x0  }
.Ltmp4:
0xc3: {  	s2 =	sadd.s32 $0x13E00, s2;
	[sflag:s26] =	ssyncadd.s32 $0xFFFFC000;
	(pc) =	sbr.rel @p3 .LBB2_5-.Ltmp4, $4  }
0xc4: {  	[tilespmem:s30], [sflag:$0x6] =	stream.linear.gather [hbm4b:s2+s6], $0x100, $0x38;
	[tilespmem:$0x1BC80] =	vst v63  }
0xc5: {  	_ =	swait.ge [sflag:s3], $0x100  }
0xc6: {  	[sflag:s3] =	ssyncset.done $0x0  }
0xc7: {  	[sflag:s3] =	ssyncadd.s32 $0xFFFFFF00  }
0xc8: {  	[tilespmem:s4], [sflag:$0x2] =	stream.indirect.gather [hbm4b:s1+s0], $0x80, s28, s0, $0xb8;
	[tilespmem:$0x1BC80] =	vst v63  }
0xc9: {  	_ =	swait.ge [sflag:s14], $0x4000  }
0xca: {  	[sflag:s14] =	ssyncset.done $0x0  }
0xcb: {  	[sflag:s14] =	ssyncadd.s32 $0xFFFFC000  }
0xcc: {  	[spmem:s5] =	stream.indirect.scatter.add.f32 [tilespmem:s25], [sflag:$0x7], $0x80, s0, s0, $0xb8;
	[tilespmem:$0x1BC80] =	vst v63  }
0xcd: {  	_ =	swait.ge [sflag:s26], $0x4000  }
0xce: {  	[sflag:s26] =	ssyncset.done $0x0  }
0xcf: {  	[sflag:s26] =	ssyncadd.s32 $0xFFFFC000  }
0xd0: {  	_ =	swait.ge [sflag:s15], $0x100  }
0xd1: {  	[sflag:s15] =	ssyncset.done $0x0  }
0xd2: {  	[sflag:s15] =	ssyncadd.s32 $0xFFFFFF00  }
0xd3: {  	[tilespmem:s25], [sflag:$0x1] =	stream.indirect.gather [hbm4b:s1+s0], $0x80, s29, s0, $0xb8;
	[tilespmem:$0x1BC80] =	vst v63  }
0xd4: {  	_ =	swait.ge [sflag:s16], $0x4000  }
0xd5: {  	[sflag:s16] =	ssyncset.done $0x0  }
0xd6: {  	[sflag:s16] =	ssyncadd.s32 $0xFFFFC000  }
0xd7: {  	[spmem:s5] =	stream.indirect.scatter.add.f32 [tilespmem:s4], [sflag:$0x7], $0x80, s19, s0, $0xb8;
	[tilespmem:$0x1BC80] =	vst v63  }
0xd8: {  	_ =	swait.ge [sflag:s26], $0x4000  }
0xd9: {  	[sflag:s26] =	ssyncset.done $0x0  }
0xda: {  	[sflag:s26] =	ssyncadd.s32 $0xFFFFC000  }
0xdb: {  	_ =	swait.ge [sflag:s20], $0x100  }
0xdc: {  	[sflag:s20] =	ssyncset.done $0x0  }
0xdd: {  	[sflag:s20] =	ssyncadd.s32 $0xFFFFFF00  }
0xde: {  	[tilespmem:s4], [sflag:$0x2] =	stream.indirect.gather [hbm4b:s1+s0], $0x80, s30, s0, $0xb8;
	[tilespmem:$0x1BC80] =	vst v63  }
0xdf: {  	_ =	swait.ge [sflag:s14], $0x4000  }
0xe0: {  	[sflag:s14] =	ssyncset.done $0x0  }
0xe1: {  	[sflag:s14] =	ssyncadd.s32 $0xFFFFC000  }
0xe2: {  	[spmem:s5] =	stream.indirect.scatter.add.f32 [tilespmem:s25], [sflag:$0x7], $0x80, s21, s0, $0xb8;
	[tilespmem:$0x1BC80] =	vst v63  }
0xe3: {  	_ =	swait.ge [sflag:s26], $0x4000  }
0xe4: {  	[sflag:s26] =	ssyncset.done $0x0  }
0xe5: {  	[sflag:s26] =	ssyncadd.s32 $0xFFFFC000  }
0xe6: {  	_ =	swait.ge [sflag:s16], $0x4000  }
0xe7: {  	[sflag:s16] =	ssyncset.done $0x0  }
0xe8: {  	[sflag:s16] =	ssyncadd.s32 $0xFFFFC000  }
0xe9: {  	[spmem:s5] =	stream.indirect.scatter.add.f32 [tilespmem:s4], [sflag:$0x7], $0x80, s18, s0, $0xb8;
	[tilespmem:$0x1BC80] =	vst v63  }
.Ltmp5:
0xea: {  	_ = 	snop;
	(pc) =	sbr.rel @p1 .LBB2_10-.Ltmp5, $4  }
.Ltmp6:
0xeb: {  	_ =	swait.ge [sflag:s26], $0x4000;
	(pc) =	sbr.rel @!p1 .LBB2_11-.Ltmp6, $4  }
0xec: {  	[sflag:s26] =	ssyncset.done $0x0  }
0xed: {  	s2 =	rddreg [dreg:$0xe];
	[sflag:s26] =	ssyncadd.s32 $0xFFFFC000  }
0xee: {  	s22 =	smov.u32 s1;
	s9 =	rddreg [dreg:$0x2]  }
0xef: {  	_ = 	snop  }
.LBB2_7:
0xf0: {  	[tilespmem:s6], [sflag:$0x3] =	stream.linear.gather [hbm4b:s11+s6], $0x100, $0x38;
	[tilespmem:$0x1BC80] =	vst v63  }
0xf1: {  	s2 =	rddreg [dreg:$0x7]  }
0xf2: {  	[tilespmem:s28], [sflag:$0x4] =	stream.linear.gather [hbm4b:s2+s6], $0x100, $0x38;
	[tilespmem:$0x1BC80] =	vst v63  }
0xf3: {  	s22 =	rddreg [dreg:$0x8]  }
0xf4: {  	[tilespmem:s29], [sflag:$0x5] =	stream.linear.gather [hbm4b:s22+s6], $0x100, $0x38;
	[tilespmem:$0x1BC80] =	vst v63  }
0xf5: {  	s9 =	rddreg [dreg:$0x9]  }
0xf6: {  	[tilespmem:s30], [sflag:$0x6] =	stream.linear.gather [hbm4b:s9+s6], $0x100, $0x38;
	[tilespmem:$0x1BC80] =	vst v63  }
0xf7: {  	_ =	swait.ge [sflag:s31], $0x100  }
0xf8: {  	[sflag:s31] =	ssyncset.done $0x0  }
0xf9: {  	[sflag:s31] =	ssyncadd.s32 $0xFFFFFF00  }
0xfa: {  	[tilespmem:s25], [sflag:$0x1] =	stream.indirect.gather [hbm4b:s7+s0], $0x80, s6, s0, $0xb8;
	[tilespmem:$0x1BC80] =	vst v63  }
0xfb: {  	_ =	swait.ge [sflag:s3], $0x100  }
0xfc: {  	[sflag:s3] =	ssyncset.done $0x0  }
0xfd: {  	[sflag:s3] =	ssyncadd.s32 $0xFFFFFF00  }
0xfe: {  	[tilespmem:s4], [sflag:$0x2] =	stream.indirect.gather [hbm4b:s7+s0], $0x80, s28, s0, $0xb8;
	[tilespmem:$0x1BC80] =	vst v63  }
0xff: {  	_ =	swait.ge [sflag:s14], $0x4000  }
0x100: {  	[sflag:s14] =	ssyncset.done $0x0  }
0x101: {  	[sflag:s14] =	ssyncadd.s32 $0xFFFFC000  }
0x102: {  	[spmem:s5] =	stream.indirect.scatter.add.f32 [tilespmem:s25], [sflag:$0x7], $0x80, s0, s0, $0xb8;
	[tilespmem:$0x1BC80] =	vst v63  }
0x103: {  	_ =	swait.ge [sflag:s26], $0x4000  }
0x104: {  	s2 =	sadd.s32 $0xFFFED000, s11;
	[sflag:s26] =	ssyncset.done $0x0  }
0x105: {  	s9 =	sadd.s32 $0x13800, s2;
	[sflag:s26] =	ssyncadd.s32 $0xFFFFC000  }
0x106: {  	[tilespmem:s6], [sflag:$0x3] =	stream.linear.gather [hbm4b:s9+s6], $0x100, $0x38;
	[tilespmem:$0x1BC80] =	vst v63  }
0x107: {  	_ =	swait.ge [sflag:s15], $0x100  }
0x108: {  	[sflag:s15] =	ssyncset.done $0x0  }
0x109: {  	[sflag:s15] =	ssyncadd.s32 $0xFFFFFF00  }
0x10a: {  	[tilespmem:s25], [sflag:$0x1] =	stream.indirect.gather [hbm4b:s7+s0], $0x80, s29, s0, $0xb8;
	[tilespmem:$0x1BC80] =	vst v63  }
0x10b: {  	_ =	swait.ge [sflag:s16], $0x4000  }
0x10c: {  	[sflag:s16] =	ssyncset.done $0x0  }
0x10d: {  	[sflag:s16] =	ssyncadd.s32 $0xFFFFC000  }
0x10e: {  	[spmem:s5] =	stream.indirect.scatter.add.f32 [tilespmem:s4], [sflag:$0x7], $0x80, s19, s0, $0xb8;
	[tilespmem:$0x1BC80] =	vst v63  }
0x10f: {  	_ =	swait.ge [sflag:s26], $0x4000  }
0x110: {  	[sflag:s26] =	ssyncset.done $0x0  }
0x111: {  	s22 =	sadd.s32 $0x13A00, s2;
	[sflag:s26] =	ssyncadd.s32 $0xFFFFC000  }
0x112: {  	[tilespmem:s28], [sflag:$0x4] =	stream.linear.gather [hbm4b:s22+s6], $0x100, $0x38;
	[tilespmem:$0x1BC80] =	vst v63  }
0x113: {  	_ =	swait.ge [sflag:s20], $0x100  }
0x114: {  	[sflag:s20] =	ssyncset.done $0x0  }
0x115: {  	[sflag:s20] =	ssyncadd.s32 $0xFFFFFF00  }
0x116: {  	[tilespmem:s4], [sflag:$0x2] =	stream.indirect.gather [hbm4b:s7+s0], $0x80, s30, s0, $0xb8;
	[tilespmem:$0x1BC80] =	vst v63  }
0x117: {  	_ =	swait.ge [sflag:s14], $0x4000  }
0x118: {  	[sflag:s14] =	ssyncset.done $0x0  }
0x119: {  	[sflag:s14] =	ssyncadd.s32 $0xFFFFC000  }
0x11a: {  	[spmem:s5] =	stream.indirect.scatter.add.f32 [tilespmem:s25], [sflag:$0x7], $0x80, s21, s0, $0xb8;
	[tilespmem:$0x1BC80] =	vst v63  }
0x11b: {  	_ =	swait.ge [sflag:s26], $0x4000  }
0x11c: {  	[sflag:s26] =	ssyncset.done $0x0  }
0x11d: {  	s22 =	sadd.s32 $0x13C00, s2;
	[sflag:s26] =	ssyncadd.s32 $0xFFFFC000  }
0x11e: {  	[tilespmem:s29], [sflag:$0x5] =	stream.linear.gather [hbm4b:s22+s6], $0x100, $0x38;
	[tilespmem:$0x1BC80] =	vst v63  }
0x11f: {  	_ =	swait.ge [sflag:s31], $0x100  }
0x120: {  	[sflag:s31] =	ssyncset.done $0x0  }
0x121: {  	[sflag:s31] =	ssyncadd.s32 $0xFFFFFF00  }
0x122: {  	[tilespmem:s25], [sflag:$0x1] =	stream.indirect.gather [hbm4b:s7+s0], $0x80, s6, s0, $0xb8;
	[tilespmem:$0x1BC80] =	vst v63  }
0x123: {  	_ =	swait.ge [sflag:s16], $0x4000  }
0x124: {  	[sflag:s16] =	ssyncset.done $0x0  }
0x125: {  	[sflag:s16] =	ssyncadd.s32 $0xFFFFC000  }
0x126: {  	[spmem:s5] =	stream.indirect.scatter.add.f32 [tilespmem:s4], [sflag:$0x7], $0x80, s18, s0, $0xb8;
	[tilespmem:$0x1BC80] =	vst v63  }
0x127: {  	_ =	swait.ge [sflag:s26], $0x4000  }
0x128: {  	[sflag:s26] =	ssyncset.done $0x0  }
0x129: {  	s2 =	sadd.s32 $0x13E00, s2;
	[sflag:s26] =	ssyncadd.s32 $0xFFFFC000  }
0x12a: {  	[tilespmem:s30], [sflag:$0x6] =	stream.linear.gather [hbm4b:s2+s6], $0x100, $0x38;
	[tilespmem:$0x1BC80] =	vst v63  }
0x12b: {  	_ =	swait.ge [sflag:s3], $0x100  }
0x12c: {  	[sflag:s3] =	ssyncset.done $0x0  }
0x12d: {  	s22 =	simm.s32 $0xFFFED800;
	[sflag:s3] =	ssyncadd.s32 $0xFFFFFF00  }
.LBB2_8:
0x12e: {  	[tilespmem:s4], [sflag:$0x2] =	stream.indirect.gather [hbm4b:s7+s0], $0x80, s28, s0, $0xb8;
	[tilespmem:$0x1BC80] =	vst v63  }
0x12f: {  	s2 =	smov.u32 s22  }
0x130: {  	p3 =	sne.s32 s22, $0xFFFFF800;
	s22 =	sadd.s32 $0x800, s22;
	_ =	swait.ge [sflag:s14], $0x4000  }
0x131: {  	[sflag:s14] =	ssyncset.done $0x0  }
0x132: {  	[sflag:s14] =	ssyncadd.s32 $0xFFFFC000  }
0x133: {  	[spmem:s5] =	stream.indirect.scatter.add.f32 [tilespmem:s25], [sflag:$0x7], $0x80, s0, s0, $0xb8;
	[tilespmem:$0x1BC80] =	vst v63  }
0x134: {  	_ =	swait.ge [sflag:s26], $0x4000  }
0x135: {  	s2 =	sadd.s32 s2, s11;
	[sflag:s26] =	ssyncset.done $0x0  }
0x136: {  	s9 =	sadd.s32 $0x13800, s2;
	[sflag:s26] =	ssyncadd.s32 $0xFFFFC000  }
0x137: {  	[tilespmem:s6], [sflag:$0x3] =	stream.linear.gather [hbm4b:s9+s6], $0x100, $0x38;
	[tilespmem:$0x1BC80] =	vst v63  }
0x138: {  	_ =	swait.ge [sflag:s15], $0x100  }
0x139: {  	[sflag:s15] =	ssyncset.done $0x0  }
0x13a: {  	[sflag:s15] =	ssyncadd.s32 $0xFFFFFF00  }
0x13b: {  	[tilespmem:s25], [sflag:$0x1] =	stream.indirect.gather [hbm4b:s7+s0], $0x80, s29, s0, $0xb8;
	[tilespmem:$0x1BC80] =	vst v63  }
0x13c: {  	_ =	swait.ge [sflag:s16], $0x4000  }
0x13d: {  	[sflag:s16] =	ssyncset.done $0x0  }
0x13e: {  	[sflag:s16] =	ssyncadd.s32 $0xFFFFC000  }
0x13f: {  	[spmem:s5] =	stream.indirect.scatter.add.f32 [tilespmem:s4], [sflag:$0x7], $0x80, s19, s0, $0xb8;
	[tilespmem:$0x1BC80] =	vst v63  }
0x140: {  	_ =	swait.ge [sflag:s26], $0x4000  }
0x141: {  	[sflag:s26] =	ssyncset.done $0x0  }
0x142: {  	s9 =	sadd.s32 $0x13A00, s2;
	[sflag:s26] =	ssyncadd.s32 $0xFFFFC000  }
0x143: {  	[tilespmem:s28], [sflag:$0x4] =	stream.linear.gather [hbm4b:s9+s6], $0x100, $0x38;
	[tilespmem:$0x1BC80] =	vst v63  }
0x144: {  	_ =	swait.ge [sflag:s20], $0x100  }
0x145: {  	[sflag:s20] =	ssyncset.done $0x0  }
0x146: {  	[sflag:s20] =	ssyncadd.s32 $0xFFFFFF00  }
0x147: {  	[tilespmem:s4], [sflag:$0x2] =	stream.indirect.gather [hbm4b:s7+s0], $0x80, s30, s0, $0xb8;
	[tilespmem:$0x1BC80] =	vst v63  }
0x148: {  	_ =	swait.ge [sflag:s14], $0x4000  }
0x149: {  	[sflag:s14] =	ssyncset.done $0x0  }
0x14a: {  	[sflag:s14] =	ssyncadd.s32 $0xFFFFC000  }
0x14b: {  	[spmem:s5] =	stream.indirect.scatter.add.f32 [tilespmem:s25], [sflag:$0x7], $0x80, s21, s0, $0xb8;
	[tilespmem:$0x1BC80] =	vst v63  }
0x14c: {  	_ =	swait.ge [sflag:s26], $0x4000  }
0x14d: {  	[sflag:s26] =	ssyncset.done $0x0  }
0x14e: {  	s9 =	sadd.s32 $0x13C00, s2;
	[sflag:s26] =	ssyncadd.s32 $0xFFFFC000  }
0x14f: {  	[tilespmem:s29], [sflag:$0x5] =	stream.linear.gather [hbm4b:s9+s6], $0x100, $0x38;
	[tilespmem:$0x1BC80] =	vst v63  }
0x150: {  	_ =	swait.ge [sflag:s31], $0x100  }
0x151: {  	[sflag:s31] =	ssyncset.done $0x0  }
0x152: {  	[sflag:s31] =	ssyncadd.s32 $0xFFFFFF00  }
0x153: {  	[tilespmem:s25], [sflag:$0x1] =	stream.indirect.gather [hbm4b:s7+s0], $0x80, s6, s0, $0xb8;
	[tilespmem:$0x1BC80] =	vst v63  }
0x154: {  	_ =	swait.ge [sflag:s16], $0x4000  }
0x155: {  	[sflag:s16] =	ssyncset.done $0x0  }
0x156: {  	[sflag:s16] =	ssyncadd.s32 $0xFFFFC000  }
0x157: {  	[spmem:s5] =	stream.indirect.scatter.add.f32 [tilespmem:s4], [sflag:$0x7], $0x80, s18, s0, $0xb8;
	[tilespmem:$0x1BC80] =	vst v63  }
0x158: {  	_ =	swait.ge [sflag:s26], $0x4000  }
0x159: {  	[sflag:s26] =	ssyncset.done $0x0  }
.Ltmp7:
0x15a: {  	s2 =	sadd.s32 $0x13E00, s2;
	[sflag:s26] =	ssyncadd.s32 $0xFFFFC000;
	(pc) =	sbr.rel @p3 .LBB2_8-.Ltmp7, $4  }
0x15b: {  	[tilespmem:s30], [sflag:$0x6] =	stream.linear.gather [hbm4b:s2+s6], $0x100, $0x38;
	[tilespmem:$0x1BC80] =	vst v63  }
0x15c: {  	_ =	swait.ge [sflag:s3], $0x100  }
0x15d: {  	[sflag:s3] =	ssyncset.done $0x0  }
0x15e: {  	[sflag:s3] =	ssyncadd.s32 $0xFFFFFF00  }
0x15f: {  	[tilespmem:s4], [sflag:$0x2] =	stream.indirect.gather [hbm4b:s7+s0], $0x80, s28, s0, $0xb8;
	[tilespmem:$0x1BC80] =	vst v63  }
0x160: {  	_ =	swait.ge [sflag:s14], $0x4000  }
0x161: {  	[sflag:s14] =	ssyncset.done $0x0  }
0x162: {  	[sflag:s14] =	ssyncadd.s32 $0xFFFFC000  }
0x163: {  	[spmem:s5] =	stream.indirect.scatter.add.f32 [tilespmem:s25], [sflag:$0x7], $0x80, s0, s0, $0xb8;
	[tilespmem:$0x1BC80] =	vst v63  }
0x164: {  	_ =	swait.ge [sflag:s26], $0x4000  }
0x165: {  	[sflag:s26] =	ssyncset.done $0x0  }
0x166: {  	[sflag:s26] =	ssyncadd.s32 $0xFFFFC000  }
0x167: {  	_ =	swait.ge [sflag:s15], $0x100  }
0x168: {  	[sflag:s15] =	ssyncset.done $0x0  }
0x169: {  	[sflag:s15] =	ssyncadd.s32 $0xFFFFFF00  }
0x16a: {  	[tilespmem:s25], [sflag:$0x1] =	stream.indirect.gather [hbm4b:s7+s0], $0x80, s29, s0, $0xb8;
	[tilespmem:$0x1BC80] =	vst v63  }
0x16b: {  	_ =	swait.ge [sflag:s16], $0x4000  }
0x16c: {  	[sflag:s16] =	ssyncset.done $0x0  }
0x16d: {  	[sflag:s16] =	ssyncadd.s32 $0xFFFFC000  }
0x16e: {  	[spmem:s5] =	stream.indirect.scatter.add.f32 [tilespmem:s4], [sflag:$0x7], $0x80, s19, s0, $0xb8;
	[tilespmem:$0x1BC80] =	vst v63  }
0x16f: {  	_ =	swait.ge [sflag:s26], $0x4000  }
0x170: {  	[sflag:s26] =	ssyncset.done $0x0  }
0x171: {  	[sflag:s26] =	ssyncadd.s32 $0xFFFFC000  }
0x172: {  	_ =	swait.ge [sflag:s20], $0x100  }
0x173: {  	[sflag:s20] =	ssyncset.done $0x0  }
0x174: {  	[sflag:s20] =	ssyncadd.s32 $0xFFFFFF00  }
0x175: {  	[tilespmem:s4], [sflag:$0x2] =	stream.indirect.gather [hbm4b:s7+s0], $0x80, s30, s0, $0xb8;
	[tilespmem:$0x1BC80] =	vst v63  }
0x176: {  	_ =	swait.ge [sflag:s14], $0x4000  }
0x177: {  	[sflag:s14] =	ssyncset.done $0x0  }
0x178: {  	[sflag:s14] =	ssyncadd.s32 $0xFFFFC000  }
0x179: {  	[spmem:s5] =	stream.indirect.scatter.add.f32 [tilespmem:s25], [sflag:$0x7], $0x80, s21, s0, $0xb8;
	[tilespmem:$0x1BC80] =	vst v63  }
0x17a: {  	_ =	swait.ge [sflag:s26], $0x4000  }
0x17b: {  	[sflag:s26] =	ssyncset.done $0x0  }
0x17c: {  	[sflag:s26] =	ssyncadd.s32 $0xFFFFC000  }
0x17d: {  	_ =	swait.ge [sflag:s16], $0x4000  }
0x17e: {  	[sflag:s16] =	ssyncset.done $0x0  }
0x17f: {  	[sflag:s16] =	ssyncadd.s32 $0xFFFFC000  }
0x180: {  	[spmem:s5] =	stream.indirect.scatter.add.f32 [tilespmem:s4], [sflag:$0x7], $0x80, s18, s0, $0xb8;
	[tilespmem:$0x1BC80] =	vst v63  }
.Ltmp8:
0x181: {  	_ = 	snop;
	(pc) =	sbr.rel @p2 .LBB2_11-.Ltmp8, $4  }
.Ltmp9:
0x182: {  	_ =	swait.ge [sflag:s26], $0x4000;
	(pc) =	sbr.rel @!p2 .LBB2_10-.Ltmp9, $4  }
0x183: {  	[sflag:s26] =	ssyncset.done $0x0  }
0x184: {  	s2 =	rddreg [dreg:$0xa];
	[sflag:s26] =	ssyncadd.s32 $0xFFFFC000  }
0x185: {  	s22 =	smov.u32 s7;
	s9 =	rddreg [dreg:$0x3]  }
0x186: {  	_ = 	snop  }
.LBB2_12:
0x187: {  	_ =	sfence.sel $0x180000  }
0x188: {  	[bflag:$0x0] =	sbarrier.arrive $0xFFFF  }
0x189: {  	_ =	strace $0x9000004A  }
0x18a: {  	s0 =	stileid.u32;
	[bflag:$0x2] =	sbarrier.arrive $0xFFFF  }
0x18b: {  	p0 =	sne.s32 s0, $0x0;
	s0 =	rddreg [dreg:$0x5]  }
0x18c: {  	s0 =	sadd.s32 @!p0 $0x100000, s0  }
0x18d: {  	[sflag:s0] =	ssyncadd.tile.s32 @!p0 $0x1;
	_ =	shalt  }
.Lfunc_end2:
_tile_overlayer_lowered:
.L_overlay_start_2:
0x18e: {  	(tag) =	ssettag $0x2  }
0x18f: {  	s0 =	rddreg [dreg:$0x0];
	s2 =	stileid.u32  }
0x190: {  	s1 =	rddreg [dreg:$0x1];
	p0 =	sne.s32 s2, $0x0  }
0x191: {  	s3 =	rddreg [dreg:$0x2];
	[bflag:$0x3] =	sbarrier.arrive $0xFFFF;
	s2 =	simm.s32 @!p0 $0x1C07  }
0x192: {  	[timem:s3], [sflag:s2] =	dma.local @!p0 [hbm:s0], s1  }
0x193: {  	s0 =	simm.s32 @!p0 $0x7  }
0x194: {  	_ =	swait.ge @!p0 [sflag:s0], s1  }
0x195: {  	s1 =	ssub.s32 @!p0 $0x0, s1;
	[sflag:s0] =	ssyncset.done @!p0 $0x0  }
0x196: {  	[sflag:s0] =	ssyncadd.s32 @!p0 s1  }
0x197: {  	[bflag:$0x3] =	sbarrier.arrive $0xFFFF  }
0x198: {  	_ =	shalt  }

// kernel: kernel.7.cloned.1.call-start
scs
__scs_entry_jumppad:
0x0: {  	(pc) =	sbr.rel $0x88, $3  }
0x1: {  	(tag) =	ssettag $0x0;
	lr =	simm.s32 $0x1  }
0x2: {  	[smem:$0x3F92] =	sst lr;
	_ =	strace $0xD0000000  }
0x3: {  	_ = 	snop  }
0x4: {  	_ = 	snop  }
0x5: {  	_ = 	snop  }
0x6: {  	_ = 	snop  }
0x7: {  	_ = 	snop  }
__scs_overlays_trampoline_lowered:
0x8: {  	[smem:$0x3FA1] =	sst s0  }
0x9: {  	[smem:$0x3FA2] =	sst s1  }
0xa: {  	[smem:$0x3FA3] =	sst s2  }
0xb: {  	[smem:$0x3FA4] =	sst s3  }
0xc: {  	[smem:$0x3FA5] =	sst s4  }
0xd: {  	[smem:$0x3FA6] =	sst s5  }
0xe: {  	[smem:$0x3FA7] =	sst s6  }
0xf: {  	[smem:$0x3FA8] =	sst s7  }
0x10: {  	[smem:$0x3FA9] =	sst s8  }
0x11: {  	[smem:$0x3FAA] =	sst s9;
	s0 =	simm.s32 @!p0 $0x0  }
0x12: {  	s1 =	sld [smem:$0x3F90];
	s0 =	simm.s32 @p0 $0x1  }
0x13: {  	[smem:$0x3FAB] =	sst s0;
	s0 =	simm.s32 @!p1 $0x0  }
0x14: {  	s2 =	sld [smem:$0x3F8F];
	s0 =	simm.s32 @p1 $0x1  }
0x15: {  	[smem:$0x3FAC] =	sst s0;
	s0 =	simm.s32 @!p2 $0x0  }
0x16: {  	s3 =	sld [smem:$0x3FDB];
	s0 =	simm.s32 @p2 $0x1  }
0x17: {  	s4 =	simm.s32 $0x1BF5;
	[smem:$0x3FAE] =	sst s0  }
0x18: {  	s0 =	sld [smem:$0x3F91];
	_ =	swait.ge [sflag:s4], $0x0  }
0x19: {  	s7 =	sld [smem:$0x3F92]  }
0x1a: {  	s8 =	sadd.s32 $0xFFFFE003, lr  }
0x1b: {  	s9 =	sadd.s32 $0xFFFFFEF7, lr;
	s5 =	simm.s32 $0xFFFFFFFF;
	p2 =	slt.u32 s8, $0xFFFFF086  }
0x1c: {  	p1 =	slt.u32 s9, $0xF7A;
	s5 =	simm.s32 @!p2 $0x0  }
0x1d: {  	s5 =	simm.s32 @p1 $0x1;
	p0 =	seq.s32 s7, s2  }
0x1e: {  	s7 =	smul.u32 @!p0 $0xF7A, s2;
	p2 =	seq.s32 @!p0 s5, $0x0  }
0x1f: {  	s9 =	smul.u32 $0xF7A, s1;
	s8 =	simm.s32 @!p0 $0x1BF5;
	p2 =	por !p2, p0  }
0x20: {  	[sflag:s8] =	ssyncset.s32 @!p0 $0xFFFFF086;
	s6 =	sadd.s32 @!p0 s3, s7;
	s7 =	simm.s32 @!p0 $0x108  }
0x21: {  	s3 =	sadd.s32 s3, s9;
	s6 =	sadd.s32 @!p0 $0x88, s6;
	s7 =	simm.s32 @p2 $0x1082  }
0x22: {  	[simem:s7], [sflag:s8] =	dma.local @!p0 [hbm:s6], $0xF7A  }
0x23: {  	s9 =	sor.u32 $0xD0000000, s2;
	s6 =	simm.s32 $0x108;
	_ =	swait.ge @!p0 [sflag:s8], $0x0  }
0x24: {  	s3 =	sadd.s32 $0x88, s3;
	s6 =	simm.s32 @!p1 $0x1082;
	[sflag:s4] =	ssyncset.s32 $0xFFFFF086  }
0x25: {  	[simem:s6], [sflag:s4] =	dma.local [hbm:s3], $0xF7A  }
0x26: {  	[smem:$0x3F92] =	sst s1;
	(tag) =	ssettag s2;
	_ =	strace s9  }
0x27: {  	s1 =	sld [smem:$0x3FA2]  }
0x28: {  	s2 =	sld [smem:$0x3FA3]  }
0x29: {  	s4 =	sld [smem:$0x3FA5]  }
0x2a: {  	p0 =	seq.s32 s5, $0x0;
	s5 =	sld [smem:$0x3FA6]  }
0x2b: {  	s6 =	sld [smem:$0x3FA7]  }
0x2c: {  	s7 =	sld [smem:$0x3FA8]  }
0x2d: {  	s3 =	simm.s32 $0x108;
	s8 =	sld [smem:$0x3FA9]  }
0x2e: {  	s3 =	simm.s32 @!p0 $0x1082;
	s9 =	sld [smem:$0x3FAA]  }
0x2f: {  	lr =	sadd.s32 s0, s3;
	s0 =	sld [smem:$0x3FA1]  }
0x30: {  	s3 =	sld [smem:$0x3FA4]  }
0x31: {  	[smem:$0x3FAD] =	sst s10  }
0x32: {  	s10 =	sld [smem:$0x3FAB];
	_ =	sdelay $0x3  }
0x33: {  	p0 =	seq.s32 s10, $0x1;
	s10 =	sld [smem:$0x3FAD];
	_ =	sdelay $0x3  }
0x34: {  	[smem:$0x3FAD] =	sst s10  }
0x35: {  	s10 =	sld [smem:$0x3FAC];
	_ =	sdelay $0x3  }
0x36: {  	p1 =	seq.s32 s10, $0x1;
	s10 =	sld [smem:$0x3FAD];
	_ =	sdelay $0x3  }
0x37: {  	[smem:$0x3FAD] =	sst s10  }
0x38: {  	s10 =	sld [smem:$0x3FAE]  }
0x39: {  	_ = 	snop;
	(pc) =	sbr.ind lr, $3  }
0x3a: {  	_ = 	snop  }
0x3b: {  	_ = 	snop  }
0x3c: {  	p2 =	seq.s32 s10, $0x1;
	s10 =	sld [smem:$0x3FAD]  }
0x3d: {  	_ =	shalt  }
0x3e: {  	_ =	shalt  }
0x3f: {  	_ =	shalt  }
0x40: {  	_ =	shalt  }
0x41: {  	_ =	shalt  }
0x42: {  	_ =	shalt  }
0x43: {  	_ =	shalt  }
0x44: {  	_ =	shalt  }
0x45: {  	_ =	shalt  }
0x46: {  	_ =	shalt  }
0x47: {  	_ =	shalt  }
0x48: {  	_ =	shalt  }
0x49: {  	_ =	shalt  }
0x4a: {  	_ =	shalt  }
0x4b: {  	_ =	shalt  }
0x4c: {  	_ =	shalt  }
0x4d: {  	_ =	shalt  }
0x4e: {  	_ =	shalt  }
0x4f: {  	_ =	shalt  }
0x50: {  	_ =	shalt  }
0x51: {  	_ =	shalt  }
0x52: {  	_ =	shalt  }
0x53: {  	_ =	shalt  }
0x54: {  	_ =	shalt  }
0x55: {  	_ =	shalt  }
0x56: {  	_ =	shalt  }
0x57: {  	_ =	shalt  }
0x58: {  	_ =	shalt  }
0x59: {  	_ =	shalt  }
0x5a: {  	_ =	shalt  }
0x5b: {  	_ =	shalt  }
0x5c: {  	_ =	shalt  }
0x5d: {  	_ =	shalt  }
0x5e: {  	_ =	shalt  }
0x5f: {  	_ =	shalt  }
0x60: {  	_ =	shalt  }
0x61: {  	_ =	shalt  }
0x62: {  	_ =	shalt  }
0x63: {  	_ =	shalt  }
0x64: {  	_ =	shalt  }
0x65: {  	_ =	shalt  }
0x66: {  	_ =	shalt  }
0x67: {  	_ =	shalt  }
0x68: {  	_ =	shalt  }
0x69: {  	_ =	shalt  }
0x6a: {  	_ =	shalt  }
0x6b: {  	_ =	shalt  }
0x6c: {  	_ =	shalt  }
0x6d: {  	_ =	shalt  }
0x6e: {  	_ =	shalt  }
0x6f: {  	_ =	shalt  }
0x70: {  	_ =	shalt  }
0x71: {  	_ =	shalt  }
0x72: {  	_ =	shalt  }
0x73: {  	_ =	shalt  }
0x74: {  	_ =	shalt  }
0x75: {  	_ =	shalt  }
0x76: {  	_ =	shalt  }
0x77: {  	_ =	shalt  }
0x78: {  	_ =	shalt  }
0x79: {  	_ =	shalt  }
0x7a: {  	_ =	shalt  }
0x7b: {  	_ =	shalt  }
0x7c: {  	_ =	shalt  }
0x7d: {  	_ =	shalt  }
0x7e: {  	_ =	shalt  }
0x7f: {  	_ =	shalt  }
0x80: {  	_ =	shalt  }
0x81: {  	_ =	shalt  }
0x82: {  	_ =	shalt  }
0x83: {  	_ =	shalt  }
0x84: {  	_ =	shalt  }
0x85: {  	_ =	shalt  }
0x86: {  	_ =	shalt  }
0x87: {  	_ =	shalt  }
.Lfunc_end0:
.L_simem_size_0:
called_computation_lowered:
.L_overlay_start_0:
0x88: {  	s2 =	sld [smem:$0x3FD9]  }
0x89: {  	s3 =	sld [smem:$0x3FFE];
	_ =	sdelay $0x1  }
0x8a: {  	s1 =	srdreg.scid  }
0x8b: {  	s0 =	sand.u32 $0x1, s1  }
0x8c: {  	s17 =	sshll.u32 s0, $0xA;
	s2 =	sadd.s32 s3, s2  }
0x8d: {  	s2 =	sadd.s32 s2, s17  }
0x8e: {  	[smem:$0x3FB9] =	sst s2  }
0x8f: {  	_ = 	snop  }
0x90: {  	s2 =	sld [smem:$0x3FC8]  }
0x91: {  	s18 =	sld [smem:$0x3FC7]  }
0x92: {  	s4 =	sld [smem:$0x3FD0];
	(tm) =	ssettm $0x1  }
0x93: {  	s5 =	sld [smem:$0x3FFB];
	_ =	sdelay $0x3  }
0x94: {  	_ =	strace s5  }
0x95: {  	s5 =	sld [smem:$0x3FFC];
	_ =	sdelay $0x3  }
0x96: {  	_ =	strace s5  }
0x97: {  	s5 =	sld [smem:$0x3FFD];
	_ =	sdelay $0x3  }
0x98: {  	_ =	strace s5  }
0x99: {  	_ =	strace $0x8FFFFFFF  }
0x9a: {  	s19 =	sld [smem:$0x3FDB];
	_ =	sdelay $0x1  }
0x9b: {  	s6 =	simm.s32 $_scs_section_size  }
0x9c: {  	s7 =	simm.s32 $_size__tile_overlayer_lowered;
	s8 =	simm.s32 $_tile_overlayer_lowered  }
0x9d: {  	s22 =	simm.s32 $0x1BFF;
	s21 =	sshll.u32 s8, $0x1;
	s5 =	sadd.s32 s6, s19  }
0x9e: {  	s9 =	simm.s32 $0x0;
	s20 =	sshll.u32 s7, $0x1;
	s7 =	sadd.s32 s21, s5  }
0x9f: {  	[timem:s9], [sflag:s22] =	dma.local [hbm:s7], s20  }
0xa0: {  	_ =	swait.ge [sflag:s22], s20  }
0xa1: {  	s6 =	ssub.s32 $0x0, s20;
	[sflag:s22] =	ssyncset.done $0x0  }
0xa2: {  	[sflag:s22] =	ssyncadd.s32 s6;
	_ =	sdelay $0x1  }
0xa3: {  	s23 =	simm.s32 $0x1B8B  }
0xa4: {  	_ =	swait.ge [sflag:s23], $0x1  }
0xa5: {  	[sflag:s23] =	ssyncset.done $0x0  }
0xa6: {  	s25 =	simm.s32 $0x1B8E;
	s24 =	sld [smem:$0x3FFE];
	[sflag:s23] =	ssyncadd.s32 $0xFFFFFFFF  }
0xa7: {  	s26 =	simm.s32 $execute0_lowered;
	[smem:$0x3FD2] =	sst s25  }
0xa8: {  	s7 =	sshll.u32 s26, $0x1;
	_ =	strace $0x80000046;
	[dreg:$0x1] =	wrdreg $0xFFFFFFFF  }
0xa9: {  	s28 =	simm.s32 $_size_execute0_lowered;
	s5 =	sadd.s32 s5, s7;
	[dreg:$0x0] =	wrdreg $0x0  }
0xaa: {  	s7 =	sshll.u32 s28, $0x1;
	[dreg:$0x2] =	wrdreg s5  }
0xab: {  	[dreg:$0x3] =	wrdreg s7  }
0xac: {  	[dreg:$0x4] =	wrdreg $0xC0  }
0xad: {  	_ =	task [dreg:s9], $0x5FFFF  }
0xae: {  	[dreg:$0x1] =	wrdreg $0xFFFFFFFF  }
0xaf: {  	[dreg:$0x0] =	wrdreg $0x60  }
0xb0: {  	[dreg:$0x2] =	wrdreg s4  }
0xb1: {  	[dreg:$0x3] =	wrdreg s24  }
0xb2: {  	[dreg:$0x4] =	wrdreg s2  }
0xb3: {  	[dreg:$0x5] =	wrdreg s18  }
0xb4: {  	[dreg:$0x6] =	wrdreg $0x84000  }
0xb5: {  	[dreg:$0x7] =	wrdreg $0x9  }
0xb6: {  	_ =	task.clear_ibuf [dreg:s9], $0x8FFFF;
	_ =	strace $0x90000046  }
0xb7: {  	s29 =	simm.s32 $0x9;
	_ =	strace $0x80000048  }
0xb8: {  	_ =	swait.ge [sflag:s29], $0x1  }
0xb9: {  	[sflag:s29] =	ssyncadd.s32 $0xFFFFFFFF  }
0xba: {  	_ =	strace $0x90000048  }
0xbb: {  	_ =	sfence  }
0xbc: {  	s30 =	sld [smem:$0x0];
	_ =	sdelay $0x2  }
0xbd: {  	s31 =	sshll.u32 s1, $0xD;
	s1 =	sshrl.u32 s1, $0x2  }
0xbe: {  	s3 =	sand.u32 $0x4000, s31;
	s1 =	sadd.s32 s1, s30  }
0xbf: {  	s0 =	sor.u32 s3, s0;
	s1 =	sshll.u32 s1, $0x11  }
0xc0: {  	s0 =	sor.u32 s1, s0  }
0xc1: {  	s0 =	sadd.s32 $0x8F2B, s0  }
0xc2: {  	[sflag:s0] =	ssyncadd.remote.s32 $0x1  }
0xc3: {  	_ =	sfence.sel $0xFFFF  }
0xc4: {  	[dreg:$0x0] =	wrdreg $0xFFFFFFFF;
	(pc) =	sbr.abs _section_cstart, $3  }
0xc5: {  	[dreg:$0x1] =	wrdreg $0xFFFFFFFF  }
0xc6: {  	_ =	task.clear_ibuf [dreg:s9], $0x2FFFF;
	_ =	strace $0x9FFFFFFF  }
0xc7: {  	(tm) =	ssettm $0x7FFFFFFF  }
tec
execute0_lowered:
.L_overlay_start_1:
0x0: {  	(tag) =	ssettag $0x1  }
0x1: {  	s1 =	rddreg [dreg:$0x0]  }
0x2: {  	s0 =	rddreg [dreg:$0x1]  }
0x3: {  	s14 =	rddreg [dreg:$0x2]  }
0x4: {  	s11 =	rddreg [dreg:$0x3]  }
0x5: {  	s5 =	rddreg [dreg:$0x4];
	s9 =	stileid.u32  }
0x6: {  	s6 =	simm.s32 $0x0;
	s3 =	srdreg.scid;
	s28 =	simm.s32 $0x100  }
0x7: {  	s29 =	simm.s32 $0x200;
	s30 =	simm.s32 $0x300;
	s31 =	simm.s32 $0x3  }
0x8: {  	s16 =	simm.s32 $0x2;
	s2 =	smul.u32 $0x280, s9;
	[smem:$0x7FF] =	sst s6  }
0x9: {  	s3 =	sand.u32 $0x1, s3;
	s7 =	sadd.s32 $0x4200, s0;
	s19 =	sshll.u32 s9, $0x5  }
0xa: {  	p1 =	slt.u32 s9, $0x4;
	p2 =	sgt.u32 s9, $0x3;
	_ =	strace $0x80000047  }
0xb: {  	s8 =	ssub.s32 $0x2, s3;
	s11 =	sadd.s32 s11, s19;
	s17 =	sadd.s32 s14, s19  }
0xc: {  	s26 =	sor.u32 $0x13800, s19;
	p0 =	sne.s32 s3, $0x0;
	s3 =	simm.s32 $0x4  }
0xd: {  	s14 =	simm.s32 $0x1;
	s15 =	sadd.s32 $0x200, s11;
	[dreg:$0xf] =	wrdreg s26  }
0xe: {  	s19 =	simm.s32 $0x180;
	s20 =	sadd.s32 $0x400, s11;
	[dreg:$0x7] =	wrdreg s15  }
0xf: {  	s2 =	smin.u32 s2, $0x2490;
	s21 =	sadd.s32 $0x600, s11;
	[dreg:$0x8] =	wrdreg s20  }
0x10: {  	s18 =	sshrl.u32 s8, $0x1;
	s23 =	sadd.s32 $0x200, s17;
	[dreg:$0x9] =	wrdreg s21  }
0x11: {  	s24 =	sadd.s32 $0x400, s17;
	s25 =	sadd.s32 $0x600, s17;
	[dreg:$0xb] =	wrdreg s23  }
0x12: {  	s26 =	simm.s32 $0x7;
	s4 =	sshll.u32 s2, $0x4;
	[dreg:$0xc] =	wrdreg s24  }
0x13: {  	s2 =	sshll.u32 s2, $0x7;
	[dreg:$0xd] =	wrdreg s25;
	s25 =	simm.s32 $0x400  }
0x14: {  	s15 =	simm.s32 $0x5;
	s20 =	simm.s32 $0x6;
	s21 =	simm.s32 $0x280  }
0x15: {  	s24 =	simm.s32 $0x0;
	s0 =	sadd.s32 s4, s0;
	s4 =	ssub.s32 s8, s18  }
.Ltmp0:
0x16: {  	s8 =	sadd.s32 s2, s5;
	s18 =	simm.s32 $0x380;
	(pc) =	sbr.rel .LBB2_1-.Ltmp0, $4  }
0x17: {  	s10 =	sadd.s32 $0x4000, s8;
	s12 =	sadd.s32 $0xC000, s8;
	s13 =	sadd.s32 $0x10000, s8  }
0x18: {  	s22 =	sadd.s32 $0x52600, s0;
	s0 =	sadd.s32 $0x2B400, s0;
	[dreg:$0x6] =	wrdreg s10  }
0x19: {  	s23 =	smax.u32 s4, $0x1;
	s4 =	simm.s32 $0x4400;
	[dreg:$0xa] =	wrdreg s22  }
0x1a: {  	v0 =	vimm.f32 $0.0e+00;
	s10 =	sadd.s32 $0x8000, s8;
	[dreg:$0xe] =	wrdreg s0;
	s0 =	simm.s32 $0x80  }
.LBB2_10:
0x1b: {  	[dreg:$0x10] =	wrdreg s24  }
0x1c: {  	s24 =	smov.u32 s8;
	s8 =	smov.u32 s23;
	s23 =	smov.u32 s13  }
0x1d: {  	s13 =	smov.u32 s12;
	s12 =	smov.u32 s10;
	s10 =	rddreg [dreg:$0xf]  }
0x1e: {  	s9 =	sadd.s32 s10, s9;
	s10 =	smov.u32 s12  }
0x1f: {  	s12 =	smov.u32 s13;
	s13 =	smov.u32 s23;
	s23 =	smov.u32 s8  }
0x20: {  	[tilespmem:s6], [sflag:$0x3] =	stream.linear.gather [hbm4b:s9+s6], $0x100, $0x38;
	[tilespmem:$0x1BC80] =	vst v63  }
0x21: {  	s8 =	smov.u32 s24;
	s24 =	rddreg [dreg:$0x10];
	_ =	swait.ge [sflag:s31], $0x100  }
0x22: {  	[sflag:s31] =	ssyncset.done $0x0  }
0x23: {  	[sflag:s31] =	ssyncadd.s32 $0xFFFFFF00  }
0x24: {  	[tilespmem:s25], [sflag:$0x1] =	stream.indirect.gather [hbm4b:s22+s0], $0x80, s6, s0, $0xb8;
	[tilespmem:$0x1BC80] =	vst v63  }
0x25: {  	_ =	swait.ge [sflag:s14], $0x4000  }
0x26: {  	[sflag:s14] =	ssyncset.done $0x0  }
0x27: {  	[sflag:s14] =	ssyncadd.s32 $0xFFFFC000  }
0x28: {  	[spmem:s5] =	stream.indirect.scatter.add.f32 [tilespmem:s25], [sflag:$0x7], $0x80, s0, s0, $0xb8;
	[tilespmem:$0x1BC80] =	vst v63  }
0x29: {  	_ =	swait.ge [sflag:s26], $0x4000  }
0x2a: {  	[sflag:s26] =	ssyncset.done $0x0  }
0x2b: {  	[sflag:s26] =	ssyncadd.s32 $0xFFFFC000  }
.LBB2_11:
0x2c: {  	s9 =	stileid.u32;
	s24 =	sadd.s32 $0x1, s24  }
0x2d: {  	[bflag:$0x0] =	sbarrier.arrive $0xFFFF;
	s9 =	sshll.u32 s9, $0x6;
	p3 =	sne.s32 s24, s23  }
.Ltmp1:
0x2e: {  	s22 =	sshrl.u32 s8, $0x3;
	s9 =	sor.u32 $0x1C07, s9;
	(pc) =	sbr.rel @!p3 .LBB2_12-.Ltmp1, $4  }
0x2f: {  	[hbm:s2], [sflag:s9] =	dma.local [spmem:s22], $0x2800  }
0x30: {  	_ =	swait.ge [sflag:s26], $0x2800  }
0x31: {  	[sflag:s26] =	ssyncset.done $0x0  }
0x32: {  	[sflag:s26] =	ssyncadd.s32 $0xFFFFD800  }
.LBB2_1:
0x33: {  	s2 =	simm.s32 $0x0;
	s22 =	simm.s32 $0x200  }
.LBB2_2:
0x34: {  	p3 =	sne.s32 s22, $0xFE00;
	[tilespmem:s2+$0x470] =	vst v0  }
0x35: {  	[tilespmem:s2+$0x400] =	vst v0  }
0x36: {  	[tilespmem:s2+$0x410] =	vst v0  }
.Ltmp2:
0x37: {  	[tilespmem:s2+$0x420] =	vst v0;
	(pc) =	sbr.rel @p3 .LBB2_2-.Ltmp2, $4  }
0x38: {  	[tilespmem:s2+$0x430] =	vst v0  }
0x39: {  	[tilespmem:s2+$0x440] =	vst v0  }
0x3a: {  	[tilespmem:s2+$0x450] =	vst v0  }
0x3b: {  	[tilespmem:s2+$0x460] =	vst v0;
	s2 =	sshra.s32 s22, $0x2;
	s22 =	sadd.s32 $0x200, s22  }
0x3c: {  	[tilespmem:s2+$0x470] =	vst v0  }
0x3d: {  	[tilespmem:s2+$0x400] =	vst v0  }
0x3e: {  	[tilespmem:s2+$0x410] =	vst v0  }
0x3f: {  	[tilespmem:s2+$0x420] =	vst v0  }
0x40: {  	[tilespmem:s2+$0x430] =	vst v0  }
0x41: {  	[tilespmem:s2+$0x440] =	vst v0  }
0x42: {  	[tilespmem:s2+$0x450] =	vst v0  }
0x43: {  	[tilespmem:s2+$0x460] =	vst v0  }
0x44: {  	[spmem:s8] =	stream.linear.scatter [tilespmem:s25], [sflag:$0x7], $0x4000, $0x38;
	[tilespmem:$0x1BC80] =	vst v63  }
0x45: {  	_ =	swait.ge [sflag:s26], $0x4000  }
0x46: {  	[sflag:s26] =	ssyncset.done $0x0  }
0x47: {  	s22 =	rddreg [dreg:$0x6];
	[sflag:s26] =	ssyncadd.s32 $0xFFFFC000  }
0x48: {  	[spmem:s22] =	stream.linear.scatter [tilespmem:s25], [sflag:$0x7], $0x4000, $0x38;
	[tilespmem:$0x1BC80] =	vst v63  }
0x49: {  	_ =	swait.ge [sflag:s26], $0x4000  }
0x4a: {  	[sflag:s26] =	ssyncset.done $0x0  }
0x4b: {  	[sflag:s26] =	ssyncadd.s32 $0xFFFFC000  }
0x4c: {  	[spmem:s10] =	stream.linear.scatter [tilespmem:s25], [sflag:$0x7], $0x4000, $0x38;
	[tilespmem:$0x1BC80] =	vst v63  }
0x4d: {  	_ =	swait.ge [sflag:s26], $0x4000  }
0x4e: {  	[sflag:s26] =	ssyncset.done $0x0  }
0x4f: {  	[sflag:s26] =	ssyncadd.s32 $0xFFFFC000  }
0x50: {  	[spmem:s12] =	stream.linear.scatter [tilespmem:s25], [sflag:$0x7], $0x4000, $0x38;
	[tilespmem:$0x1BC80] =	vst v63  }
0x51: {  	_ =	swait.ge [sflag:s26], $0x4000  }
0x52: {  	[sflag:s26] =	ssyncset.done $0x0  }
0x53: {  	[sflag:s26] =	ssyncadd.s32 $0xFFFFC000  }
0x54: {  	[spmem:s13] =	stream.linear.scatter [tilespmem:s25], [sflag:$0x7], $0x4000, $0x38;
	[tilespmem:$0x1BC80] =	vst v63  }
.Ltmp3:
0x55: {  	_ =	swait.ge [sflag:s26], $0x4000;
	(pc) =	sbr.rel @p0 .LBB2_7-.Ltmp3, $3  }
0x56: {  	[sflag:s26] =	ssyncset.done $0x0  }
0x57: {  	[sflag:s26] =	ssyncadd.s32 $0xFFFFC000  }
0x58: {  	[bflag:$0x0] =	sbarrier.arrive $0xFFFF;
	_ =	sdelay $0x1  }
0x59: {  	[tilespmem:s6], [sflag:$0x3] =	stream.linear.gather [hbm4b:s17+s6], $0x100, $0x38;
	[tilespmem:$0x1BC80] =	vst v63  }
0x5a: {  	s2 =	rddreg [dreg:$0xb]  }
0x5b: {  	[tilespmem:s28], [sflag:$0x4] =	stream.linear.gather [hbm4b:s2+s6], $0x100, $0x38;
	[tilespmem:$0x1BC80] =	vst v63  }
0x5c: {  	s22 =	rddreg [dreg:$0xc]  }
0x5d: {  	[tilespmem:s29], [sflag:$0x5] =	stream.linear.gather [hbm4b:s22+s6], $0x100, $0x38;
	[tilespmem:$0x1BC80] =	vst v63  }
0x5e: {  	s9 =	rddreg [dreg:$0xd]  }
0x5f: {  	[tilespmem:s30], [sflag:$0x6] =	stream.linear.gather [hbm4b:s9+s6], $0x100, $0x38;
	[tilespmem:$0x1BC80] =	vst v63  }
0x60: {  	_ =	swait.ge [sflag:s31], $0x100  }
0x61: {  	[sflag:s31] =	ssyncset.done $0x0  }
0x62: {  	[sflag:s31] =	ssyncadd.s32 $0xFFFFFF00  }
0x63: {  	[tilespmem:s25], [sflag:$0x1] =	stream.indirect.gather [hbm4b:s1+s0], $0x80, s6, s0, $0xb8;
	[tilespmem:$0x1BC80] =	vst v63  }
0x64: {  	_ =	swait.ge [sflag:s3], $0x100  }
0x65: {  	[sflag:s3] =	ssyncset.done $0x0  }
0x66: {  	[sflag:s3] =	ssyncadd.s32 $0xFFFFFF00  }
0x67: {  	[tilespmem:s4], [sflag:$0x2] =	stream.indirect.gather [hbm4b:s1+s0], $0x80, s28, s0, $0xb8;
	[tilespmem:$0x1BC80] =	vst v63  }
0x68: {  	_ =	swait.ge [sflag:s14], $0x4000  }
0x69: {  	[sflag:s14] =	ssyncset.done $0x0  }
0x6a: {  	[sflag:s14] =	ssyncadd.s32 $0xFFFFC000  }
0x6b: {  	[spmem:s5] =	stream.indirect.scatter.add.f32 [tilespmem:s25], [sflag:$0x7], $0x80, s0, s0, $0xb8;
	[tilespmem:$0x1BC80] =	vst v63  }
0x6c: {  	_ =	swait.ge [sflag:s26], $0x4000  }
0x6d: {  	s2 =	sadd.s32 $0xFFFED000, s17;
	[sflag:s26] =	ssyncset.done $0x0  }
0x6e: {  	s9 =	sadd.s32 $0x13800, s2;
	[sflag:s26] =	ssyncadd.s32 $0xFFFFC000  }
0x6f: {  	[tilespmem:s6], [sflag:$0x3] =	stream.linear.gather [hbm4b:s9+s6], $0x100, $0x38;
	[tilespmem:$0x1BC80] =	vst v63  }
0x70: {  	_ =	swait.ge [sflag:s15], $0x100  }
0x71: {  	[sflag:s15] =	ssyncset.done $0x0  }
0x72: {  	[sflag:s15] =	ssyncadd.s32 $0xFFFFFF00  }
0x73: {  	[tilespmem:s25], [sflag:$0x1] =	stream.indirect.gather [hbm4b:s1+s0], $0x80, s29, s0, $0xb8;
	[tilespmem:$0x1BC80] =	vst v63  }
0x74: {  	_ =	swait.ge [sflag:s16], $0x4000  }
0x75: {  	[sflag:s16] =	ssyncset.done $0x0  }
0x76: {  	[sflag:s16] =	ssyncadd.s32 $0xFFFFC000  }
0x77: {  	[spmem:s5] =	stream.indirect.scatter.add.f32 [tilespmem:s4], [sflag:$0x7], $0x80, s19, s0, $0xb8;
	[tilespmem:$0x1BC80] =	vst v63  }
0x78: {  	_ =	swait.ge [sflag:s26], $0x4000  }
0x79: {  	[sflag:s26] =	ssyncset.done $0x0  }
0x7a: {  	s22 =	sadd.s32 $0x13A00, s2;
	[sflag:s26] =	ssyncadd.s32 $0xFFFFC000  }
0x7b: {  	[tilespmem:s28], [sflag:$0x4] =	stream.linear.gather [hbm4b:s22+s6], $0x100, $0x38;
	[tilespmem:$0x1BC80] =	vst v63  }
0x7c: {  	_ =	swait.ge [sflag:s20], $0x100  }
0x7d: {  	[sflag:s20] =	ssyncset.done $0x0  }
0x7e: {  	[sflag:s20] =	ssyncadd.s32 $0xFFFFFF00  }
0x7f: {  	[tilespmem:s4], [sflag:$0x2] =	stream.indirect.gather [hbm4b:s1+s0], $0x80, s30, s0, $0xb8;
	[tilespmem:$0x1BC80] =	vst v63  }
0x80: {  	_ =	swait.ge [sflag:s14], $0x4000  }
0x81: {  	[sflag:s14] =	ssyncset.done $0x0  }
0x82: {  	[sflag:s14] =	ssyncadd.s32 $0xFFFFC000  }
0x83: {  	[spmem:s5] =	stream.indirect.scatter.add.f32 [tilespmem:s25], [sflag:$0x7], $0x80, s21, s0, $0xb8;
	[tilespmem:$0x1BC80] =	vst v63  }
0x84: {  	_ =	swait.ge [sflag:s26], $0x4000  }
0x85: {  	[sflag:s26] =	ssyncset.done $0x0  }
0x86: {  	s22 =	sadd.s32 $0x13C00, s2;
	[sflag:s26] =	ssyncadd.s32 $0xFFFFC000  }
0x87: {  	[tilespmem:s29], [sflag:$0x5] =	stream.linear.gather [hbm4b:s22+s6], $0x100, $0x38;
	[tilespmem:$0x1BC80] =	vst v63  }
0x88: {  	_ =	swait.ge [sflag:s31], $0x100  }
0x89: {  	[sflag:s31] =	ssyncset.done $0x0  }
0x8a: {  	[sflag:s31] =	ssyncadd.s32 $0xFFFFFF00  }
0x8b: {  	[tilespmem:s25], [sflag:$0x1] =	stream.indirect.gather [hbm4b:s1+s0], $0x80, s6, s0, $0xb8;
	[tilespmem:$0x1BC80] =	vst v63  }
0x8c: {  	_ =	swait.ge [sflag:s16], $0x4000  }
0x8d: {  	[sflag:s16] =	ssyncset.done $0x0  }
0x8e: {  	[sflag:s16] =	ssyncadd.s32 $0xFFFFC000  }
0x8f: {  	[spmem:s5] =	stream.indirect.scatter.add.f32 [tilespmem:s4], [sflag:$0x7], $0x80, s18, s0, $0xb8;
	[tilespmem:$0x1BC80] =	vst v63  }
0x90: {  	_ =	swait.ge [sflag:s26], $0x4000  }
0x91: {  	[sflag:s26] =	ssyncset.done $0x0  }
0x92: {  	s2 =	sadd.s32 $0x13E00, s2;
	[sflag:s26] =	ssyncadd.s32 $0xFFFFC000  }
0x93: {  	[tilespmem:s30], [sflag:$0x6] =	stream.linear.gather [hbm4b:s2+s6], $0x100, $0x38;
	[tilespmem:$0x1BC80] =	vst v63  }
0x94: {  	_ =	swait.ge [sflag:s3], $0x100  }
0x95: {  	[sflag:s3] =	ssyncset.done $0x0  }
0x96: {  	s22 =	simm.s32 $0xFFFED800;
	[sflag:s3] =	ssyncadd.s32 $0xFFFFFF00  }
.LBB2_5:
0x97: {  	[tilespmem:s4], [sflag:$0x2] =	stream.indirect.gather [hbm4b:s1+s0], $0x80, s28, s0, $0xb8;
	[tilespmem:$0x1BC80] =	vst v63  }
0x98: {  	s2 =	smov.u32 s22  }
0x99: {  	p3 =	sne.s32 s22, $0xFFFFF800;
	s22 =	sadd.s32 $0x800, s22;
	_ =	swait.ge [sflag:s14], $0x4000  }
0x9a: {  	[sflag:s14] =	ssyncset.done $0x0  }
0x9b: {  	[sflag:s14] =	ssyncadd.s32 $0xFFFFC000  }
0x9c: {  	[spmem:s5] =	stream.indirect.scatter.add.f32 [tilespmem:s25], [sflag:$0x7], $0x80, s0, s0, $0xb8;
	[tilespmem:$0x1BC80] =	vst v63  }
0x9d: {  	_ =	swait.ge [sflag:s26], $0x4000  }
0x9e: {  	s2 =	sadd.s32 s2, s17;
	[sflag:s26] =	ssyncset.done $0x0  }
0x9f: {  	s9 =	sadd.s32 $0x13800, s2;
	[sflag:s26] =	ssyncadd.s32 $0xFFFFC000  }
0xa0: {  	[tilespmem:s6], [sflag:$0x3] =	stream.linear.gather [hbm4b:s9+s6], $0x100, $0x38;
	[tilespmem:$0x1BC80] =	vst v63  }
0xa1: {  	_ =	swait.ge [sflag:s15], $0x100  }
0xa2: {  	[sflag:s15] =	ssyncset.done $0x0  }
0xa3: {  	[sflag:s15] =	ssyncadd.s32 $0xFFFFFF00  }
0xa4: {  	[tilespmem:s25], [sflag:$0x1] =	stream.indirect.gather [hbm4b:s1+s0], $0x80, s29, s0, $0xb8;
	[tilespmem:$0x1BC80] =	vst v63  }
0xa5: {  	_ =	swait.ge [sflag:s16], $0x4000  }
0xa6: {  	[sflag:s16] =	ssyncset.done $0x0  }
0xa7: {  	[sflag:s16] =	ssyncadd.s32 $0xFFFFC000  }
0xa8: {  	[spmem:s5] =	stream.indirect.scatter.add.f32 [tilespmem:s4], [sflag:$0x7], $0x80, s19, s0, $0xb8;
	[tilespmem:$0x1BC80] =	vst v63  }
0xa9: {  	_ =	swait.ge [sflag:s26], $0x4000  }
0xaa: {  	[sflag:s26] =	ssyncset.done $0x0  }
0xab: {  	s9 =	sadd.s32 $0x13A00, s2;
	[sflag:s26] =	ssyncadd.s32 $0xFFFFC000  }
0xac: {  	[tilespmem:s28], [sflag:$0x4] =	stream.linear.gather [hbm4b:s9+s6], $0x100, $0x38;
	[tilespmem:$0x1BC80] =	vst v63  }
0xad: {  	_ =	swait.ge [sflag:s20], $0x100  }
0xae: {  	[sflag:s20] =	ssyncset.done $0x0  }
0xaf: {  	[sflag:s20] =	ssyncadd.s32 $0xFFFFFF00  }
0xb0: {  	[tilespmem:s4], [sflag:$0x2] =	stream.indirect.gather [hbm4b:s1+s0], $0x80, s30, s0, $0xb8;
	[tilespmem:$0x1BC80] =	vst v63  }
0xb1: {  	_ =	swait.ge [sflag:s14], $0x4000  }
0xb2: {  	[sflag:s14] =	ssyncset.done $0x0  }
0xb3: {  	[sflag:s14] =	ssyncadd.s32 $0xFFFFC000  }
0xb4: {  	[spmem:s5] =	stream.indirect.scatter.add.f32 [tilespmem:s25], [sflag:$0x7], $0x80, s21, s0, $0xb8;
	[tilespmem:$0x1BC80] =	vst v63  }
0xb5: {  	_ =	swait.ge [sflag:s26], $0x4000  }
0xb6: {  	[sflag:s26] =	ssyncset.done $0x0  }
0xb7: {  	s9 =	sadd.s32 $0x13C00, s2;
	[sflag:s26] =	ssyncadd.s32 $0xFFFFC000  }
0xb8: {  	[tilespmem:s29], [sflag:$0x5] =	stream.linear.gather [hbm4b:s9+s6], $0x100, $0x38;
	[tilespmem:$0x1BC80] =	vst v63  }
0xb9: {  	_ =	swait.ge [sflag:s31], $0x100  }
0xba: {  	[sflag:s31] =	ssyncset.done $0x0  }
0xbb: {  	[sflag:s31] =	ssyncadd.s32 $0xFFFFFF00  }
0xbc: {  	[tilespmem:s25], [sflag:$0x1] =	stream.indirect.gather [hbm4b:s1+s0], $0x80, s6, s0, $0xb8;
	[tilespmem:$0x1BC80] =	vst v63  }
0xbd: {  	_ =	swait.ge [sflag:s16], $0x4000  }
0xbe: {  	[sflag:s16] =	ssyncset.done $0x0  }
0xbf: {  	[sflag:s16] =	ssyncadd.s32 $0xFFFFC000  }
0xc0: {  	[spmem:s5] =	stream.indirect.scatter.add.f32 [tilespmem:s4], [sflag:$0x7], $0x80, s18, s0, $0xb8;
	[tilespmem:$0x1BC80] =	vst v63  }
0xc1: {  	_ =	swait.ge [sflag:s26], $0x4000  }
0xc2: {  	[sflag:s26] =	ssyncset.done $0x0  }
.Ltmp4:
0xc3: {  	s2 =	sadd.s32 $0x13E00, s2;
	[sflag:s26] =	ssyncadd.s32 $0xFFFFC000;
	(pc) =	sbr.rel @p3 .LBB2_5-.Ltmp4, $4  }
0xc4: {  	[tilespmem:s30], [sflag:$0x6] =	stream.linear.gather [hbm4b:s2+s6], $0x100, $0x38;
	[tilespmem:$0x1BC80] =	vst v63  }
0xc5: {  	_ =	swait.ge [sflag:s3], $0x100  }
0xc6: {  	[sflag:s3] =	ssyncset.done $0x0  }
0xc7: {  	[sflag:s3] =	ssyncadd.s32 $0xFFFFFF00  }
0xc8: {  	[tilespmem:s4], [sflag:$0x2] =	stream.indirect.gather [hbm4b:s1+s0], $0x80, s28, s0, $0xb8;
	[tilespmem:$0x1BC80] =	vst v63  }
0xc9: {  	_ =	swait.ge [sflag:s14], $0x4000  }
0xca: {  	[sflag:s14] =	ssyncset.done $0x0  }
0xcb: {  	[sflag:s14] =	ssyncadd.s32 $0xFFFFC000  }
0xcc: {  	[spmem:s5] =	stream.indirect.scatter.add.f32 [tilespmem:s25], [sflag:$0x7], $0x80, s0, s0, $0xb8;
	[tilespmem:$0x1BC80] =	vst v63  }
0xcd: {  	_ =	swait.ge [sflag:s26], $0x4000  }
0xce: {  	[sflag:s26] =	ssyncset.done $0x0  }
0xcf: {  	[sflag:s26] =	ssyncadd.s32 $0xFFFFC000  }
0xd0: {  	_ =	swait.ge [sflag:s15], $0x100  }
0xd1: {  	[sflag:s15] =	ssyncset.done $0x0  }
0xd2: {  	[sflag:s15] =	ssyncadd.s32 $0xFFFFFF00  }
0xd3: {  	[tilespmem:s25], [sflag:$0x1] =	stream.indirect.gather [hbm4b:s1+s0], $0x80, s29, s0, $0xb8;
	[tilespmem:$0x1BC80] =	vst v63  }
0xd4: {  	_ =	swait.ge [sflag:s16], $0x4000  }
0xd5: {  	[sflag:s16] =	ssyncset.done $0x0  }
0xd6: {  	[sflag:s16] =	ssyncadd.s32 $0xFFFFC000  }
0xd7: {  	[spmem:s5] =	stream.indirect.scatter.add.f32 [tilespmem:s4], [sflag:$0x7], $0x80, s19, s0, $0xb8;
	[tilespmem:$0x1BC80] =	vst v63  }
0xd8: {  	_ =	swait.ge [sflag:s26], $0x4000  }
0xd9: {  	[sflag:s26] =	ssyncset.done $0x0  }
0xda: {  	[sflag:s26] =	ssyncadd.s32 $0xFFFFC000  }
0xdb: {  	_ =	swait.ge [sflag:s20], $0x100  }
0xdc: {  	[sflag:s20] =	ssyncset.done $0x0  }
0xdd: {  	[sflag:s20] =	ssyncadd.s32 $0xFFFFFF00  }
0xde: {  	[tilespmem:s4], [sflag:$0x2] =	stream.indirect.gather [hbm4b:s1+s0], $0x80, s30, s0, $0xb8;
	[tilespmem:$0x1BC80] =	vst v63  }
0xdf: {  	_ =	swait.ge [sflag:s14], $0x4000  }
0xe0: {  	[sflag:s14] =	ssyncset.done $0x0  }
0xe1: {  	[sflag:s14] =	ssyncadd.s32 $0xFFFFC000  }
0xe2: {  	[spmem:s5] =	stream.indirect.scatter.add.f32 [tilespmem:s25], [sflag:$0x7], $0x80, s21, s0, $0xb8;
	[tilespmem:$0x1BC80] =	vst v63  }
0xe3: {  	_ =	swait.ge [sflag:s26], $0x4000  }
0xe4: {  	[sflag:s26] =	ssyncset.done $0x0  }
0xe5: {  	[sflag:s26] =	ssyncadd.s32 $0xFFFFC000  }
0xe6: {  	_ =	swait.ge [sflag:s16], $0x4000  }
0xe7: {  	[sflag:s16] =	ssyncset.done $0x0  }
0xe8: {  	[sflag:s16] =	ssyncadd.s32 $0xFFFFC000  }
0xe9: {  	[spmem:s5] =	stream.indirect.scatter.add.f32 [tilespmem:s4], [sflag:$0x7], $0x80, s18, s0, $0xb8;
	[tilespmem:$0x1BC80] =	vst v63  }
.Ltmp5:
0xea: {  	_ = 	snop;
	(pc) =	sbr.rel @p1 .LBB2_10-.Ltmp5, $4  }
.Ltmp6:
0xeb: {  	_ =	swait.ge [sflag:s26], $0x4000;
	(pc) =	sbr.rel @!p1 .LBB2_11-.Ltmp6, $4  }
0xec: {  	[sflag:s26] =	ssyncset.done $0x0  }
0xed: {  	s2 =	rddreg [dreg:$0xe];
	[sflag:s26] =	ssyncadd.s32 $0xFFFFC000  }
0xee: {  	s22 =	smov.u32 s1;
	s9 =	rddreg [dreg:$0x2]  }
0xef: {  	_ = 	snop  }
.LBB2_7:
0xf0: {  	[tilespmem:s6], [sflag:$0x3] =	stream.linear.gather [hbm4b:s11+s6], $0x100, $0x38;
	[tilespmem:$0x1BC80] =	vst v63  }
0xf1: {  	s2 =	rddreg [dreg:$0x7]  }
0xf2: {  	[tilespmem:s28], [sflag:$0x4] =	stream.linear.gather [hbm4b:s2+s6], $0x100, $0x38;
	[tilespmem:$0x1BC80] =	vst v63  }
0xf3: {  	s22 =	rddreg [dreg:$0x8]  }
0xf4: {  	[tilespmem:s29], [sflag:$0x5] =	stream.linear.gather [hbm4b:s22+s6], $0x100, $0x38;
	[tilespmem:$0x1BC80] =	vst v63  }
0xf5: {  	s9 =	rddreg [dreg:$0x9]  }
0xf6: {  	[tilespmem:s30], [sflag:$0x6] =	stream.linear.gather [hbm4b:s9+s6], $0x100, $0x38;
	[tilespmem:$0x1BC80] =	vst v63  }
0xf7: {  	_ =	swait.ge [sflag:s31], $0x100  }
0xf8: {  	[sflag:s31] =	ssyncset.done $0x0  }
0xf9: {  	[sflag:s31] =	ssyncadd.s32 $0xFFFFFF00  }
0xfa: {  	[tilespmem:s25], [sflag:$0x1] =	stream.indirect.gather [hbm4b:s7+s0], $0x80, s6, s0, $0xb8;
	[tilespmem:$0x1BC80] =	vst v63  }
0xfb: {  	_ =	swait.ge [sflag:s3], $0x100  }
0xfc: {  	[sflag:s3] =	ssyncset.done $0x0  }
0xfd: {  	[sflag:s3] =	ssyncadd.s32 $0xFFFFFF00  }
0xfe: {  	[tilespmem:s4], [sflag:$0x2] =	stream.indirect.gather [hbm4b:s7+s0], $0x80, s28, s0, $0xb8;
	[tilespmem:$0x1BC80] =	vst v63  }
0xff: {  	_ =	swait.ge [sflag:s14], $0x4000  }
0x100: {  	[sflag:s14] =	ssyncset.done $0x0  }
0x101: {  	[sflag:s14] =	ssyncadd.s32 $0xFFFFC000  }
0x102: {  	[spmem:s5] =	stream.indirect.scatter.add.f32 [tilespmem:s25], [sflag:$0x7], $0x80, s0, s0, $0xb8;
	[tilespmem:$0x1BC80] =	vst v63  }
0x103: {  	_ =	swait.ge [sflag:s26], $0x4000  }
0x104: {  	s2 =	sadd.s32 $0xFFFED000, s11;
	[sflag:s26] =	ssyncset.done $0x0  }
0x105: {  	s9 =	sadd.s32 $0x13800, s2;
	[sflag:s26] =	ssyncadd.s32 $0xFFFFC000  }
0x106: {  	[tilespmem:s6], [sflag:$0x3] =	stream.linear.gather [hbm4b:s9+s6], $0x100, $0x38;
	[tilespmem:$0x1BC80] =	vst v63  }
0x107: {  	_ =	swait.ge [sflag:s15], $0x100  }
0x108: {  	[sflag:s15] =	ssyncset.done $0x0  }
0x109: {  	[sflag:s15] =	ssyncadd.s32 $0xFFFFFF00  }
0x10a: {  	[tilespmem:s25], [sflag:$0x1] =	stream.indirect.gather [hbm4b:s7+s0], $0x80, s29, s0, $0xb8;
	[tilespmem:$0x1BC80] =	vst v63  }
0x10b: {  	_ =	swait.ge [sflag:s16], $0x4000  }
0x10c: {  	[sflag:s16] =	ssyncset.done $0x0  }
0x10d: {  	[sflag:s16] =	ssyncadd.s32 $0xFFFFC000  }
0x10e: {  	[spmem:s5] =	stream.indirect.scatter.add.f32 [tilespmem:s4], [sflag:$0x7], $0x80, s19, s0, $0xb8;
	[tilespmem:$0x1BC80] =	vst v63  }
0x10f: {  	_ =	swait.ge [sflag:s26], $0x4000  }
0x110: {  	[sflag:s26] =	ssyncset.done $0x0  }
0x111: {  	s22 =	sadd.s32 $0x13A00, s2;
	[sflag:s26] =	ssyncadd.s32 $0xFFFFC000  }
0x112: {  	[tilespmem:s28], [sflag:$0x4] =	stream.linear.gather [hbm4b:s22+s6], $0x100, $0x38;
	[tilespmem:$0x1BC80] =	vst v63  }
0x113: {  	_ =	swait.ge [sflag:s20], $0x100  }
0x114: {  	[sflag:s20] =	ssyncset.done $0x0  }
0x115: {  	[sflag:s20] =	ssyncadd.s32 $0xFFFFFF00  }
0x116: {  	[tilespmem:s4], [sflag:$0x2] =	stream.indirect.gather [hbm4b:s7+s0], $0x80, s30, s0, $0xb8;
	[tilespmem:$0x1BC80] =	vst v63  }
0x117: {  	_ =	swait.ge [sflag:s14], $0x4000  }
0x118: {  	[sflag:s14] =	ssyncset.done $0x0  }
0x119: {  	[sflag:s14] =	ssyncadd.s32 $0xFFFFC000  }
0x11a: {  	[spmem:s5] =	stream.indirect.scatter.add.f32 [tilespmem:s25], [sflag:$0x7], $0x80, s21, s0, $0xb8;
	[tilespmem:$0x1BC80] =	vst v63  }
0x11b: {  	_ =	swait.ge [sflag:s26], $0x4000  }
0x11c: {  	[sflag:s26] =	ssyncset.done $0x0  }
0x11d: {  	s22 =	sadd.s32 $0x13C00, s2;
	[sflag:s26] =	ssyncadd.s32 $0xFFFFC000  }
0x11e: {  	[tilespmem:s29], [sflag:$0x5] =	stream.linear.gather [hbm4b:s22+s6], $0x100, $0x38;
	[tilespmem:$0x1BC80] =	vst v63  }
0x11f: {  	_ =	swait.ge [sflag:s31], $0x100  }
0x120: {  	[sflag:s31] =	ssyncset.done $0x0  }
0x121: {  	[sflag:s31] =	ssyncadd.s32 $0xFFFFFF00  }
0x122: {  	[tilespmem:s25], [sflag:$0x1] =	stream.indirect.gather [hbm4b:s7+s0], $0x80, s6, s0, $0xb8;
	[tilespmem:$0x1BC80] =	vst v63  }
0x123: {  	_ =	swait.ge [sflag:s16], $0x4000  }
0x124: {  	[sflag:s16] =	ssyncset.done $0x0  }
0x125: {  	[sflag:s16] =	ssyncadd.s32 $0xFFFFC000  }
0x126: {  	[spmem:s5] =	stream.indirect.scatter.add.f32 [tilespmem:s4], [sflag:$0x7], $0x80, s18, s0, $0xb8;
	[tilespmem:$0x1BC80] =	vst v63  }
0x127: {  	_ =	swait.ge [sflag:s26], $0x4000  }
0x128: {  	[sflag:s26] =	ssyncset.done $0x0  }
0x129: {  	s2 =	sadd.s32 $0x13E00, s2;
	[sflag:s26] =	ssyncadd.s32 $0xFFFFC000  }
0x12a: {  	[tilespmem:s30], [sflag:$0x6] =	stream.linear.gather [hbm4b:s2+s6], $0x100, $0x38;
	[tilespmem:$0x1BC80] =	vst v63  }
0x12b: {  	_ =	swait.ge [sflag:s3], $0x100  }
0x12c: {  	[sflag:s3] =	ssyncset.done $0x0  }
0x12d: {  	s22 =	simm.s32 $0xFFFED800;
	[sflag:s3] =	ssyncadd.s32 $0xFFFFFF00  }
.LBB2_8:
0x12e: {  	[tilespmem:s4], [sflag:$0x2] =	stream.indirect.gather [hbm4b:s7+s0], $0x80, s28, s0, $0xb8;
	[tilespmem:$0x1BC80] =	vst v63  }
0x12f: {  	s2 =	smov.u32 s22  }
0x130: {  	p3 =	sne.s32 s22, $0xFFFFF800;
	s22 =	sadd.s32 $0x800, s22;
	_ =	swait.ge [sflag:s14], $0x4000  }
0x131: {  	[sflag:s14] =	ssyncset.done $0x0  }
0x132: {  	[sflag:s14] =	ssyncadd.s32 $0xFFFFC000  }
0x133: {  	[spmem:s5] =	stream.indirect.scatter.add.f32 [tilespmem:s25], [sflag:$0x7], $0x80, s0, s0, $0xb8;
	[tilespmem:$0x1BC80] =	vst v63  }
0x134: {  	_ =	swait.ge [sflag:s26], $0x4000  }
0x135: {  	s2 =	sadd.s32 s2, s11;
	[sflag:s26] =	ssyncset.done $0x0  }
0x136: {  	s9 =	sadd.s32 $0x13800, s2;
	[sflag:s26] =	ssyncadd.s32 $0xFFFFC000  }
0x137: {  	[tilespmem:s6], [sflag:$0x3] =	stream.linear.gather [hbm4b:s9+s6], $0x100, $0x38;
	[tilespmem:$0x1BC80] =	vst v63  }
0x138: {  	_ =	swait.ge [sflag:s15], $0x100  }
0x139: {  	[sflag:s15] =	ssyncset.done $0x0  }
0x13a: {  	[sflag:s15] =	ssyncadd.s32 $0xFFFFFF00  }
0x13b: {  	[tilespmem:s25], [sflag:$0x1] =	stream.indirect.gather [hbm4b:s7+s0], $0x80, s29, s0, $0xb8;
	[tilespmem:$0x1BC80] =	vst v63  }
0x13c: {  	_ =	swait.ge [sflag:s16], $0x4000  }
0x13d: {  	[sflag:s16] =	ssyncset.done $0x0  }
0x13e: {  	[sflag:s16] =	ssyncadd.s32 $0xFFFFC000  }
0x13f: {  	[spmem:s5] =	stream.indirect.scatter.add.f32 [tilespmem:s4], [sflag:$0x7], $0x80, s19, s0, $0xb8;
	[tilespmem:$0x1BC80] =	vst v63  }
0x140: {  	_ =	swait.ge [sflag:s26], $0x4000  }
0x141: {  	[sflag:s26] =	ssyncset.done $0x0  }
0x142: {  	s9 =	sadd.s32 $0x13A00, s2;
	[sflag:s26] =	ssyncadd.s32 $0xFFFFC000  }
0x143: {  	[tilespmem:s28], [sflag:$0x4] =	stream.linear.gather [hbm4b:s9+s6], $0x100, $0x38;
	[tilespmem:$0x1BC80] =	vst v63  }
0x144: {  	_ =	swait.ge [sflag:s20], $0x100  }
0x145: {  	[sflag:s20] =	ssyncset.done $0x0  }
0x146: {  	[sflag:s20] =	ssyncadd.s32 $0xFFFFFF00  }
0x147: {  	[tilespmem:s4], [sflag:$0x2] =	stream.indirect.gather [hbm4b:s7+s0], $0x80, s30, s0, $0xb8;
	[tilespmem:$0x1BC80] =	vst v63  }
0x148: {  	_ =	swait.ge [sflag:s14], $0x4000  }
0x149: {  	[sflag:s14] =	ssyncset.done $0x0  }
0x14a: {  	[sflag:s14] =	ssyncadd.s32 $0xFFFFC000  }
0x14b: {  	[spmem:s5] =	stream.indirect.scatter.add.f32 [tilespmem:s25], [sflag:$0x7], $0x80, s21, s0, $0xb8;
	[tilespmem:$0x1BC80] =	vst v63  }
0x14c: {  	_ =	swait.ge [sflag:s26], $0x4000  }
0x14d: {  	[sflag:s26] =	ssyncset.done $0x0  }
0x14e: {  	s9 =	sadd.s32 $0x13C00, s2;
	[sflag:s26] =	ssyncadd.s32 $0xFFFFC000  }
0x14f: {  	[tilespmem:s29], [sflag:$0x5] =	stream.linear.gather [hbm4b:s9+s6], $0x100, $0x38;
	[tilespmem:$0x1BC80] =	vst v63  }
0x150: {  	_ =	swait.ge [sflag:s31], $0x100  }
0x151: {  	[sflag:s31] =	ssyncset.done $0x0  }
0x152: {  	[sflag:s31] =	ssyncadd.s32 $0xFFFFFF00  }
0x153: {  	[tilespmem:s25], [sflag:$0x1] =	stream.indirect.gather [hbm4b:s7+s0], $0x80, s6, s0, $0xb8;
	[tilespmem:$0x1BC80] =	vst v63  }
0x154: {  	_ =	swait.ge [sflag:s16], $0x4000  }
0x155: {  	[sflag:s16] =	ssyncset.done $0x0  }
0x156: {  	[sflag:s16] =	ssyncadd.s32 $0xFFFFC000  }
0x157: {  	[spmem:s5] =	stream.indirect.scatter.add.f32 [tilespmem:s4], [sflag:$0x7], $0x80, s18, s0, $0xb8;
	[tilespmem:$0x1BC80] =	vst v63  }
0x158: {  	_ =	swait.ge [sflag:s26], $0x4000  }
0x159: {  	[sflag:s26] =	ssyncset.done $0x0  }
.Ltmp7:
0x15a: {  	s2 =	sadd.s32 $0x13E00, s2;
	[sflag:s26] =	ssyncadd.s32 $0xFFFFC000;
	(pc) =	sbr.rel @p3 .LBB2_8-.Ltmp7, $4  }
0x15b: {  	[tilespmem:s30], [sflag:$0x6] =	stream.linear.gather [hbm4b:s2+s6], $0x100, $0x38;
	[tilespmem:$0x1BC80] =	vst v63  }
0x15c: {  	_ =	swait.ge [sflag:s3], $0x100  }
0x15d: {  	[sflag:s3] =	ssyncset.done $0x0  }
0x15e: {  	[sflag:s3] =	ssyncadd.s32 $0xFFFFFF00  }
0x15f: {  	[tilespmem:s4], [sflag:$0x2] =	stream.indirect.gather [hbm4b:s7+s0], $0x80, s28, s0, $0xb8;
	[tilespmem:$0x1BC80] =	vst v63  }
0x160: {  	_ =	swait.ge [sflag:s14], $0x4000  }
0x161: {  	[sflag:s14] =	ssyncset.done $0x0  }
0x162: {  	[sflag:s14] =	ssyncadd.s32 $0xFFFFC000  }
0x163: {  	[spmem:s5] =	stream.indirect.scatter.add.f32 [tilespmem:s25], [sflag:$0x7], $0x80, s0, s0, $0xb8;
	[tilespmem:$0x1BC80] =	vst v63  }
0x164: {  	_ =	swait.ge [sflag:s26], $0x4000  }
0x165: {  	[sflag:s26] =	ssyncset.done $0x0  }
0x166: {  	[sflag:s26] =	ssyncadd.s32 $0xFFFFC000  }
0x167: {  	_ =	swait.ge [sflag:s15], $0x100  }
0x168: {  	[sflag:s15] =	ssyncset.done $0x0  }
0x169: {  	[sflag:s15] =	ssyncadd.s32 $0xFFFFFF00  }
0x16a: {  	[tilespmem:s25], [sflag:$0x1] =	stream.indirect.gather [hbm4b:s7+s0], $0x80, s29, s0, $0xb8;
	[tilespmem:$0x1BC80] =	vst v63  }
0x16b: {  	_ =	swait.ge [sflag:s16], $0x4000  }
0x16c: {  	[sflag:s16] =	ssyncset.done $0x0  }
0x16d: {  	[sflag:s16] =	ssyncadd.s32 $0xFFFFC000  }
0x16e: {  	[spmem:s5] =	stream.indirect.scatter.add.f32 [tilespmem:s4], [sflag:$0x7], $0x80, s19, s0, $0xb8;
	[tilespmem:$0x1BC80] =	vst v63  }
0x16f: {  	_ =	swait.ge [sflag:s26], $0x4000  }
0x170: {  	[sflag:s26] =	ssyncset.done $0x0  }
0x171: {  	[sflag:s26] =	ssyncadd.s32 $0xFFFFC000  }
0x172: {  	_ =	swait.ge [sflag:s20], $0x100  }
0x173: {  	[sflag:s20] =	ssyncset.done $0x0  }
0x174: {  	[sflag:s20] =	ssyncadd.s32 $0xFFFFFF00  }
0x175: {  	[tilespmem:s4], [sflag:$0x2] =	stream.indirect.gather [hbm4b:s7+s0], $0x80, s30, s0, $0xb8;
	[tilespmem:$0x1BC80] =	vst v63  }
0x176: {  	_ =	swait.ge [sflag:s14], $0x4000  }
0x177: {  	[sflag:s14] =	ssyncset.done $0x0  }
0x178: {  	[sflag:s14] =	ssyncadd.s32 $0xFFFFC000  }
0x179: {  	[spmem:s5] =	stream.indirect.scatter.add.f32 [tilespmem:s25], [sflag:$0x7], $0x80, s21, s0, $0xb8;
	[tilespmem:$0x1BC80] =	vst v63  }
0x17a: {  	_ =	swait.ge [sflag:s26], $0x4000  }
0x17b: {  	[sflag:s26] =	ssyncset.done $0x0  }
0x17c: {  	[sflag:s26] =	ssyncadd.s32 $0xFFFFC000  }
0x17d: {  	_ =	swait.ge [sflag:s16], $0x4000  }
0x17e: {  	[sflag:s16] =	ssyncset.done $0x0  }
0x17f: {  	[sflag:s16] =	ssyncadd.s32 $0xFFFFC000  }
0x180: {  	[spmem:s5] =	stream.indirect.scatter.add.f32 [tilespmem:s4], [sflag:$0x7], $0x80, s18, s0, $0xb8;
	[tilespmem:$0x1BC80] =	vst v63  }
.Ltmp8:
0x181: {  	_ = 	snop;
	(pc) =	sbr.rel @p2 .LBB2_11-.Ltmp8, $4  }
.Ltmp9:
0x182: {  	_ =	swait.ge [sflag:s26], $0x4000;
	(pc) =	sbr.rel @!p2 .LBB2_10-.Ltmp9, $4  }
0x183: {  	[sflag:s26] =	ssyncset.done $0x0  }
0x184: {  	s2 =	rddreg [dreg:$0xa];
	[sflag:s26] =	ssyncadd.s32 $0xFFFFC000  }
0x185: {  	s22 =	smov.u32 s7;
	s9 =	rddreg [dreg:$0x3]  }
0x186: {  	_ = 	snop  }
.LBB2_12:
0x187: {  	_ =	sfence.sel $0x180000  }
0x188: {  	[bflag:$0x0] =	sbarrier.arrive $0xFFFF  }
0x189: {  	_ =	strace $0x90000047  }
0x18a: {  	s0 =	stileid.u32;
	[bflag:$0x2] =	sbarrier.arrive $0xFFFF  }
0x18b: {  	p0 =	sne.s32 s0, $0x0;
	s0 =	rddreg [dreg:$0x5]  }
0x18c: {  	s0 =	sadd.s32 @!p0 $0x100000, s0  }
0x18d: {  	[sflag:s0] =	ssyncadd.tile.s32 @!p0 $0x1;
	_ =	shalt  }
.Lfunc_end2:
_tile_overlayer_lowered:
.L_overlay_start_2:
0x18e: {  	(tag) =	ssettag $0x2  }
0x18f: {  	s0 =	rddreg [dreg:$0x0];
	s2 =	stileid.u32  }
0x190: {  	s1 =	rddreg [dreg:$0x1];
	p0 =	sne.s32 s2, $0x0  }
0x191: {  	s3 =	rddreg [dreg:$0x2];
	[bflag:$0x3] =	sbarrier.arrive $0xFFFF;
	s2 =	simm.s32 @!p0 $0x1C07  }
0x192: {  	[timem:s3], [sflag:s2] =	dma.local @!p0 [hbm:s0], s1  }
0x193: {  	s0 =	simm.s32 @!p0 $0x7  }
0x194: {  	_ =	swait.ge @!p0 [sflag:s0], s1  }
0x195: {  	s1 =	ssub.s32 @!p0 $0x0, s1;
	[sflag:s0] =	ssyncset.done @!p0 $0x0  }
0x196: {  	[sflag:s0] =	ssyncadd.s32 @!p0 s1  }
0x197: {  	[bflag:$0x3] =	sbarrier.arrive $0xFFFF  }
0x198: {  	_ =	shalt  }

</sc_bundles>
